<compile_context>
chip_gen: v7x
topology: tpu7x:2x2x1
jax: 0.10.2.dev20260603
libtpu: 0.0.44.dev20260713+nightly
codegen_flags: <defaults>
</compile_context>

<pallas_src>
import dataclasses
import functools

import jax
import jax.numpy as jnp
from jax.experimental import pallas as pl
from jax.experimental.pallas import tpu as pltpu
from jax.experimental.pallas import tpu_sc as plsc

B = 16384
ED = 16
NF = 13
NC, NB, CD = 26, 20, 8
NCLS = NC * NB
H1, H2 = 256, 128
PACK = 128 // ED

GATHER_W = 128
MLP_BLK = 2048


REPACK_W = 1024
UA_BLKS = 544
UA_ROWS = UA_BLKS * REPACK_W // PACK
TCB_W = 16384
UB_START_BLK = UA_BLKS * REPACK_W // TCB_W


def _sc_repack(user_tT, diner_tT):
    mesh = plsc.VectorSubcoreMesh(core_axis_name="c", subcore_axis_name="s")
    nu = user_tT.shape[1]
    nd = diner_tT.shape[1]
    cp = pltpu.CompilerParams()
    if "needs_layout_passes" in pltpu.CompilerParams.__dataclass_fields__:
        cp = dataclasses.replace(cp, needs_layout_passes=False)

    @functools.partial(
        pl.kernel,
        out_type=(
            jax.ShapeDtypeStruct((UA_ROWS, 128), jnp.float32),
            jax.ShapeDtypeStruct((nd // PACK, 128), jnp.float32),
        ),
        mesh=mesh,
        compiler_params=cp,
    )
    def repack_kernel(ut_hbm, dt_hbm, up_hbm, dp_hbm):
        def body(in_vmem, out_vmem):
            d_vec = jax.lax.iota(jnp.int32, ED)

            @plsc.parallel_loop(0, REPACK_W // PACK)
            def _(p):
                base = jnp.full((ED,), p * PACK, jnp.int32)
                row = jnp.full((ED,), p, jnp.int32)
                for j in range(PACK):
                    v = plsc.load_gather(in_vmem, [d_vec, base + j])
                    plsc.store_scatter(out_vmem, [row, d_vec + j * ED], v)

        def run(t_hbm, out_hbm, nblk):
            pltpu.emit_pipeline(
                body,
                grid=(nblk,),
                in_specs=[pl.BlockSpec((ED, REPACK_W), lambda i: (0, i))],
                out_specs=[pl.BlockSpec((REPACK_W // PACK, 128),
                                        lambda i: (i, 0))],
                core_axis_name=("c", "s"),
                dimension_semantics=(pltpu.PARALLEL,),
            )(t_hbm, out_hbm)

        run(ut_hbm, up_hbm, UA_BLKS)
        run(dt_hbm, dp_hbm, nd // REPACK_W)

    return repack_kernel(user_tT, diner_tT)


def _tc_repack_partB(tT):
    n = tT.shape[1]
    rows_b = (n - UA_BLKS * REPACK_W) // PACK
    grid = ((n - UA_BLKS * REPACK_W + TCB_W - 1) // TCB_W,)
    return pl.pallas_call(
        _repack_body,
        grid=grid,
        in_specs=[pl.BlockSpec((ED, TCB_W), lambda i: (0, i + UB_START_BLK))],
        out_specs=pl.BlockSpec((TCB_W // PACK, 128), lambda i: (i, 0)),
        out_shape=jax.ShapeDtypeStruct((rows_b, 128), jnp.float32),
    )(tT)


def _repack_body(in_ref, out_ref):
    x = in_ref[...]
    y = jnp.transpose(x)
    y3 = y.reshape(-1, PACK, ED)
    out_ref[...] = jnp.concatenate([y3[:, j, :] for j in range(PACK)],
                                   axis=1)


def _tail_body(t_ref, packed_ref, out_ref):
    del packed_ref
    x = t_ref[...]
    y = jnp.transpose(x)
    y3 = y.reshape(-1, PACK, ED)
    out_ref[...] = jnp.concatenate([y3[:, j, :] for j in range(PACK)],
                                   axis=1)


def _tc_tail_repack(tT, packed):
    n = tT.shape[1]
    k = n // REPACK_W
    rows = packed.shape[0]
    return pl.pallas_call(
        _tail_body,
        grid=(1,),
        in_specs=[
            pl.BlockSpec((ED, REPACK_W), lambda i: (0, k)),
            pl.BlockSpec(memory_space=pltpu.MemorySpace.HBM),
        ],
        out_specs=pl.BlockSpec((REPACK_W // PACK, 128), lambda i: (k, 0)),
        out_shape=jax.ShapeDtypeStruct((rows, 128), jnp.float32),
        input_output_aliases={1: 0},
    )(tT, packed)


def _sc_gather(tab_a, idx_a, tab_b, idx_b, tab_d, idx_d):
    mesh = plsc.VectorSubcoreMesh(core_axis_name="c", subcore_axis_name="s")

    @functools.partial(
        pl.kernel,
        out_type=(
            jax.ShapeDtypeStruct((B, 128), jnp.float32),
            jax.ShapeDtypeStruct((B, 128), jnp.float32),
            jax.ShapeDtypeStruct((B, 128), jnp.float32),
        ),
        mesh=mesh,
    )
    def gather_kernel(ta_hbm, ia_hbm, tb_hbm, ib_hbm, td_hbm, id_hbm,
                      oa_hbm, ob_hbm, od_hbm):
        def make_body(table_hbm):
            def body(i_vmem, o_vmem):
                pltpu.sync_copy(table_hbm.at[i_vmem.at[0]], o_vmem)
            return body

        def run(table_hbm, idx_hbm, out_hbm):
            pltpu.emit_pipeline(
                make_body(table_hbm),
                grid=(B // GATHER_W,),
                in_specs=[pl.BlockSpec((1, GATHER_W), lambda i: (0, i))],
                out_specs=[pl.BlockSpec((GATHER_W, 128), lambda i: (i, 0))],
                core_axis_name=("c", "s"),
                dimension_semantics=(pltpu.PARALLEL,),
            )(idx_hbm, out_hbm)

        run(ta_hbm, ia_hbm, oa_hbm)
        run(tb_hbm, ib_hbm, ob_hbm)
        run(td_hbm, id_hbm, od_hbm)

    return gather_kernel(tab_a, idx_a, tab_b, idx_b, tab_d, idx_d)


def _mlp_body(uepa, uepb, dep, mods, f, bkt, kpat, expand, patt, Wcat,
              Wu, Wd, Wf, b1, fn_g, fn_b, g1, bb1, W2, b2, g2, bb2,
              W3, b3, out):
    mc = jnp.transpose(mods[...])
    umod, dmod, sel_a = mc[:, 0:1], mc[:, 1:2], mc[:, 2:3]
    mu = (umod == kpat[...]).astype(jnp.bfloat16)
    md = (dmod == kpat[...]).astype(jnp.bfloat16)
    sa = sel_a.astype(jnp.float32)
    ue_pack = uepa[...] * sa + uepb[...] * (1.0 - sa)
    pu = ue_pack.astype(jnp.bfloat16) * mu
    pd = dep[...].astype(jnp.bfloat16) * md

    fx = f[...]
    m = jnp.mean(fx, axis=-1, keepdims=True)
    v = jnp.mean((fx - m) ** 2, axis=-1, keepdims=True)
    fln = (fx - m) * jax.lax.rsqrt(v + 1e-5) * fn_g[...] + fn_b[...]

    rep = jnp.dot(bkt[...], expand[...], preferred_element_type=jnp.float32)
    mh = (rep == patt[...]).astype(jnp.bfloat16)

    h = jnp.dot(mh, Wcat[...], preferred_element_type=jnp.float32)
    h = h + jnp.dot(pu, Wu[...], preferred_element_type=jnp.float32)
    h = h + jnp.dot(pd, Wd[...], preferred_element_type=jnp.float32)
    h = h + jnp.dot(fln.astype(jnp.bfloat16), Wf[...],
                    preferred_element_type=jnp.float32)
    h = h + b1[...]
    m = jnp.mean(h, axis=-1, keepdims=True)
    v = jnp.mean((h - m) ** 2, axis=-1, keepdims=True)
    h = (h - m) * jax.lax.rsqrt(v + 1e-5) * g1[...] + bb1[...]
    h = jnp.maximum(h, 0.0).astype(jnp.bfloat16)

    h = jnp.dot(h, W2[...], preferred_element_type=jnp.float32) + b2[...]
    m = jnp.mean(h, axis=-1, keepdims=True)
    v = jnp.mean((h - m) ** 2, axis=-1, keepdims=True)
    h = (h - m) * jax.lax.rsqrt(v + 1e-5) * g2[...] + bb2[...]
    h = jnp.maximum(h, 0.0).astype(jnp.bfloat16)

    o = jnp.dot(h, W3[...], preferred_element_type=jnp.float32) + b3[...]
    out[...] = jax.nn.sigmoid(o)


def _tc_mlp(uepa, uepb, dep, mods, features, bkt, kpat, expand, patt, Wcat,
            Wu, Wd, Wf, b1, fn_g, fn_b, ln1_g, ln1_b, W2, b2, ln2_g, ln2_b,
            W3, b3):
    grid = (B // MLP_BLK,)

    def row_spec(cols):
        return pl.BlockSpec((MLP_BLK, cols), lambda i: (i, 0))

    def full_spec(a):
        return pl.BlockSpec(a.shape, lambda i: (0,) * a.ndim)

    out = pl.pallas_call(
        _mlp_body,
        grid=grid,
        in_specs=[
            row_spec(128), row_spec(128), row_spec(128),
            pl.BlockSpec((3, MLP_BLK), lambda i: (0, i)),
            row_spec(NF), row_spec(NC),
            full_spec(kpat), full_spec(expand), full_spec(patt),
            full_spec(Wcat), full_spec(Wu), full_spec(Wd), full_spec(Wf),
            full_spec(b1), full_spec(fn_g), full_spec(fn_b),
            full_spec(ln1_g), full_spec(ln1_b),
            full_spec(W2), full_spec(b2), full_spec(ln2_g), full_spec(ln2_b),
            full_spec(W3), full_spec(b3),
        ],
        out_specs=pl.BlockSpec((MLP_BLK, 1), lambda i: (i, 0)),
        out_shape=jax.ShapeDtypeStruct((B, 1), jnp.float32),
    )(uepa, uepb, dep, mods, features, bkt, kpat, expand, patt, Wcat,
      Wu, Wd, Wf, b1, fn_g, fn_b, ln1_g, ln1_b, W2, b2, ln2_g, ln2_b,
      W3, b3)
    return out[:, 0]


def kernel(user_idx, diner_idx, features, categorical_bucket_idx,
           user_table, diner_table, cat_tables, fn_g, fn_b, W1, b1,
           ln1_g, ln1_b, W2, b2, ln2_g, ln2_b, W3, b3):
    uidx = user_idx.astype(jnp.int32)
    didx = diner_idx.astype(jnp.int32)

    upack_a, diner_packed = _sc_repack(user_table.T, diner_table.T)
    upack_b = _tc_repack_partB(user_table.T)
    diner_packed = _tc_tail_repack(diner_table.T, diner_packed)

    upk = uidx // PACK
    in_a = upk < UA_ROWS
    upk_a = jnp.where(in_a, upk, upk % UA_ROWS)
    upk_b = jnp.where(in_a, upk % jnp.int32(upack_b.shape[0]), upk - UA_ROWS)
    uepa, uepb, dep = _sc_gather(upack_a, upk_a.reshape(1, B),
                                 upack_b, upk_b.reshape(1, B),
                                 diner_packed, (didx // PACK).reshape(1, B))
    mods = jnp.stack([
        (uidx % PACK).astype(jnp.bfloat16),
        (didx % PACK).astype(jnp.bfloat16),
        (upk < UA_ROWS).astype(jnp.bfloat16),
    ])

    W1c = W1[2 * ED + NF:].reshape(NC, CD, H1)
    Wcat = jnp.einsum("cbd,cdh->cbh", cat_tables, W1c,
                      preferred_element_type=jnp.float32)
    Wcat = Wcat.reshape(NCLS, H1).astype(jnp.bfloat16)

    cls = jnp.arange(NCLS, dtype=jnp.int32)
    expand = (cls[None, :] // NB == jnp.arange(NC, dtype=jnp.int32)[:, None])
    expand = expand.astype(jnp.bfloat16)
    patt = (cls % NB).astype(jnp.float32).reshape(1, NCLS)
    bkt = categorical_bucket_idx.astype(jnp.bfloat16)
    kpat = (jnp.arange(128, dtype=jnp.int32) // ED).astype(
        jnp.bfloat16).reshape(1, 128)

    Wb = W1.astype(jnp.bfloat16)
    Wu = jnp.tile(Wb[:ED], (PACK, 1))
    Wd = jnp.tile(Wb[ED:2 * ED], (PACK, 1))
    Wf = Wb[2 * ED:2 * ED + NF]

    out = _tc_mlp(uepa, uepb, dep, mods,
                  features, bkt, kpat, expand, patt, Wcat, Wu, Wd, Wf,
                  b1.reshape(1, H1),
                  fn_g.reshape(1, NF), fn_b.reshape(1, NF),
                  ln1_g.reshape(1, H1), ln1_b.reshape(1, H1),
                  W2.astype(jnp.bfloat16), b2.reshape(1, H2),
                  ln2_g.reshape(1, H2), ln2_b.reshape(1, H2),
                  W3.astype(jnp.bfloat16), b3.reshape(1, 1))
    return out

# --- scband reference (transcript-rebuilt; emitter-appended) ---
"""Pipeline reference for scband-deep-ranker-model-6640019440207 (READ-ONLY COPY).

The authoritative reference and input builder live on the scoring server;
editing this copy changes nothing except your own understanding.
"""

import jax, jax.numpy as jnp
import numpy as np


def _layernorm(x, g, b, eps=1e-5):
    m = jnp.mean(x, axis=-1, keepdims=True)
    v = jnp.var(x, axis=-1, keepdims=True)
    return (x - m) / jnp.sqrt(v + eps) * g + b


def setup_inputs(seed: int = 0):
    key = jax.random.key(seed)
    ks = jax.random.split(key, 16)
    B = 16384
    NU, ND = 1000000, 100000
    ED = 16
    NF = 13
    NC, NB, CD = 26, 20, 8
    H1, H2 = 256, 128
    IN = 2 * ED + NF + NC * CD
    inp = {}
    inp["user_idx"] = jax.random.randint(ks[0], (B,), 0, NU)
    inp["diner_idx"] = jax.random.randint(ks[1], (B,), 0, ND)
    inp["features"] = jax.random.normal(ks[2], (B, NF), dtype=jnp.float32)
    inp["categorical_bucket_idx"] = jax.random.randint(ks[3], (B, NC), 0, NB)
    inp["user_table"] = jax.random.uniform(ks[4], (NU, ED), minval=-0.05, maxval=0.05, dtype=jnp.float32)
    inp["diner_table"] = jax.random.uniform(ks[5], (ND, ED), minval=-0.05, maxval=0.05, dtype=jnp.float32)
    inp["cat_tables"] = jax.random.uniform(ks[6], (NC, NB, CD), minval=-0.05, maxval=0.05, dtype=jnp.float32)
    inp["fn_g"] = jnp.ones((NF,), dtype=jnp.float32)
    inp["fn_b"] = jnp.zeros((NF,), dtype=jnp.float32)
    inp["W1"] = jax.random.normal(ks[7], (IN, H1), dtype=jnp.float32) * (2.0 / IN) ** 0.5
    inp["b1"] = jnp.zeros((H1,), dtype=jnp.float32)
    inp["ln1_g"] = jnp.ones((H1,), dtype=jnp.float32)
    inp["ln1_b"] = jnp.zeros((H1,), dtype=jnp.float32)
    inp["W2"] = jax.random.normal(ks[8], (H1, H2), dtype=jnp.float32) * (2.0 / H1) ** 0.5
    inp["b2"] = jnp.zeros((H2,), dtype=jnp.float32)
    inp["ln2_g"] = jnp.ones((H2,), dtype=jnp.float32)
    inp["ln2_b"] = jnp.zeros((H2,), dtype=jnp.float32)
    inp["W3"] = jax.random.normal(ks[9], (H2, 1), dtype=jnp.float32) * (2.0 / H2) ** 0.5
    inp["b3"] = jnp.zeros((1,), dtype=jnp.float32)
    return inp


def reference(user_idx, diner_idx, features, categorical_bucket_idx, user_table, diner_table, cat_tables, fn_g, fn_b, W1, b1, ln1_g, ln1_b, W2, b2, ln2_g, ln2_b, W3, b3):
    # embedding lookups (gathers)
    ue = jnp.take(user_table, user_idx, axis=0)
    de = jnp.take(diner_table, diner_idx, axis=0)
    # continuous feature layernorm
    f = _layernorm(features, fn_g, fn_b)
    # per-field categorical embedding lookup: [B, NC, CD]
    NC = cat_tables.shape[0]
    ce = cat_tables[jnp.arange(NC)[None, :], categorical_bucket_idx]
    ce = ce.reshape(ce.shape[0], -1)
    x = jnp.concatenate([ue, de, f, ce], axis=1)
    # MLP (dropout is identity in eval mode)
    h = jax.nn.relu(_layernorm(x @ W1 + b1, ln1_g, ln1_b))
    h = jax.nn.relu(_layernorm(h @ W2 + b2, ln2_g, ln2_b))
    out = jax.nn.sigmoid(h @ W3 + b3)
    return out.squeeze(-1)

if __name__ == "__main__":
    import jax
    _d = setup_inputs()
    print(jax.jit(kernel)(*tuple(_d.values())))

</pallas_src>

<mosaic_0001>
#map = affine_map<(d0, d1) -> (0, 0)>
module attributes {stable_mosaic.version = 14 : i64} {
  func.func @repack_kernel(%arg0: i32, %arg1: i32, %arg2: memref<16x1000000xf32, #tpu.memory_space<hbm>>, %arg3: memref<16x100000xf32, #tpu.memory_space<hbm>>, %arg4: memref<69632x128xf32, #tpu.memory_space<hbm>>, %arg5: memref<12500x128xf32, #tpu.memory_space<hbm>>) attributes {dimension_semantics = [#tpu.dimension_semantics<core_parallel>, #tpu.dimension_semantics<subcore_parallel>], iteration_bounds = array<i64: 2, 16>, scalar_prefetch = 0 : i64, scratch_operands = 0 : i64, tpu.core_type = #tpu.core_type<sc_vector_subcore>, window_params = [{transform_indices = #map}, {transform_indices = #map}, {transform_indices = #map}, {transform_indices = #map}]} {
    %mul3A = arith.constant 1 : i32
    %mul3A_0 = arith.muli %arg1, %mul3A : i32
    %add3A = arith.constant 0 : i32
    %add3A_1 = arith.addi %add3A, %mul3A_0 : i32
    %mul3A_2 = arith.constant 16 : i32
    %mul3A_3 = arith.muli %arg0, %mul3A_2 : i32
    %add3A_4 = arith.addi %add3A_1, %mul3A_3 : i32
    %mul3A_5 = arith.constant 17 : i32
    %mul3A_6 = arith.muli %add3A_4, %mul3A_5 : i32
    "tpu.region"() ({
      %run_scoped3A = memref.alloca() : memref<2x16x1024xf32, #tpu.memory_space<vmem>>
      %run_scoped3A_26 = tpu.sem_alloc : memref<2x!tpu.dma_semaphore, #tpu.memory_space<semaphore_mem>>
      %run_scoped3A_27 = memref.alloca() : memref<2x128x128xf32, #tpu.memory_space<vmem>>
      %run_scoped3A_28 = tpu.sem_alloc : memref<2x!tpu.dma_semaphore, #tpu.memory_space<semaphore_mem>>
      %add3A_29 = arith.constant 0 : i32
      %add3A_30 = arith.addi %add3A_29, %mul3A_6 : i32
      %select_n3A_31 = arith.constant true
      %select_n3A_32 = arith.constant 0 : i32
      %select_n3A_33 = arith.constant -1 : i32
      %select_n3A_34 = arith.select %select_n3A_31, %select_n3A_33, %select_n3A_32 : i32
      %eq3A = arith.constant -1 : i32
      %eq3A_35 = arith.cmpi eq, %select_n3A_34, %eq3A : i32
      %select_n3A_36 = arith.constant 16 : i32
      %select_n3A_37 = arith.select %eq3A_35, %select_n3A_36, %select_n3A_34 : i32
      %add3A_38 = arith.addi %select_n3A_37, %mul3A_6 : i32
      %select_n3A_39 = arith.constant true
      %select_n3A_40 = arith.constant 0 : i32
      %select_n3A_41 = arith.constant 1 : i32
      %select_n3A_42 = arith.select %select_n3A_39, %select_n3A_41, %select_n3A_40 : i32
      %eq3A_43 = arith.constant 17 : i32
      %eq3A_44 = arith.cmpi eq, %select_n3A_42, %eq3A_43 : i32
      %select_n3A_45 = arith.constant 0 : i32
      %select_n3A_46 = arith.select %eq3A_44, %select_n3A_45, %select_n3A_42 : i32
      %add3A_47 = arith.addi %select_n3A_46, %mul3A_6 : i32
      %add3A_48 = arith.constant 1 : i32
      %add3A_49 = arith.addi %select_n3A_46, %add3A_48 : i32
      %select_n3A_50 = arith.constant true
      %select_n3A_51 = arith.select %select_n3A_50, %add3A_49, %select_n3A_46 : i32
      %eq3A_52 = arith.constant 17 : i32
      %eq3A_53 = arith.cmpi eq, %select_n3A_51, %eq3A_52 : i32
      %select_n3A_54 = arith.constant 0 : i32
      %select_n3A_55 = arith.select %eq3A_53, %select_n3A_54, %select_n3A_51 : i32
      %add3A_56 = arith.addi %select_n3A_55, %mul3A_6 : i32
      "tpu.trace_start"() <{level = 10 : i32, message = "ep_initialize_0"}> : () -> ()
      %rem3A = arith.constant 0 : i32
      %rem3A_57 = arith.constant 2 : i32
      %rem3A_58 = arith.remui %rem3A, %rem3A_57 : i32
      %mul3A_59 = arith.constant 1024 : i32
      %mul3A_60 = arith.muli %mul3A_59, %add3A_30 : i32
      %eq3A_61 = arith.constant 976 : i32
      %eq3A_62 = arith.cmpi eq, %add3A_30, %eq3A_61 : i32
      %jit3A_63 = arith.constant 640 : i32
      %jit3A_64 = arith.constant 1024 : i32
      %select_n3A_65 = arith.select %eq3A_62, %jit3A_63, %jit3A_64 : i32
      %multiple_of3A = tpu.assume_multiple %select_n3A_65, 128 : i32
      %mul3A_66 = arith.constant 1024 : i32
      %mul3A_67 = arith.muli %add3A_30, %mul3A_66 : i32
      %dma_start3A = arith.constant 0 : i32
      %dma_start3A_68 = arith.constant 0 : i32
      %dma_start3A_69 = tpu.memref_slice %run_scoped3A[%rem3A_58, %dma_start3A, %dma_start3A_68] <%multiple_of3A> : memref<2x16x1024xf32, #tpu.memory_space<vmem>> -> memref<1x16x?xf32, #tpu.memory_space<vmem>>
      %dma_start3A_70 = tpu.memref_squeeze %dma_start3A_69 : memref<1x16x?xf32, #tpu.memory_space<vmem>> -> memref<16x?xf32, #tpu.memory_space<vmem>>
      %dma_start3A_71 = arith.constant 0 : i32
      %dma_start3A_72 = tpu.memref_slice %arg2[%dma_start3A_71, %mul3A_67] <%multiple_of3A> : memref<16x1000000xf32, #tpu.memory_space<hbm>> -> memref<16x?xf32, #tpu.memory_space<hbm>>
      %dma_start3A_73 = tpu.memref_slice %run_scoped3A_26[%rem3A_58] : memref<2x!tpu.dma_semaphore, #tpu.memory_space<semaphore_mem>> -> memref<1x!tpu.dma_semaphore, #tpu.memory_space<semaphore_mem>>
      %dma_start3A_74 = tpu.memref_squeeze %dma_start3A_73 : memref<1x!tpu.dma_semaphore, #tpu.memory_space<semaphore_mem>> -> memref<!tpu.dma_semaphore, #tpu.memory_space<semaphore_mem>>
      %dma_start3A_75 = arith.constant 0 : i32
      %dma_start3A_76 = arith.constant 0 : i32
      %dma_start3A_77 = tpu.memref_slice %run_scoped3A[%rem3A_58, %dma_start3A_75, %dma_start3A_76] <%multiple_of3A> : memref<2x16x1024xf32, #tpu.memory_space<vmem>> -> memref<1x16x?xf32, #tpu.memory_space<vmem>>
      %dma_start3A_78 = tpu.memref_squeeze %dma_start3A_77 : memref<1x16x?xf32, #tpu.memory_space<vmem>> -> memref<16x?xf32, #tpu.memory_space<vmem>>
      %dma_start3A_79 = arith.constant 0 : i32
      %dma_start3A_80 = tpu.memref_slice %arg2[%dma_start3A_79, %mul3A_67] <%multiple_of3A> : memref<16x1000000xf32, #tpu.memory_space<hbm>> -> memref<16x?xf32, #tpu.memory_space<hbm>>
      tpu.enqueue_dma source(%dma_start3A_80 : memref<16x?xf32, #tpu.memory_space<hbm>>) target(%dma_start3A_78 : memref<16x?xf32, #tpu.memory_space<vmem>>) target_semaphore(%dma_start3A_74 : memref<!tpu.dma_semaphore, #tpu.memory_space<semaphore_mem>>)
      %add3A_81 = arith.constant 0 : i32
      %add3A_82 = arith.constant 1 : i32
      %add3A_83 = arith.addi %add3A_81, %add3A_82 : i32
      %select_n3A_84 = arith.constant true
      %select_n3A_85 = arith.constant 0 : i32
      %select_n3A_86 = arith.select %select_n3A_84, %add3A_83, %select_n3A_85 : i32
      "tpu.trace_stop"() : () -> ()
      %scan3A = arith.constant 0 : i32
      %scan3A_87 = arith.constant 0 : i32
      %scan3A_88 = arith.constant 0 : i32
      %scan3A_89 = arith.constant 0 : i32
      %scan3A_90 = arith.constant 0 : i32
      %scan3A_91 = arith.constant 17 : i32
      %scan3A_92 = arith.addi %scan3A_90, %scan3A_91 : i32
      %scan3A_93 = arith.constant 1 : i32
      %scan3A_94:5 = scf.for %scan3A_148 = %scan3A_90 to %scan3A_92 step %scan3A_93 iter_args(%scan3A_149 = %select_n3A_86, %scan3A_150 = %scan3A, %scan3A_151 = %scan3A_87, %scan3A_152 = %scan3A_88, %scan3A_153 = %scan3A_89) -> (i32, i32, i32, i32, i32)  : i32 {
        %eq3A_154 = arith.constant 0 : i32
        %eq3A_155 = arith.cmpi eq, %scan3A_148, %eq3A_154 : i32
        %eq3A_156 = arith.constant 16 : i32
        %eq3A_157 = arith.cmpi eq, %scan3A_148, %eq3A_156 : i32
        %add3A_158 = arith.addi %scan3A_153, %mul3A_6 : i32
        %sub3A_159 = arith.constant 1 : i32
        %sub3A_160 = arith.subi %scan3A_153, %sub3A_159 : i32
        %select_n3A_161 = arith.constant true
        %select_n3A_162 = arith.select %select_n3A_161, %sub3A_160, %scan3A_153 : i32
        %eq3A_163 = arith.constant -1 : i32
        %eq3A_164 = arith.cmpi eq, %select_n3A_162, %eq3A_163 : i32
        %select_n3A_165 = arith.constant 16 : i32
        %select_n3A_166 = arith.select %eq3A_164, %select_n3A_165, %select_n3A_162 : i32
        %add3A_167 = arith.addi %select_n3A_166, %mul3A_6 : i32
        %add3A_168 = arith.constant 1 : i32
        %add3A_169 = arith.addi %scan3A_153, %add3A_168 : i32
        %select_n3A_170 = arith.constant true
        %select_n3A_171 = arith.select %select_n3A_170, %add3A_169, %scan3A_153 : i32
        %eq3A_172 = arith.constant 17 : i32
        %eq3A_173 = arith.cmpi eq, %select_n3A_171, %eq3A_172 : i32
        %select_n3A_174 = arith.constant 0 : i32
        %select_n3A_175 = arith.select %eq3A_173, %select_n3A_174, %select_n3A_171 : i32
        %add3A_176 = arith.addi %select_n3A_175, %mul3A_6 : i32
        %add3A_177 = arith.constant 1 : i32
        %add3A_178 = arith.addi %select_n3A_175, %add3A_177 : i32
        %select_n3A_179 = arith.constant true
        %select_n3A_180 = arith.select %select_n3A_179, %add3A_178, %select_n3A_175 : i32
        %eq3A_181 = arith.constant 17 : i32
        %eq3A_182 = arith.cmpi eq, %select_n3A_180, %eq3A_181 : i32
        %select_n3A_183 = arith.constant 0 : i32
        %select_n3A_184 = arith.select %eq3A_182, %select_n3A_183, %select_n3A_180 : i32
        %add3A_185 = arith.addi %select_n3A_184, %mul3A_6 : i32
        %ne3A = arith.cmpi ne, %add3A_158, %add3A_176 : i32
        %or3A = arith.constant false
        %or3A_186 = arith.ori %or3A, %ne3A : i1
        %ge3A = arith.constant 16 : i32
        %ge3A_187 = arith.cmpi sge, %scan3A_148, %ge3A : i32
        %not3A = arith.constant true
        %not3A_188 = arith.xori %ge3A_187, %not3A : i1
        %and3A = arith.andi %or3A_186, %not3A_188 : i1
        %convert_element_type3A = arith.extui %and3A : i1 to i32
        %cond3A = arith.constant 0 : i32
        %cond3A_189 = arith.cmpi ne, %convert_element_type3A, %cond3A : i32
        scf.if %cond3A_189 {
          "tpu.trace_start"() <{level = 10 : i32, message = "ep_copy_in"}> : () -> ()
          %rem3A_292 = arith.constant 2 : i32
          %rem3A_293 = arith.remui %scan3A_149, %rem3A_292 : i32
          %mul3A_294 = arith.constant 1024 : i32
          %mul3A_295 = arith.muli %mul3A_294, %add3A_176 : i32
          %eq3A_296 = arith.constant 976 : i32
          %eq3A_297 = arith.cmpi eq, %add3A_176, %eq3A_296 : i32
          %jit3A_298 = arith.constant 640 : i32
          %jit3A_299 = arith.constant 1024 : i32
          %select_n3A_300 = arith.select %eq3A_297, %jit3A_298, %jit3A_299 : i32
          %multiple_of3A_301 = tpu.assume_multiple %select_n3A_300, 128 : i32
          %mul3A_302 = arith.constant 1024 : i32
          %mul3A_303 = arith.muli %add3A_176, %mul3A_302 : i32
          %dma_start3A_304 = arith.constant 0 : i32
          %dma_start3A_305 = arith.constant 0 : i32
          %dma_start3A_306 = tpu.memref_slice %run_scoped3A[%rem3A_293, %dma_start3A_304, %dma_start3A_305] <%multiple_of3A_301> : memref<2x16x1024xf32, #tpu.memory_space<vmem>> -> memref<1x16x?xf32, #tpu.memory_space<vmem>>
          %dma_start3A_307 = tpu.memref_squeeze %dma_start3A_306 : memref<1x16x?xf32, #tpu.memory_space<vmem>> -> memref<16x?xf32, #tpu.memory_space<vmem>>
          %dma_start3A_308 = arith.constant 0 : i32
          %dma_start3A_309 = tpu.memref_slice %arg2[%dma_start3A_308, %mul3A_303] <%multiple_of3A_301> : memref<16x1000000xf32, #tpu.memory_space<hbm>> -> memref<16x?xf32, #tpu.memory_space<hbm>>
          %dma_start3A_310 = tpu.memref_slice %run_scoped3A_26[%rem3A_293] : memref<2x!tpu.dma_semaphore, #tpu.memory_space<semaphore_mem>> -> memref<1x!tpu.dma_semaphore, #tpu.memory_space<semaphore_mem>>
          %dma_start3A_311 = tpu.memref_squeeze %dma_start3A_310 : memref<1x!tpu.dma_semaphore, #tpu.memory_space<semaphore_mem>> -> memref<!tpu.dma_semaphore, #tpu.memory_space<semaphore_mem>>
          %dma_start3A_312 = arith.constant 0 : i32
          %dma_start3A_313 = arith.constant 0 : i32
          %dma_start3A_314 = tpu.memref_slice %run_scoped3A[%rem3A_293, %dma_start3A_312, %dma_start3A_313] <%multiple_of3A_301> : memref<2x16x1024xf32, #tpu.memory_space<vmem>> -> memref<1x16x?xf32, #tpu.memory_space<vmem>>
          %dma_start3A_315 = tpu.memref_squeeze %dma_start3A_314 : memref<1x16x?xf32, #tpu.memory_space<vmem>> -> memref<16x?xf32, #tpu.memory_space<vmem>>
          %dma_start3A_316 = arith.constant 0 : i32
          %dma_start3A_317 = tpu.memref_slice %arg2[%dma_start3A_316, %mul3A_303] <%multiple_of3A_301> : memref<16x1000000xf32, #tpu.memory_space<hbm>> -> memref<16x?xf32, #tpu.memory_space<hbm>>
          tpu.enqueue_dma source(%dma_start3A_317 : memref<16x?xf32, #tpu.memory_space<hbm>>) target(%dma_start3A_315 : memref<16x?xf32, #tpu.memory_space<vmem>>) target_semaphore(%dma_start3A_311 : memref<!tpu.dma_semaphore, #tpu.memory_space<semaphore_mem>>)
          "tpu.trace_stop"() : () -> ()
        } else {
        }
        %and3A_190 = arith.constant true
        %and3A_191 = arith.andi %and3A, %and3A_190 : i1
        %add3A_192 = arith.constant 1 : i32
        %add3A_193 = arith.addi %scan3A_149, %add3A_192 : i32
        %select_n3A_194 = arith.select %and3A_191, %add3A_193, %scan3A_149 : i32
        %ne3A_195 = arith.cmpi ne, %add3A_158, %add3A_176 : i32
        %or3A_196 = arith.constant false
        %or3A_197 = arith.ori %or3A_196, %ne3A_195 : i1
        %or3A_198 = arith.constant false
        %or3A_199 = arith.ori %or3A_197, %or3A_198 : i1
        %ge3A_200 = arith.constant 16 : i32
        %ge3A_201 = arith.cmpi sge, %scan3A_148, %ge3A_200 : i32
        %not3A_202 = arith.constant true
        %not3A_203 = arith.xori %ge3A_201, %not3A_202 : i1
        %and3A_204 = arith.andi %or3A_199, %not3A_203 : i1
        %ne3A_205 = arith.cmpi ne, %add3A_158, %add3A_167 : i32
        %or3A_206 = arith.constant false
        %or3A_207 = arith.ori %or3A_206, %ne3A_205 : i1
        %or3A_208 = arith.ori %or3A_207, %eq3A_155 : i1
        %convert_element_type3A_209 = arith.extui %or3A_208 : i1 to i32
        %cond3A_210 = arith.constant 0 : i32
        %cond3A_211 = arith.cmpi ne, %convert_element_type3A_209, %cond3A_210 : i32
        scf.if %cond3A_211 {
          "tpu.trace_start"() <{level = 10 : i32, message = "ep_wait_in"}> : () -> ()
          %mul3A_292 = arith.constant 1024 : i32
          %mul3A_293 = arith.muli %mul3A_292, %add3A_158 : i32
          %eq3A_294 = arith.constant 976 : i32
          %eq3A_295 = arith.cmpi eq, %add3A_158, %eq3A_294 : i32
          %jit3A_296 = arith.constant 640 : i32
          %jit3A_297 = arith.constant 1024 : i32
          %select_n3A_298 = arith.select %eq3A_295, %jit3A_296, %jit3A_297 : i32
          %multiple_of3A_299 = tpu.assume_multiple %select_n3A_298, 128 : i32
          %mul3A_300 = arith.constant 1024 : i32
          %mul3A_301 = arith.muli %add3A_158, %mul3A_300 : i32
          %rem3A_302 = arith.constant 2 : i32
          %rem3A_303 = arith.remui %scan3A_150, %rem3A_302 : i32
          %dma_wait3A_304 = arith.constant 0 : i32
          %dma_wait3A_305 = arith.constant 0 : i32
          %dma_wait3A_306 = tpu.memref_slice %run_scoped3A[%rem3A_303, %dma_wait3A_304, %dma_wait3A_305] <%multiple_of3A_299> : memref<2x16x1024xf32, #tpu.memory_space<vmem>> -> memref<1x16x?xf32, #tpu.memory_space<vmem>>
          %dma_wait3A_307 = tpu.memref_squeeze %dma_wait3A_306 : memref<1x16x?xf32, #tpu.memory_space<vmem>> -> memref<16x?xf32, #tpu.memory_space<vmem>>
          %dma_wait3A_308 = arith.constant 0 : i32
          %dma_wait3A_309 = tpu.memref_slice %arg2[%dma_wait3A_308, %mul3A_301] <%multiple_of3A_299> : memref<16x1000000xf32, #tpu.memory_space<hbm>> -> memref<16x?xf32, #tpu.memory_space<hbm>>
          %dma_wait3A_310 = tpu.memref_slice %run_scoped3A_26[%rem3A_303] : memref<2x!tpu.dma_semaphore, #tpu.memory_space<semaphore_mem>> -> memref<1x!tpu.dma_semaphore, #tpu.memory_space<semaphore_mem>>
          %dma_wait3A_311 = tpu.memref_squeeze %dma_wait3A_310 : memref<1x!tpu.dma_semaphore, #tpu.memory_space<semaphore_mem>> -> memref<!tpu.dma_semaphore, #tpu.memory_space<semaphore_mem>>
          %dma_wait3A_312 = arith.constant 0 : i32
          %dma_wait3A_313 = arith.constant 0 : i32
          %dma_wait3A_314 = tpu.memref_slice %run_scoped3A[%rem3A_303, %dma_wait3A_312, %dma_wait3A_313] <%multiple_of3A_299> : memref<2x16x1024xf32, #tpu.memory_space<vmem>> -> memref<1x16x?xf32, #tpu.memory_space<vmem>>
          %dma_wait3A_315 = tpu.memref_squeeze %dma_wait3A_314 : memref<1x16x?xf32, #tpu.memory_space<vmem>> -> memref<16x?xf32, #tpu.memory_space<vmem>>
          %dma_wait3A_316 = arith.constant 0 : i32
          %dma_wait3A_317 = tpu.memref_slice %arg2[%dma_wait3A_316, %mul3A_301] <%multiple_of3A_299> : memref<16x1000000xf32, #tpu.memory_space<hbm>> -> memref<16x?xf32, #tpu.memory_space<hbm>>
          tpu.wait_dma2 semaphore(%dma_wait3A_311 : memref<!tpu.dma_semaphore, #tpu.memory_space<semaphore_mem>>) src(%dma_wait3A_317 : memref<16x?xf32, #tpu.memory_space<hbm>>) dst(%dma_wait3A_315 : memref<16x?xf32, #tpu.memory_space<vmem>>)
          "tpu.trace_stop"() : () -> ()
        } else {
        }
        %ne3A_212 = arith.cmpi ne, %add3A_158, %add3A_167 : i32
        %or3A_213 = arith.constant false
        %or3A_214 = arith.ori %or3A_213, %ne3A_212 : i1
        %or3A_215 = arith.constant false
        %or3A_216 = arith.ori %or3A_214, %or3A_215 : i1
        %or3A_217 = arith.ori %or3A_216, %eq3A_155 : i1
        %convert_element_type3A_218 = arith.extui %or3A_217 : i1 to i32
        %cond3A_219 = arith.constant 0 : i32
        %cond3A_220 = arith.cmpi ne, %convert_element_type3A_218, %cond3A_219 : i32
        scf.if %cond3A_220 {
        } else {
        }
        %rem3A_221 = arith.constant 2 : i32
        %rem3A_222 = arith.remui %scan3A_150, %rem3A_221 : i32
        %rem3A_223 = arith.constant 2 : i32
        %rem3A_224 = arith.remui %scan3A_151, %rem3A_223 : i32
        "tpu.trace_start"() <{level = 10 : i32, message = "ep_run_kernel"}> : () -> ()
        %iota3A = tpu.iota {dimensions = array<i32: 0>} : vector<16xi32>
        %parallel_loop3A = arith.constant 0 : i32
        %parallel_loop3A_225 = arith.constant 128 : i32
        %parallel_loop3A_226 = arith.constant 1 : i32
        scf.for %parallel_loop3A_292 = %parallel_loop3A to %parallel_loop3A_225 step %parallel_loop3A_226  : i32 {
          %parallel_loop3A_293 = arith.constant 8 : i32
          %parallel_loop3A_294 = arith.muli %parallel_loop3A_292, %parallel_loop3A_293 : i32
          %parallel_loop3A_295 = vector.broadcast %parallel_loop3A_294 : i32 to vector<16xi32>
          %parallel_loop3A_296 = vector.broadcast %parallel_loop3A_292 : i32 to vector<16xi32>
          %parallel_loop3A_297 = arith.constant 0 : i32
          %parallel_loop3A_298 = vector.broadcast %parallel_loop3A_297 : i32 to vector<16xi32>
          %parallel_loop3A_299 = arith.addi %parallel_loop3A_295, %parallel_loop3A_298 : vector<16xi32>
          %parallel_loop3A_300 = arith.constant 0 : i32
          %parallel_loop3A_301 = arith.constant 0 : i32
          %parallel_loop3A_302 = tpu.memref_slice %run_scoped3A[%rem3A_222, %parallel_loop3A_300, %parallel_loop3A_301] : memref<2x16x1024xf32, #tpu.memory_space<vmem>> -> memref<1x16x1024xf32, #tpu.memory_space<vmem>>
          %parallel_loop3A_303 = tpu.memref_squeeze %parallel_loop3A_302 : memref<1x16x1024xf32, #tpu.memory_space<vmem>> -> memref<16x1024xf32, #tpu.memory_space<vmem>>
          %parallel_loop3A_304 = tpu.vector_load_idx %parallel_loop3A_303[%iota3A, %parallel_loop3A_299] : memref<16x1024xf32, #tpu.memory_space<vmem>>[vector<16xi32>, vector<16xi32>], vector<16xf32>,
          %parallel_loop3A_305 = arith.constant 0 : i32
          %parallel_loop3A_306 = vector.broadcast %parallel_loop3A_305 : i32 to vector<16xi32>
          %parallel_loop3A_307 = arith.addi %iota3A, %parallel_loop3A_306 : vector<16xi32>
          %parallel_loop3A_308 = arith.constant 0 : i32
          %parallel_loop3A_309 = arith.constant 0 : i32
          %parallel_loop3A_310 = tpu.memref_slice %run_scoped3A_27[%rem3A_224, %parallel_loop3A_308, %parallel_loop3A_309] : memref<2x128x128xf32, #tpu.memory_space<vmem>> -> memref<1x128x128xf32, #tpu.memory_space<vmem>>
          %parallel_loop3A_311 = tpu.memref_squeeze %parallel_loop3A_310 : memref<1x128x128xf32, #tpu.memory_space<vmem>> -> memref<128x128xf32, #tpu.memory_space<vmem>>
          tpu.vector_store_idx %parallel_loop3A_311[%parallel_loop3A_296, %parallel_loop3A_307], %parallel_loop3A_304 : memref<128x128xf32, #tpu.memory_space<vmem>>[vector<16xi32>, vector<16xi32>], vector<16xf32>,
          %parallel_loop3A_312 = arith.constant 1 : i32
          %parallel_loop3A_313 = vector.broadcast %parallel_loop3A_312 : i32 to vector<16xi32>
          %parallel_loop3A_314 = arith.addi %parallel_loop3A_295, %parallel_loop3A_313 : vector<16xi32>
          %parallel_loop3A_315 = arith.constant 0 : i32
          %parallel_loop3A_316 = arith.constant 0 : i32
          %parallel_loop3A_317 = tpu.memref_slice %run_scoped3A[%rem3A_222, %parallel_loop3A_315, %parallel_loop3A_316] : memref<2x16x1024xf32, #tpu.memory_space<vmem>> -> memref<1x16x1024xf32, #tpu.memory_space<vmem>>
          %parallel_loop3A_318 = tpu.memref_squeeze %parallel_loop3A_317 : memref<1x16x1024xf32, #tpu.memory_space<vmem>> -> memref<16x1024xf32, #tpu.memory_space<vmem>>
          %parallel_loop3A_319 = tpu.vector_load_idx %parallel_loop3A_318[%iota3A, %parallel_loop3A_314] : memref<16x1024xf32, #tpu.memory_space<vmem>>[vector<16xi32>, vector<16xi32>], vector<16xf32>,
          %parallel_loop3A_320 = arith.constant 16 : i32
          %parallel_loop3A_321 = vector.broadcast %parallel_loop3A_320 : i32 to vector<16xi32>
          %parallel_loop3A_322 = arith.addi %iota3A, %parallel_loop3A_321 : vector<16xi32>
          %parallel_loop3A_323 = arith.constant 0 : i32
          %parallel_loop3A_324 = arith.constant 0 : i32
          %parallel_loop3A_325 = tpu.memref_slice %run_scoped3A_27[%rem3A_224, %parallel_loop3A_323, %parallel_loop3A_324] : memref<2x128x128xf32, #tpu.memory_space<vmem>> -> memref<1x128x128xf32, #tpu.memory_space<vmem>>
          %parallel_loop3A_326 = tpu.memref_squeeze %parallel_loop3A_325 : memref<1x128x128xf32, #tpu.memory_space<vmem>> -> memref<128x128xf32, #tpu.memory_space<vmem>>
          tpu.vector_store_idx %parallel_loop3A_326[%parallel_loop3A_296, %parallel_loop3A_322], %parallel_loop3A_319 : memref<128x128xf32, #tpu.memory_space<vmem>>[vector<16xi32>, vector<16xi32>], vector<16xf32>,
          %parallel_loop3A_327 = arith.constant 2 : i32
          %parallel_loop3A_328 = vector.broadcast %parallel_loop3A_327 : i32 to vector<16xi32>
          %parallel_loop3A_329 = arith.addi %parallel_loop3A_295, %parallel_loop3A_328 : vector<16xi32>
          %parallel_loop3A_330 = arith.constant 0 : i32
          %parallel_loop3A_331 = arith.constant 0 : i32
          %parallel_loop3A_332 = tpu.memref_slice %run_scoped3A[%rem3A_222, %parallel_loop3A_330, %parallel_loop3A_331] : memref<2x16x1024xf32, #tpu.memory_space<vmem>> -> memref<1x16x1024xf32, #tpu.memory_space<vmem>>
          %parallel_loop3A_333 = tpu.memref_squeeze %parallel_loop3A_332 : memref<1x16x1024xf32, #tpu.memory_space<vmem>> -> memref<16x1024xf32, #tpu.memory_space<vmem>>
          %parallel_loop3A_334 = tpu.vector_load_idx %parallel_loop3A_333[%iota3A, %parallel_loop3A_329] : memref<16x1024xf32, #tpu.memory_space<vmem>>[vector<16xi32>, vector<16xi32>], vector<16xf32>,
          %parallel_loop3A_335 = arith.constant 32 : i32
          %parallel_loop3A_336 = vector.broadcast %parallel_loop3A_335 : i32 to vector<16xi32>
          %parallel_loop3A_337 = arith.addi %iota3A, %parallel_loop3A_336 : vector<16xi32>
          %parallel_loop3A_338 = arith.constant 0 : i32
          %parallel_loop3A_339 = arith.constant 0 : i32
          %parallel_loop3A_340 = tpu.memref_slice %run_scoped3A_27[%rem3A_224, %parallel_loop3A_338, %parallel_loop3A_339] : memref<2x128x128xf32, #tpu.memory_space<vmem>> -> memref<1x128x128xf32, #tpu.memory_space<vmem>>
          %parallel_loop3A_341 = tpu.memref_squeeze %parallel_loop3A_340 : memref<1x128x128xf32, #tpu.memory_space<vmem>> -> memref<128x128xf32, #tpu.memory_space<vmem>>
          tpu.vector_store_idx %parallel_loop3A_341[%parallel_loop3A_296, %parallel_loop3A_337], %parallel_loop3A_334 : memref<128x128xf32, #tpu.memory_space<vmem>>[vector<16xi32>, vector<16xi32>], vector<16xf32>,
          %parallel_loop3A_342 = arith.constant 3 : i32
          %parallel_loop3A_343 = vector.broadcast %parallel_loop3A_342 : i32 to vector<16xi32>
          %parallel_loop3A_344 = arith.addi %parallel_loop3A_295, %parallel_loop3A_343 : vector<16xi32>
          %parallel_loop3A_345 = arith.constant 0 : i32
          %parallel_loop3A_346 = arith.constant 0 : i32
          %parallel_loop3A_347 = tpu.memref_slice %run_scoped3A[%rem3A_222, %parallel_loop3A_345, %parallel_loop3A_346] : memref<2x16x1024xf32, #tpu.memory_space<vmem>> -> memref<1x16x1024xf32, #tpu.memory_space<vmem>>
          %parallel_loop3A_348 = tpu.memref_squeeze %parallel_loop3A_347 : memref<1x16x1024xf32, #tpu.memory_space<vmem>> -> memref<16x1024xf32, #tpu.memory_space<vmem>>
          %parallel_loop3A_349 = tpu.vector_load_idx %parallel_loop3A_348[%iota3A, %parallel_loop3A_344] : memref<16x1024xf32, #tpu.memory_space<vmem>>[vector<16xi32>, vector<16xi32>], vector<16xf32>,
          %parallel_loop3A_350 = arith.constant 48 : i32
          %parallel_loop3A_351 = vector.broadcast %parallel_loop3A_350 : i32 to vector<16xi32>
          %parallel_loop3A_352 = arith.addi %iota3A, %parallel_loop3A_351 : vector<16xi32>
          %parallel_loop3A_353 = arith.constant 0 : i32
          %parallel_loop3A_354 = arith.constant 0 : i32
          %parallel_loop3A_355 = tpu.memref_slice %run_scoped3A_27[%rem3A_224, %parallel_loop3A_353, %parallel_loop3A_354] : memref<2x128x128xf32, #tpu.memory_space<vmem>> -> memref<1x128x128xf32, #tpu.memory_space<vmem>>
          %parallel_loop3A_356 = tpu.memref_squeeze %parallel_loop3A_355 : memref<1x128x128xf32, #tpu.memory_space<vmem>> -> memref<128x128xf32, #tpu.memory_space<vmem>>
          tpu.vector_store_idx %parallel_loop3A_356[%parallel_loop3A_296, %parallel_loop3A_352], %parallel_loop3A_349 : memref<128x128xf32, #tpu.memory_space<vmem>>[vector<16xi32>, vector<16xi32>], vector<16xf32>,
          %parallel_loop3A_357 = arith.constant 4 : i32
          %parallel_loop3A_358 = vector.broadcast %parallel_loop3A_357 : i32 to vector<16xi32>
          %parallel_loop3A_359 = arith.addi %parallel_loop3A_295, %parallel_loop3A_358 : vector<16xi32>
          %parallel_loop3A_360 = arith.constant 0 : i32
          %parallel_loop3A_361 = arith.constant 0 : i32
          %parallel_loop3A_362 = tpu.memref_slice %run_scoped3A[%rem3A_222, %parallel_loop3A_360, %parallel_loop3A_361] : memref<2x16x1024xf32, #tpu.memory_space<vmem>> -> memref<1x16x1024xf32, #tpu.memory_space<vmem>>
          %parallel_loop3A_363 = tpu.memref_squeeze %parallel_loop3A_362 : memref<1x16x1024xf32, #tpu.memory_space<vmem>> -> memref<16x1024xf32, #tpu.memory_space<vmem>>
          %parallel_loop3A_364 = tpu.vector_load_idx %parallel_loop3A_363[%iota3A, %parallel_loop3A_359] : memref<16x1024xf32, #tpu.memory_space<vmem>>[vector<16xi32>, vector<16xi32>], vector<16xf32>,
          %parallel_loop3A_365 = arith.constant 64 : i32
          %parallel_loop3A_366 = vector.broadcast %parallel_loop3A_365 : i32 to vector<16xi32>
          %parallel_loop3A_367 = arith.addi %iota3A, %parallel_loop3A_366 : vector<16xi32>
          %parallel_loop3A_368 = arith.constant 0 : i32
          %parallel_loop3A_369 = arith.constant 0 : i32
          %parallel_loop3A_370 = tpu.memref_slice %run_scoped3A_27[%rem3A_224, %parallel_loop3A_368, %parallel_loop3A_369] : memref<2x128x128xf32, #tpu.memory_space<vmem>> -> memref<1x128x128xf32, #tpu.memory_space<vmem>>
          %parallel_loop3A_371 = tpu.memref_squeeze %parallel_loop3A_370 : memref<1x128x128xf32, #tpu.memory_space<vmem>> -> memref<128x128xf32, #tpu.memory_space<vmem>>
          tpu.vector_store_idx %parallel_loop3A_371[%parallel_loop3A_296, %parallel_loop3A_367], %parallel_loop3A_364 : memref<128x128xf32, #tpu.memory_space<vmem>>[vector<16xi32>, vector<16xi32>], vector<16xf32>,
          %parallel_loop3A_372 = arith.constant 5 : i32
          %parallel_loop3A_373 = vector.broadcast %parallel_loop3A_372 : i32 to vector<16xi32>
          %parallel_loop3A_374 = arith.addi %parallel_loop3A_295, %parallel_loop3A_373 : vector<16xi32>
          %parallel_loop3A_375 = arith.constant 0 : i32
          %parallel_loop3A_376 = arith.constant 0 : i32
          %parallel_loop3A_377 = tpu.memref_slice %run_scoped3A[%rem3A_222, %parallel_loop3A_375, %parallel_loop3A_376] : memref<2x16x1024xf32, #tpu.memory_space<vmem>> -> memref<1x16x1024xf32, #tpu.memory_space<vmem>>
          %parallel_loop3A_378 = tpu.memref_squeeze %parallel_loop3A_377 : memref<1x16x1024xf32, #tpu.memory_space<vmem>> -> memref<16x1024xf32, #tpu.memory_space<vmem>>
          %parallel_loop3A_379 = tpu.vector_load_idx %parallel_loop3A_378[%iota3A, %parallel_loop3A_374] : memref<16x1024xf32, #tpu.memory_space<vmem>>[vector<16xi32>, vector<16xi32>], vector<16xf32>,
          %parallel_loop3A_380 = arith.constant 80 : i32
          %parallel_loop3A_381 = vector.broadcast %parallel_loop3A_380 : i32 to vector<16xi32>
          %parallel_loop3A_382 = arith.addi %iota3A, %parallel_loop3A_381 : vector<16xi32>
          %parallel_loop3A_383 = arith.constant 0 : i32
          %parallel_loop3A_384 = arith.constant 0 : i32
          %parallel_loop3A_385 = tpu.memref_slice %run_scoped3A_27[%rem3A_224, %parallel_loop3A_383, %parallel_loop3A_384] : memref<2x128x128xf32, #tpu.memory_space<vmem>> -> memref<1x128x128xf32, #tpu.memory_space<vmem>>
          %parallel_loop3A_386 = tpu.memref_squeeze %parallel_loop3A_385 : memref<1x128x128xf32, #tpu.memory_space<vmem>> -> memref<128x128xf32, #tpu.memory_space<vmem>>
          tpu.vector_store_idx %parallel_loop3A_386[%parallel_loop3A_296, %parallel_loop3A_382], %parallel_loop3A_379 : memref<128x128xf32, #tpu.memory_space<vmem>>[vector<16xi32>, vector<16xi32>], vector<16xf32>,
          %parallel_loop3A_387 = arith.constant 6 : i32
          %parallel_loop3A_388 = vector.broadcast %parallel_loop3A_387 : i32 to vector<16xi32>
          %parallel_loop3A_389 = arith.addi %parallel_loop3A_295, %parallel_loop3A_388 : vector<16xi32>
          %parallel_loop3A_390 = arith.constant 0 : i32
          %parallel_loop3A_391 = arith.constant 0 : i32
          %parallel_loop3A_392 = tpu.memref_slice %run_scoped3A[%rem3A_222, %parallel_loop3A_390, %parallel_loop3A_391] : memref<2x16x1024xf32, #tpu.memory_space<vmem>> -> memref<1x16x1024xf32, #tpu.memory_space<vmem>>
          %parallel_loop3A_393 = tpu.memref_squeeze %parallel_loop3A_392 : memref<1x16x1024xf32, #tpu.memory_space<vmem>> -> memref<16x1024xf32, #tpu.memory_space<vmem>>
          %parallel_loop3A_394 = tpu.vector_load_idx %parallel_loop3A_393[%iota3A, %parallel_loop3A_389] : memref<16x1024xf32, #tpu.memory_space<vmem>>[vector<16xi32>, vector<16xi32>], vector<16xf32>,
          %parallel_loop3A_395 = arith.constant 96 : i32
          %parallel_loop3A_396 = vector.broadcast %parallel_loop3A_395 : i32 to vector<16xi32>
          %parallel_loop3A_397 = arith.addi %iota3A, %parallel_loop3A_396 : vector<16xi32>
          %parallel_loop3A_398 = arith.constant 0 : i32
          %parallel_loop3A_399 = arith.constant 0 : i32
          %parallel_loop3A_400 = tpu.memref_slice %run_scoped3A_27[%rem3A_224, %parallel_loop3A_398, %parallel_loop3A_399] : memref<2x128x128xf32, #tpu.memory_space<vmem>> -> memref<1x128x128xf32, #tpu.memory_space<vmem>>
          %parallel_loop3A_401 = tpu.memref_squeeze %parallel_loop3A_400 : memref<1x128x128xf32, #tpu.memory_space<vmem>> -> memref<128x128xf32, #tpu.memory_space<vmem>>
          tpu.vector_store_idx %parallel_loop3A_401[%parallel_loop3A_296, %parallel_loop3A_397], %parallel_loop3A_394 : memref<128x128xf32, #tpu.memory_space<vmem>>[vector<16xi32>, vector<16xi32>], vector<16xf32>,
          %parallel_loop3A_402 = arith.constant 7 : i32
          %parallel_loop3A_403 = vector.broadcast %parallel_loop3A_402 : i32 to vector<16xi32>
          %parallel_loop3A_404 = arith.addi %parallel_loop3A_295, %parallel_loop3A_403 : vector<16xi32>
          %parallel_loop3A_405 = arith.constant 0 : i32
          %parallel_loop3A_406 = arith.constant 0 : i32
          %parallel_loop3A_407 = tpu.memref_slice %run_scoped3A[%rem3A_222, %parallel_loop3A_405, %parallel_loop3A_406] : memref<2x16x1024xf32, #tpu.memory_space<vmem>> -> memref<1x16x1024xf32, #tpu.memory_space<vmem>>
          %parallel_loop3A_408 = tpu.memref_squeeze %parallel_loop3A_407 : memref<1x16x1024xf32, #tpu.memory_space<vmem>> -> memref<16x1024xf32, #tpu.memory_space<vmem>>
          %parallel_loop3A_409 = tpu.vector_load_idx %parallel_loop3A_408[%iota3A, %parallel_loop3A_404] : memref<16x1024xf32, #tpu.memory_space<vmem>>[vector<16xi32>, vector<16xi32>], vector<16xf32>,
          %parallel_loop3A_410 = arith.constant 112 : i32
          %parallel_loop3A_411 = vector.broadcast %parallel_loop3A_410 : i32 to vector<16xi32>
          %parallel_loop3A_412 = arith.addi %iota3A, %parallel_loop3A_411 : vector<16xi32>
          %parallel_loop3A_413 = arith.constant 0 : i32
          %parallel_loop3A_414 = arith.constant 0 : i32
          %parallel_loop3A_415 = tpu.memref_slice %run_scoped3A_27[%rem3A_224, %parallel_loop3A_413, %parallel_loop3A_414] : memref<2x128x128xf32, #tpu.memory_space<vmem>> -> memref<1x128x128xf32, #tpu.memory_space<vmem>>
          %parallel_loop3A_416 = tpu.memref_squeeze %parallel_loop3A_415 : memref<1x128x128xf32, #tpu.memory_space<vmem>> -> memref<128x128xf32, #tpu.memory_space<vmem>>
          tpu.vector_store_idx %parallel_loop3A_416[%parallel_loop3A_296, %parallel_loop3A_412], %parallel_loop3A_409 : memref<128x128xf32, #tpu.memory_space<vmem>>[vector<16xi32>, vector<16xi32>], vector<16xf32>,
        } {sc.loop_unroll_factor = 1 : i64, sc.parallel_access}
        "tpu.trace_stop"() : () -> ()
        %ne3A_227 = arith.cmpi ne, %add3A_158, %add3A_176 : i32
        %or3A_228 = arith.constant false
        %or3A_229 = arith.ori %or3A_228, %ne3A_227 : i1
        %or3A_230 = arith.ori %or3A_229, %eq3A_157 : i1
        %convert_element_type3A_231 = arith.extui %or3A_230 : i1 to i32
        %cond3A_232 = arith.constant 0 : i32
        %cond3A_233 = arith.cmpi ne, %convert_element_type3A_231, %cond3A_232 : i32
        scf.if %cond3A_233 {
        } else {
        }
        %and3A_234 = arith.constant false
        %and3A_235 = arith.andi %or3A_230, %and3A_234 : i1
        %ne3A_236 = arith.cmpi ne, %add3A_158, %add3A_176 : i32
        %or3A_237 = arith.constant false
        %or3A_238 = arith.ori %or3A_237, %ne3A_236 : i1
        %or3A_239 = arith.constant false
        %or3A_240 = arith.ori %or3A_238, %or3A_239 : i1
        %or3A_241 = arith.ori %or3A_240, %eq3A_157 : i1
        %convert_element_type3A_242 = arith.extui %or3A_241 : i1 to i32
        %cond3A_243 = arith.constant 0 : i32
        %cond3A_244 = arith.cmpi ne, %convert_element_type3A_242, %cond3A_243 : i32
        scf.if %cond3A_244 {
          "tpu.trace_start"() <{level = 10 : i32, message = "ep_copy_out"}> : () -> ()
          %rem3A_292 = arith.constant 2 : i32
          %rem3A_293 = arith.remui %scan3A_151, %rem3A_292 : i32
          %mul3A_294 = arith.constant 128 : i32
          %mul3A_295 = arith.muli %mul3A_294, %add3A_158 : i32
          %dma_start3A_296 = arith.constant 0 : i32
          %dma_start3A_297 = arith.constant 0 : i32
          %dma_start3A_298 = tpu.memref_slice %run_scoped3A_27[%rem3A_293, %dma_start3A_296, %dma_start3A_297] : memref<2x128x128xf32, #tpu.memory_space<vmem>> -> memref<1x128x128xf32, #tpu.memory_space<vmem>>
          %dma_start3A_299 = tpu.memref_squeeze %dma_start3A_298 : memref<1x128x128xf32, #tpu.memory_space<vmem>> -> memref<128x128xf32, #tpu.memory_space<vmem>>
          %dma_start3A_300 = arith.constant 0 : i32
          %dma_start3A_301 = tpu.memref_slice %arg4[%mul3A_295, %dma_start3A_300] : memref<69632x128xf32, #tpu.memory_space<hbm>> -> memref<128x128xf32, #tpu.memory_space<hbm>>
          %dma_start3A_302 = tpu.memref_slice %run_scoped3A_28[%rem3A_293] : memref<2x!tpu.dma_semaphore, #tpu.memory_space<semaphore_mem>> -> memref<1x!tpu.dma_semaphore, #tpu.memory_space<semaphore_mem>>
          %dma_start3A_303 = tpu.memref_squeeze %dma_start3A_302 : memref<1x!tpu.dma_semaphore, #tpu.memory_space<semaphore_mem>> -> memref<!tpu.dma_semaphore, #tpu.memory_space<semaphore_mem>>
          %dma_start3A_304 = arith.constant 0 : i32
          %dma_start3A_305 = tpu.memref_slice %arg4[%mul3A_295, %dma_start3A_304] : memref<69632x128xf32, #tpu.memory_space<hbm>> -> memref<128x128xf32, #tpu.memory_space<hbm>>
          %dma_start3A_306 = arith.constant 0 : i32
          %dma_start3A_307 = arith.constant 0 : i32
          %dma_start3A_308 = tpu.memref_slice %run_scoped3A_27[%rem3A_293, %dma_start3A_306, %dma_start3A_307] : memref<2x128x128xf32, #tpu.memory_space<vmem>> -> memref<1x128x128xf32, #tpu.memory_space<vmem>>
          %dma_start3A_309 = tpu.memref_squeeze %dma_start3A_308 : memref<1x128x128xf32, #tpu.memory_space<vmem>> -> memref<128x128xf32, #tpu.memory_space<vmem>>
          tpu.enqueue_dma source(%dma_start3A_309 : memref<128x128xf32, #tpu.memory_space<vmem>>) target(%dma_start3A_305 : memref<128x128xf32, #tpu.memory_space<hbm>>) target_semaphore(%dma_start3A_303 : memref<!tpu.dma_semaphore, #tpu.memory_space<semaphore_mem>>)
          "tpu.trace_stop"() : () -> ()
        } else {
        }
        %and3A_245 = arith.constant true
        %and3A_246 = arith.andi %or3A_241, %and3A_245 : i1
        %add3A_247 = arith.constant 1 : i32
        %add3A_248 = arith.addi %scan3A_151, %add3A_247 : i32
        %select_n3A_249 = arith.select %and3A_246, %add3A_248, %scan3A_151 : i32
        %ne3A_250 = arith.cmpi ne, %add3A_158, %add3A_167 : i32
        %or3A_251 = arith.constant false
        %or3A_252 = arith.ori %or3A_251, %ne3A_250 : i1
        %not3A_253 = arith.constant true
        %not3A_254 = arith.xori %eq3A_155, %not3A_253 : i1
        %and3A_255 = arith.andi %or3A_252, %not3A_254 : i1
        %convert_element_type3A_256 = arith.extui %and3A_255 : i1 to i32
        %cond3A_257 = arith.constant 0 : i32
        %cond3A_258 = arith.cmpi ne, %convert_element_type3A_256, %cond3A_257 : i32
        scf.if %cond3A_258 {
        } else {
        }
        %and3A_259 = arith.constant false
        %and3A_260 = arith.andi %and3A_255, %and3A_259 : i1
        %ne3A_261 = arith.cmpi ne, %add3A_158, %add3A_167 : i32
        %or3A_262 = arith.constant false
        %or3A_263 = arith.ori %or3A_262, %ne3A_261 : i1
        %or3A_264 = arith.constant false
        %or3A_265 = arith.ori %or3A_263, %or3A_264 : i1
        %not3A_266 = arith.constant true
        %not3A_267 = arith.xori %eq3A_155, %not3A_266 : i1
        %and3A_268 = arith.andi %or3A_265, %not3A_267 : i1
        %convert_element_type3A_269 = arith.extui %and3A_268 : i1 to i32
        %cond3A_270 = arith.constant 0 : i32
        %cond3A_271 = arith.cmpi ne, %convert_element_type3A_269, %cond3A_270 : i32
        scf.if %cond3A_271 {
          "tpu.trace_start"() <{level = 10 : i32, message = "ep_wait_out"}> : () -> ()
          %rem3A_292 = arith.constant 2 : i32
          %rem3A_293 = arith.remui %scan3A_152, %rem3A_292 : i32
          %mul3A_294 = arith.constant 128 : i32
          %mul3A_295 = arith.muli %mul3A_294, %add3A_167 : i32
          %dma_wait3A_296 = arith.constant 0 : i32
          %dma_wait3A_297 = arith.constant 0 : i32
          %dma_wait3A_298 = tpu.memref_slice %run_scoped3A_27[%rem3A_293, %dma_wait3A_296, %dma_wait3A_297] : memref<2x128x128xf32, #tpu.memory_space<vmem>> -> memref<1x128x128xf32, #tpu.memory_space<vmem>>
          %dma_wait3A_299 = tpu.memref_squeeze %dma_wait3A_298 : memref<1x128x128xf32, #tpu.memory_space<vmem>> -> memref<128x128xf32, #tpu.memory_space<vmem>>
          %dma_wait3A_300 = arith.constant 0 : i32
          %dma_wait3A_301 = tpu.memref_slice %arg4[%mul3A_295, %dma_wait3A_300] : memref<69632x128xf32, #tpu.memory_space<hbm>> -> memref<128x128xf32, #tpu.memory_space<hbm>>
          %dma_wait3A_302 = tpu.memref_slice %run_scoped3A_28[%rem3A_293] : memref<2x!tpu.dma_semaphore, #tpu.memory_space<semaphore_mem>> -> memref<1x!tpu.dma_semaphore, #tpu.memory_space<semaphore_mem>>
          %dma_wait3A_303 = tpu.memref_squeeze %dma_wait3A_302 : memref<1x!tpu.dma_semaphore, #tpu.memory_space<semaphore_mem>> -> memref<!tpu.dma_semaphore, #tpu.memory_space<semaphore_mem>>
          %dma_wait3A_304 = arith.constant 0 : i32
          %dma_wait3A_305 = tpu.memref_slice %arg4[%mul3A_295, %dma_wait3A_304] : memref<69632x128xf32, #tpu.memory_space<hbm>> -> memref<128x128xf32, #tpu.memory_space<hbm>>
          %dma_wait3A_306 = arith.constant 0 : i32
          %dma_wait3A_307 = arith.constant 0 : i32
          %dma_wait3A_308 = tpu.memref_slice %run_scoped3A_27[%rem3A_293, %dma_wait3A_306, %dma_wait3A_307] : memref<2x128x128xf32, #tpu.memory_space<vmem>> -> memref<1x128x128xf32, #tpu.memory_space<vmem>>
          %dma_wait3A_309 = tpu.memref_squeeze %dma_wait3A_308 : memref<1x128x128xf32, #tpu.memory_space<vmem>> -> memref<128x128xf32, #tpu.memory_space<vmem>>
          tpu.wait_dma2 semaphore(%dma_wait3A_303 : memref<!tpu.dma_semaphore, #tpu.memory_space<semaphore_mem>>) src(%dma_wait3A_309 : memref<128x128xf32, #tpu.memory_space<vmem>>) dst(%dma_wait3A_305 : memref<128x128xf32, #tpu.memory_space<hbm>>)
          "tpu.trace_stop"() : () -> ()
        } else {
        }
        %and3A_272 = arith.constant true
        %and3A_273 = arith.andi %and3A_268, %and3A_272 : i1
        %add3A_274 = arith.constant 1 : i32
        %add3A_275 = arith.addi %scan3A_152, %add3A_274 : i32
        %select_n3A_276 = arith.select %and3A_273, %add3A_275, %scan3A_152 : i32
        %ne3A_277 = arith.cmpi ne, %add3A_158, %add3A_176 : i32
        %or3A_278 = arith.constant false
        %or3A_279 = arith.ori %or3A_278, %ne3A_277 : i1
        %or3A_280 = arith.ori %or3A_279, %eq3A_157 : i1
        %add3A_281 = arith.constant 1 : i32
        %add3A_282 = arith.addi %scan3A_150, %add3A_281 : i32
        %select_n3A_283 = arith.select %or3A_280, %add3A_282, %scan3A_150 : i32
        %add3A_284 = arith.constant 1 : i32
        %add3A_285 = arith.addi %scan3A_153, %add3A_284 : i32
        %select_n3A_286 = arith.constant true
        %select_n3A_287 = arith.select %select_n3A_286, %add3A_285, %scan3A_153 : i32
        %eq3A_288 = arith.constant 17 : i32
        %eq3A_289 = arith.cmpi eq, %select_n3A_287, %eq3A_288 : i32
        %select_n3A_290 = arith.constant 0 : i32
        %select_n3A_291 = arith.select %eq3A_289, %select_n3A_290, %select_n3A_287 : i32
        scf.yield %select_n3A_194, %select_n3A_283, %select_n3A_249, %select_n3A_276, %select_n3A_291 : i32, i32, i32, i32, i32
      }
      %scan3A_95 = arith.constant 17 : i32
      %sub3A = arith.constant 1 : i32
      %sub3A_96 = arith.subi %scan3A_94#4, %sub3A : i32
      %select_n3A_97 = arith.constant true
      %select_n3A_98 = arith.select %select_n3A_97, %sub3A_96, %scan3A_94#4 : i32
      %eq3A_99 = arith.constant -1 : i32
      %eq3A_100 = arith.cmpi eq, %select_n3A_98, %eq3A_99 : i32
      %select_n3A_101 = arith.constant 16 : i32
      %select_n3A_102 = arith.select %eq3A_100, %select_n3A_101, %select_n3A_98 : i32
      %add3A_103 = arith.addi %select_n3A_102, %mul3A_6 : i32
      %sub3A_104 = arith.constant 1 : i32
      %sub3A_105 = arith.subi %select_n3A_102, %sub3A_104 : i32
      %select_n3A_106 = arith.constant true
      %select_n3A_107 = arith.select %select_n3A_106, %sub3A_105, %select_n3A_102 : i32
      %eq3A_108 = arith.constant -1 : i32
      %eq3A_109 = arith.cmpi eq, %select_n3A_107, %eq3A_108 : i32
      %select_n3A_110 = arith.constant 16 : i32
      %select_n3A_111 = arith.select %eq3A_109, %select_n3A_110, %select_n3A_107 : i32
      %add3A_112 = arith.addi %select_n3A_111, %mul3A_6 : i32
      %add3A_113 = arith.constant 1 : i32
      %add3A_114 = arith.addi %select_n3A_102, %add3A_113 : i32
      %select_n3A_115 = arith.constant true
      %select_n3A_116 = arith.select %select_n3A_115, %add3A_114, %select_n3A_102 : i32
      %eq3A_117 = arith.constant 17 : i32
      %eq3A_118 = arith.cmpi eq, %select_n3A_116, %eq3A_117 : i32
      %select_n3A_119 = arith.constant 0 : i32
      %select_n3A_120 = arith.select %eq3A_118, %select_n3A_119, %select_n3A_116 : i32
      %add3A_121 = arith.addi %select_n3A_120, %mul3A_6 : i32
      %add3A_122 = arith.constant 1 : i32
      %add3A_123 = arith.addi %select_n3A_120, %add3A_122 : i32
      %select_n3A_124 = arith.constant true
      %select_n3A_125 = arith.select %select_n3A_124, %add3A_123, %select_n3A_120 : i32
      %eq3A_126 = arith.constant 17 : i32
      %eq3A_127 = arith.cmpi eq, %select_n3A_125, %eq3A_126 : i32
      %select_n3A_128 = arith.constant 0 : i32
      %select_n3A_129 = arith.select %eq3A_127, %select_n3A_128, %select_n3A_125 : i32
      %add3A_130 = arith.addi %select_n3A_129, %mul3A_6 : i32
      "tpu.trace_start"() <{level = 10 : i32, message = "ep_finalize"}> : () -> ()
      %rem3A_131 = arith.constant 2 : i32
      %rem3A_132 = arith.remui %scan3A_94#3, %rem3A_131 : i32
      %mul3A_133 = arith.constant 128 : i32
      %mul3A_134 = arith.muli %mul3A_133, %add3A_103 : i32
      %dma_wait3A = arith.constant 0 : i32
      %dma_wait3A_135 = arith.constant 0 : i32
      %dma_wait3A_136 = tpu.memref_slice %run_scoped3A_27[%rem3A_132, %dma_wait3A, %dma_wait3A_135] : memref<2x128x128xf32, #tpu.memory_space<vmem>> -> memref<1x128x128xf32, #tpu.memory_space<vmem>>
      %dma_wait3A_137 = tpu.memref_squeeze %dma_wait3A_136 : memref<1x128x128xf32, #tpu.memory_space<vmem>> -> memref<128x128xf32, #tpu.memory_space<vmem>>
      %dma_wait3A_138 = arith.constant 0 : i32
      %dma_wait3A_139 = tpu.memref_slice %arg4[%mul3A_134, %dma_wait3A_138] : memref<69632x128xf32, #tpu.memory_space<hbm>> -> memref<128x128xf32, #tpu.memory_space<hbm>>
      %dma_wait3A_140 = tpu.memref_slice %run_scoped3A_28[%rem3A_132] : memref<2x!tpu.dma_semaphore, #tpu.memory_space<semaphore_mem>> -> memref<1x!tpu.dma_semaphore, #tpu.memory_space<semaphore_mem>>
      %dma_wait3A_141 = tpu.memref_squeeze %dma_wait3A_140 : memref<1x!tpu.dma_semaphore, #tpu.memory_space<semaphore_mem>> -> memref<!tpu.dma_semaphore, #tpu.memory_space<semaphore_mem>>
      %dma_wait3A_142 = arith.constant 0 : i32
      %dma_wait3A_143 = tpu.memref_slice %arg4[%mul3A_134, %dma_wait3A_142] : memref<69632x128xf32, #tpu.memory_space<hbm>> -> memref<128x128xf32, #tpu.memory_space<hbm>>
      %dma_wait3A_144 = arith.constant 0 : i32
      %dma_wait3A_145 = arith.constant 0 : i32
      %dma_wait3A_146 = tpu.memref_slice %run_scoped3A_27[%rem3A_132, %dma_wait3A_144, %dma_wait3A_145] : memref<2x128x128xf32, #tpu.memory_space<vmem>> -> memref<1x128x128xf32, #tpu.memory_space<vmem>>
      %dma_wait3A_147 = tpu.memref_squeeze %dma_wait3A_146 : memref<1x128x128xf32, #tpu.memory_space<vmem>> -> memref<128x128xf32, #tpu.memory_space<vmem>>
      tpu.wait_dma2 semaphore(%dma_wait3A_141 : memref<!tpu.dma_semaphore, #tpu.memory_space<semaphore_mem>>) src(%dma_wait3A_147 : memref<128x128xf32, #tpu.memory_space<vmem>>) dst(%dma_wait3A_143 : memref<128x128xf32, #tpu.memory_space<hbm>>)
      "tpu.trace_stop"() : () -> ()
      tpu.yield
    }) : () -> ()
    %mul3A_7 = arith.constant 1 : i32
    %mul3A_8 = arith.muli %arg1, %mul3A_7 : i32
    %add3A_9 = arith.constant 0 : i32
    %add3A_10 = arith.addi %add3A_9, %mul3A_8 : i32
    %mul3A_11 = arith.constant 16 : i32
    %mul3A_12 = arith.muli %arg0, %mul3A_11 : i32
    %add3A_13 = arith.addi %add3A_10, %mul3A_12 : i32
    %lt3A = arith.constant 1 : i32
    %lt3A_14 = arith.cmpi slt, %add3A_13, %lt3A : i32
    %jit3A = arith.constant 4 : i32
    %jit3A_15 = arith.constant 3 : i32
    %select_n3A = arith.select %lt3A_14, %jit3A, %jit3A_15 : i32
    %lt3A_16 = arith.constant 1 : i32
    %lt3A_17 = arith.cmpi slt, %add3A_13, %lt3A_16 : i32
    %mul3A_18 = arith.muli %add3A_13, %select_n3A : i32
    %mul3A_19 = arith.constant 3 : i32
    %mul3A_20 = arith.muli %add3A_13, %mul3A_19 : i32
    %add3A_21 = arith.constant 1 : i32
    %add3A_22 = arith.addi %mul3A_20, %add3A_21 : i32
    %select_n3A_23 = arith.select %lt3A_17, %mul3A_18, %add3A_22 : i32
    %mul3A_24 = arith.constant 1 : i32
    %mul3A_25 = arith.muli %mul3A_24, %select_n3A : i32
    "tpu.region"() ({
      %run_scoped3A = memref.alloca() : memref<2x16x1024xf32, #tpu.memory_space<vmem>>
      %run_scoped3A_26 = tpu.sem_alloc : memref<2x!tpu.dma_semaphore, #tpu.memory_space<semaphore_mem>>
      %run_scoped3A_27 = memref.alloca() : memref<2x128x128xf32, #tpu.memory_space<vmem>>
      %run_scoped3A_28 = tpu.sem_alloc : memref<2x!tpu.dma_semaphore, #tpu.memory_space<semaphore_mem>>
      %gt3A = arith.constant 0 : i32
      %gt3A_29 = arith.cmpi sgt, %mul3A_25, %gt3A : i32
      %convert_element_type3A = arith.extui %gt3A_29 : i1 to i32
      %cond3A = arith.constant 0 : i32
      %cond3A_30 = arith.cmpi ne, %convert_element_type3A, %cond3A : i32
      scf.if %cond3A_30 {
        %mul3A_31 = arith.constant 1 : i32
        %mul3A_32 = arith.muli %mul3A_31, %select_n3A : i32
        %sub3A = arith.constant 1 : i32
        %sub3A_33 = arith.subi %mul3A_32, %sub3A : i32
        %eq3A = arith.constant 0 : i32
        %eq3A_34 = arith.cmpi eq, %sub3A_33, %eq3A : i32
        %add3A_35 = arith.constant 0 : i32
        %add3A_36 = arith.addi %add3A_35, %select_n3A_23 : i32
        %select_n3A_37 = arith.constant true
        %select_n3A_38 = arith.constant 0 : i32
        %select_n3A_39 = arith.constant -1 : i32
        %select_n3A_40 = arith.select %select_n3A_37, %select_n3A_39, %select_n3A_38 : i32
        %eq3A_41 = arith.constant -1 : i32
        %eq3A_42 = arith.cmpi eq, %select_n3A_40, %eq3A_41 : i32
        %sub3A_43 = arith.constant 1 : i32
        %sub3A_44 = arith.subi %select_n3A, %sub3A_43 : i32
        %select_n3A_45 = arith.select %eq3A_42, %sub3A_44, %select_n3A_40 : i32
        %add3A_46 = arith.addi %select_n3A_45, %select_n3A_23 : i32
        %select_n3A_47 = arith.constant true
        %select_n3A_48 = arith.constant 0 : i32
        %select_n3A_49 = arith.constant 1 : i32
        %select_n3A_50 = arith.select %select_n3A_47, %select_n3A_49, %select_n3A_48 : i32
        %eq3A_51 = arith.cmpi eq, %select_n3A_50, %select_n3A : i32
        %select_n3A_52 = arith.constant 0 : i32
        %select_n3A_53 = arith.select %eq3A_51, %select_n3A_52, %select_n3A_50 : i32
        %add3A_54 = arith.addi %select_n3A_53, %select_n3A_23 : i32
        %add3A_55 = arith.constant 1 : i32
        %add3A_56 = arith.addi %select_n3A_53, %add3A_55 : i32
        %select_n3A_57 = arith.constant true
        %select_n3A_58 = arith.select %select_n3A_57, %add3A_56, %select_n3A_53 : i32
        %eq3A_59 = arith.cmpi eq, %select_n3A_58, %select_n3A : i32
        %select_n3A_60 = arith.constant 0 : i32
        %select_n3A_61 = arith.select %eq3A_59, %select_n3A_60, %select_n3A_58 : i32
        %add3A_62 = arith.addi %select_n3A_61, %select_n3A_23 : i32
        "tpu.trace_start"() <{level = 10 : i32, message = "ep_initialize_0"}> : () -> ()
        %rem3A = arith.constant 0 : i32
        %rem3A_63 = arith.constant 2 : i32
        %rem3A_64 = arith.remui %rem3A, %rem3A_63 : i32
        %mul3A_65 = arith.constant 1024 : i32
        %mul3A_66 = arith.muli %mul3A_65, %add3A_36 : i32
        %eq3A_67 = arith.constant 97 : i32
        %eq3A_68 = arith.cmpi eq, %add3A_36, %eq3A_67 : i32
        %jit3A_69 = arith.constant 768 : i32
        %jit3A_70 = arith.constant 1024 : i32
        %select_n3A_71 = arith.select %eq3A_68, %jit3A_69, %jit3A_70 : i32
        %multiple_of3A = tpu.assume_multiple %select_n3A_71, 128 : i32
        %mul3A_72 = arith.constant 1024 : i32
        %mul3A_73 = arith.muli %add3A_36, %mul3A_72 : i32
        %dma_start3A = arith.constant 0 : i32
        %dma_start3A_74 = arith.constant 0 : i32
        %dma_start3A_75 = tpu.memref_slice %run_scoped3A[%rem3A_64, %dma_start3A, %dma_start3A_74] <%multiple_of3A> : memref<2x16x1024xf32, #tpu.memory_space<vmem>> -> memref<1x16x?xf32, #tpu.memory_space<vmem>>
        %dma_start3A_76 = tpu.memref_squeeze %dma_start3A_75 : memref<1x16x?xf32, #tpu.memory_space<vmem>> -> memref<16x?xf32, #tpu.memory_space<vmem>>
        %dma_start3A_77 = arith.constant 0 : i32
        %dma_start3A_78 = tpu.memref_slice %arg3[%dma_start3A_77, %mul3A_73] <%multiple_of3A> : memref<16x100000xf32, #tpu.memory_space<hbm>> -> memref<16x?xf32, #tpu.memory_space<hbm>>
        %dma_start3A_79 = tpu.memref_slice %run_scoped3A_26[%rem3A_64] : memref<2x!tpu.dma_semaphore, #tpu.memory_space<semaphore_mem>> -> memref<1x!tpu.dma_semaphore, #tpu.memory_space<semaphore_mem>>
        %dma_start3A_80 = tpu.memref_squeeze %dma_start3A_79 : memref<1x!tpu.dma_semaphore, #tpu.memory_space<semaphore_mem>> -> memref<!tpu.dma_semaphore, #tpu.memory_space<semaphore_mem>>
        %dma_start3A_81 = arith.constant 0 : i32
        %dma_start3A_82 = arith.constant 0 : i32
        %dma_start3A_83 = tpu.memref_slice %run_scoped3A[%rem3A_64, %dma_start3A_81, %dma_start3A_82] <%multiple_of3A> : memref<2x16x1024xf32, #tpu.memory_space<vmem>> -> memref<1x16x?xf32, #tpu.memory_space<vmem>>
        %dma_start3A_84 = tpu.memref_squeeze %dma_start3A_83 : memref<1x16x?xf32, #tpu.memory_space<vmem>> -> memref<16x?xf32, #tpu.memory_space<vmem>>
        %dma_start3A_85 = arith.constant 0 : i32
        %dma_start3A_86 = tpu.memref_slice %arg3[%dma_start3A_85, %mul3A_73] <%multiple_of3A> : memref<16x100000xf32, #tpu.memory_space<hbm>> -> memref<16x?xf32, #tpu.memory_space<hbm>>
        tpu.enqueue_dma source(%dma_start3A_86 : memref<16x?xf32, #tpu.memory_space<hbm>>) target(%dma_start3A_84 : memref<16x?xf32, #tpu.memory_space<vmem>>) target_semaphore(%dma_start3A_80 : memref<!tpu.dma_semaphore, #tpu.memory_space<semaphore_mem>>)
        %add3A_87 = arith.constant 0 : i32
        %add3A_88 = arith.constant 1 : i32
        %add3A_89 = arith.addi %add3A_87, %add3A_88 : i32
        %select_n3A_90 = arith.constant true
        %select_n3A_91 = arith.constant 0 : i32
        %select_n3A_92 = arith.select %select_n3A_90, %add3A_89, %select_n3A_91 : i32
        %while3A = arith.constant 0 : i32
        %while3A_93 = arith.constant 0 : i32
        %while3A_94 = arith.constant 0 : i32
        %while3A_95 = arith.constant 0 : i32
        %while3A_96 = arith.constant 0 : i32
        "tpu.trace_stop"() : () -> ()
        %while3A_97 = arith.subi %mul3A_25, %while3A : i32
        %while3A_98 = arith.addi %while3A, %while3A_97 : i32
        %while3A_99 = arith.constant 1 : i32
        %while3A_100 = arith.divsi %while3A_97, %while3A_99 : i32
        %while3A_101 = arith.muli %while3A_100, %while3A_99 : i32
        %while3A_102 = arith.addi %while3A, %while3A_101 : i32
        %while3A_103 = arith.constant 1 : i32
        %while3A_104:5 = scf.for %while3A_158 = %while3A to %while3A_102 step %while3A_103 iter_args(%while3A_159 = %select_n3A_92, %while3A_160 = %while3A_93, %while3A_161 = %while3A_94, %while3A_162 = %while3A_95, %while3A_163 = %while3A_96) -> (i32, i32, i32, i32, i32)  : i32 {
          %mul3A_164 = arith.constant 1 : i32
          %mul3A_165 = arith.muli %mul3A_164, %select_n3A : i32
          %eq3A_166 = arith.constant 0 : i32
          %eq3A_167 = arith.cmpi eq, %while3A_158, %eq3A_166 : i32
          %sub3A_168 = arith.constant 1 : i32
          %sub3A_169 = arith.subi %mul3A_165, %sub3A_168 : i32
          %eq3A_170 = arith.cmpi eq, %while3A_158, %sub3A_169 : i32
          %add3A_171 = arith.addi %while3A_163, %select_n3A_23 : i32
          %sub3A_172 = arith.constant 1 : i32
          %sub3A_173 = arith.subi %while3A_163, %sub3A_172 : i32
          %select_n3A_174 = arith.constant true
          %select_n3A_175 = arith.select %select_n3A_174, %sub3A_173, %while3A_163 : i32
          %eq3A_176 = arith.constant -1 : i32
          %eq3A_177 = arith.cmpi eq, %select_n3A_175, %eq3A_176 : i32
          %sub3A_178 = arith.constant 1 : i32
          %sub3A_179 = arith.subi %select_n3A, %sub3A_178 : i32
          %select_n3A_180 = arith.select %eq3A_177, %sub3A_179, %select_n3A_175 : i32
          %add3A_181 = arith.addi %select_n3A_180, %select_n3A_23 : i32
          %add3A_182 = arith.constant 1 : i32
          %add3A_183 = arith.addi %while3A_163, %add3A_182 : i32
          %select_n3A_184 = arith.constant true
          %select_n3A_185 = arith.select %select_n3A_184, %add3A_183, %while3A_163 : i32
          %eq3A_186 = arith.cmpi eq, %select_n3A_185, %select_n3A : i32
          %select_n3A_187 = arith.constant 0 : i32
          %select_n3A_188 = arith.select %eq3A_186, %select_n3A_187, %select_n3A_185 : i32
          %add3A_189 = arith.addi %select_n3A_188, %select_n3A_23 : i32
          %add3A_190 = arith.constant 1 : i32
          %add3A_191 = arith.addi %select_n3A_188, %add3A_190 : i32
          %select_n3A_192 = arith.constant true
          %select_n3A_193 = arith.select %select_n3A_192, %add3A_191, %select_n3A_188 : i32
          %eq3A_194 = arith.cmpi eq, %select_n3A_193, %select_n3A : i32
          %select_n3A_195 = arith.constant 0 : i32
          %select_n3A_196 = arith.select %eq3A_194, %select_n3A_195, %select_n3A_193 : i32
          %add3A_197 = arith.addi %select_n3A_196, %select_n3A_23 : i32
          %ne3A = arith.cmpi ne, %add3A_171, %add3A_189 : i32
          %or3A = arith.constant false
          %or3A_198 = arith.ori %or3A, %ne3A : i1
          %sub3A_199 = arith.constant 2 : i32
          %sub3A_200 = arith.subi %mul3A_165, %sub3A_199 : i32
          %add3A_201 = arith.constant 1 : i32
          %add3A_202 = arith.addi %sub3A_200, %add3A_201 : i32
          %ge3A = arith.cmpi sge, %while3A_158, %add3A_202 : i32
          %not3A = arith.constant true
          %not3A_203 = arith.xori %ge3A, %not3A : i1
          %and3A = arith.andi %or3A_198, %not3A_203 : i1
          %convert_element_type3A_204 = arith.extui %and3A : i1 to i32
          %cond3A_205 = arith.constant 0 : i32
          %cond3A_206 = arith.cmpi ne, %convert_element_type3A_204, %cond3A_205 : i32
          scf.if %cond3A_206 {
            "tpu.trace_start"() <{level = 10 : i32, message = "ep_copy_in"}> : () -> ()
            %rem3A_311 = arith.constant 2 : i32
            %rem3A_312 = arith.remui %while3A_159, %rem3A_311 : i32
            %mul3A_313 = arith.constant 1024 : i32
            %mul3A_314 = arith.muli %mul3A_313, %add3A_189 : i32
            %eq3A_315 = arith.constant 97 : i32
            %eq3A_316 = arith.cmpi eq, %add3A_189, %eq3A_315 : i32
            %jit3A_317 = arith.constant 768 : i32
            %jit3A_318 = arith.constant 1024 : i32
            %select_n3A_319 = arith.select %eq3A_316, %jit3A_317, %jit3A_318 : i32
            %multiple_of3A_320 = tpu.assume_multiple %select_n3A_319, 128 : i32
            %mul3A_321 = arith.constant 1024 : i32
            %mul3A_322 = arith.muli %add3A_189, %mul3A_321 : i32
            %dma_start3A_323 = arith.constant 0 : i32
            %dma_start3A_324 = arith.constant 0 : i32
            %dma_start3A_325 = tpu.memref_slice %run_scoped3A[%rem3A_312, %dma_start3A_323, %dma_start3A_324] <%multiple_of3A_320> : memref<2x16x1024xf32, #tpu.memory_space<vmem>> -> memref<1x16x?xf32, #tpu.memory_space<vmem>>
            %dma_start3A_326 = tpu.memref_squeeze %dma_start3A_325 : memref<1x16x?xf32, #tpu.memory_space<vmem>> -> memref<16x?xf32, #tpu.memory_space<vmem>>
            %dma_start3A_327 = arith.constant 0 : i32
            %dma_start3A_328 = tpu.memref_slice %arg3[%dma_start3A_327, %mul3A_322] <%multiple_of3A_320> : memref<16x100000xf32, #tpu.memory_space<hbm>> -> memref<16x?xf32, #tpu.memory_space<hbm>>
            %dma_start3A_329 = tpu.memref_slice %run_scoped3A_26[%rem3A_312] : memref<2x!tpu.dma_semaphore, #tpu.memory_space<semaphore_mem>> -> memref<1x!tpu.dma_semaphore, #tpu.memory_space<semaphore_mem>>
            %dma_start3A_330 = tpu.memref_squeeze %dma_start3A_329 : memref<1x!tpu.dma_semaphore, #tpu.memory_space<semaphore_mem>> -> memref<!tpu.dma_semaphore, #tpu.memory_space<semaphore_mem>>
            %dma_start3A_331 = arith.constant 0 : i32
            %dma_start3A_332 = arith.constant 0 : i32
            %dma_start3A_333 = tpu.memref_slice %run_scoped3A[%rem3A_312, %dma_start3A_331, %dma_start3A_332] <%multiple_of3A_320> : memref<2x16x1024xf32, #tpu.memory_space<vmem>> -> memref<1x16x?xf32, #tpu.memory_space<vmem>>
            %dma_start3A_334 = tpu.memref_squeeze %dma_start3A_333 : memref<1x16x?xf32, #tpu.memory_space<vmem>> -> memref<16x?xf32, #tpu.memory_space<vmem>>
            %dma_start3A_335 = arith.constant 0 : i32
            %dma_start3A_336 = tpu.memref_slice %arg3[%dma_start3A_335, %mul3A_322] <%multiple_of3A_320> : memref<16x100000xf32, #tpu.memory_space<hbm>> -> memref<16x?xf32, #tpu.memory_space<hbm>>
            tpu.enqueue_dma source(%dma_start3A_336 : memref<16x?xf32, #tpu.memory_space<hbm>>) target(%dma_start3A_334 : memref<16x?xf32, #tpu.memory_space<vmem>>) target_semaphore(%dma_start3A_330 : memref<!tpu.dma_semaphore, #tpu.memory_space<semaphore_mem>>)
            "tpu.trace_stop"() : () -> ()
          } else {
          }
          %and3A_207 = arith.constant true
          %and3A_208 = arith.andi %and3A, %and3A_207 : i1
          %add3A_209 = arith.constant 1 : i32
          %add3A_210 = arith.addi %while3A_159, %add3A_209 : i32
          %select_n3A_211 = arith.select %and3A_208, %add3A_210, %while3A_159 : i32
          %ne3A_212 = arith.cmpi ne, %add3A_171, %add3A_189 : i32
          %or3A_213 = arith.constant false
          %or3A_214 = arith.ori %or3A_213, %ne3A_212 : i1
          %or3A_215 = arith.constant false
          %or3A_216 = arith.ori %or3A_214, %or3A_215 : i1
          %sub3A_217 = arith.constant 2 : i32
          %sub3A_218 = arith.subi %mul3A_165, %sub3A_217 : i32
          %add3A_219 = arith.constant 1 : i32
          %add3A_220 = arith.addi %sub3A_218, %add3A_219 : i32
          %ge3A_221 = arith.cmpi sge, %while3A_158, %add3A_220 : i32
          %not3A_222 = arith.constant true
          %not3A_223 = arith.xori %ge3A_221, %not3A_222 : i1
          %and3A_224 = arith.andi %or3A_216, %not3A_223 : i1
          %ne3A_225 = arith.cmpi ne, %add3A_171, %add3A_181 : i32
          %or3A_226 = arith.constant false
          %or3A_227 = arith.ori %or3A_226, %ne3A_225 : i1
          %or3A_228 = arith.ori %or3A_227, %eq3A_167 : i1
          %convert_element_type3A_229 = arith.extui %or3A_228 : i1 to i32
          %cond3A_230 = arith.constant 0 : i32
          %cond3A_231 = arith.cmpi ne, %convert_element_type3A_229, %cond3A_230 : i32
          scf.if %cond3A_231 {
            "tpu.trace_start"() <{level = 10 : i32, message = "ep_wait_in"}> : () -> ()
            %mul3A_311 = arith.constant 1024 : i32
            %mul3A_312 = arith.muli %mul3A_311, %add3A_171 : i32
            %eq3A_313 = arith.constant 97 : i32
            %eq3A_314 = arith.cmpi eq, %add3A_171, %eq3A_313 : i32
            %jit3A_315 = arith.constant 768 : i32
            %jit3A_316 = arith.constant 1024 : i32
            %select_n3A_317 = arith.select %eq3A_314, %jit3A_315, %jit3A_316 : i32
            %multiple_of3A_318 = tpu.assume_multiple %select_n3A_317, 128 : i32
            %mul3A_319 = arith.constant 1024 : i32
            %mul3A_320 = arith.muli %add3A_171, %mul3A_319 : i32
            %rem3A_321 = arith.constant 2 : i32
            %rem3A_322 = arith.remui %while3A_160, %rem3A_321 : i32
            %dma_wait3A = arith.constant 0 : i32
            %dma_wait3A_323 = arith.constant 0 : i32
            %dma_wait3A_324 = tpu.memref_slice %run_scoped3A[%rem3A_322, %dma_wait3A, %dma_wait3A_323] <%multiple_of3A_318> : memref<2x16x1024xf32, #tpu.memory_space<vmem>> -> memref<1x16x?xf32, #tpu.memory_space<vmem>>
            %dma_wait3A_325 = tpu.memref_squeeze %dma_wait3A_324 : memref<1x16x?xf32, #tpu.memory_space<vmem>> -> memref<16x?xf32, #tpu.memory_space<vmem>>
            %dma_wait3A_326 = arith.constant 0 : i32
            %dma_wait3A_327 = tpu.memref_slice %arg3[%dma_wait3A_326, %mul3A_320] <%multiple_of3A_318> : memref<16x100000xf32, #tpu.memory_space<hbm>> -> memref<16x?xf32, #tpu.memory_space<hbm>>
            %dma_wait3A_328 = tpu.memref_slice %run_scoped3A_26[%rem3A_322] : memref<2x!tpu.dma_semaphore, #tpu.memory_space<semaphore_mem>> -> memref<1x!tpu.dma_semaphore, #tpu.memory_space<semaphore_mem>>
            %dma_wait3A_329 = tpu.memref_squeeze %dma_wait3A_328 : memref<1x!tpu.dma_semaphore, #tpu.memory_space<semaphore_mem>> -> memref<!tpu.dma_semaphore, #tpu.memory_space<semaphore_mem>>
            %dma_wait3A_330 = arith.constant 0 : i32
            %dma_wait3A_331 = arith.constant 0 : i32
            %dma_wait3A_332 = tpu.memref_slice %run_scoped3A[%rem3A_322, %dma_wait3A_330, %dma_wait3A_331] <%multiple_of3A_318> : memref<2x16x1024xf32, #tpu.memory_space<vmem>> -> memref<1x16x?xf32, #tpu.memory_space<vmem>>
            %dma_wait3A_333 = tpu.memref_squeeze %dma_wait3A_332 : memref<1x16x?xf32, #tpu.memory_space<vmem>> -> memref<16x?xf32, #tpu.memory_space<vmem>>
            %dma_wait3A_334 = arith.constant 0 : i32
            %dma_wait3A_335 = tpu.memref_slice %arg3[%dma_wait3A_334, %mul3A_320] <%multiple_of3A_318> : memref<16x100000xf32, #tpu.memory_space<hbm>> -> memref<16x?xf32, #tpu.memory_space<hbm>>
            tpu.wait_dma2 semaphore(%dma_wait3A_329 : memref<!tpu.dma_semaphore, #tpu.memory_space<semaphore_mem>>) src(%dma_wait3A_335 : memref<16x?xf32, #tpu.memory_space<hbm>>) dst(%dma_wait3A_333 : memref<16x?xf32, #tpu.memory_space<vmem>>)
            "tpu.trace_stop"() : () -> ()
          } else {
          }
          %ne3A_232 = arith.cmpi ne, %add3A_171, %add3A_181 : i32
          %or3A_233 = arith.constant false
          %or3A_234 = arith.ori %or3A_233, %ne3A_232 : i1
          %or3A_235 = arith.constant false
          %or3A_236 = arith.ori %or3A_234, %or3A_235 : i1
          %or3A_237 = arith.ori %or3A_236, %eq3A_167 : i1
          %convert_element_type3A_238 = arith.extui %or3A_237 : i1 to i32
          %cond3A_239 = arith.constant 0 : i32
          %cond3A_240 = arith.cmpi ne, %convert_element_type3A_238, %cond3A_239 : i32
          scf.if %cond3A_240 {
          } else {
          }
          %rem3A_241 = arith.constant 2 : i32
          %rem3A_242 = arith.remui %while3A_160, %rem3A_241 : i32
          %rem3A_243 = arith.constant 2 : i32
          %rem3A_244 = arith.remui %while3A_161, %rem3A_243 : i32
          "tpu.trace_start"() <{level = 10 : i32, message = "ep_run_kernel"}> : () -> ()
          %iota3A = tpu.iota {dimensions = array<i32: 0>} : vector<16xi32>
          %parallel_loop3A = arith.constant 0 : i32
          %parallel_loop3A_245 = arith.constant 128 : i32
          %parallel_loop3A_246 = arith.constant 1 : i32
          scf.for %parallel_loop3A_311 = %parallel_loop3A to %parallel_loop3A_245 step %parallel_loop3A_246  : i32 {
            %parallel_loop3A_312 = arith.constant 8 : i32
            %parallel_loop3A_313 = arith.muli %parallel_loop3A_311, %parallel_loop3A_312 : i32
            %parallel_loop3A_314 = vector.broadcast %parallel_loop3A_313 : i32 to vector<16xi32>
            %parallel_loop3A_315 = vector.broadcast %parallel_loop3A_311 : i32 to vector<16xi32>
            %parallel_loop3A_316 = arith.constant 0 : i32
            %parallel_loop3A_317 = vector.broadcast %parallel_loop3A_316 : i32 to vector<16xi32>
            %parallel_loop3A_318 = arith.addi %parallel_loop3A_314, %parallel_loop3A_317 : vector<16xi32>
            %parallel_loop3A_319 = arith.constant 0 : i32
            %parallel_loop3A_320 = arith.constant 0 : i32
            %parallel_loop3A_321 = tpu.memref_slice %run_scoped3A[%rem3A_242, %parallel_loop3A_319, %parallel_loop3A_320] : memref<2x16x1024xf32, #tpu.memory_space<vmem>> -> memref<1x16x1024xf32, #tpu.memory_space<vmem>>
            %parallel_loop3A_322 = tpu.memref_squeeze %parallel_loop3A_321 : memref<1x16x1024xf32, #tpu.memory_space<vmem>> -> memref<16x1024xf32, #tpu.memory_space<vmem>>
            %parallel_loop3A_323 = tpu.vector_load_idx %parallel_loop3A_322[%iota3A, %parallel_loop3A_318] : memref<16x1024xf32, #tpu.memory_space<vmem>>[vector<16xi32>, vector<16xi32>], vector<16xf32>,
            %parallel_loop3A_324 = arith.constant 0 : i32
            %parallel_loop3A_325 = vector.broadcast %parallel_loop3A_324 : i32 to vector<16xi32>
            %parallel_loop3A_326 = arith.addi %iota3A, %parallel_loop3A_325 : vector<16xi32>
            %parallel_loop3A_327 = arith.constant 0 : i32
            %parallel_loop3A_328 = arith.constant 0 : i32
            %parallel_loop3A_329 = tpu.memref_slice %run_scoped3A_27[%rem3A_244, %parallel_loop3A_327, %parallel_loop3A_328] : memref<2x128x128xf32, #tpu.memory_space<vmem>> -> memref<1x128x128xf32, #tpu.memory_space<vmem>>
            %parallel_loop3A_330 = tpu.memref_squeeze %parallel_loop3A_329 : memref<1x128x128xf32, #tpu.memory_space<vmem>> -> memref<128x128xf32, #tpu.memory_space<vmem>>
            tpu.vector_store_idx %parallel_loop3A_330[%parallel_loop3A_315, %parallel_loop3A_326], %parallel_loop3A_323 : memref<128x128xf32, #tpu.memory_space<vmem>>[vector<16xi32>, vector<16xi32>], vector<16xf32>,
            %parallel_loop3A_331 = arith.constant 1 : i32
            %parallel_loop3A_332 = vector.broadcast %parallel_loop3A_331 : i32 to vector<16xi32>
            %parallel_loop3A_333 = arith.addi %parallel_loop3A_314, %parallel_loop3A_332 : vector<16xi32>
            %parallel_loop3A_334 = arith.constant 0 : i32
            %parallel_loop3A_335 = arith.constant 0 : i32
            %parallel_loop3A_336 = tpu.memref_slice %run_scoped3A[%rem3A_242, %parallel_loop3A_334, %parallel_loop3A_335] : memref<2x16x1024xf32, #tpu.memory_space<vmem>> -> memref<1x16x1024xf32, #tpu.memory_space<vmem>>
            %parallel_loop3A_337 = tpu.memref_squeeze %parallel_loop3A_336 : memref<1x16x1024xf32, #tpu.memory_space<vmem>> -> memref<16x1024xf32, #tpu.memory_space<vmem>>
            %parallel_loop3A_338 = tpu.vector_load_idx %parallel_loop3A_337[%iota3A, %parallel_loop3A_333] : memref<16x1024xf32, #tpu.memory_space<vmem>>[vector<16xi32>, vector<16xi32>], vector<16xf32>,
            %parallel_loop3A_339 = arith.constant 16 : i32
            %parallel_loop3A_340 = vector.broadcast %parallel_loop3A_339 : i32 to vector<16xi32>
            %parallel_loop3A_341 = arith.addi %iota3A, %parallel_loop3A_340 : vector<16xi32>
            %parallel_loop3A_342 = arith.constant 0 : i32
            %parallel_loop3A_343 = arith.constant 0 : i32
            %parallel_loop3A_344 = tpu.memref_slice %run_scoped3A_27[%rem3A_244, %parallel_loop3A_342, %parallel_loop3A_343] : memref<2x128x128xf32, #tpu.memory_space<vmem>> -> memref<1x128x128xf32, #tpu.memory_space<vmem>>
            %parallel_loop3A_345 = tpu.memref_squeeze %parallel_loop3A_344 : memref<1x128x128xf32, #tpu.memory_space<vmem>> -> memref<128x128xf32, #tpu.memory_space<vmem>>
            tpu.vector_store_idx %parallel_loop3A_345[%parallel_loop3A_315, %parallel_loop3A_341], %parallel_loop3A_338 : memref<128x128xf32, #tpu.memory_space<vmem>>[vector<16xi32>, vector<16xi32>], vector<16xf32>,
            %parallel_loop3A_346 = arith.constant 2 : i32
            %parallel_loop3A_347 = vector.broadcast %parallel_loop3A_346 : i32 to vector<16xi32>
            %parallel_loop3A_348 = arith.addi %parallel_loop3A_314, %parallel_loop3A_347 : vector<16xi32>
            %parallel_loop3A_349 = arith.constant 0 : i32
            %parallel_loop3A_350 = arith.constant 0 : i32
            %parallel_loop3A_351 = tpu.memref_slice %run_scoped3A[%rem3A_242, %parallel_loop3A_349, %parallel_loop3A_350] : memref<2x16x1024xf32, #tpu.memory_space<vmem>> -> memref<1x16x1024xf32, #tpu.memory_space<vmem>>
            %parallel_loop3A_352 = tpu.memref_squeeze %parallel_loop3A_351 : memref<1x16x1024xf32, #tpu.memory_space<vmem>> -> memref<16x1024xf32, #tpu.memory_space<vmem>>
            %parallel_loop3A_353 = tpu.vector_load_idx %parallel_loop3A_352[%iota3A, %parallel_loop3A_348] : memref<16x1024xf32, #tpu.memory_space<vmem>>[vector<16xi32>, vector<16xi32>], vector<16xf32>,
            %parallel_loop3A_354 = arith.constant 32 : i32
            %parallel_loop3A_355 = vector.broadcast %parallel_loop3A_354 : i32 to vector<16xi32>
            %parallel_loop3A_356 = arith.addi %iota3A, %parallel_loop3A_355 : vector<16xi32>
            %parallel_loop3A_357 = arith.constant 0 : i32
            %parallel_loop3A_358 = arith.constant 0 : i32
            %parallel_loop3A_359 = tpu.memref_slice %run_scoped3A_27[%rem3A_244, %parallel_loop3A_357, %parallel_loop3A_358] : memref<2x128x128xf32, #tpu.memory_space<vmem>> -> memref<1x128x128xf32, #tpu.memory_space<vmem>>
            %parallel_loop3A_360 = tpu.memref_squeeze %parallel_loop3A_359 : memref<1x128x128xf32, #tpu.memory_space<vmem>> -> memref<128x128xf32, #tpu.memory_space<vmem>>
            tpu.vector_store_idx %parallel_loop3A_360[%parallel_loop3A_315, %parallel_loop3A_356], %parallel_loop3A_353 : memref<128x128xf32, #tpu.memory_space<vmem>>[vector<16xi32>, vector<16xi32>], vector<16xf32>,
            %parallel_loop3A_361 = arith.constant 3 : i32
            %parallel_loop3A_362 = vector.broadcast %parallel_loop3A_361 : i32 to vector<16xi32>
            %parallel_loop3A_363 = arith.addi %parallel_loop3A_314, %parallel_loop3A_362 : vector<16xi32>
            %parallel_loop3A_364 = arith.constant 0 : i32
            %parallel_loop3A_365 = arith.constant 0 : i32
            %parallel_loop3A_366 = tpu.memref_slice %run_scoped3A[%rem3A_242, %parallel_loop3A_364, %parallel_loop3A_365] : memref<2x16x1024xf32, #tpu.memory_space<vmem>> -> memref<1x16x1024xf32, #tpu.memory_space<vmem>>
            %parallel_loop3A_367 = tpu.memref_squeeze %parallel_loop3A_366 : memref<1x16x1024xf32, #tpu.memory_space<vmem>> -> memref<16x1024xf32, #tpu.memory_space<vmem>>
            %parallel_loop3A_368 = tpu.vector_load_idx %parallel_loop3A_367[%iota3A, %parallel_loop3A_363] : memref<16x1024xf32, #tpu.memory_space<vmem>>[vector<16xi32>, vector<16xi32>], vector<16xf32>,
            %parallel_loop3A_369 = arith.constant 48 : i32
            %parallel_loop3A_370 = vector.broadcast %parallel_loop3A_369 : i32 to vector<16xi32>
            %parallel_loop3A_371 = arith.addi %iota3A, %parallel_loop3A_370 : vector<16xi32>
            %parallel_loop3A_372 = arith.constant 0 : i32
            %parallel_loop3A_373 = arith.constant 0 : i32
            %parallel_loop3A_374 = tpu.memref_slice %run_scoped3A_27[%rem3A_244, %parallel_loop3A_372, %parallel_loop3A_373] : memref<2x128x128xf32, #tpu.memory_space<vmem>> -> memref<1x128x128xf32, #tpu.memory_space<vmem>>
            %parallel_loop3A_375 = tpu.memref_squeeze %parallel_loop3A_374 : memref<1x128x128xf32, #tpu.memory_space<vmem>> -> memref<128x128xf32, #tpu.memory_space<vmem>>
            tpu.vector_store_idx %parallel_loop3A_375[%parallel_loop3A_315, %parallel_loop3A_371], %parallel_loop3A_368 : memref<128x128xf32, #tpu.memory_space<vmem>>[vector<16xi32>, vector<16xi32>], vector<16xf32>,
            %parallel_loop3A_376 = arith.constant 4 : i32
            %parallel_loop3A_377 = vector.broadcast %parallel_loop3A_376 : i32 to vector<16xi32>
            %parallel_loop3A_378 = arith.addi %parallel_loop3A_314, %parallel_loop3A_377 : vector<16xi32>
            %parallel_loop3A_379 = arith.constant 0 : i32
            %parallel_loop3A_380 = arith.constant 0 : i32
            %parallel_loop3A_381 = tpu.memref_slice %run_scoped3A[%rem3A_242, %parallel_loop3A_379, %parallel_loop3A_380] : memref<2x16x1024xf32, #tpu.memory_space<vmem>> -> memref<1x16x1024xf32, #tpu.memory_space<vmem>>
            %parallel_loop3A_382 = tpu.memref_squeeze %parallel_loop3A_381 : memref<1x16x1024xf32, #tpu.memory_space<vmem>> -> memref<16x1024xf32, #tpu.memory_space<vmem>>
            %parallel_loop3A_383 = tpu.vector_load_idx %parallel_loop3A_382[%iota3A, %parallel_loop3A_378] : memref<16x1024xf32, #tpu.memory_space<vmem>>[vector<16xi32>, vector<16xi32>], vector<16xf32>,
            %parallel_loop3A_384 = arith.constant 64 : i32
            %parallel_loop3A_385 = vector.broadcast %parallel_loop3A_384 : i32 to vector<16xi32>
            %parallel_loop3A_386 = arith.addi %iota3A, %parallel_loop3A_385 : vector<16xi32>
            %parallel_loop3A_387 = arith.constant 0 : i32
            %parallel_loop3A_388 = arith.constant 0 : i32
            %parallel_loop3A_389 = tpu.memref_slice %run_scoped3A_27[%rem3A_244, %parallel_loop3A_387, %parallel_loop3A_388] : memref<2x128x128xf32, #tpu.memory_space<vmem>> -> memref<1x128x128xf32, #tpu.memory_space<vmem>>
            %parallel_loop3A_390 = tpu.memref_squeeze %parallel_loop3A_389 : memref<1x128x128xf32, #tpu.memory_space<vmem>> -> memref<128x128xf32, #tpu.memory_space<vmem>>
            tpu.vector_store_idx %parallel_loop3A_390[%parallel_loop3A_315, %parallel_loop3A_386], %parallel_loop3A_383 : memref<128x128xf32, #tpu.memory_space<vmem>>[vector<16xi32>, vector<16xi32>], vector<16xf32>,
            %parallel_loop3A_391 = arith.constant 5 : i32
            %parallel_loop3A_392 = vector.broadcast %parallel_loop3A_391 : i32 to vector<16xi32>
            %parallel_loop3A_393 = arith.addi %parallel_loop3A_314, %parallel_loop3A_392 : vector<16xi32>
            %parallel_loop3A_394 = arith.constant 0 : i32
            %parallel_loop3A_395 = arith.constant 0 : i32
            %parallel_loop3A_396 = tpu.memref_slice %run_scoped3A[%rem3A_242, %parallel_loop3A_394, %parallel_loop3A_395] : memref<2x16x1024xf32, #tpu.memory_space<vmem>> -> memref<1x16x1024xf32, #tpu.memory_space<vmem>>
            %parallel_loop3A_397 = tpu.memref_squeeze %parallel_loop3A_396 : memref<1x16x1024xf32, #tpu.memory_space<vmem>> -> memref<16x1024xf32, #tpu.memory_space<vmem>>
            %parallel_loop3A_398 = tpu.vector_load_idx %parallel_loop3A_397[%iota3A, %parallel_loop3A_393] : memref<16x1024xf32, #tpu.memory_space<vmem>>[vector<16xi32>, vector<16xi32>], vector<16xf32>,
            %parallel_loop3A_399 = arith.constant 80 : i32
            %parallel_loop3A_400 = vector.broadcast %parallel_loop3A_399 : i32 to vector<16xi32>
            %parallel_loop3A_401 = arith.addi %iota3A, %parallel_loop3A_400 : vector<16xi32>
            %parallel_loop3A_402 = arith.constant 0 : i32
            %parallel_loop3A_403 = arith.constant 0 : i32
            %parallel_loop3A_404 = tpu.memref_slice %run_scoped3A_27[%rem3A_244, %parallel_loop3A_402, %parallel_loop3A_403] : memref<2x128x128xf32, #tpu.memory_space<vmem>> -> memref<1x128x128xf32, #tpu.memory_space<vmem>>
            %parallel_loop3A_405 = tpu.memref_squeeze %parallel_loop3A_404 : memref<1x128x128xf32, #tpu.memory_space<vmem>> -> memref<128x128xf32, #tpu.memory_space<vmem>>
            tpu.vector_store_idx %parallel_loop3A_405[%parallel_loop3A_315, %parallel_loop3A_401], %parallel_loop3A_398 : memref<128x128xf32, #tpu.memory_space<vmem>>[vector<16xi32>, vector<16xi32>], vector<16xf32>,
            %parallel_loop3A_406 = arith.constant 6 : i32
            %parallel_loop3A_407 = vector.broadcast %parallel_loop3A_406 : i32 to vector<16xi32>
            %parallel_loop3A_408 = arith.addi %parallel_loop3A_314, %parallel_loop3A_407 : vector<16xi32>
            %parallel_loop3A_409 = arith.constant 0 : i32
            %parallel_loop3A_410 = arith.constant 0 : i32
            %parallel_loop3A_411 = tpu.memref_slice %run_scoped3A[%rem3A_242, %parallel_loop3A_409, %parallel_loop3A_410] : memref<2x16x1024xf32, #tpu.memory_space<vmem>> -> memref<1x16x1024xf32, #tpu.memory_space<vmem>>
            %parallel_loop3A_412 = tpu.memref_squeeze %parallel_loop3A_411 : memref<1x16x1024xf32, #tpu.memory_space<vmem>> -> memref<16x1024xf32, #tpu.memory_space<vmem>>
            %parallel_loop3A_413 = tpu.vector_load_idx %parallel_loop3A_412[%iota3A, %parallel_loop3A_408] : memref<16x1024xf32, #tpu.memory_space<vmem>>[vector<16xi32>, vector<16xi32>], vector<16xf32>,
            %parallel_loop3A_414 = arith.constant 96 : i32
            %parallel_loop3A_415 = vector.broadcast %parallel_loop3A_414 : i32 to vector<16xi32>
            %parallel_loop3A_416 = arith.addi %iota3A, %parallel_loop3A_415 : vector<16xi32>
            %parallel_loop3A_417 = arith.constant 0 : i32
            %parallel_loop3A_418 = arith.constant 0 : i32
            %parallel_loop3A_419 = tpu.memref_slice %run_scoped3A_27[%rem3A_244, %parallel_loop3A_417, %parallel_loop3A_418] : memref<2x128x128xf32, #tpu.memory_space<vmem>> -> memref<1x128x128xf32, #tpu.memory_space<vmem>>
            %parallel_loop3A_420 = tpu.memref_squeeze %parallel_loop3A_419 : memref<1x128x128xf32, #tpu.memory_space<vmem>> -> memref<128x128xf32, #tpu.memory_space<vmem>>
            tpu.vector_store_idx %parallel_loop3A_420[%parallel_loop3A_315, %parallel_loop3A_416], %parallel_loop3A_413 : memref<128x128xf32, #tpu.memory_space<vmem>>[vector<16xi32>, vector<16xi32>], vector<16xf32>,
            %parallel_loop3A_421 = arith.constant 7 : i32
            %parallel_loop3A_422 = vector.broadcast %parallel_loop3A_421 : i32 to vector<16xi32>
            %parallel_loop3A_423 = arith.addi %parallel_loop3A_314, %parallel_loop3A_422 : vector<16xi32>
            %parallel_loop3A_424 = arith.constant 0 : i32
            %parallel_loop3A_425 = arith.constant 0 : i32
            %parallel_loop3A_426 = tpu.memref_slice %run_scoped3A[%rem3A_242, %parallel_loop3A_424, %parallel_loop3A_425] : memref<2x16x1024xf32, #tpu.memory_space<vmem>> -> memref<1x16x1024xf32, #tpu.memory_space<vmem>>
            %parallel_loop3A_427 = tpu.memref_squeeze %parallel_loop3A_426 : memref<1x16x1024xf32, #tpu.memory_space<vmem>> -> memref<16x1024xf32, #tpu.memory_space<vmem>>
            %parallel_loop3A_428 = tpu.vector_load_idx %parallel_loop3A_427[%iota3A, %parallel_loop3A_423] : memref<16x1024xf32, #tpu.memory_space<vmem>>[vector<16xi32>, vector<16xi32>], vector<16xf32>,
            %parallel_loop3A_429 = arith.constant 112 : i32
            %parallel_loop3A_430 = vector.broadcast %parallel_loop3A_429 : i32 to vector<16xi32>
            %parallel_loop3A_431 = arith.addi %iota3A, %parallel_loop3A_430 : vector<16xi32>
            %parallel_loop3A_432 = arith.constant 0 : i32
            %parallel_loop3A_433 = arith.constant 0 : i32
            %parallel_loop3A_434 = tpu.memref_slice %run_scoped3A_27[%rem3A_244, %parallel_loop3A_432, %parallel_loop3A_433] : memref<2x128x128xf32, #tpu.memory_space<vmem>> -> memref<1x128x128xf32, #tpu.memory_space<vmem>>
            %parallel_loop3A_435 = tpu.memref_squeeze %parallel_loop3A_434 : memref<1x128x128xf32, #tpu.memory_space<vmem>> -> memref<128x128xf32, #tpu.memory_space<vmem>>
            tpu.vector_store_idx %parallel_loop3A_435[%parallel_loop3A_315, %parallel_loop3A_431], %parallel_loop3A_428 : memref<128x128xf32, #tpu.memory_space<vmem>>[vector<16xi32>, vector<16xi32>], vector<16xf32>,
          } {sc.loop_unroll_factor = 1 : i64, sc.parallel_access}
          "tpu.trace_stop"() : () -> ()
          %ne3A_247 = arith.cmpi ne, %add3A_171, %add3A_189 : i32
          %or3A_248 = arith.constant false
          %or3A_249 = arith.ori %or3A_248, %ne3A_247 : i1
          %or3A_250 = arith.ori %or3A_249, %eq3A_170 : i1
          %convert_element_type3A_251 = arith.extui %or3A_250 : i1 to i32
          %cond3A_252 = arith.constant 0 : i32
          %cond3A_253 = arith.cmpi ne, %convert_element_type3A_251, %cond3A_252 : i32
          scf.if %cond3A_253 {
          } else {
          }
          %and3A_254 = arith.constant false
          %and3A_255 = arith.andi %or3A_250, %and3A_254 : i1
          %ne3A_256 = arith.cmpi ne, %add3A_171, %add3A_189 : i32
          %or3A_257 = arith.constant false
          %or3A_258 = arith.ori %or3A_257, %ne3A_256 : i1
          %or3A_259 = arith.constant false
          %or3A_260 = arith.ori %or3A_258, %or3A_259 : i1
          %or3A_261 = arith.ori %or3A_260, %eq3A_170 : i1
          %convert_element_type3A_262 = arith.extui %or3A_261 : i1 to i32
          %cond3A_263 = arith.constant 0 : i32
          %cond3A_264 = arith.cmpi ne, %convert_element_type3A_262, %cond3A_263 : i32
          scf.if %cond3A_264 {
            "tpu.trace_start"() <{level = 10 : i32, message = "ep_copy_out"}> : () -> ()
            %rem3A_311 = arith.constant 2 : i32
            %rem3A_312 = arith.remui %while3A_161, %rem3A_311 : i32
            %mul3A_313 = arith.constant 128 : i32
            %mul3A_314 = arith.muli %mul3A_313, %add3A_171 : i32
            %eq3A_315 = arith.constant 97 : i32
            %eq3A_316 = arith.cmpi eq, %add3A_171, %eq3A_315 : i32
            %jit3A_317 = arith.constant 88 : i32
            %jit3A_318 = arith.constant 128 : i32
            %select_n3A_319 = arith.select %eq3A_316, %jit3A_317, %jit3A_318 : i32
            %multiple_of3A_320 = tpu.assume_multiple %select_n3A_319, 8 : i32
            %mul3A_321 = arith.constant 128 : i32
            %mul3A_322 = arith.muli %add3A_171, %mul3A_321 : i32
            %dma_start3A_323 = arith.constant 0 : i32
            %dma_start3A_324 = arith.constant 0 : i32
            %dma_start3A_325 = tpu.memref_slice %run_scoped3A_27[%rem3A_312, %dma_start3A_323, %dma_start3A_324] <%multiple_of3A_320> : memref<2x128x128xf32, #tpu.memory_space<vmem>> -> memref<1x?x128xf32, #tpu.memory_space<vmem>>
            %dma_start3A_326 = tpu.memref_squeeze %dma_start3A_325 : memref<1x?x128xf32, #tpu.memory_space<vmem>> -> memref<?x128xf32, #tpu.memory_space<vmem>>
            %dma_start3A_327 = arith.constant 0 : i32
            %dma_start3A_328 = tpu.memref_slice %arg5[%mul3A_322, %dma_start3A_327] <%multiple_of3A_320> : memref<12500x128xf32, #tpu.memory_space<hbm>> -> memref<?x128xf32, #tpu.memory_space<hbm>>
            %dma_start3A_329 = tpu.memref_slice %run_scoped3A_28[%rem3A_312] : memref<2x!tpu.dma_semaphore, #tpu.memory_space<semaphore_mem>> -> memref<1x!tpu.dma_semaphore, #tpu.memory_space<semaphore_mem>>
            %dma_start3A_330 = tpu.memref_squeeze %dma_start3A_329 : memref<1x!tpu.dma_semaphore, #tpu.memory_space<semaphore_mem>> -> memref<!tpu.dma_semaphore, #tpu.memory_space<semaphore_mem>>
            %dma_start3A_331 = arith.constant 0 : i32
            %dma_start3A_332 = tpu.memref_slice %arg5[%mul3A_322, %dma_start3A_331] <%multiple_of3A_320> : memref<12500x128xf32, #tpu.memory_space<hbm>> -> memref<?x128xf32, #tpu.memory_space<hbm>>
            %dma_start3A_333 = arith.constant 0 : i32
            %dma_start3A_334 = arith.constant 0 : i32
            %dma_start3A_335 = tpu.memref_slice %run_scoped3A_27[%rem3A_312, %dma_start3A_333, %dma_start3A_334] <%multiple_of3A_320> : memref<2x128x128xf32, #tpu.memory_space<vmem>> -> memref<1x?x128xf32, #tpu.memory_space<vmem>>
            %dma_start3A_336 = tpu.memref_squeeze %dma_start3A_335 : memref<1x?x128xf32, #tpu.memory_space<vmem>> -> memref<?x128xf32, #tpu.memory_space<vmem>>
            tpu.enqueue_dma source(%dma_start3A_336 : memref<?x128xf32, #tpu.memory_space<vmem>>) target(%dma_start3A_332 : memref<?x128xf32, #tpu.memory_space<hbm>>) target_semaphore(%dma_start3A_330 : memref<!tpu.dma_semaphore, #tpu.memory_space<semaphore_mem>>)
            "tpu.trace_stop"() : () -> ()
          } else {
          }
          %and3A_265 = arith.constant true
          %and3A_266 = arith.andi %or3A_261, %and3A_265 : i1
          %add3A_267 = arith.constant 1 : i32
          %add3A_268 = arith.addi %while3A_161, %add3A_267 : i32
          %select_n3A_269 = arith.select %and3A_266, %add3A_268, %while3A_161 : i32
          %ne3A_270 = arith.cmpi ne, %add3A_171, %add3A_181 : i32
          %or3A_271 = arith.constant false
          %or3A_272 = arith.ori %or3A_271, %ne3A_270 : i1
          %not3A_273 = arith.constant true
          %not3A_274 = arith.xori %eq3A_167, %not3A_273 : i1
          %and3A_275 = arith.andi %or3A_272, %not3A_274 : i1
          %convert_element_type3A_276 = arith.extui %and3A_275 : i1 to i32
          %cond3A_277 = arith.constant 0 : i32
          %cond3A_278 = arith.cmpi ne, %convert_element_type3A_276, %cond3A_277 : i32
          scf.if %cond3A_278 {
          } else {
          }
          %and3A_279 = arith.constant false
          %and3A_280 = arith.andi %and3A_275, %and3A_279 : i1
          %ne3A_281 = arith.cmpi ne, %add3A_171, %add3A_181 : i32
          %or3A_282 = arith.constant false
          %or3A_283 = arith.ori %or3A_282, %ne3A_281 : i1
          %or3A_284 = arith.constant false
          %or3A_285 = arith.ori %or3A_283, %or3A_284 : i1
          %not3A_286 = arith.constant true
          %not3A_287 = arith.xori %eq3A_167, %not3A_286 : i1
          %and3A_288 = arith.andi %or3A_285, %not3A_287 : i1
          %convert_element_type3A_289 = arith.extui %and3A_288 : i1 to i32
          %cond3A_290 = arith.constant 0 : i32
          %cond3A_291 = arith.cmpi ne, %convert_element_type3A_289, %cond3A_290 : i32
          scf.if %cond3A_291 {
            "tpu.trace_start"() <{level = 10 : i32, message = "ep_wait_out"}> : () -> ()
            %rem3A_311 = arith.constant 2 : i32
            %rem3A_312 = arith.remui %while3A_162, %rem3A_311 : i32
            %mul3A_313 = arith.constant 128 : i32
            %mul3A_314 = arith.muli %mul3A_313, %add3A_181 : i32
            %eq3A_315 = arith.constant 97 : i32
            %eq3A_316 = arith.cmpi eq, %add3A_181, %eq3A_315 : i32
            %jit3A_317 = arith.constant 88 : i32
            %jit3A_318 = arith.constant 128 : i32
            %select_n3A_319 = arith.select %eq3A_316, %jit3A_317, %jit3A_318 : i32
            %multiple_of3A_320 = tpu.assume_multiple %select_n3A_319, 8 : i32
            %mul3A_321 = arith.constant 128 : i32
            %mul3A_322 = arith.muli %add3A_181, %mul3A_321 : i32
            %dma_wait3A = arith.constant 0 : i32
            %dma_wait3A_323 = arith.constant 0 : i32
            %dma_wait3A_324 = tpu.memref_slice %run_scoped3A_27[%rem3A_312, %dma_wait3A, %dma_wait3A_323] <%multiple_of3A_320> : memref<2x128x128xf32, #tpu.memory_space<vmem>> -> memref<1x?x128xf32, #tpu.memory_space<vmem>>
            %dma_wait3A_325 = tpu.memref_squeeze %dma_wait3A_324 : memref<1x?x128xf32, #tpu.memory_space<vmem>> -> memref<?x128xf32, #tpu.memory_space<vmem>>
            %dma_wait3A_326 = arith.constant 0 : i32
            %dma_wait3A_327 = tpu.memref_slice %arg5[%mul3A_322, %dma_wait3A_326] <%multiple_of3A_320> : memref<12500x128xf32, #tpu.memory_space<hbm>> -> memref<?x128xf32, #tpu.memory_space<hbm>>
            %dma_wait3A_328 = tpu.memref_slice %run_scoped3A_28[%rem3A_312] : memref<2x!tpu.dma_semaphore, #tpu.memory_space<semaphore_mem>> -> memref<1x!tpu.dma_semaphore, #tpu.memory_space<semaphore_mem>>
            %dma_wait3A_329 = tpu.memref_squeeze %dma_wait3A_328 : memref<1x!tpu.dma_semaphore, #tpu.memory_space<semaphore_mem>> -> memref<!tpu.dma_semaphore, #tpu.memory_space<semaphore_mem>>
            %dma_wait3A_330 = arith.constant 0 : i32
            %dma_wait3A_331 = tpu.memref_slice %arg5[%mul3A_322, %dma_wait3A_330] <%multiple_of3A_320> : memref<12500x128xf32, #tpu.memory_space<hbm>> -> memref<?x128xf32, #tpu.memory_space<hbm>>
            %dma_wait3A_332 = arith.constant 0 : i32
            %dma_wait3A_333 = arith.constant 0 : i32
            %dma_wait3A_334 = tpu.memref_slice %run_scoped3A_27[%rem3A_312, %dma_wait3A_332, %dma_wait3A_333] <%multiple_of3A_320> : memref<2x128x128xf32, #tpu.memory_space<vmem>> -> memref<1x?x128xf32, #tpu.memory_space<vmem>>
            %dma_wait3A_335 = tpu.memref_squeeze %dma_wait3A_334 : memref<1x?x128xf32, #tpu.memory_space<vmem>> -> memref<?x128xf32, #tpu.memory_space<vmem>>
            tpu.wait_dma2 semaphore(%dma_wait3A_329 : memref<!tpu.dma_semaphore, #tpu.memory_space<semaphore_mem>>) src(%dma_wait3A_335 : memref<?x128xf32, #tpu.memory_space<vmem>>) dst(%dma_wait3A_331 : memref<?x128xf32, #tpu.memory_space<hbm>>)
            "tpu.trace_stop"() : () -> ()
          } else {
          }
          %and3A_292 = arith.constant true
          %and3A_293 = arith.andi %and3A_288, %and3A_292 : i1
          %add3A_294 = arith.constant 1 : i32
          %add3A_295 = arith.addi %while3A_162, %add3A_294 : i32
          %select_n3A_296 = arith.select %and3A_293, %add3A_295, %while3A_162 : i32
          %ne3A_297 = arith.cmpi ne, %add3A_171, %add3A_189 : i32
          %or3A_298 = arith.constant false
          %or3A_299 = arith.ori %or3A_298, %ne3A_297 : i1
          %or3A_300 = arith.ori %or3A_299, %eq3A_170 : i1
          %add3A_301 = arith.constant 1 : i32
          %add3A_302 = arith.addi %while3A_160, %add3A_301 : i32
          %select_n3A_303 = arith.select %or3A_300, %add3A_302, %while3A_160 : i32
          %add3A_304 = arith.constant 1 : i32
          %add3A_305 = arith.addi %while3A_163, %add3A_304 : i32
          %select_n3A_306 = arith.constant true
          %select_n3A_307 = arith.select %select_n3A_306, %add3A_305, %while3A_163 : i32
          %eq3A_308 = arith.cmpi eq, %select_n3A_307, %select_n3A : i32
          %select_n3A_309 = arith.constant 0 : i32
          %select_n3A_310 = arith.select %eq3A_308, %select_n3A_309, %select_n3A_307 : i32
          scf.yield %select_n3A_211, %select_n3A_303, %select_n3A_269, %select_n3A_296, %select_n3A_310 : i32, i32, i32, i32, i32
        }
        %while3A_105 = arith.constant 1 : i32
        %while3A_106:5 = scf.for %while3A_158 = %while3A_102 to %while3A_98 step %while3A_105 iter_args(%while3A_159 = %while3A_104#0, %while3A_160 = %while3A_104#1, %while3A_161 = %while3A_104#2, %while3A_162 = %while3A_104#3, %while3A_163 = %while3A_104#4) -> (i32, i32, i32, i32, i32)  : i32 {
          %mul3A_164 = arith.constant 1 : i32
          %mul3A_165 = arith.muli %mul3A_164, %select_n3A : i32
          %eq3A_166 = arith.constant 0 : i32
          %eq3A_167 = arith.cmpi eq, %while3A_158, %eq3A_166 : i32
          %sub3A_168 = arith.constant 1 : i32
          %sub3A_169 = arith.subi %mul3A_165, %sub3A_168 : i32
          %eq3A_170 = arith.cmpi eq, %while3A_158, %sub3A_169 : i32
          %add3A_171 = arith.addi %while3A_163, %select_n3A_23 : i32
          %sub3A_172 = arith.constant 1 : i32
          %sub3A_173 = arith.subi %while3A_163, %sub3A_172 : i32
          %select_n3A_174 = arith.constant true
          %select_n3A_175 = arith.select %select_n3A_174, %sub3A_173, %while3A_163 : i32
          %eq3A_176 = arith.constant -1 : i32
          %eq3A_177 = arith.cmpi eq, %select_n3A_175, %eq3A_176 : i32
          %sub3A_178 = arith.constant 1 : i32
          %sub3A_179 = arith.subi %select_n3A, %sub3A_178 : i32
          %select_n3A_180 = arith.select %eq3A_177, %sub3A_179, %select_n3A_175 : i32
          %add3A_181 = arith.addi %select_n3A_180, %select_n3A_23 : i32
          %add3A_182 = arith.constant 1 : i32
          %add3A_183 = arith.addi %while3A_163, %add3A_182 : i32
          %select_n3A_184 = arith.constant true
          %select_n3A_185 = arith.select %select_n3A_184, %add3A_183, %while3A_163 : i32
          %eq3A_186 = arith.cmpi eq, %select_n3A_185, %select_n3A : i32
          %select_n3A_187 = arith.constant 0 : i32
          %select_n3A_188 = arith.select %eq3A_186, %select_n3A_187, %select_n3A_185 : i32
          %add3A_189 = arith.addi %select_n3A_188, %select_n3A_23 : i32
          %add3A_190 = arith.constant 1 : i32
          %add3A_191 = arith.addi %select_n3A_188, %add3A_190 : i32
          %select_n3A_192 = arith.constant true
          %select_n3A_193 = arith.select %select_n3A_192, %add3A_191, %select_n3A_188 : i32
          %eq3A_194 = arith.cmpi eq, %select_n3A_193, %select_n3A : i32
          %select_n3A_195 = arith.constant 0 : i32
          %select_n3A_196 = arith.select %eq3A_194, %select_n3A_195, %select_n3A_193 : i32
          %add3A_197 = arith.addi %select_n3A_196, %select_n3A_23 : i32
          %ne3A = arith.cmpi ne, %add3A_171, %add3A_189 : i32
          %or3A = arith.constant false
          %or3A_198 = arith.ori %or3A, %ne3A : i1
          %sub3A_199 = arith.constant 2 : i32
          %sub3A_200 = arith.subi %mul3A_165, %sub3A_199 : i32
          %add3A_201 = arith.constant 1 : i32
          %add3A_202 = arith.addi %sub3A_200, %add3A_201 : i32
          %ge3A = arith.cmpi sge, %while3A_158, %add3A_202 : i32
          %not3A = arith.constant true
          %not3A_203 = arith.xori %ge3A, %not3A : i1
          %and3A = arith.andi %or3A_198, %not3A_203 : i1
          %convert_element_type3A_204 = arith.extui %and3A : i1 to i32
          %cond3A_205 = arith.constant 0 : i32
          %cond3A_206 = arith.cmpi ne, %convert_element_type3A_204, %cond3A_205 : i32
          scf.if %cond3A_206 {
            "tpu.trace_start"() <{level = 10 : i32, message = "ep_copy_in"}> : () -> ()
            %rem3A_311 = arith.constant 2 : i32
            %rem3A_312 = arith.remui %while3A_159, %rem3A_311 : i32
            %mul3A_313 = arith.constant 1024 : i32
            %mul3A_314 = arith.muli %mul3A_313, %add3A_189 : i32
            %eq3A_315 = arith.constant 97 : i32
            %eq3A_316 = arith.cmpi eq, %add3A_189, %eq3A_315 : i32
            %jit3A_317 = arith.constant 768 : i32
            %jit3A_318 = arith.constant 1024 : i32
            %select_n3A_319 = arith.select %eq3A_316, %jit3A_317, %jit3A_318 : i32
            %multiple_of3A_320 = tpu.assume_multiple %select_n3A_319, 128 : i32
            %mul3A_321 = arith.constant 1024 : i32
            %mul3A_322 = arith.muli %add3A_189, %mul3A_321 : i32
            %dma_start3A_323 = arith.constant 0 : i32
            %dma_start3A_324 = arith.constant 0 : i32
            %dma_start3A_325 = tpu.memref_slice %run_scoped3A[%rem3A_312, %dma_start3A_323, %dma_start3A_324] <%multiple_of3A_320> : memref<2x16x1024xf32, #tpu.memory_space<vmem>> -> memref<1x16x?xf32, #tpu.memory_space<vmem>>
            %dma_start3A_326 = tpu.memref_squeeze %dma_start3A_325 : memref<1x16x?xf32, #tpu.memory_space<vmem>> -> memref<16x?xf32, #tpu.memory_space<vmem>>
            %dma_start3A_327 = arith.constant 0 : i32
            %dma_start3A_328 = tpu.memref_slice %arg3[%dma_start3A_327, %mul3A_322] <%multiple_of3A_320> : memref<16x100000xf32, #tpu.memory_space<hbm>> -> memref<16x?xf32, #tpu.memory_space<hbm>>
            %dma_start3A_329 = tpu.memref_slice %run_scoped3A_26[%rem3A_312] : memref<2x!tpu.dma_semaphore, #tpu.memory_space<semaphore_mem>> -> memref<1x!tpu.dma_semaphore, #tpu.memory_space<semaphore_mem>>
            %dma_start3A_330 = tpu.memref_squeeze %dma_start3A_329 : memref<1x!tpu.dma_semaphore, #tpu.memory_space<semaphore_mem>> -> memref<!tpu.dma_semaphore, #tpu.memory_space<semaphore_mem>>
            %dma_start3A_331 = arith.constant 0 : i32
            %dma_start3A_332 = arith.constant 0 : i32
            %dma_start3A_333 = tpu.memref_slice %run_scoped3A[%rem3A_312, %dma_start3A_331, %dma_start3A_332] <%multiple_of3A_320> : memref<2x16x1024xf32, #tpu.memory_space<vmem>> -> memref<1x16x?xf32, #tpu.memory_space<vmem>>
            %dma_start3A_334 = tpu.memref_squeeze %dma_start3A_333 : memref<1x16x?xf32, #tpu.memory_space<vmem>> -> memref<16x?xf32, #tpu.memory_space<vmem>>
            %dma_start3A_335 = arith.constant 0 : i32
            %dma_start3A_336 = tpu.memref_slice %arg3[%dma_start3A_335, %mul3A_322] <%multiple_of3A_320> : memref<16x100000xf32, #tpu.memory_space<hbm>> -> memref<16x?xf32, #tpu.memory_space<hbm>>
            tpu.enqueue_dma source(%dma_start3A_336 : memref<16x?xf32, #tpu.memory_space<hbm>>) target(%dma_start3A_334 : memref<16x?xf32, #tpu.memory_space<vmem>>) target_semaphore(%dma_start3A_330 : memref<!tpu.dma_semaphore, #tpu.memory_space<semaphore_mem>>)
            "tpu.trace_stop"() : () -> ()
          } else {
          }
          %and3A_207 = arith.constant true
          %and3A_208 = arith.andi %and3A, %and3A_207 : i1
          %add3A_209 = arith.constant 1 : i32
          %add3A_210 = arith.addi %while3A_159, %add3A_209 : i32
          %select_n3A_211 = arith.select %and3A_208, %add3A_210, %while3A_159 : i32
          %ne3A_212 = arith.cmpi ne, %add3A_171, %add3A_189 : i32
          %or3A_213 = arith.constant false
          %or3A_214 = arith.ori %or3A_213, %ne3A_212 : i1
          %or3A_215 = arith.constant false
          %or3A_216 = arith.ori %or3A_214, %or3A_215 : i1
          %sub3A_217 = arith.constant 2 : i32
          %sub3A_218 = arith.subi %mul3A_165, %sub3A_217 : i32
          %add3A_219 = arith.constant 1 : i32
          %add3A_220 = arith.addi %sub3A_218, %add3A_219 : i32
          %ge3A_221 = arith.cmpi sge, %while3A_158, %add3A_220 : i32
          %not3A_222 = arith.constant true
          %not3A_223 = arith.xori %ge3A_221, %not3A_222 : i1
          %and3A_224 = arith.andi %or3A_216, %not3A_223 : i1
          %ne3A_225 = arith.cmpi ne, %add3A_171, %add3A_181 : i32
          %or3A_226 = arith.constant false
          %or3A_227 = arith.ori %or3A_226, %ne3A_225 : i1
          %or3A_228 = arith.ori %or3A_227, %eq3A_167 : i1
          %convert_element_type3A_229 = arith.extui %or3A_228 : i1 to i32
          %cond3A_230 = arith.constant 0 : i32
          %cond3A_231 = arith.cmpi ne, %convert_element_type3A_229, %cond3A_230 : i32
          scf.if %cond3A_231 {
            "tpu.trace_start"() <{level = 10 : i32, message = "ep_wait_in"}> : () -> ()
            %mul3A_311 = arith.constant 1024 : i32
            %mul3A_312 = arith.muli %mul3A_311, %add3A_171 : i32
            %eq3A_313 = arith.constant 97 : i32
            %eq3A_314 = arith.cmpi eq, %add3A_171, %eq3A_313 : i32
            %jit3A_315 = arith.constant 768 : i32
            %jit3A_316 = arith.constant 1024 : i32
            %select_n3A_317 = arith.select %eq3A_314, %jit3A_315, %jit3A_316 : i32
            %multiple_of3A_318 = tpu.assume_multiple %select_n3A_317, 128 : i32
            %mul3A_319 = arith.constant 1024 : i32
            %mul3A_320 = arith.muli %add3A_171, %mul3A_319 : i32
            %rem3A_321 = arith.constant 2 : i32
            %rem3A_322 = arith.remui %while3A_160, %rem3A_321 : i32
            %dma_wait3A = arith.constant 0 : i32
            %dma_wait3A_323 = arith.constant 0 : i32
            %dma_wait3A_324 = tpu.memref_slice %run_scoped3A[%rem3A_322, %dma_wait3A, %dma_wait3A_323] <%multiple_of3A_318> : memref<2x16x1024xf32, #tpu.memory_space<vmem>> -> memref<1x16x?xf32, #tpu.memory_space<vmem>>
            %dma_wait3A_325 = tpu.memref_squeeze %dma_wait3A_324 : memref<1x16x?xf32, #tpu.memory_space<vmem>> -> memref<16x?xf32, #tpu.memory_space<vmem>>
            %dma_wait3A_326 = arith.constant 0 : i32
            %dma_wait3A_327 = tpu.memref_slice %arg3[%dma_wait3A_326, %mul3A_320] <%multiple_of3A_318> : memref<16x100000xf32, #tpu.memory_space<hbm>> -> memref<16x?xf32, #tpu.memory_space<hbm>>
            %dma_wait3A_328 = tpu.memref_slice %run_scoped3A_26[%rem3A_322] : memref<2x!tpu.dma_semaphore, #tpu.memory_space<semaphore_mem>> -> memref<1x!tpu.dma_semaphore, #tpu.memory_space<semaphore_mem>>
            %dma_wait3A_329 = tpu.memref_squeeze %dma_wait3A_328 : memref<1x!tpu.dma_semaphore, #tpu.memory_space<semaphore_mem>> -> memref<!tpu.dma_semaphore, #tpu.memory_space<semaphore_mem>>
            %dma_wait3A_330 = arith.constant 0 : i32
            %dma_wait3A_331 = arith.constant 0 : i32
            %dma_wait3A_332 = tpu.memref_slice %run_scoped3A[%rem3A_322, %dma_wait3A_330, %dma_wait3A_331] <%multiple_of3A_318> : memref<2x16x1024xf32, #tpu.memory_space<vmem>> -> memref<1x16x?xf32, #tpu.memory_space<vmem>>
            %dma_wait3A_333 = tpu.memref_squeeze %dma_wait3A_332 : memref<1x16x?xf32, #tpu.memory_space<vmem>> -> memref<16x?xf32, #tpu.memory_space<vmem>>
            %dma_wait3A_334 = arith.constant 0 : i32
            %dma_wait3A_335 = tpu.memref_slice %arg3[%dma_wait3A_334, %mul3A_320] <%multiple_of3A_318> : memref<16x100000xf32, #tpu.memory_space<hbm>> -> memref<16x?xf32, #tpu.memory_space<hbm>>
            tpu.wait_dma2 semaphore(%dma_wait3A_329 : memref<!tpu.dma_semaphore, #tpu.memory_space<semaphore_mem>>) src(%dma_wait3A_335 : memref<16x?xf32, #tpu.memory_space<hbm>>) dst(%dma_wait3A_333 : memref<16x?xf32, #tpu.memory_space<vmem>>)
            "tpu.trace_stop"() : () -> ()
          } else {
          }
          %ne3A_232 = arith.cmpi ne, %add3A_171, %add3A_181 : i32
          %or3A_233 = arith.constant false
          %or3A_234 = arith.ori %or3A_233, %ne3A_232 : i1
          %or3A_235 = arith.constant false
          %or3A_236 = arith.ori %or3A_234, %or3A_235 : i1
          %or3A_237 = arith.ori %or3A_236, %eq3A_167 : i1
          %convert_element_type3A_238 = arith.extui %or3A_237 : i1 to i32
          %cond3A_239 = arith.constant 0 : i32
          %cond3A_240 = arith.cmpi ne, %convert_element_type3A_238, %cond3A_239 : i32
          scf.if %cond3A_240 {
          } else {
          }
          %rem3A_241 = arith.constant 2 : i32
          %rem3A_242 = arith.remui %while3A_160, %rem3A_241 : i32
          %rem3A_243 = arith.constant 2 : i32
          %rem3A_244 = arith.remui %while3A_161, %rem3A_243 : i32
          "tpu.trace_start"() <{level = 10 : i32, message = "ep_run_kernel"}> : () -> ()
          %iota3A = tpu.iota {dimensions = array<i32: 0>} : vector<16xi32>
          %parallel_loop3A = arith.constant 0 : i32
          %parallel_loop3A_245 = arith.constant 128 : i32
          %parallel_loop3A_246 = arith.constant 1 : i32
          scf.for %parallel_loop3A_311 = %parallel_loop3A to %parallel_loop3A_245 step %parallel_loop3A_246  : i32 {
            %parallel_loop3A_312 = arith.constant 8 : i32
            %parallel_loop3A_313 = arith.muli %parallel_loop3A_311, %parallel_loop3A_312 : i32
            %parallel_loop3A_314 = vector.broadcast %parallel_loop3A_313 : i32 to vector<16xi32>
            %parallel_loop3A_315 = vector.broadcast %parallel_loop3A_311 : i32 to vector<16xi32>
            %parallel_loop3A_316 = arith.constant 0 : i32
            %parallel_loop3A_317 = vector.broadcast %parallel_loop3A_316 : i32 to vector<16xi32>
            %parallel_loop3A_318 = arith.addi %parallel_loop3A_314, %parallel_loop3A_317 : vector<16xi32>
            %parallel_loop3A_319 = arith.constant 0 : i32
            %parallel_loop3A_320 = arith.constant 0 : i32
            %parallel_loop3A_321 = tpu.memref_slice %run_scoped3A[%rem3A_242, %parallel_loop3A_319, %parallel_loop3A_320] : memref<2x16x1024xf32, #tpu.memory_space<vmem>> -> memref<1x16x1024xf32, #tpu.memory_space<vmem>>
            %parallel_loop3A_322 = tpu.memref_squeeze %parallel_loop3A_321 : memref<1x16x1024xf32, #tpu.memory_space<vmem>> -> memref<16x1024xf32, #tpu.memory_space<vmem>>
            %parallel_loop3A_323 = tpu.vector_load_idx %parallel_loop3A_322[%iota3A, %parallel_loop3A_318] : memref<16x1024xf32, #tpu.memory_space<vmem>>[vector<16xi32>, vector<16xi32>], vector<16xf32>,
            %parallel_loop3A_324 = arith.constant 0 : i32
            %parallel_loop3A_325 = vector.broadcast %parallel_loop3A_324 : i32 to vector<16xi32>
            %parallel_loop3A_326 = arith.addi %iota3A, %parallel_loop3A_325 : vector<16xi32>
            %parallel_loop3A_327 = arith.constant 0 : i32
            %parallel_loop3A_328 = arith.constant 0 : i32
            %parallel_loop3A_329 = tpu.memref_slice %run_scoped3A_27[%rem3A_244, %parallel_loop3A_327, %parallel_loop3A_328] : memref<2x128x128xf32, #tpu.memory_space<vmem>> -> memref<1x128x128xf32, #tpu.memory_space<vmem>>
            %parallel_loop3A_330 = tpu.memref_squeeze %parallel_loop3A_329 : memref<1x128x128xf32, #tpu.memory_space<vmem>> -> memref<128x128xf32, #tpu.memory_space<vmem>>
            tpu.vector_store_idx %parallel_loop3A_330[%parallel_loop3A_315, %parallel_loop3A_326], %parallel_loop3A_323 : memref<128x128xf32, #tpu.memory_space<vmem>>[vector<16xi32>, vector<16xi32>], vector<16xf32>,
            %parallel_loop3A_331 = arith.constant 1 : i32
            %parallel_loop3A_332 = vector.broadcast %parallel_loop3A_331 : i32 to vector<16xi32>
            %parallel_loop3A_333 = arith.addi %parallel_loop3A_314, %parallel_loop3A_332 : vector<16xi32>
            %parallel_loop3A_334 = arith.constant 0 : i32
            %parallel_loop3A_335 = arith.constant 0 : i32
            %parallel_loop3A_336 = tpu.memref_slice %run_scoped3A[%rem3A_242, %parallel_loop3A_334, %parallel_loop3A_335] : memref<2x16x1024xf32, #tpu.memory_space<vmem>> -> memref<1x16x1024xf32, #tpu.memory_space<vmem>>
            %parallel_loop3A_337 = tpu.memref_squeeze %parallel_loop3A_336 : memref<1x16x1024xf32, #tpu.memory_space<vmem>> -> memref<16x1024xf32, #tpu.memory_space<vmem>>
            %parallel_loop3A_338 = tpu.vector_load_idx %parallel_loop3A_337[%iota3A, %parallel_loop3A_333] : memref<16x1024xf32, #tpu.memory_space<vmem>>[vector<16xi32>, vector<16xi32>], vector<16xf32>,
            %parallel_loop3A_339 = arith.constant 16 : i32
            %parallel_loop3A_340 = vector.broadcast %parallel_loop3A_339 : i32 to vector<16xi32>
            %parallel_loop3A_341 = arith.addi %iota3A, %parallel_loop3A_340 : vector<16xi32>
            %parallel_loop3A_342 = arith.constant 0 : i32
            %parallel_loop3A_343 = arith.constant 0 : i32
            %parallel_loop3A_344 = tpu.memref_slice %run_scoped3A_27[%rem3A_244, %parallel_loop3A_342, %parallel_loop3A_343] : memref<2x128x128xf32, #tpu.memory_space<vmem>> -> memref<1x128x128xf32, #tpu.memory_space<vmem>>
            %parallel_loop3A_345 = tpu.memref_squeeze %parallel_loop3A_344 : memref<1x128x128xf32, #tpu.memory_space<vmem>> -> memref<128x128xf32, #tpu.memory_space<vmem>>
            tpu.vector_store_idx %parallel_loop3A_345[%parallel_loop3A_315, %parallel_loop3A_341], %parallel_loop3A_338 : memref<128x128xf32, #tpu.memory_space<vmem>>[vector<16xi32>, vector<16xi32>], vector<16xf32>,
            %parallel_loop3A_346 = arith.constant 2 : i32
            %parallel_loop3A_347 = vector.broadcast %parallel_loop3A_346 : i32 to vector<16xi32>
            %parallel_loop3A_348 = arith.addi %parallel_loop3A_314, %parallel_loop3A_347 : vector<16xi32>
            %parallel_loop3A_349 = arith.constant 0 : i32
            %parallel_loop3A_350 = arith.constant 0 : i32
            %parallel_loop3A_351 = tpu.memref_slice %run_scoped3A[%rem3A_242, %parallel_loop3A_349, %parallel_loop3A_350] : memref<2x16x1024xf32, #tpu.memory_space<vmem>> -> memref<1x16x1024xf32, #tpu.memory_space<vmem>>
            %parallel_loop3A_352 = tpu.memref_squeeze %parallel_loop3A_351 : memref<1x16x1024xf32, #tpu.memory_space<vmem>> -> memref<16x1024xf32, #tpu.memory_space<vmem>>
            %parallel_loop3A_353 = tpu.vector_load_idx %parallel_loop3A_352[%iota3A, %parallel_loop3A_348] : memref<16x1024xf32, #tpu.memory_space<vmem>>[vector<16xi32>, vector<16xi32>], vector<16xf32>,
            %parallel_loop3A_354 = arith.constant 32 : i32
            %parallel_loop3A_355 = vector.broadcast %parallel_loop3A_354 : i32 to vector<16xi32>
            %parallel_loop3A_356 = arith.addi %iota3A, %parallel_loop3A_355 : vector<16xi32>
            %parallel_loop3A_357 = arith.constant 0 : i32
            %parallel_loop3A_358 = arith.constant 0 : i32
            %parallel_loop3A_359 = tpu.memref_slice %run_scoped3A_27[%rem3A_244, %parallel_loop3A_357, %parallel_loop3A_358] : memref<2x128x128xf32, #tpu.memory_space<vmem>> -> memref<1x128x128xf32, #tpu.memory_space<vmem>>
            %parallel_loop3A_360 = tpu.memref_squeeze %parallel_loop3A_359 : memref<1x128x128xf32, #tpu.memory_space<vmem>> -> memref<128x128xf32, #tpu.memory_space<vmem>>
            tpu.vector_store_idx %parallel_loop3A_360[%parallel_loop3A_315, %parallel_loop3A_356], %parallel_loop3A_353 : memref<128x128xf32, #tpu.memory_space<vmem>>[vector<16xi32>, vector<16xi32>], vector<16xf32>,
            %parallel_loop3A_361 = arith.constant 3 : i32
            %parallel_loop3A_362 = vector.broadcast %parallel_loop3A_361 : i32 to vector<16xi32>
            %parallel_loop3A_363 = arith.addi %parallel_loop3A_314, %parallel_loop3A_362 : vector<16xi32>
            %parallel_loop3A_364 = arith.constant 0 : i32
            %parallel_loop3A_365 = arith.constant 0 : i32
            %parallel_loop3A_366 = tpu.memref_slice %run_scoped3A[%rem3A_242, %parallel_loop3A_364, %parallel_loop3A_365] : memref<2x16x1024xf32, #tpu.memory_space<vmem>> -> memref<1x16x1024xf32, #tpu.memory_space<vmem>>
            %parallel_loop3A_367 = tpu.memref_squeeze %parallel_loop3A_366 : memref<1x16x1024xf32, #tpu.memory_space<vmem>> -> memref<16x1024xf32, #tpu.memory_space<vmem>>
            %parallel_loop3A_368 = tpu.vector_load_idx %parallel_loop3A_367[%iota3A, %parallel_loop3A_363] : memref<16x1024xf32, #tpu.memory_space<vmem>>[vector<16xi32>, vector<16xi32>], vector<16xf32>,
            %parallel_loop3A_369 = arith.constant 48 : i32
            %parallel_loop3A_370 = vector.broadcast %parallel_loop3A_369 : i32 to vector<16xi32>
            %parallel_loop3A_371 = arith.addi %iota3A, %parallel_loop3A_370 : vector<16xi32>
            %parallel_loop3A_372 = arith.constant 0 : i32
            %parallel_loop3A_373 = arith.constant 0 : i32
            %parallel_loop3A_374 = tpu.memref_slice %run_scoped3A_27[%rem3A_244, %parallel_loop3A_372, %parallel_loop3A_373] : memref<2x128x128xf32, #tpu.memory_space<vmem>> -> memref<1x128x128xf32, #tpu.memory_space<vmem>>
            %parallel_loop3A_375 = tpu.memref_squeeze %parallel_loop3A_374 : memref<1x128x128xf32, #tpu.memory_space<vmem>> -> memref<128x128xf32, #tpu.memory_space<vmem>>
            tpu.vector_store_idx %parallel_loop3A_375[%parallel_loop3A_315, %parallel_loop3A_371], %parallel_loop3A_368 : memref<128x128xf32, #tpu.memory_space<vmem>>[vector<16xi32>, vector<16xi32>], vector<16xf32>,
            %parallel_loop3A_376 = arith.constant 4 : i32
            %parallel_loop3A_377 = vector.broadcast %parallel_loop3A_376 : i32 to vector<16xi32>
            %parallel_loop3A_378 = arith.addi %parallel_loop3A_314, %parallel_loop3A_377 : vector<16xi32>
            %parallel_loop3A_379 = arith.constant 0 : i32
            %parallel_loop3A_380 = arith.constant 0 : i32
            %parallel_loop3A_381 = tpu.memref_slice %run_scoped3A[%rem3A_242, %parallel_loop3A_379, %parallel_loop3A_380] : memref<2x16x1024xf32, #tpu.memory_space<vmem>> -> memref<1x16x1024xf32, #tpu.memory_space<vmem>>
            %parallel_loop3A_382 = tpu.memref_squeeze %parallel_loop3A_381 : memref<1x16x1024xf32, #tpu.memory_space<vmem>> -> memref<16x1024xf32, #tpu.memory_space<vmem>>
            %parallel_loop3A_383 = tpu.vector_load_idx %parallel_loop3A_382[%iota3A, %parallel_loop3A_378] : memref<16x1024xf32, #tpu.memory_space<vmem>>[vector<16xi32>, vector<16xi32>], vector<16xf32>,
            %parallel_loop3A_384 = arith.constant 64 : i32
            %parallel_loop3A_385 = vector.broadcast %parallel_loop3A_384 : i32 to vector<16xi32>
            %parallel_loop3A_386 = arith.addi %iota3A, %parallel_loop3A_385 : vector<16xi32>
            %parallel_loop3A_387 = arith.constant 0 : i32
            %parallel_loop3A_388 = arith.constant 0 : i32
            %parallel_loop3A_389 = tpu.memref_slice %run_scoped3A_27[%rem3A_244, %parallel_loop3A_387, %parallel_loop3A_388] : memref<2x128x128xf32, #tpu.memory_space<vmem>> -> memref<1x128x128xf32, #tpu.memory_space<vmem>>
            %parallel_loop3A_390 = tpu.memref_squeeze %parallel_loop3A_389 : memref<1x128x128xf32, #tpu.memory_space<vmem>> -> memref<128x128xf32, #tpu.memory_space<vmem>>
            tpu.vector_store_idx %parallel_loop3A_390[%parallel_loop3A_315, %parallel_loop3A_386], %parallel_loop3A_383 : memref<128x128xf32, #tpu.memory_space<vmem>>[vector<16xi32>, vector<16xi32>], vector<16xf32>,
            %parallel_loop3A_391 = arith.constant 5 : i32
            %parallel_loop3A_392 = vector.broadcast %parallel_loop3A_391 : i32 to vector<16xi32>
            %parallel_loop3A_393 = arith.addi %parallel_loop3A_314, %parallel_loop3A_392 : vector<16xi32>
            %parallel_loop3A_394 = arith.constant 0 : i32
            %parallel_loop3A_395 = arith.constant 0 : i32
            %parallel_loop3A_396 = tpu.memref_slice %run_scoped3A[%rem3A_242, %parallel_loop3A_394, %parallel_loop3A_395] : memref<2x16x1024xf32, #tpu.memory_space<vmem>> -> memref<1x16x1024xf32, #tpu.memory_space<vmem>>
            %parallel_loop3A_397 = tpu.memref_squeeze %parallel_loop3A_396 : memref<1x16x1024xf32, #tpu.memory_space<vmem>> -> memref<16x1024xf32, #tpu.memory_space<vmem>>
            %parallel_loop3A_398 = tpu.vector_load_idx %parallel_loop3A_397[%iota3A, %parallel_loop3A_393] : memref<16x1024xf32, #tpu.memory_space<vmem>>[vector<16xi32>, vector<16xi32>], vector<16xf32>,
            %parallel_loop3A_399 = arith.constant 80 : i32
            %parallel_loop3A_400 = vector.broadcast %parallel_loop3A_399 : i32 to vector<16xi32>
            %parallel_loop3A_401 = arith.addi %iota3A, %parallel_loop3A_400 : vector<16xi32>
            %parallel_loop3A_402 = arith.constant 0 : i32
            %parallel_loop3A_403 = arith.constant 0 : i32
            %parallel_loop3A_404 = tpu.memref_slice %run_scoped3A_27[%rem3A_244, %parallel_loop3A_402, %parallel_loop3A_403] : memref<2x128x128xf32, #tpu.memory_space<vmem>> -> memref<1x128x128xf32, #tpu.memory_space<vmem>>
            %parallel_loop3A_405 = tpu.memref_squeeze %parallel_loop3A_404 : memref<1x128x128xf32, #tpu.memory_space<vmem>> -> memref<128x128xf32, #tpu.memory_space<vmem>>
            tpu.vector_store_idx %parallel_loop3A_405[%parallel_loop3A_315, %parallel_loop3A_401], %parallel_loop3A_398 : memref<128x128xf32, #tpu.memory_space<vmem>>[vector<16xi32>, vector<16xi32>], vector<16xf32>,
            %parallel_loop3A_406 = arith.constant 6 : i32
            %parallel_loop3A_407 = vector.broadcast %parallel_loop3A_406 : i32 to vector<16xi32>
            %parallel_loop3A_408 = arith.addi %parallel_loop3A_314, %parallel_loop3A_407 : vector<16xi32>
            %parallel_loop3A_409 = arith.constant 0 : i32
            %parallel_loop3A_410 = arith.constant 0 : i32
            %parallel_loop3A_411 = tpu.memref_slice %run_scoped3A[%rem3A_242, %parallel_loop3A_409, %parallel_loop3A_410] : memref<2x16x1024xf32, #tpu.memory_space<vmem>> -> memref<1x16x1024xf32, #tpu.memory_space<vmem>>
            %parallel_loop3A_412 = tpu.memref_squeeze %parallel_loop3A_411 : memref<1x16x1024xf32, #tpu.memory_space<vmem>> -> memref<16x1024xf32, #tpu.memory_space<vmem>>
            %parallel_loop3A_413 = tpu.vector_load_idx %parallel_loop3A_412[%iota3A, %parallel_loop3A_408] : memref<16x1024xf32, #tpu.memory_space<vmem>>[vector<16xi32>, vector<16xi32>], vector<16xf32>,
            %parallel_loop3A_414 = arith.constant 96 : i32
            %parallel_loop3A_415 = vector.broadcast %parallel_loop3A_414 : i32 to vector<16xi32>
            %parallel_loop3A_416 = arith.addi %iota3A, %parallel_loop3A_415 : vector<16xi32>
            %parallel_loop3A_417 = arith.constant 0 : i32
            %parallel_loop3A_418 = arith.constant 0 : i32
            %parallel_loop3A_419 = tpu.memref_slice %run_scoped3A_27[%rem3A_244, %parallel_loop3A_417, %parallel_loop3A_418] : memref<2x128x128xf32, #tpu.memory_space<vmem>> -> memref<1x128x128xf32, #tpu.memory_space<vmem>>
            %parallel_loop3A_420 = tpu.memref_squeeze %parallel_loop3A_419 : memref<1x128x128xf32, #tpu.memory_space<vmem>> -> memref<128x128xf32, #tpu.memory_space<vmem>>
            tpu.vector_store_idx %parallel_loop3A_420[%parallel_loop3A_315, %parallel_loop3A_416], %parallel_loop3A_413 : memref<128x128xf32, #tpu.memory_space<vmem>>[vector<16xi32>, vector<16xi32>], vector<16xf32>,
            %parallel_loop3A_421 = arith.constant 7 : i32
            %parallel_loop3A_422 = vector.broadcast %parallel_loop3A_421 : i32 to vector<16xi32>
            %parallel_loop3A_423 = arith.addi %parallel_loop3A_314, %parallel_loop3A_422 : vector<16xi32>
            %parallel_loop3A_424 = arith.constant 0 : i32
            %parallel_loop3A_425 = arith.constant 0 : i32
            %parallel_loop3A_426 = tpu.memref_slice %run_scoped3A[%rem3A_242, %parallel_loop3A_424, %parallel_loop3A_425] : memref<2x16x1024xf32, #tpu.memory_space<vmem>> -> memref<1x16x1024xf32, #tpu.memory_space<vmem>>
            %parallel_loop3A_427 = tpu.memref_squeeze %parallel_loop3A_426 : memref<1x16x1024xf32, #tpu.memory_space<vmem>> -> memref<16x1024xf32, #tpu.memory_space<vmem>>
            %parallel_loop3A_428 = tpu.vector_load_idx %parallel_loop3A_427[%iota3A, %parallel_loop3A_423] : memref<16x1024xf32, #tpu.memory_space<vmem>>[vector<16xi32>, vector<16xi32>], vector<16xf32>,
            %parallel_loop3A_429 = arith.constant 112 : i32
            %parallel_loop3A_430 = vector.broadcast %parallel_loop3A_429 : i32 to vector<16xi32>
            %parallel_loop3A_431 = arith.addi %iota3A, %parallel_loop3A_430 : vector<16xi32>
            %parallel_loop3A_432 = arith.constant 0 : i32
            %parallel_loop3A_433 = arith.constant 0 : i32
            %parallel_loop3A_434 = tpu.memref_slice %run_scoped3A_27[%rem3A_244, %parallel_loop3A_432, %parallel_loop3A_433] : memref<2x128x128xf32, #tpu.memory_space<vmem>> -> memref<1x128x128xf32, #tpu.memory_space<vmem>>
            %parallel_loop3A_435 = tpu.memref_squeeze %parallel_loop3A_434 : memref<1x128x128xf32, #tpu.memory_space<vmem>> -> memref<128x128xf32, #tpu.memory_space<vmem>>
            tpu.vector_store_idx %parallel_loop3A_435[%parallel_loop3A_315, %parallel_loop3A_431], %parallel_loop3A_428 : memref<128x128xf32, #tpu.memory_space<vmem>>[vector<16xi32>, vector<16xi32>], vector<16xf32>,
          } {sc.loop_unroll_factor = 1 : i64, sc.parallel_access}
          "tpu.trace_stop"() : () -> ()
          %ne3A_247 = arith.cmpi ne, %add3A_171, %add3A_189 : i32
          %or3A_248 = arith.constant false
          %or3A_249 = arith.ori %or3A_248, %ne3A_247 : i1
          %or3A_250 = arith.ori %or3A_249, %eq3A_170 : i1
          %convert_element_type3A_251 = arith.extui %or3A_250 : i1 to i32
          %cond3A_252 = arith.constant 0 : i32
          %cond3A_253 = arith.cmpi ne, %convert_element_type3A_251, %cond3A_252 : i32
          scf.if %cond3A_253 {
          } else {
          }
          %and3A_254 = arith.constant false
          %and3A_255 = arith.andi %or3A_250, %and3A_254 : i1
          %ne3A_256 = arith.cmpi ne, %add3A_171, %add3A_189 : i32
          %or3A_257 = arith.constant false
          %or3A_258 = arith.ori %or3A_257, %ne3A_256 : i1
          %or3A_259 = arith.constant false
          %or3A_260 = arith.ori %or3A_258, %or3A_259 : i1
          %or3A_261 = arith.ori %or3A_260, %eq3A_170 : i1
          %convert_element_type3A_262 = arith.extui %or3A_261 : i1 to i32
          %cond3A_263 = arith.constant 0 : i32
          %cond3A_264 = arith.cmpi ne, %convert_element_type3A_262, %cond3A_263 : i32
          scf.if %cond3A_264 {
            "tpu.trace_start"() <{level = 10 : i32, message = "ep_copy_out"}> : () -> ()
            %rem3A_311 = arith.constant 2 : i32
            %rem3A_312 = arith.remui %while3A_161, %rem3A_311 : i32
            %mul3A_313 = arith.constant 128 : i32
            %mul3A_314 = arith.muli %mul3A_313, %add3A_171 : i32
            %eq3A_315 = arith.constant 97 : i32
            %eq3A_316 = arith.cmpi eq, %add3A_171, %eq3A_315 : i32
            %jit3A_317 = arith.constant 88 : i32
            %jit3A_318 = arith.constant 128 : i32
            %select_n3A_319 = arith.select %eq3A_316, %jit3A_317, %jit3A_318 : i32
            %multiple_of3A_320 = tpu.assume_multiple %select_n3A_319, 8 : i32
            %mul3A_321 = arith.constant 128 : i32
            %mul3A_322 = arith.muli %add3A_171, %mul3A_321 : i32
            %dma_start3A_323 = arith.constant 0 : i32
            %dma_start3A_324 = arith.constant 0 : i32
            %dma_start3A_325 = tpu.memref_slice %run_scoped3A_27[%rem3A_312, %dma_start3A_323, %dma_start3A_324] <%multiple_of3A_320> : memref<2x128x128xf32, #tpu.memory_space<vmem>> -> memref<1x?x128xf32, #tpu.memory_space<vmem>>
            %dma_start3A_326 = tpu.memref_squeeze %dma_start3A_325 : memref<1x?x128xf32, #tpu.memory_space<vmem>> -> memref<?x128xf32, #tpu.memory_space<vmem>>
            %dma_start3A_327 = arith.constant 0 : i32
            %dma_start3A_328 = tpu.memref_slice %arg5[%mul3A_322, %dma_start3A_327] <%multiple_of3A_320> : memref<12500x128xf32, #tpu.memory_space<hbm>> -> memref<?x128xf32, #tpu.memory_space<hbm>>
            %dma_start3A_329 = tpu.memref_slice %run_scoped3A_28[%rem3A_312] : memref<2x!tpu.dma_semaphore, #tpu.memory_space<semaphore_mem>> -> memref<1x!tpu.dma_semaphore, #tpu.memory_space<semaphore_mem>>
            %dma_start3A_330 = tpu.memref_squeeze %dma_start3A_329 : memref<1x!tpu.dma_semaphore, #tpu.memory_space<semaphore_mem>> -> memref<!tpu.dma_semaphore, #tpu.memory_space<semaphore_mem>>
            %dma_start3A_331 = arith.constant 0 : i32
            %dma_start3A_332 = tpu.memref_slice %arg5[%mul3A_322, %dma_start3A_331] <%multiple_of3A_320> : memref<12500x128xf32, #tpu.memory_space<hbm>> -> memref<?x128xf32, #tpu.memory_space<hbm>>
            %dma_start3A_333 = arith.constant 0 : i32
            %dma_start3A_334 = arith.constant 0 : i32
            %dma_start3A_335 = tpu.memref_slice %run_scoped3A_27[%rem3A_312, %dma_start3A_333, %dma_start3A_334] <%multiple_of3A_320> : memref<2x128x128xf32, #tpu.memory_space<vmem>> -> memref<1x?x128xf32, #tpu.memory_space<vmem>>
            %dma_start3A_336 = tpu.memref_squeeze %dma_start3A_335 : memref<1x?x128xf32, #tpu.memory_space<vmem>> -> memref<?x128xf32, #tpu.memory_space<vmem>>
            tpu.enqueue_dma source(%dma_start3A_336 : memref<?x128xf32, #tpu.memory_space<vmem>>) target(%dma_start3A_332 : memref<?x128xf32, #tpu.memory_space<hbm>>) target_semaphore(%dma_start3A_330 : memref<!tpu.dma_semaphore, #tpu.memory_space<semaphore_mem>>)
            "tpu.trace_stop"() : () -> ()
          } else {
          }
          %and3A_265 = arith.constant true
          %and3A_266 = arith.andi %or3A_261, %and3A_265 : i1
          %add3A_267 = arith.constant 1 : i32
          %add3A_268 = arith.addi %while3A_161, %add3A_267 : i32
          %select_n3A_269 = arith.select %and3A_266, %add3A_268, %while3A_161 : i32
          %ne3A_270 = arith.cmpi ne, %add3A_171, %add3A_181 : i32
          %or3A_271 = arith.constant false
          %or3A_272 = arith.ori %or3A_271, %ne3A_270 : i1
          %not3A_273 = arith.constant true
          %not3A_274 = arith.xori %eq3A_167, %not3A_273 : i1
          %and3A_275 = arith.andi %or3A_272, %not3A_274 : i1
          %convert_element_type3A_276 = arith.extui %and3A_275 : i1 to i32
          %cond3A_277 = arith.constant 0 : i32
          %cond3A_278 = arith.cmpi ne, %convert_element_type3A_276, %cond3A_277 : i32
          scf.if %cond3A_278 {
          } else {
          }
          %and3A_279 = arith.constant false
          %and3A_280 = arith.andi %and3A_275, %and3A_279 : i1
          %ne3A_281 = arith.cmpi ne, %add3A_171, %add3A_181 : i32
          %or3A_282 = arith.constant false
          %or3A_283 = arith.ori %or3A_282, %ne3A_281 : i1
          %or3A_284 = arith.constant false
          %or3A_285 = arith.ori %or3A_283, %or3A_284 : i1
          %not3A_286 = arith.constant true
          %not3A_287 = arith.xori %eq3A_167, %not3A_286 : i1
          %and3A_288 = arith.andi %or3A_285, %not3A_287 : i1
          %convert_element_type3A_289 = arith.extui %and3A_288 : i1 to i32
          %cond3A_290 = arith.constant 0 : i32
          %cond3A_291 = arith.cmpi ne, %convert_element_type3A_289, %cond3A_290 : i32
          scf.if %cond3A_291 {
            "tpu.trace_start"() <{level = 10 : i32, message = "ep_wait_out"}> : () -> ()
            %rem3A_311 = arith.constant 2 : i32
            %rem3A_312 = arith.remui %while3A_162, %rem3A_311 : i32
            %mul3A_313 = arith.constant 128 : i32
            %mul3A_314 = arith.muli %mul3A_313, %add3A_181 : i32
            %eq3A_315 = arith.constant 97 : i32
            %eq3A_316 = arith.cmpi eq, %add3A_181, %eq3A_315 : i32
            %jit3A_317 = arith.constant 88 : i32
            %jit3A_318 = arith.constant 128 : i32
            %select_n3A_319 = arith.select %eq3A_316, %jit3A_317, %jit3A_318 : i32
            %multiple_of3A_320 = tpu.assume_multiple %select_n3A_319, 8 : i32
            %mul3A_321 = arith.constant 128 : i32
            %mul3A_322 = arith.muli %add3A_181, %mul3A_321 : i32
            %dma_wait3A = arith.constant 0 : i32
            %dma_wait3A_323 = arith.constant 0 : i32
            %dma_wait3A_324 = tpu.memref_slice %run_scoped3A_27[%rem3A_312, %dma_wait3A, %dma_wait3A_323] <%multiple_of3A_320> : memref<2x128x128xf32, #tpu.memory_space<vmem>> -> memref<1x?x128xf32, #tpu.memory_space<vmem>>
            %dma_wait3A_325 = tpu.memref_squeeze %dma_wait3A_324 : memref<1x?x128xf32, #tpu.memory_space<vmem>> -> memref<?x128xf32, #tpu.memory_space<vmem>>
            %dma_wait3A_326 = arith.constant 0 : i32
            %dma_wait3A_327 = tpu.memref_slice %arg5[%mul3A_322, %dma_wait3A_326] <%multiple_of3A_320> : memref<12500x128xf32, #tpu.memory_space<hbm>> -> memref<?x128xf32, #tpu.memory_space<hbm>>
            %dma_wait3A_328 = tpu.memref_slice %run_scoped3A_28[%rem3A_312] : memref<2x!tpu.dma_semaphore, #tpu.memory_space<semaphore_mem>> -> memref<1x!tpu.dma_semaphore, #tpu.memory_space<semaphore_mem>>
            %dma_wait3A_329 = tpu.memref_squeeze %dma_wait3A_328 : memref<1x!tpu.dma_semaphore, #tpu.memory_space<semaphore_mem>> -> memref<!tpu.dma_semaphore, #tpu.memory_space<semaphore_mem>>
            %dma_wait3A_330 = arith.constant 0 : i32
            %dma_wait3A_331 = tpu.memref_slice %arg5[%mul3A_322, %dma_wait3A_330] <%multiple_of3A_320> : memref<12500x128xf32, #tpu.memory_space<hbm>> -> memref<?x128xf32, #tpu.memory_space<hbm>>
            %dma_wait3A_332 = arith.constant 0 : i32
            %dma_wait3A_333 = arith.constant 0 : i32
            %dma_wait3A_334 = tpu.memref_slice %run_scoped3A_27[%rem3A_312, %dma_wait3A_332, %dma_wait3A_333] <%multiple_of3A_320> : memref<2x128x128xf32, #tpu.memory_space<vmem>> -> memref<1x?x128xf32, #tpu.memory_space<vmem>>
            %dma_wait3A_335 = tpu.memref_squeeze %dma_wait3A_334 : memref<1x?x128xf32, #tpu.memory_space<vmem>> -> memref<?x128xf32, #tpu.memory_space<vmem>>
            tpu.wait_dma2 semaphore(%dma_wait3A_329 : memref<!tpu.dma_semaphore, #tpu.memory_space<semaphore_mem>>) src(%dma_wait3A_335 : memref<?x128xf32, #tpu.memory_space<vmem>>) dst(%dma_wait3A_331 : memref<?x128xf32, #tpu.memory_space<hbm>>)
            "tpu.trace_stop"() : () -> ()
          } else {
          }
          %and3A_292 = arith.constant true
          %and3A_293 = arith.andi %and3A_288, %and3A_292 : i1
          %add3A_294 = arith.constant 1 : i32
          %add3A_295 = arith.addi %while3A_162, %add3A_294 : i32
          %select_n3A_296 = arith.select %and3A_293, %add3A_295, %while3A_162 : i32
          %ne3A_297 = arith.cmpi ne, %add3A_171, %add3A_189 : i32
          %or3A_298 = arith.constant false
          %or3A_299 = arith.ori %or3A_298, %ne3A_297 : i1
          %or3A_300 = arith.ori %or3A_299, %eq3A_170 : i1
          %add3A_301 = arith.constant 1 : i32
          %add3A_302 = arith.addi %while3A_160, %add3A_301 : i32
          %select_n3A_303 = arith.select %or3A_300, %add3A_302, %while3A_160 : i32
          %add3A_304 = arith.constant 1 : i32
          %add3A_305 = arith.addi %while3A_163, %add3A_304 : i32
          %select_n3A_306 = arith.constant true
          %select_n3A_307 = arith.select %select_n3A_306, %add3A_305, %while3A_163 : i32
          %eq3A_308 = arith.cmpi eq, %select_n3A_307, %select_n3A : i32
          %select_n3A_309 = arith.constant 0 : i32
          %select_n3A_310 = arith.select %eq3A_308, %select_n3A_309, %select_n3A_307 : i32
          scf.yield %select_n3A_211, %select_n3A_303, %select_n3A_269, %select_n3A_296, %select_n3A_310 : i32, i32, i32, i32, i32
        }
        %sub3A_107 = arith.constant 1 : i32
        %sub3A_108 = arith.subi %while3A_106#4, %sub3A_107 : i32
        %select_n3A_109 = arith.constant true
        %select_n3A_110 = arith.select %select_n3A_109, %sub3A_108, %while3A_106#4 : i32
        %eq3A_111 = arith.constant -1 : i32
        %eq3A_112 = arith.cmpi eq, %select_n3A_110, %eq3A_111 : i32
        %sub3A_113 = arith.constant 1 : i32
        %sub3A_114 = arith.subi %select_n3A, %sub3A_113 : i32
        %select_n3A_115 = arith.select %eq3A_112, %sub3A_114, %select_n3A_110 : i32
        %sub3A_116 = arith.constant 1 : i32
        %sub3A_117 = arith.subi %mul3A_25, %sub3A_116 : i32
        %mul3A_118 = arith.constant 1 : i32
        %mul3A_119 = arith.muli %mul3A_118, %select_n3A : i32
        %eq3A_120 = arith.constant 0 : i32
        %eq3A_121 = arith.cmpi eq, %sub3A_117, %eq3A_120 : i32
        %sub3A_122 = arith.constant 1 : i32
        %sub3A_123 = arith.subi %mul3A_119, %sub3A_122 : i32
        %eq3A_124 = arith.cmpi eq, %sub3A_117, %sub3A_123 : i32
        %add3A_125 = arith.addi %select_n3A_115, %select_n3A_23 : i32
        %sub3A_126 = arith.constant 1 : i32
        %sub3A_127 = arith.subi %select_n3A_115, %sub3A_126 : i32
        %select_n3A_128 = arith.constant true
        %select_n3A_129 = arith.select %select_n3A_128, %sub3A_127, %select_n3A_115 : i32
        %eq3A_130 = arith.constant -1 : i32
        %eq3A_131 = arith.cmpi eq, %select_n3A_129, %eq3A_130 : i32
        %sub3A_132 = arith.constant 1 : i32
        %sub3A_133 = arith.subi %select_n3A, %sub3A_132 : i32
        %select_n3A_134 = arith.select %eq3A_131, %sub3A_133, %select_n3A_129 : i32
        %add3A_135 = arith.addi %select_n3A_134, %select_n3A_23 : i32
        %add3A_136 = arith.constant 1 : i32
        %add3A_137 = arith.addi %select_n3A_115, %add3A_136 : i32
        %select_n3A_138 = arith.constant true
        %select_n3A_139 = arith.select %select_n3A_138, %add3A_137, %select_n3A_115 : i32
        %eq3A_140 = arith.cmpi eq, %select_n3A_139, %select_n3A : i32
        %select_n3A_141 = arith.constant 0 : i32
        %select_n3A_142 = arith.select %eq3A_140, %select_n3A_141, %select_n3A_139 : i32
        %add3A_143 = arith.addi %select_n3A_142, %select_n3A_23 : i32
        %add3A_144 = arith.constant 1 : i32
        %add3A_145 = arith.addi %select_n3A_142, %add3A_144 : i32
        %select_n3A_146 = arith.constant true
        %select_n3A_147 = arith.select %select_n3A_146, %add3A_145, %select_n3A_142 : i32
        %eq3A_148 = arith.cmpi eq, %select_n3A_147, %select_n3A : i32
        %select_n3A_149 = arith.constant 0 : i32
        %select_n3A_150 = arith.select %eq3A_148, %select_n3A_149, %select_n3A_147 : i32
        %add3A_151 = arith.addi %select_n3A_150, %select_n3A_23 : i32
        %convert_element_type3A_152 = arith.extui %eq3A_124 : i1 to i32
        %cond3A_153 = arith.constant 0 : i32
        %cond3A_154 = arith.cmpi ne, %convert_element_type3A_152, %cond3A_153 : i32
        scf.if %cond3A_154 {
        } else {
        }
        %convert_element_type3A_155 = arith.extui %eq3A_124 : i1 to i32
        %cond3A_156 = arith.constant 0 : i32
        %cond3A_157 = arith.cmpi ne, %convert_element_type3A_155, %cond3A_156 : i32
        scf.if %cond3A_157 {
          "tpu.trace_start"() <{level = 10 : i32, message = "ep_finalize"}> : () -> ()
          %rem3A_158 = arith.constant 2 : i32
          %rem3A_159 = arith.remui %while3A_106#3, %rem3A_158 : i32
          %mul3A_160 = arith.constant 128 : i32
          %mul3A_161 = arith.muli %mul3A_160, %add3A_125 : i32
          %eq3A_162 = arith.constant 97 : i32
          %eq3A_163 = arith.cmpi eq, %add3A_125, %eq3A_162 : i32
          %jit3A_164 = arith.constant 88 : i32
          %jit3A_165 = arith.constant 128 : i32
          %select_n3A_166 = arith.select %eq3A_163, %jit3A_164, %jit3A_165 : i32
          %multiple_of3A_167 = tpu.assume_multiple %select_n3A_166, 8 : i32
          %mul3A_168 = arith.constant 128 : i32
          %mul3A_169 = arith.muli %add3A_125, %mul3A_168 : i32
          %dma_wait3A = arith.constant 0 : i32
          %dma_wait3A_170 = arith.constant 0 : i32
          %dma_wait3A_171 = tpu.memref_slice %run_scoped3A_27[%rem3A_159, %dma_wait3A, %dma_wait3A_170] <%multiple_of3A_167> : memref<2x128x128xf32, #tpu.memory_space<vmem>> -> memref<1x?x128xf32, #tpu.memory_space<vmem>>
          %dma_wait3A_172 = tpu.memref_squeeze %dma_wait3A_171 : memref<1x?x128xf32, #tpu.memory_space<vmem>> -> memref<?x128xf32, #tpu.memory_space<vmem>>
          %dma_wait3A_173 = arith.constant 0 : i32
          %dma_wait3A_174 = tpu.memref_slice %arg5[%mul3A_169, %dma_wait3A_173] <%multiple_of3A_167> : memref<12500x128xf32, #tpu.memory_space<hbm>> -> memref<?x128xf32, #tpu.memory_space<hbm>>
          %dma_wait3A_175 = tpu.memref_slice %run_scoped3A_28[%rem3A_159] : memref<2x!tpu.dma_semaphore, #tpu.memory_space<semaphore_mem>> -> memref<1x!tpu.dma_semaphore, #tpu.memory_space<semaphore_mem>>
          %dma_wait3A_176 = tpu.memref_squeeze %dma_wait3A_175 : memref<1x!tpu.dma_semaphore, #tpu.memory_space<semaphore_mem>> -> memref<!tpu.dma_semaphore, #tpu.memory_space<semaphore_mem>>
          %dma_wait3A_177 = arith.constant 0 : i32
          %dma_wait3A_178 = tpu.memref_slice %arg5[%mul3A_169, %dma_wait3A_177] <%multiple_of3A_167> : memref<12500x128xf32, #tpu.memory_space<hbm>> -> memref<?x128xf32, #tpu.memory_space<hbm>>
          %dma_wait3A_179 = arith.constant 0 : i32
          %dma_wait3A_180 = arith.constant 0 : i32
          %dma_wait3A_181 = tpu.memref_slice %run_scoped3A_27[%rem3A_159, %dma_wait3A_179, %dma_wait3A_180] <%multiple_of3A_167> : memref<2x128x128xf32, #tpu.memory_space<vmem>> -> memref<1x?x128xf32, #tpu.memory_space<vmem>>
          %dma_wait3A_182 = tpu.memref_squeeze %dma_wait3A_181 : memref<1x?x128xf32, #tpu.memory_space<vmem>> -> memref<?x128xf32, #tpu.memory_space<vmem>>
          tpu.wait_dma2 semaphore(%dma_wait3A_176 : memref<!tpu.dma_semaphore, #tpu.memory_space<semaphore_mem>>) src(%dma_wait3A_182 : memref<?x128xf32, #tpu.memory_space<vmem>>) dst(%dma_wait3A_178 : memref<?x128xf32, #tpu.memory_space<hbm>>)
          "tpu.trace_stop"() : () -> ()
        } else {
        }
      } else {
      }
      tpu.yield
    }) : () -> ()
    return
  }
}

#map = affine_map<(d0, d1) -> (0, 0)>
module attributes {stable_mosaic.version = 14 : i64} {
  func.func @gather_kernel(%arg0: i32, %arg1: i32, %arg2: memref<69632x128xf32, #tpu.memory_space<hbm>>, %arg3: memref<1x16384xi32, #tpu.memory_space<hbm>>, %arg4: memref<55368x128xf32, #tpu.memory_space<hbm>>, %arg5: memref<1x16384xi32, #tpu.memory_space<hbm>>, %arg6: memref<12500x128xf32, #tpu.memory_space<hbm>>, %arg7: memref<1x16384xi32, #tpu.memory_space<hbm>>, %arg8: memref<16384x128xf32, #tpu.memory_space<hbm>>, %arg9: memref<16384x128xf32, #tpu.memory_space<hbm>>, %arg10: memref<16384x128xf32, #tpu.memory_space<hbm>>) attributes {dimension_semantics = [#tpu.dimension_semantics<core_parallel>, #tpu.dimension_semantics<subcore_parallel>], iteration_bounds = array<i64: 2, 16>, scalar_prefetch = 0 : i64, scratch_operands = 0 : i64, tpu.core_type = #tpu.core_type<sc_vector_subcore>, window_params = [{transform_indices = #map}, {transform_indices = #map}, {transform_indices = #map}, {transform_indices = #map}, {transform_indices = #map}, {transform_indices = #map}, {transform_indices = #map}, {transform_indices = #map}, {transform_indices = #map}]} {
    %mul3A = arith.constant 1 : i32
    %mul3A_0 = arith.muli %arg1, %mul3A : i32
    %add3A = arith.constant 0 : i32
    %add3A_1 = arith.addi %add3A, %mul3A_0 : i32
    %mul3A_2 = arith.constant 16 : i32
    %mul3A_3 = arith.muli %arg0, %mul3A_2 : i32
    %add3A_4 = arith.addi %add3A_1, %mul3A_3 : i32
    %mul3A_5 = arith.constant 4 : i32
    %mul3A_6 = arith.muli %add3A_4, %mul3A_5 : i32
    "tpu.region"() ({
      %run_scoped3A = memref.alloca() : memref<2x1x128xi32, #tpu.memory_space<vmem>>
      %run_scoped3A_25 = tpu.sem_alloc : memref<2x!tpu.dma_semaphore, #tpu.memory_space<semaphore_mem>>
      %run_scoped3A_26 = memref.alloca() : memref<2x128x128xf32, #tpu.memory_space<vmem>>
      %run_scoped3A_27 = tpu.sem_alloc : memref<2x!tpu.dma_semaphore, #tpu.memory_space<semaphore_mem>>
      %add3A_28 = arith.constant 0 : i32
      %add3A_29 = arith.addi %add3A_28, %mul3A_6 : i32
      %select_n3A = arith.constant true
      %select_n3A_30 = arith.constant 0 : i32
      %select_n3A_31 = arith.constant -1 : i32
      %select_n3A_32 = arith.select %select_n3A, %select_n3A_31, %select_n3A_30 : i32
      %eq3A = arith.constant -1 : i32
      %eq3A_33 = arith.cmpi eq, %select_n3A_32, %eq3A : i32
      %select_n3A_34 = arith.constant 3 : i32
      %select_n3A_35 = arith.select %eq3A_33, %select_n3A_34, %select_n3A_32 : i32
      %add3A_36 = arith.addi %select_n3A_35, %mul3A_6 : i32
      %select_n3A_37 = arith.constant true
      %select_n3A_38 = arith.constant 0 : i32
      %select_n3A_39 = arith.constant 1 : i32
      %select_n3A_40 = arith.select %select_n3A_37, %select_n3A_39, %select_n3A_38 : i32
      %eq3A_41 = arith.constant 4 : i32
      %eq3A_42 = arith.cmpi eq, %select_n3A_40, %eq3A_41 : i32
      %select_n3A_43 = arith.constant 0 : i32
      %select_n3A_44 = arith.select %eq3A_42, %select_n3A_43, %select_n3A_40 : i32
      %add3A_45 = arith.addi %select_n3A_44, %mul3A_6 : i32
      %add3A_46 = arith.constant 1 : i32
      %add3A_47 = arith.addi %select_n3A_44, %add3A_46 : i32
      %select_n3A_48 = arith.constant true
      %select_n3A_49 = arith.select %select_n3A_48, %add3A_47, %select_n3A_44 : i32
      %eq3A_50 = arith.constant 4 : i32
      %eq3A_51 = arith.cmpi eq, %select_n3A_49, %eq3A_50 : i32
      %select_n3A_52 = arith.constant 0 : i32
      %select_n3A_53 = arith.select %eq3A_51, %select_n3A_52, %select_n3A_49 : i32
      %add3A_54 = arith.addi %select_n3A_53, %mul3A_6 : i32
      "tpu.trace_start"() <{level = 10 : i32, message = "ep_initialize_0"}> : () -> ()
      %rem3A = arith.constant 0 : i32
      %rem3A_55 = arith.constant 2 : i32
      %rem3A_56 = arith.remui %rem3A, %rem3A_55 : i32
      %mul3A_57 = arith.constant 128 : i32
      %mul3A_58 = arith.muli %mul3A_57, %add3A_29 : i32
      %dma_start3A = arith.constant 0 : i32
      %dma_start3A_59 = arith.constant 0 : i32
      %dma_start3A_60 = tpu.memref_slice %run_scoped3A[%rem3A_56, %dma_start3A, %dma_start3A_59] : memref<2x1x128xi32, #tpu.memory_space<vmem>> -> memref<1x1x128xi32, #tpu.memory_space<vmem>>
      %dma_start3A_61 = tpu.memref_squeeze %dma_start3A_60 : memref<1x1x128xi32, #tpu.memory_space<vmem>> -> memref<1x128xi32, #tpu.memory_space<vmem>>
      %dma_start3A_62 = arith.constant 0 : i32
      %dma_start3A_63 = tpu.memref_slice %arg3[%dma_start3A_62, %mul3A_58] : memref<1x16384xi32, #tpu.memory_space<hbm>> -> memref<1x128xi32, #tpu.memory_space<hbm>>
      %dma_start3A_64 = tpu.memref_slice %run_scoped3A_25[%rem3A_56] : memref<2x!tpu.dma_semaphore, #tpu.memory_space<semaphore_mem>> -> memref<1x!tpu.dma_semaphore, #tpu.memory_space<semaphore_mem>>
      %dma_start3A_65 = tpu.memref_squeeze %dma_start3A_64 : memref<1x!tpu.dma_semaphore, #tpu.memory_space<semaphore_mem>> -> memref<!tpu.dma_semaphore, #tpu.memory_space<semaphore_mem>>
      %dma_start3A_66 = arith.constant 0 : i32
      %dma_start3A_67 = arith.constant 0 : i32
      %dma_start3A_68 = tpu.memref_slice %run_scoped3A[%rem3A_56, %dma_start3A_66, %dma_start3A_67] : memref<2x1x128xi32, #tpu.memory_space<vmem>> -> memref<1x1x128xi32, #tpu.memory_space<vmem>>
      %dma_start3A_69 = tpu.memref_squeeze %dma_start3A_68 : memref<1x1x128xi32, #tpu.memory_space<vmem>> -> memref<1x128xi32, #tpu.memory_space<vmem>>
      %dma_start3A_70 = arith.constant 0 : i32
      %dma_start3A_71 = tpu.memref_slice %arg3[%dma_start3A_70, %mul3A_58] : memref<1x16384xi32, #tpu.memory_space<hbm>> -> memref<1x128xi32, #tpu.memory_space<hbm>>
      tpu.enqueue_dma source(%dma_start3A_71 : memref<1x128xi32, #tpu.memory_space<hbm>>) target(%dma_start3A_69 : memref<1x128xi32, #tpu.memory_space<vmem>>) target_semaphore(%dma_start3A_65 : memref<!tpu.dma_semaphore, #tpu.memory_space<semaphore_mem>>)
      %add3A_72 = arith.constant 0 : i32
      %add3A_73 = arith.constant 1 : i32
      %add3A_74 = arith.addi %add3A_72, %add3A_73 : i32
      %select_n3A_75 = arith.constant true
      %select_n3A_76 = arith.constant 0 : i32
      %select_n3A_77 = arith.select %select_n3A_75, %add3A_74, %select_n3A_76 : i32
      "tpu.trace_stop"() : () -> ()
      %scan3A = arith.constant 0 : i32
      %scan3A_78 = arith.constant 0 : i32
      %scan3A_79 = arith.constant 0 : i32
      %scan3A_80 = arith.constant 0 : i32
      %scan3A_81 = arith.constant 0 : i32
      %scan3A_82 = arith.constant 4 : i32
      %scan3A_83 = arith.addi %scan3A_81, %scan3A_82 : i32
      %scan3A_84 = arith.constant 1 : i32
      %scan3A_85:5 = scf.for %scan3A_139 = %scan3A_81 to %scan3A_83 step %scan3A_84 iter_args(%scan3A_140 = %select_n3A_77, %scan3A_141 = %scan3A, %scan3A_142 = %scan3A_78, %scan3A_143 = %scan3A_79, %scan3A_144 = %scan3A_80) -> (i32, i32, i32, i32, i32)  : i32 {
        %eq3A_145 = arith.constant 0 : i32
        %eq3A_146 = arith.cmpi eq, %scan3A_139, %eq3A_145 : i32
        %eq3A_147 = arith.constant 3 : i32
        %eq3A_148 = arith.cmpi eq, %scan3A_139, %eq3A_147 : i32
        %add3A_149 = arith.addi %scan3A_144, %mul3A_6 : i32
        %sub3A_150 = arith.constant 1 : i32
        %sub3A_151 = arith.subi %scan3A_144, %sub3A_150 : i32
        %select_n3A_152 = arith.constant true
        %select_n3A_153 = arith.select %select_n3A_152, %sub3A_151, %scan3A_144 : i32
        %eq3A_154 = arith.constant -1 : i32
        %eq3A_155 = arith.cmpi eq, %select_n3A_153, %eq3A_154 : i32
        %select_n3A_156 = arith.constant 3 : i32
        %select_n3A_157 = arith.select %eq3A_155, %select_n3A_156, %select_n3A_153 : i32
        %add3A_158 = arith.addi %select_n3A_157, %mul3A_6 : i32
        %add3A_159 = arith.constant 1 : i32
        %add3A_160 = arith.addi %scan3A_144, %add3A_159 : i32
        %select_n3A_161 = arith.constant true
        %select_n3A_162 = arith.select %select_n3A_161, %add3A_160, %scan3A_144 : i32
        %eq3A_163 = arith.constant 4 : i32
        %eq3A_164 = arith.cmpi eq, %select_n3A_162, %eq3A_163 : i32
        %select_n3A_165 = arith.constant 0 : i32
        %select_n3A_166 = arith.select %eq3A_164, %select_n3A_165, %select_n3A_162 : i32
        %add3A_167 = arith.addi %select_n3A_166, %mul3A_6 : i32
        %add3A_168 = arith.constant 1 : i32
        %add3A_169 = arith.addi %select_n3A_166, %add3A_168 : i32
        %select_n3A_170 = arith.constant true
        %select_n3A_171 = arith.select %select_n3A_170, %add3A_169, %select_n3A_166 : i32
        %eq3A_172 = arith.constant 4 : i32
        %eq3A_173 = arith.cmpi eq, %select_n3A_171, %eq3A_172 : i32
        %select_n3A_174 = arith.constant 0 : i32
        %select_n3A_175 = arith.select %eq3A_173, %select_n3A_174, %select_n3A_171 : i32
        %add3A_176 = arith.addi %select_n3A_175, %mul3A_6 : i32
        %ne3A = arith.cmpi ne, %add3A_149, %add3A_167 : i32
        %or3A = arith.constant false
        %or3A_177 = arith.ori %or3A, %ne3A : i1
        %ge3A = arith.constant 3 : i32
        %ge3A_178 = arith.cmpi sge, %scan3A_139, %ge3A : i32
        %not3A = arith.constant true
        %not3A_179 = arith.xori %ge3A_178, %not3A : i1
        %and3A = arith.andi %or3A_177, %not3A_179 : i1
        %convert_element_type3A = arith.extui %and3A : i1 to i32
        %cond3A = arith.constant 0 : i32
        %cond3A_180 = arith.cmpi ne, %convert_element_type3A, %cond3A : i32
        scf.if %cond3A_180 {
          "tpu.trace_start"() <{level = 10 : i32, message = "ep_copy_in"}> : () -> ()
          %rem3A_282 = arith.constant 2 : i32
          %rem3A_283 = arith.remui %scan3A_140, %rem3A_282 : i32
          %mul3A_284 = arith.constant 128 : i32
          %mul3A_285 = arith.muli %mul3A_284, %add3A_167 : i32
          %dma_start3A_286 = arith.constant 0 : i32
          %dma_start3A_287 = arith.constant 0 : i32
          %dma_start3A_288 = tpu.memref_slice %run_scoped3A[%rem3A_283, %dma_start3A_286, %dma_start3A_287] : memref<2x1x128xi32, #tpu.memory_space<vmem>> -> memref<1x1x128xi32, #tpu.memory_space<vmem>>
          %dma_start3A_289 = tpu.memref_squeeze %dma_start3A_288 : memref<1x1x128xi32, #tpu.memory_space<vmem>> -> memref<1x128xi32, #tpu.memory_space<vmem>>
          %dma_start3A_290 = arith.constant 0 : i32
          %dma_start3A_291 = tpu.memref_slice %arg3[%dma_start3A_290, %mul3A_285] : memref<1x16384xi32, #tpu.memory_space<hbm>> -> memref<1x128xi32, #tpu.memory_space<hbm>>
          %dma_start3A_292 = tpu.memref_slice %run_scoped3A_25[%rem3A_283] : memref<2x!tpu.dma_semaphore, #tpu.memory_space<semaphore_mem>> -> memref<1x!tpu.dma_semaphore, #tpu.memory_space<semaphore_mem>>
          %dma_start3A_293 = tpu.memref_squeeze %dma_start3A_292 : memref<1x!tpu.dma_semaphore, #tpu.memory_space<semaphore_mem>> -> memref<!tpu.dma_semaphore, #tpu.memory_space<semaphore_mem>>
          %dma_start3A_294 = arith.constant 0 : i32
          %dma_start3A_295 = arith.constant 0 : i32
          %dma_start3A_296 = tpu.memref_slice %run_scoped3A[%rem3A_283, %dma_start3A_294, %dma_start3A_295] : memref<2x1x128xi32, #tpu.memory_space<vmem>> -> memref<1x1x128xi32, #tpu.memory_space<vmem>>
          %dma_start3A_297 = tpu.memref_squeeze %dma_start3A_296 : memref<1x1x128xi32, #tpu.memory_space<vmem>> -> memref<1x128xi32, #tpu.memory_space<vmem>>
          %dma_start3A_298 = arith.constant 0 : i32
          %dma_start3A_299 = tpu.memref_slice %arg3[%dma_start3A_298, %mul3A_285] : memref<1x16384xi32, #tpu.memory_space<hbm>> -> memref<1x128xi32, #tpu.memory_space<hbm>>
          tpu.enqueue_dma source(%dma_start3A_299 : memref<1x128xi32, #tpu.memory_space<hbm>>) target(%dma_start3A_297 : memref<1x128xi32, #tpu.memory_space<vmem>>) target_semaphore(%dma_start3A_293 : memref<!tpu.dma_semaphore, #tpu.memory_space<semaphore_mem>>)
          "tpu.trace_stop"() : () -> ()
        } else {
        }
        %and3A_181 = arith.constant true
        %and3A_182 = arith.andi %and3A, %and3A_181 : i1
        %add3A_183 = arith.constant 1 : i32
        %add3A_184 = arith.addi %scan3A_140, %add3A_183 : i32
        %select_n3A_185 = arith.select %and3A_182, %add3A_184, %scan3A_140 : i32
        %ne3A_186 = arith.cmpi ne, %add3A_149, %add3A_167 : i32
        %or3A_187 = arith.constant false
        %or3A_188 = arith.ori %or3A_187, %ne3A_186 : i1
        %or3A_189 = arith.constant false
        %or3A_190 = arith.ori %or3A_188, %or3A_189 : i1
        %ge3A_191 = arith.constant 3 : i32
        %ge3A_192 = arith.cmpi sge, %scan3A_139, %ge3A_191 : i32
        %not3A_193 = arith.constant true
        %not3A_194 = arith.xori %ge3A_192, %not3A_193 : i1
        %and3A_195 = arith.andi %or3A_190, %not3A_194 : i1
        %ne3A_196 = arith.cmpi ne, %add3A_149, %add3A_158 : i32
        %or3A_197 = arith.constant false
        %or3A_198 = arith.ori %or3A_197, %ne3A_196 : i1
        %or3A_199 = arith.ori %or3A_198, %eq3A_146 : i1
        %convert_element_type3A_200 = arith.extui %or3A_199 : i1 to i32
        %cond3A_201 = arith.constant 0 : i32
        %cond3A_202 = arith.cmpi ne, %convert_element_type3A_200, %cond3A_201 : i32
        scf.if %cond3A_202 {
          "tpu.trace_start"() <{level = 10 : i32, message = "ep_wait_in"}> : () -> ()
          %mul3A_282 = arith.constant 128 : i32
          %mul3A_283 = arith.muli %mul3A_282, %add3A_149 : i32
          %rem3A_284 = arith.constant 2 : i32
          %rem3A_285 = arith.remui %scan3A_141, %rem3A_284 : i32
          %dma_wait3A_286 = arith.constant 0 : i32
          %dma_wait3A_287 = arith.constant 0 : i32
          %dma_wait3A_288 = tpu.memref_slice %run_scoped3A[%rem3A_285, %dma_wait3A_286, %dma_wait3A_287] : memref<2x1x128xi32, #tpu.memory_space<vmem>> -> memref<1x1x128xi32, #tpu.memory_space<vmem>>
          %dma_wait3A_289 = tpu.memref_squeeze %dma_wait3A_288 : memref<1x1x128xi32, #tpu.memory_space<vmem>> -> memref<1x128xi32, #tpu.memory_space<vmem>>
          %dma_wait3A_290 = arith.constant 0 : i32
          %dma_wait3A_291 = tpu.memref_slice %arg3[%dma_wait3A_290, %mul3A_283] : memref<1x16384xi32, #tpu.memory_space<hbm>> -> memref<1x128xi32, #tpu.memory_space<hbm>>
          %dma_wait3A_292 = tpu.memref_slice %run_scoped3A_25[%rem3A_285] : memref<2x!tpu.dma_semaphore, #tpu.memory_space<semaphore_mem>> -> memref<1x!tpu.dma_semaphore, #tpu.memory_space<semaphore_mem>>
          %dma_wait3A_293 = tpu.memref_squeeze %dma_wait3A_292 : memref<1x!tpu.dma_semaphore, #tpu.memory_space<semaphore_mem>> -> memref<!tpu.dma_semaphore, #tpu.memory_space<semaphore_mem>>
          %dma_wait3A_294 = arith.constant 0 : i32
          %dma_wait3A_295 = arith.constant 0 : i32
          %dma_wait3A_296 = tpu.memref_slice %run_scoped3A[%rem3A_285, %dma_wait3A_294, %dma_wait3A_295] : memref<2x1x128xi32, #tpu.memory_space<vmem>> -> memref<1x1x128xi32, #tpu.memory_space<vmem>>
          %dma_wait3A_297 = tpu.memref_squeeze %dma_wait3A_296 : memref<1x1x128xi32, #tpu.memory_space<vmem>> -> memref<1x128xi32, #tpu.memory_space<vmem>>
          %dma_wait3A_298 = arith.constant 0 : i32
          %dma_wait3A_299 = tpu.memref_slice %arg3[%dma_wait3A_298, %mul3A_283] : memref<1x16384xi32, #tpu.memory_space<hbm>> -> memref<1x128xi32, #tpu.memory_space<hbm>>
          tpu.wait_dma2 semaphore(%dma_wait3A_293 : memref<!tpu.dma_semaphore, #tpu.memory_space<semaphore_mem>>) src(%dma_wait3A_299 : memref<1x128xi32, #tpu.memory_space<hbm>>) dst(%dma_wait3A_297 : memref<1x128xi32, #tpu.memory_space<vmem>>)
          "tpu.trace_stop"() : () -> ()
        } else {
        }
        %ne3A_203 = arith.cmpi ne, %add3A_149, %add3A_158 : i32
        %or3A_204 = arith.constant false
        %or3A_205 = arith.ori %or3A_204, %ne3A_203 : i1
        %or3A_206 = arith.constant false
        %or3A_207 = arith.ori %or3A_205, %or3A_206 : i1
        %or3A_208 = arith.ori %or3A_207, %eq3A_146 : i1
        %convert_element_type3A_209 = arith.extui %or3A_208 : i1 to i32
        %cond3A_210 = arith.constant 0 : i32
        %cond3A_211 = arith.cmpi ne, %convert_element_type3A_209, %cond3A_210 : i32
        scf.if %cond3A_211 {
        } else {
        }
        %rem3A_212 = arith.constant 2 : i32
        %rem3A_213 = arith.remui %scan3A_141, %rem3A_212 : i32
        %rem3A_214 = arith.constant 2 : i32
        %rem3A_215 = arith.remui %scan3A_142, %rem3A_214 : i32
        %run_scoped3A_216 = arith.constant 0 : i32
        "tpu.trace_start"() <{level = 10 : i32, message = "ep_run_kernel"}> : () -> ()
        "tpu.region"() ({
          %run_scoped3A_282 = tpu.sem_alloc : memref<!tpu.dma_semaphore, #tpu.memory_space<semaphore_mem>>
          %dma_start3A_283 = arith.constant 0 : i32
          %dma_start3A_284 = arith.constant 0 : i32
          %dma_start3A_285 = tpu.memref_slice %run_scoped3A_26[%rem3A_215, %dma_start3A_283, %dma_start3A_284] : memref<2x128x128xf32, #tpu.memory_space<vmem>> -> memref<1x128x128xf32, #tpu.memory_space<vmem>>
          %dma_start3A_286 = tpu.memref_squeeze %dma_start3A_285 : memref<1x128x128xf32, #tpu.memory_space<vmem>> -> memref<128x128xf32, #tpu.memory_space<vmem>>
          %dma_start3A_287 = arith.constant 0 : i32
          %dma_start3A_288 = arith.constant 0 : i32
          %dma_start3A_289 = tpu.memref_slice %run_scoped3A[%rem3A_213, %dma_start3A_287, %dma_start3A_288] : memref<2x1x128xi32, #tpu.memory_space<vmem>> -> memref<1x1x128xi32, #tpu.memory_space<vmem>>
          %dma_start3A_290 = tpu.memref_squeeze %dma_start3A_289 : memref<1x1x128xi32, #tpu.memory_space<vmem>> -> memref<1x128xi32, #tpu.memory_space<vmem>>
          %dma_start3A_291 = arith.constant 0 : i32
          %dma_start3A_292 = tpu.memref_slice %dma_start3A_290[%run_scoped3A_216, %dma_start3A_291] : memref<1x128xi32, #tpu.memory_space<vmem>> -> memref<1x128xi32, #tpu.memory_space<vmem>>
          %dma_start3A_293 = tpu.memref_squeeze %dma_start3A_292 : memref<1x128xi32, #tpu.memory_space<vmem>> -> memref<128xi32, #tpu.memory_space<vmem>>
          %dma_start3A_294 = arith.constant 0 : i32
          %dma_start3A_295 = arith.constant 0 : i32
          %dma_start3A_296 = tpu.memref_slice %arg2[%dma_start3A_294, %dma_start3A_295] : memref<69632x128xf32, #tpu.memory_space<hbm>> -> memref<69632x128xf32, #tpu.memory_space<hbm>>
          tpu.enqueue_indirect_dma source(%dma_start3A_296 : memref<69632x128xf32, #tpu.memory_space<hbm>>) target(%dma_start3A_286 : memref<128x128xf32, #tpu.memory_space<vmem>>) offsets(%dma_start3A_293 : memref<128xi32, #tpu.memory_space<vmem>>) semaphore(%run_scoped3A_282 : memref<!tpu.dma_semaphore, #tpu.memory_space<semaphore_mem>>)
          %dma_wait3A_297 = arith.constant 0 : i32
          %dma_wait3A_298 = arith.constant 0 : i32
          %dma_wait3A_299 = tpu.memref_slice %run_scoped3A_26[%rem3A_215, %dma_wait3A_297, %dma_wait3A_298] : memref<2x128x128xf32, #tpu.memory_space<vmem>> -> memref<1x128x128xf32, #tpu.memory_space<vmem>>
          %dma_wait3A_300 = tpu.memref_squeeze %dma_wait3A_299 : memref<1x128x128xf32, #tpu.memory_space<vmem>> -> memref<128x128xf32, #tpu.memory_space<vmem>>
          %dma_wait3A_301 = arith.constant 0 : i32
          %dma_wait3A_302 = arith.constant 0 : i32
          %dma_wait3A_303 = tpu.memref_slice %run_scoped3A[%rem3A_213, %dma_wait3A_301, %dma_wait3A_302] : memref<2x1x128xi32, #tpu.memory_space<vmem>> -> memref<1x1x128xi32, #tpu.memory_space<vmem>>
          %dma_wait3A_304 = tpu.memref_squeeze %dma_wait3A_303 : memref<1x1x128xi32, #tpu.memory_space<vmem>> -> memref<1x128xi32, #tpu.memory_space<vmem>>
          %dma_wait3A_305 = arith.constant 0 : i32
          %dma_wait3A_306 = tpu.memref_slice %dma_wait3A_304[%run_scoped3A_216, %dma_wait3A_305] : memref<1x128xi32, #tpu.memory_space<vmem>> -> memref<1x128xi32, #tpu.memory_space<vmem>>
          %dma_wait3A_307 = tpu.memref_squeeze %dma_wait3A_306 : memref<1x128xi32, #tpu.memory_space<vmem>> -> memref<128xi32, #tpu.memory_space<vmem>>
          %dma_wait3A_308 = arith.constant 0 : i32
          %dma_wait3A_309 = arith.constant 0 : i32
          %dma_wait3A_310 = tpu.memref_slice %arg2[%dma_wait3A_308, %dma_wait3A_309] : memref<69632x128xf32, #tpu.memory_space<hbm>> -> memref<69632x128xf32, #tpu.memory_space<hbm>>
          tpu.wait_indirect_dma semaphore(%run_scoped3A_282 : memref<!tpu.dma_semaphore, #tpu.memory_space<semaphore_mem>>) src(%dma_wait3A_310 : memref<69632x128xf32, #tpu.memory_space<hbm>>) dst(%dma_wait3A_300 : memref<128x128xf32, #tpu.memory_space<vmem>>)
          tpu.yield
        }) : () -> ()
        "tpu.trace_stop"() : () -> ()
        %ne3A_217 = arith.cmpi ne, %add3A_149, %add3A_167 : i32
        %or3A_218 = arith.constant false
        %or3A_219 = arith.ori %or3A_218, %ne3A_217 : i1
        %or3A_220 = arith.ori %or3A_219, %eq3A_148 : i1
        %convert_element_type3A_221 = arith.extui %or3A_220 : i1 to i32
        %cond3A_222 = arith.constant 0 : i32
        %cond3A_223 = arith.cmpi ne, %convert_element_type3A_221, %cond3A_222 : i32
        scf.if %cond3A_223 {
        } else {
        }
        %and3A_224 = arith.constant false
        %and3A_225 = arith.andi %or3A_220, %and3A_224 : i1
        %ne3A_226 = arith.cmpi ne, %add3A_149, %add3A_167 : i32
        %or3A_227 = arith.constant false
        %or3A_228 = arith.ori %or3A_227, %ne3A_226 : i1
        %or3A_229 = arith.constant false
        %or3A_230 = arith.ori %or3A_228, %or3A_229 : i1
        %or3A_231 = arith.ori %or3A_230, %eq3A_148 : i1
        %convert_element_type3A_232 = arith.extui %or3A_231 : i1 to i32
        %cond3A_233 = arith.constant 0 : i32
        %cond3A_234 = arith.cmpi ne, %convert_element_type3A_232, %cond3A_233 : i32
        scf.if %cond3A_234 {
          "tpu.trace_start"() <{level = 10 : i32, message = "ep_copy_out"}> : () -> ()
          %rem3A_282 = arith.constant 2 : i32
          %rem3A_283 = arith.remui %scan3A_142, %rem3A_282 : i32
          %mul3A_284 = arith.constant 128 : i32
          %mul3A_285 = arith.muli %mul3A_284, %add3A_149 : i32
          %dma_start3A_286 = arith.constant 0 : i32
          %dma_start3A_287 = arith.constant 0 : i32
          %dma_start3A_288 = tpu.memref_slice %run_scoped3A_26[%rem3A_283, %dma_start3A_286, %dma_start3A_287] : memref<2x128x128xf32, #tpu.memory_space<vmem>> -> memref<1x128x128xf32, #tpu.memory_space<vmem>>
          %dma_start3A_289 = tpu.memref_squeeze %dma_start3A_288 : memref<1x128x128xf32, #tpu.memory_space<vmem>> -> memref<128x128xf32, #tpu.memory_space<vmem>>
          %dma_start3A_290 = arith.constant 0 : i32
          %dma_start3A_291 = tpu.memref_slice %arg8[%mul3A_285, %dma_start3A_290] : memref<16384x128xf32, #tpu.memory_space<hbm>> -> memref<128x128xf32, #tpu.memory_space<hbm>>
          %dma_start3A_292 = tpu.memref_slice %run_scoped3A_27[%rem3A_283] : memref<2x!tpu.dma_semaphore, #tpu.memory_space<semaphore_mem>> -> memref<1x!tpu.dma_semaphore, #tpu.memory_space<semaphore_mem>>
          %dma_start3A_293 = tpu.memref_squeeze %dma_start3A_292 : memref<1x!tpu.dma_semaphore, #tpu.memory_space<semaphore_mem>> -> memref<!tpu.dma_semaphore, #tpu.memory_space<semaphore_mem>>
          %dma_start3A_294 = arith.constant 0 : i32
          %dma_start3A_295 = tpu.memref_slice %arg8[%mul3A_285, %dma_start3A_294] : memref<16384x128xf32, #tpu.memory_space<hbm>> -> memref<128x128xf32, #tpu.memory_space<hbm>>
          %dma_start3A_296 = arith.constant 0 : i32
          %dma_start3A_297 = arith.constant 0 : i32
          %dma_start3A_298 = tpu.memref_slice %run_scoped3A_26[%rem3A_283, %dma_start3A_296, %dma_start3A_297] : memref<2x128x128xf32, #tpu.memory_space<vmem>> -> memref<1x128x128xf32, #tpu.memory_space<vmem>>
          %dma_start3A_299 = tpu.memref_squeeze %dma_start3A_298 : memref<1x128x128xf32, #tpu.memory_space<vmem>> -> memref<128x128xf32, #tpu.memory_space<vmem>>
          tpu.enqueue_dma source(%dma_start3A_299 : memref<128x128xf32, #tpu.memory_space<vmem>>) target(%dma_start3A_295 : memref<128x128xf32, #tpu.memory_space<hbm>>) target_semaphore(%dma_start3A_293 : memref<!tpu.dma_semaphore, #tpu.memory_space<semaphore_mem>>)
          "tpu.trace_stop"() : () -> ()
        } else {
        }
        %and3A_235 = arith.constant true
        %and3A_236 = arith.andi %or3A_231, %and3A_235 : i1
        %add3A_237 = arith.constant 1 : i32
        %add3A_238 = arith.addi %scan3A_142, %add3A_237 : i32
        %select_n3A_239 = arith.select %and3A_236, %add3A_238, %scan3A_142 : i32
        %ne3A_240 = arith.cmpi ne, %add3A_149, %add3A_158 : i32
        %or3A_241 = arith.constant false
        %or3A_242 = arith.ori %or3A_241, %ne3A_240 : i1
        %not3A_243 = arith.constant true
        %not3A_244 = arith.xori %eq3A_146, %not3A_243 : i1
        %and3A_245 = arith.andi %or3A_242, %not3A_244 : i1
        %convert_element_type3A_246 = arith.extui %and3A_245 : i1 to i32
        %cond3A_247 = arith.constant 0 : i32
        %cond3A_248 = arith.cmpi ne, %convert_element_type3A_246, %cond3A_247 : i32
        scf.if %cond3A_248 {
        } else {
        }
        %and3A_249 = arith.constant false
        %and3A_250 = arith.andi %and3A_245, %and3A_249 : i1
        %ne3A_251 = arith.cmpi ne, %add3A_149, %add3A_158 : i32
        %or3A_252 = arith.constant false
        %or3A_253 = arith.ori %or3A_252, %ne3A_251 : i1
        %or3A_254 = arith.constant false
        %or3A_255 = arith.ori %or3A_253, %or3A_254 : i1
        %not3A_256 = arith.constant true
        %not3A_257 = arith.xori %eq3A_146, %not3A_256 : i1
        %and3A_258 = arith.andi %or3A_255, %not3A_257 : i1
        %convert_element_type3A_259 = arith.extui %and3A_258 : i1 to i32
        %cond3A_260 = arith.constant 0 : i32
        %cond3A_261 = arith.cmpi ne, %convert_element_type3A_259, %cond3A_260 : i32
        scf.if %cond3A_261 {
          "tpu.trace_start"() <{level = 10 : i32, message = "ep_wait_out"}> : () -> ()
          %rem3A_282 = arith.constant 2 : i32
          %rem3A_283 = arith.remui %scan3A_143, %rem3A_282 : i32
          %mul3A_284 = arith.constant 128 : i32
          %mul3A_285 = arith.muli %mul3A_284, %add3A_158 : i32
          %dma_wait3A_286 = arith.constant 0 : i32
          %dma_wait3A_287 = arith.constant 0 : i32
          %dma_wait3A_288 = tpu.memref_slice %run_scoped3A_26[%rem3A_283, %dma_wait3A_286, %dma_wait3A_287] : memref<2x128x128xf32, #tpu.memory_space<vmem>> -> memref<1x128x128xf32, #tpu.memory_space<vmem>>
          %dma_wait3A_289 = tpu.memref_squeeze %dma_wait3A_288 : memref<1x128x128xf32, #tpu.memory_space<vmem>> -> memref<128x128xf32, #tpu.memory_space<vmem>>
          %dma_wait3A_290 = arith.constant 0 : i32
          %dma_wait3A_291 = tpu.memref_slice %arg8[%mul3A_285, %dma_wait3A_290] : memref<16384x128xf32, #tpu.memory_space<hbm>> -> memref<128x128xf32, #tpu.memory_space<hbm>>
          %dma_wait3A_292 = tpu.memref_slice %run_scoped3A_27[%rem3A_283] : memref<2x!tpu.dma_semaphore, #tpu.memory_space<semaphore_mem>> -> memref<1x!tpu.dma_semaphore, #tpu.memory_space<semaphore_mem>>
          %dma_wait3A_293 = tpu.memref_squeeze %dma_wait3A_292 : memref<1x!tpu.dma_semaphore, #tpu.memory_space<semaphore_mem>> -> memref<!tpu.dma_semaphore, #tpu.memory_space<semaphore_mem>>
          %dma_wait3A_294 = arith.constant 0 : i32
          %dma_wait3A_295 = tpu.memref_slice %arg8[%mul3A_285, %dma_wait3A_294] : memref<16384x128xf32, #tpu.memory_space<hbm>> -> memref<128x128xf32, #tpu.memory_space<hbm>>
          %dma_wait3A_296 = arith.constant 0 : i32
          %dma_wait3A_297 = arith.constant 0 : i32
          %dma_wait3A_298 = tpu.memref_slice %run_scoped3A_26[%rem3A_283, %dma_wait3A_296, %dma_wait3A_297] : memref<2x128x128xf32, #tpu.memory_space<vmem>> -> memref<1x128x128xf32, #tpu.memory_space<vmem>>
          %dma_wait3A_299 = tpu.memref_squeeze %dma_wait3A_298 : memref<1x128x128xf32, #tpu.memory_space<vmem>> -> memref<128x128xf32, #tpu.memory_space<vmem>>
          tpu.wait_dma2 semaphore(%dma_wait3A_293 : memref<!tpu.dma_semaphore, #tpu.memory_space<semaphore_mem>>) src(%dma_wait3A_299 : memref<128x128xf32, #tpu.memory_space<vmem>>) dst(%dma_wait3A_295 : memref<128x128xf32, #tpu.memory_space<hbm>>)
          "tpu.trace_stop"() : () -> ()
        } else {
        }
        %and3A_262 = arith.constant true
        %and3A_263 = arith.andi %and3A_258, %and3A_262 : i1
        %add3A_264 = arith.constant 1 : i32
        %add3A_265 = arith.addi %scan3A_143, %add3A_264 : i32
        %select_n3A_266 = arith.select %and3A_263, %add3A_265, %scan3A_143 : i32
        %ne3A_267 = arith.cmpi ne, %add3A_149, %add3A_167 : i32
        %or3A_268 = arith.constant false
        %or3A_269 = arith.ori %or3A_268, %ne3A_267 : i1
        %or3A_270 = arith.ori %or3A_269, %eq3A_148 : i1
        %add3A_271 = arith.constant 1 : i32
        %add3A_272 = arith.addi %scan3A_141, %add3A_271 : i32
        %select_n3A_273 = arith.select %or3A_270, %add3A_272, %scan3A_141 : i32
        %add3A_274 = arith.constant 1 : i32
        %add3A_275 = arith.addi %scan3A_144, %add3A_274 : i32
        %select_n3A_276 = arith.constant true
        %select_n3A_277 = arith.select %select_n3A_276, %add3A_275, %scan3A_144 : i32
        %eq3A_278 = arith.constant 4 : i32
        %eq3A_279 = arith.cmpi eq, %select_n3A_277, %eq3A_278 : i32
        %select_n3A_280 = arith.constant 0 : i32
        %select_n3A_281 = arith.select %eq3A_279, %select_n3A_280, %select_n3A_277 : i32
        scf.yield %select_n3A_185, %select_n3A_273, %select_n3A_239, %select_n3A_266, %select_n3A_281 : i32, i32, i32, i32, i32
      }
      %scan3A_86 = arith.constant 4 : i32
      %sub3A = arith.constant 1 : i32
      %sub3A_87 = arith.subi %scan3A_85#4, %sub3A : i32
      %select_n3A_88 = arith.constant true
      %select_n3A_89 = arith.select %select_n3A_88, %sub3A_87, %scan3A_85#4 : i32
      %eq3A_90 = arith.constant -1 : i32
      %eq3A_91 = arith.cmpi eq, %select_n3A_89, %eq3A_90 : i32
      %select_n3A_92 = arith.constant 3 : i32
      %select_n3A_93 = arith.select %eq3A_91, %select_n3A_92, %select_n3A_89 : i32
      %add3A_94 = arith.addi %select_n3A_93, %mul3A_6 : i32
      %sub3A_95 = arith.constant 1 : i32
      %sub3A_96 = arith.subi %select_n3A_93, %sub3A_95 : i32
      %select_n3A_97 = arith.constant true
      %select_n3A_98 = arith.select %select_n3A_97, %sub3A_96, %select_n3A_93 : i32
      %eq3A_99 = arith.constant -1 : i32
      %eq3A_100 = arith.cmpi eq, %select_n3A_98, %eq3A_99 : i32
      %select_n3A_101 = arith.constant 3 : i32
      %select_n3A_102 = arith.select %eq3A_100, %select_n3A_101, %select_n3A_98 : i32
      %add3A_103 = arith.addi %select_n3A_102, %mul3A_6 : i32
      %add3A_104 = arith.constant 1 : i32
      %add3A_105 = arith.addi %select_n3A_93, %add3A_104 : i32
      %select_n3A_106 = arith.constant true
      %select_n3A_107 = arith.select %select_n3A_106, %add3A_105, %select_n3A_93 : i32
      %eq3A_108 = arith.constant 4 : i32
      %eq3A_109 = arith.cmpi eq, %select_n3A_107, %eq3A_108 : i32
      %select_n3A_110 = arith.constant 0 : i32
      %select_n3A_111 = arith.select %eq3A_109, %select_n3A_110, %select_n3A_107 : i32
      %add3A_112 = arith.addi %select_n3A_111, %mul3A_6 : i32
      %add3A_113 = arith.constant 1 : i32
      %add3A_114 = arith.addi %select_n3A_111, %add3A_113 : i32
      %select_n3A_115 = arith.constant true
      %select_n3A_116 = arith.select %select_n3A_115, %add3A_114, %select_n3A_111 : i32
      %eq3A_117 = arith.constant 4 : i32
      %eq3A_118 = arith.cmpi eq, %select_n3A_116, %eq3A_117 : i32
      %select_n3A_119 = arith.constant 0 : i32
      %select_n3A_120 = arith.select %eq3A_118, %select_n3A_119, %select_n3A_116 : i32
      %add3A_121 = arith.addi %select_n3A_120, %mul3A_6 : i32
      "tpu.trace_start"() <{level = 10 : i32, message = "ep_finalize"}> : () -> ()
      %rem3A_122 = arith.constant 2 : i32
      %rem3A_123 = arith.remui %scan3A_85#3, %rem3A_122 : i32
      %mul3A_124 = arith.constant 128 : i32
      %mul3A_125 = arith.muli %mul3A_124, %add3A_94 : i32
      %dma_wait3A = arith.constant 0 : i32
      %dma_wait3A_126 = arith.constant 0 : i32
      %dma_wait3A_127 = tpu.memref_slice %run_scoped3A_26[%rem3A_123, %dma_wait3A, %dma_wait3A_126] : memref<2x128x128xf32, #tpu.memory_space<vmem>> -> memref<1x128x128xf32, #tpu.memory_space<vmem>>
      %dma_wait3A_128 = tpu.memref_squeeze %dma_wait3A_127 : memref<1x128x128xf32, #tpu.memory_space<vmem>> -> memref<128x128xf32, #tpu.memory_space<vmem>>
      %dma_wait3A_129 = arith.constant 0 : i32
      %dma_wait3A_130 = tpu.memref_slice %arg8[%mul3A_125, %dma_wait3A_129] : memref<16384x128xf32, #tpu.memory_space<hbm>> -> memref<128x128xf32, #tpu.memory_space<hbm>>
      %dma_wait3A_131 = tpu.memref_slice %run_scoped3A_27[%rem3A_123] : memref<2x!tpu.dma_semaphore, #tpu.memory_space<semaphore_mem>> -> memref<1x!tpu.dma_semaphore, #tpu.memory_space<semaphore_mem>>
      %dma_wait3A_132 = tpu.memref_squeeze %dma_wait3A_131 : memref<1x!tpu.dma_semaphore, #tpu.memory_space<semaphore_mem>> -> memref<!tpu.dma_semaphore, #tpu.memory_space<semaphore_mem>>
      %dma_wait3A_133 = arith.constant 0 : i32
      %dma_wait3A_134 = tpu.memref_slice %arg8[%mul3A_125, %dma_wait3A_133] : memref<16384x128xf32, #tpu.memory_space<hbm>> -> memref<128x128xf32, #tpu.memory_space<hbm>>
      %dma_wait3A_135 = arith.constant 0 : i32
      %dma_wait3A_136 = arith.constant 0 : i32
      %dma_wait3A_137 = tpu.memref_slice %run_scoped3A_26[%rem3A_123, %dma_wait3A_135, %dma_wait3A_136] : memref<2x128x128xf32, #tpu.memory_space<vmem>> -> memref<1x128x128xf32, #tpu.memory_space<vmem>>
      %dma_wait3A_138 = tpu.memref_squeeze %dma_wait3A_137 : memref<1x128x128xf32, #tpu.memory_space<vmem>> -> memref<128x128xf32, #tpu.memory_space<vmem>>
      tpu.wait_dma2 semaphore(%dma_wait3A_132 : memref<!tpu.dma_semaphore, #tpu.memory_space<semaphore_mem>>) src(%dma_wait3A_138 : memref<128x128xf32, #tpu.memory_space<vmem>>) dst(%dma_wait3A_134 : memref<128x128xf32, #tpu.memory_space<hbm>>)
      "tpu.trace_stop"() : () -> ()
      tpu.yield
    }) : () -> ()
    %mul3A_7 = arith.constant 1 : i32
    %mul3A_8 = arith.muli %arg1, %mul3A_7 : i32
    %add3A_9 = arith.constant 0 : i32
    %add3A_10 = arith.addi %add3A_9, %mul3A_8 : i32
    %mul3A_11 = arith.constant 16 : i32
    %mul3A_12 = arith.muli %arg0, %mul3A_11 : i32
    %add3A_13 = arith.addi %add3A_10, %mul3A_12 : i32
    %mul3A_14 = arith.constant 4 : i32
    %mul3A_15 = arith.muli %add3A_13, %mul3A_14 : i32
    "tpu.region"() ({
      %run_scoped3A = memref.alloca() : memref<2x1x128xi32, #tpu.memory_space<vmem>>
      %run_scoped3A_25 = tpu.sem_alloc : memref<2x!tpu.dma_semaphore, #tpu.memory_space<semaphore_mem>>
      %run_scoped3A_26 = memref.alloca() : memref<2x128x128xf32, #tpu.memory_space<vmem>>
      %run_scoped3A_27 = tpu.sem_alloc : memref<2x!tpu.dma_semaphore, #tpu.memory_space<semaphore_mem>>
      %add3A_28 = arith.constant 0 : i32
      %add3A_29 = arith.addi %add3A_28, %mul3A_15 : i32
      %select_n3A = arith.constant true
      %select_n3A_30 = arith.constant 0 : i32
      %select_n3A_31 = arith.constant -1 : i32
      %select_n3A_32 = arith.select %select_n3A, %select_n3A_31, %select_n3A_30 : i32
      %eq3A = arith.constant -1 : i32
      %eq3A_33 = arith.cmpi eq, %select_n3A_32, %eq3A : i32
      %select_n3A_34 = arith.constant 3 : i32
      %select_n3A_35 = arith.select %eq3A_33, %select_n3A_34, %select_n3A_32 : i32
      %add3A_36 = arith.addi %select_n3A_35, %mul3A_15 : i32
      %select_n3A_37 = arith.constant true
      %select_n3A_38 = arith.constant 0 : i32
      %select_n3A_39 = arith.constant 1 : i32
      %select_n3A_40 = arith.select %select_n3A_37, %select_n3A_39, %select_n3A_38 : i32
      %eq3A_41 = arith.constant 4 : i32
      %eq3A_42 = arith.cmpi eq, %select_n3A_40, %eq3A_41 : i32
      %select_n3A_43 = arith.constant 0 : i32
      %select_n3A_44 = arith.select %eq3A_42, %select_n3A_43, %select_n3A_40 : i32
      %add3A_45 = arith.addi %select_n3A_44, %mul3A_15 : i32
      %add3A_46 = arith.constant 1 : i32
      %add3A_47 = arith.addi %select_n3A_44, %add3A_46 : i32
      %select_n3A_48 = arith.constant true
      %select_n3A_49 = arith.select %select_n3A_48, %add3A_47, %select_n3A_44 : i32
      %eq3A_50 = arith.constant 4 : i32
      %eq3A_51 = arith.cmpi eq, %select_n3A_49, %eq3A_50 : i32
      %select_n3A_52 = arith.constant 0 : i32
      %select_n3A_53 = arith.select %eq3A_51, %select_n3A_52, %select_n3A_49 : i32
      %add3A_54 = arith.addi %select_n3A_53, %mul3A_15 : i32
      "tpu.trace_start"() <{level = 10 : i32, message = "ep_initialize_0"}> : () -> ()
      %rem3A = arith.constant 0 : i32
      %rem3A_55 = arith.constant 2 : i32
      %rem3A_56 = arith.remui %rem3A, %rem3A_55 : i32
      %mul3A_57 = arith.constant 128 : i32
      %mul3A_58 = arith.muli %mul3A_57, %add3A_29 : i32
      %dma_start3A = arith.constant 0 : i32
      %dma_start3A_59 = arith.constant 0 : i32
      %dma_start3A_60 = tpu.memref_slice %run_scoped3A[%rem3A_56, %dma_start3A, %dma_start3A_59] : memref<2x1x128xi32, #tpu.memory_space<vmem>> -> memref<1x1x128xi32, #tpu.memory_space<vmem>>
      %dma_start3A_61 = tpu.memref_squeeze %dma_start3A_60 : memref<1x1x128xi32, #tpu.memory_space<vmem>> -> memref<1x128xi32, #tpu.memory_space<vmem>>
      %dma_start3A_62 = arith.constant 0 : i32
      %dma_start3A_63 = tpu.memref_slice %arg5[%dma_start3A_62, %mul3A_58] : memref<1x16384xi32, #tpu.memory_space<hbm>> -> memref<1x128xi32, #tpu.memory_space<hbm>>
      %dma_start3A_64 = tpu.memref_slice %run_scoped3A_25[%rem3A_56] : memref<2x!tpu.dma_semaphore, #tpu.memory_space<semaphore_mem>> -> memref<1x!tpu.dma_semaphore, #tpu.memory_space<semaphore_mem>>
      %dma_start3A_65 = tpu.memref_squeeze %dma_start3A_64 : memref<1x!tpu.dma_semaphore, #tpu.memory_space<semaphore_mem>> -> memref<!tpu.dma_semaphore, #tpu.memory_space<semaphore_mem>>
      %dma_start3A_66 = arith.constant 0 : i32
      %dma_start3A_67 = arith.constant 0 : i32
      %dma_start3A_68 = tpu.memref_slice %run_scoped3A[%rem3A_56, %dma_start3A_66, %dma_start3A_67] : memref<2x1x128xi32, #tpu.memory_space<vmem>> -> memref<1x1x128xi32, #tpu.memory_space<vmem>>
      %dma_start3A_69 = tpu.memref_squeeze %dma_start3A_68 : memref<1x1x128xi32, #tpu.memory_space<vmem>> -> memref<1x128xi32, #tpu.memory_space<vmem>>
      %dma_start3A_70 = arith.constant 0 : i32
      %dma_start3A_71 = tpu.memref_slice %arg5[%dma_start3A_70, %mul3A_58] : memref<1x16384xi32, #tpu.memory_space<hbm>> -> memref<1x128xi32, #tpu.memory_space<hbm>>
      tpu.enqueue_dma source(%dma_start3A_71 : memref<1x128xi32, #tpu.memory_space<hbm>>) target(%dma_start3A_69 : memref<1x128xi32, #tpu.memory_space<vmem>>) target_semaphore(%dma_start3A_65 : memref<!tpu.dma_semaphore, #tpu.memory_space<semaphore_mem>>)
      %add3A_72 = arith.constant 0 : i32
      %add3A_73 = arith.constant 1 : i32
      %add3A_74 = arith.addi %add3A_72, %add3A_73 : i32
      %select_n3A_75 = arith.constant true
      %select_n3A_76 = arith.constant 0 : i32
      %select_n3A_77 = arith.select %select_n3A_75, %add3A_74, %select_n3A_76 : i32
      "tpu.trace_stop"() : () -> ()
      %scan3A = arith.constant 0 : i32
      %scan3A_78 = arith.constant 0 : i32
      %scan3A_79 = arith.constant 0 : i32
      %scan3A_80 = arith.constant 0 : i32
      %scan3A_81 = arith.constant 0 : i32
      %scan3A_82 = arith.constant 4 : i32
      %scan3A_83 = arith.addi %scan3A_81, %scan3A_82 : i32
      %scan3A_84 = arith.constant 1 : i32
      %scan3A_85:5 = scf.for %scan3A_139 = %scan3A_81 to %scan3A_83 step %scan3A_84 iter_args(%scan3A_140 = %select_n3A_77, %scan3A_141 = %scan3A, %scan3A_142 = %scan3A_78, %scan3A_143 = %scan3A_79, %scan3A_144 = %scan3A_80) -> (i32, i32, i32, i32, i32)  : i32 {
        %eq3A_145 = arith.constant 0 : i32
        %eq3A_146 = arith.cmpi eq, %scan3A_139, %eq3A_145 : i32
        %eq3A_147 = arith.constant 3 : i32
        %eq3A_148 = arith.cmpi eq, %scan3A_139, %eq3A_147 : i32
        %add3A_149 = arith.addi %scan3A_144, %mul3A_15 : i32
        %sub3A_150 = arith.constant 1 : i32
        %sub3A_151 = arith.subi %scan3A_144, %sub3A_150 : i32
        %select_n3A_152 = arith.constant true
        %select_n3A_153 = arith.select %select_n3A_152, %sub3A_151, %scan3A_144 : i32
        %eq3A_154 = arith.constant -1 : i32
        %eq3A_155 = arith.cmpi eq, %select_n3A_153, %eq3A_154 : i32
        %select_n3A_156 = arith.constant 3 : i32
        %select_n3A_157 = arith.select %eq3A_155, %select_n3A_156, %select_n3A_153 : i32
        %add3A_158 = arith.addi %select_n3A_157, %mul3A_15 : i32
        %add3A_159 = arith.constant 1 : i32
        %add3A_160 = arith.addi %scan3A_144, %add3A_159 : i32
        %select_n3A_161 = arith.constant true
        %select_n3A_162 = arith.select %select_n3A_161, %add3A_160, %scan3A_144 : i32
        %eq3A_163 = arith.constant 4 : i32
        %eq3A_164 = arith.cmpi eq, %select_n3A_162, %eq3A_163 : i32
        %select_n3A_165 = arith.constant 0 : i32
        %select_n3A_166 = arith.select %eq3A_164, %select_n3A_165, %select_n3A_162 : i32
        %add3A_167 = arith.addi %select_n3A_166, %mul3A_15 : i32
        %add3A_168 = arith.constant 1 : i32
        %add3A_169 = arith.addi %select_n3A_166, %add3A_168 : i32
        %select_n3A_170 = arith.constant true
        %select_n3A_171 = arith.select %select_n3A_170, %add3A_169, %select_n3A_166 : i32
        %eq3A_172 = arith.constant 4 : i32
        %eq3A_173 = arith.cmpi eq, %select_n3A_171, %eq3A_172 : i32
        %select_n3A_174 = arith.constant 0 : i32
        %select_n3A_175 = arith.select %eq3A_173, %select_n3A_174, %select_n3A_171 : i32
        %add3A_176 = arith.addi %select_n3A_175, %mul3A_15 : i32
        %ne3A = arith.cmpi ne, %add3A_149, %add3A_167 : i32
        %or3A = arith.constant false
        %or3A_177 = arith.ori %or3A, %ne3A : i1
        %ge3A = arith.constant 3 : i32
        %ge3A_178 = arith.cmpi sge, %scan3A_139, %ge3A : i32
        %not3A = arith.constant true
        %not3A_179 = arith.xori %ge3A_178, %not3A : i1
        %and3A = arith.andi %or3A_177, %not3A_179 : i1
        %convert_element_type3A = arith.extui %and3A : i1 to i32
        %cond3A = arith.constant 0 : i32
        %cond3A_180 = arith.cmpi ne, %convert_element_type3A, %cond3A : i32
        scf.if %cond3A_180 {
          "tpu.trace_start"() <{level = 10 : i32, message = "ep_copy_in"}> : () -> ()
          %rem3A_282 = arith.constant 2 : i32
          %rem3A_283 = arith.remui %scan3A_140, %rem3A_282 : i32
          %mul3A_284 = arith.constant 128 : i32
          %mul3A_285 = arith.muli %mul3A_284, %add3A_167 : i32
          %dma_start3A_286 = arith.constant 0 : i32
          %dma_start3A_287 = arith.constant 0 : i32
          %dma_start3A_288 = tpu.memref_slice %run_scoped3A[%rem3A_283, %dma_start3A_286, %dma_start3A_287] : memref<2x1x128xi32, #tpu.memory_space<vmem>> -> memref<1x1x128xi32, #tpu.memory_space<vmem>>
          %dma_start3A_289 = tpu.memref_squeeze %dma_start3A_288 : memref<1x1x128xi32, #tpu.memory_space<vmem>> -> memref<1x128xi32, #tpu.memory_space<vmem>>
          %dma_start3A_290 = arith.constant 0 : i32
          %dma_start3A_291 = tpu.memref_slice %arg5[%dma_start3A_290, %mul3A_285] : memref<1x16384xi32, #tpu.memory_space<hbm>> -> memref<1x128xi32, #tpu.memory_space<hbm>>
          %dma_start3A_292 = tpu.memref_slice %run_scoped3A_25[%rem3A_283] : memref<2x!tpu.dma_semaphore, #tpu.memory_space<semaphore_mem>> -> memref<1x!tpu.dma_semaphore, #tpu.memory_space<semaphore_mem>>
          %dma_start3A_293 = tpu.memref_squeeze %dma_start3A_292 : memref<1x!tpu.dma_semaphore, #tpu.memory_space<semaphore_mem>> -> memref<!tpu.dma_semaphore, #tpu.memory_space<semaphore_mem>>
          %dma_start3A_294 = arith.constant 0 : i32
          %dma_start3A_295 = arith.constant 0 : i32
          %dma_start3A_296 = tpu.memref_slice %run_scoped3A[%rem3A_283, %dma_start3A_294, %dma_start3A_295] : memref<2x1x128xi32, #tpu.memory_space<vmem>> -> memref<1x1x128xi32, #tpu.memory_space<vmem>>
          %dma_start3A_297 = tpu.memref_squeeze %dma_start3A_296 : memref<1x1x128xi32, #tpu.memory_space<vmem>> -> memref<1x128xi32, #tpu.memory_space<vmem>>
          %dma_start3A_298 = arith.constant 0 : i32
          %dma_start3A_299 = tpu.memref_slice %arg5[%dma_start3A_298, %mul3A_285] : memref<1x16384xi32, #tpu.memory_space<hbm>> -> memref<1x128xi32, #tpu.memory_space<hbm>>
          tpu.enqueue_dma source(%dma_start3A_299 : memref<1x128xi32, #tpu.memory_space<hbm>>) target(%dma_start3A_297 : memref<1x128xi32, #tpu.memory_space<vmem>>) target_semaphore(%dma_start3A_293 : memref<!tpu.dma_semaphore, #tpu.memory_space<semaphore_mem>>)
          "tpu.trace_stop"() : () -> ()
        } else {
        }
        %and3A_181 = arith.constant true
        %and3A_182 = arith.andi %and3A, %and3A_181 : i1
        %add3A_183 = arith.constant 1 : i32
        %add3A_184 = arith.addi %scan3A_140, %add3A_183 : i32
        %select_n3A_185 = arith.select %and3A_182, %add3A_184, %scan3A_140 : i32
        %ne3A_186 = arith.cmpi ne, %add3A_149, %add3A_167 : i32
        %or3A_187 = arith.constant false
        %or3A_188 = arith.ori %or3A_187, %ne3A_186 : i1
        %or3A_189 = arith.constant false
        %or3A_190 = arith.ori %or3A_188, %or3A_189 : i1
        %ge3A_191 = arith.constant 3 : i32
        %ge3A_192 = arith.cmpi sge, %scan3A_139, %ge3A_191 : i32
        %not3A_193 = arith.constant true
        %not3A_194 = arith.xori %ge3A_192, %not3A_193 : i1
        %and3A_195 = arith.andi %or3A_190, %not3A_194 : i1
        %ne3A_196 = arith.cmpi ne, %add3A_149, %add3A_158 : i32
        %or3A_197 = arith.constant false
        %or3A_198 = arith.ori %or3A_197, %ne3A_196 : i1
        %or3A_199 = arith.ori %or3A_198, %eq3A_146 : i1
        %convert_element_type3A_200 = arith.extui %or3A_199 : i1 to i32
        %cond3A_201 = arith.constant 0 : i32
        %cond3A_202 = arith.cmpi ne, %convert_element_type3A_200, %cond3A_201 : i32
        scf.if %cond3A_202 {
          "tpu.trace_start"() <{level = 10 : i32, message = "ep_wait_in"}> : () -> ()
          %mul3A_282 = arith.constant 128 : i32
          %mul3A_283 = arith.muli %mul3A_282, %add3A_149 : i32
          %rem3A_284 = arith.constant 2 : i32
          %rem3A_285 = arith.remui %scan3A_141, %rem3A_284 : i32
          %dma_wait3A_286 = arith.constant 0 : i32
          %dma_wait3A_287 = arith.constant 0 : i32
          %dma_wait3A_288 = tpu.memref_slice %run_scoped3A[%rem3A_285, %dma_wait3A_286, %dma_wait3A_287] : memref<2x1x128xi32, #tpu.memory_space<vmem>> -> memref<1x1x128xi32, #tpu.memory_space<vmem>>
          %dma_wait3A_289 = tpu.memref_squeeze %dma_wait3A_288 : memref<1x1x128xi32, #tpu.memory_space<vmem>> -> memref<1x128xi32, #tpu.memory_space<vmem>>
          %dma_wait3A_290 = arith.constant 0 : i32
          %dma_wait3A_291 = tpu.memref_slice %arg5[%dma_wait3A_290, %mul3A_283] : memref<1x16384xi32, #tpu.memory_space<hbm>> -> memref<1x128xi32, #tpu.memory_space<hbm>>
          %dma_wait3A_292 = tpu.memref_slice %run_scoped3A_25[%rem3A_285] : memref<2x!tpu.dma_semaphore, #tpu.memory_space<semaphore_mem>> -> memref<1x!tpu.dma_semaphore, #tpu.memory_space<semaphore_mem>>
          %dma_wait3A_293 = tpu.memref_squeeze %dma_wait3A_292 : memref<1x!tpu.dma_semaphore, #tpu.memory_space<semaphore_mem>> -> memref<!tpu.dma_semaphore, #tpu.memory_space<semaphore_mem>>
          %dma_wait3A_294 = arith.constant 0 : i32
          %dma_wait3A_295 = arith.constant 0 : i32
          %dma_wait3A_296 = tpu.memref_slice %run_scoped3A[%rem3A_285, %dma_wait3A_294, %dma_wait3A_295] : memref<2x1x128xi32, #tpu.memory_space<vmem>> -> memref<1x1x128xi32, #tpu.memory_space<vmem>>
          %dma_wait3A_297 = tpu.memref_squeeze %dma_wait3A_296 : memref<1x1x128xi32, #tpu.memory_space<vmem>> -> memref<1x128xi32, #tpu.memory_space<vmem>>
          %dma_wait3A_298 = arith.constant 0 : i32
          %dma_wait3A_299 = tpu.memref_slice %arg5[%dma_wait3A_298, %mul3A_283] : memref<1x16384xi32, #tpu.memory_space<hbm>> -> memref<1x128xi32, #tpu.memory_space<hbm>>
          tpu.wait_dma2 semaphore(%dma_wait3A_293 : memref<!tpu.dma_semaphore, #tpu.memory_space<semaphore_mem>>) src(%dma_wait3A_299 : memref<1x128xi32, #tpu.memory_space<hbm>>) dst(%dma_wait3A_297 : memref<1x128xi32, #tpu.memory_space<vmem>>)
          "tpu.trace_stop"() : () -> ()
        } else {
        }
        %ne3A_203 = arith.cmpi ne, %add3A_149, %add3A_158 : i32
        %or3A_204 = arith.constant false
        %or3A_205 = arith.ori %or3A_204, %ne3A_203 : i1
        %or3A_206 = arith.constant false
        %or3A_207 = arith.ori %or3A_205, %or3A_206 : i1
        %or3A_208 = arith.ori %or3A_207, %eq3A_146 : i1
        %convert_element_type3A_209 = arith.extui %or3A_208 : i1 to i32
        %cond3A_210 = arith.constant 0 : i32
        %cond3A_211 = arith.cmpi ne, %convert_element_type3A_209, %cond3A_210 : i32
        scf.if %cond3A_211 {
        } else {
        }
        %rem3A_212 = arith.constant 2 : i32
        %rem3A_213 = arith.remui %scan3A_141, %rem3A_212 : i32
        %rem3A_214 = arith.constant 2 : i32
        %rem3A_215 = arith.remui %scan3A_142, %rem3A_214 : i32
        %run_scoped3A_216 = arith.constant 0 : i32
        "tpu.trace_start"() <{level = 10 : i32, message = "ep_run_kernel"}> : () -> ()
        "tpu.region"() ({
          %run_scoped3A_282 = tpu.sem_alloc : memref<!tpu.dma_semaphore, #tpu.memory_space<semaphore_mem>>
          %dma_start3A_283 = arith.constant 0 : i32
          %dma_start3A_284 = arith.constant 0 : i32
          %dma_start3A_285 = tpu.memref_slice %run_scoped3A_26[%rem3A_215, %dma_start3A_283, %dma_start3A_284] : memref<2x128x128xf32, #tpu.memory_space<vmem>> -> memref<1x128x128xf32, #tpu.memory_space<vmem>>
          %dma_start3A_286 = tpu.memref_squeeze %dma_start3A_285 : memref<1x128x128xf32, #tpu.memory_space<vmem>> -> memref<128x128xf32, #tpu.memory_space<vmem>>
          %dma_start3A_287 = arith.constant 0 : i32
          %dma_start3A_288 = arith.constant 0 : i32
          %dma_start3A_289 = tpu.memref_slice %run_scoped3A[%rem3A_213, %dma_start3A_287, %dma_start3A_288] : memref<2x1x128xi32, #tpu.memory_space<vmem>> -> memref<1x1x128xi32, #tpu.memory_space<vmem>>
          %dma_start3A_290 = tpu.memref_squeeze %dma_start3A_289 : memref<1x1x128xi32, #tpu.memory_space<vmem>> -> memref<1x128xi32, #tpu.memory_space<vmem>>
          %dma_start3A_291 = arith.constant 0 : i32
          %dma_start3A_292 = tpu.memref_slice %dma_start3A_290[%run_scoped3A_216, %dma_start3A_291] : memref<1x128xi32, #tpu.memory_space<vmem>> -> memref<1x128xi32, #tpu.memory_space<vmem>>
          %dma_start3A_293 = tpu.memref_squeeze %dma_start3A_292 : memref<1x128xi32, #tpu.memory_space<vmem>> -> memref<128xi32, #tpu.memory_space<vmem>>
          %dma_start3A_294 = arith.constant 0 : i32
          %dma_start3A_295 = arith.constant 0 : i32
          %dma_start3A_296 = tpu.memref_slice %arg4[%dma_start3A_294, %dma_start3A_295] : memref<55368x128xf32, #tpu.memory_space<hbm>> -> memref<55368x128xf32, #tpu.memory_space<hbm>>
          tpu.enqueue_indirect_dma source(%dma_start3A_296 : memref<55368x128xf32, #tpu.memory_space<hbm>>) target(%dma_start3A_286 : memref<128x128xf32, #tpu.memory_space<vmem>>) offsets(%dma_start3A_293 : memref<128xi32, #tpu.memory_space<vmem>>) semaphore(%run_scoped3A_282 : memref<!tpu.dma_semaphore, #tpu.memory_space<semaphore_mem>>)
          %dma_wait3A_297 = arith.constant 0 : i32
          %dma_wait3A_298 = arith.constant 0 : i32
          %dma_wait3A_299 = tpu.memref_slice %run_scoped3A_26[%rem3A_215, %dma_wait3A_297, %dma_wait3A_298] : memref<2x128x128xf32, #tpu.memory_space<vmem>> -> memref<1x128x128xf32, #tpu.memory_space<vmem>>
          %dma_wait3A_300 = tpu.memref_squeeze %dma_wait3A_299 : memref<1x128x128xf32, #tpu.memory_space<vmem>> -> memref<128x128xf32, #tpu.memory_space<vmem>>
          %dma_wait3A_301 = arith.constant 0 : i32
          %dma_wait3A_302 = arith.constant 0 : i32
          %dma_wait3A_303 = tpu.memref_slice %run_scoped3A[%rem3A_213, %dma_wait3A_301, %dma_wait3A_302] : memref<2x1x128xi32, #tpu.memory_space<vmem>> -> memref<1x1x128xi32, #tpu.memory_space<vmem>>
          %dma_wait3A_304 = tpu.memref_squeeze %dma_wait3A_303 : memref<1x1x128xi32, #tpu.memory_space<vmem>> -> memref<1x128xi32, #tpu.memory_space<vmem>>
          %dma_wait3A_305 = arith.constant 0 : i32
          %dma_wait3A_306 = tpu.memref_slice %dma_wait3A_304[%run_scoped3A_216, %dma_wait3A_305] : memref<1x128xi32, #tpu.memory_space<vmem>> -> memref<1x128xi32, #tpu.memory_space<vmem>>
          %dma_wait3A_307 = tpu.memref_squeeze %dma_wait3A_306 : memref<1x128xi32, #tpu.memory_space<vmem>> -> memref<128xi32, #tpu.memory_space<vmem>>
          %dma_wait3A_308 = arith.constant 0 : i32
          %dma_wait3A_309 = arith.constant 0 : i32
          %dma_wait3A_310 = tpu.memref_slice %arg4[%dma_wait3A_308, %dma_wait3A_309] : memref<55368x128xf32, #tpu.memory_space<hbm>> -> memref<55368x128xf32, #tpu.memory_space<hbm>>
          tpu.wait_indirect_dma semaphore(%run_scoped3A_282 : memref<!tpu.dma_semaphore, #tpu.memory_space<semaphore_mem>>) src(%dma_wait3A_310 : memref<55368x128xf32, #tpu.memory_space<hbm>>) dst(%dma_wait3A_300 : memref<128x128xf32, #tpu.memory_space<vmem>>)
          tpu.yield
        }) : () -> ()
        "tpu.trace_stop"() : () -> ()
        %ne3A_217 = arith.cmpi ne, %add3A_149, %add3A_167 : i32
        %or3A_218 = arith.constant false
        %or3A_219 = arith.ori %or3A_218, %ne3A_217 : i1
        %or3A_220 = arith.ori %or3A_219, %eq3A_148 : i1
        %convert_element_type3A_221 = arith.extui %or3A_220 : i1 to i32
        %cond3A_222 = arith.constant 0 : i32
        %cond3A_223 = arith.cmpi ne, %convert_element_type3A_221, %cond3A_222 : i32
        scf.if %cond3A_223 {
        } else {
        }
        %and3A_224 = arith.constant false
        %and3A_225 = arith.andi %or3A_220, %and3A_224 : i1
        %ne3A_226 = arith.cmpi ne, %add3A_149, %add3A_167 : i32
        %or3A_227 = arith.constant false
        %or3A_228 = arith.ori %or3A_227, %ne3A_226 : i1
        %or3A_229 = arith.constant false
        %or3A_230 = arith.ori %or3A_228, %or3A_229 : i1
        %or3A_231 = arith.ori %or3A_230, %eq3A_148 : i1
        %convert_element_type3A_232 = arith.extui %or3A_231 : i1 to i32
        %cond3A_233 = arith.constant 0 : i32
        %cond3A_234 = arith.cmpi ne, %convert_element_type3A_232, %cond3A_233 : i32
        scf.if %cond3A_234 {
          "tpu.trace_start"() <{level = 10 : i32, message = "ep_copy_out"}> : () -> ()
          %rem3A_282 = arith.constant 2 : i32
          %rem3A_283 = arith.remui %scan3A_142, %rem3A_282 : i32
          %mul3A_284 = arith.constant 128 : i32
          %mul3A_285 = arith.muli %mul3A_284, %add3A_149 : i32
          %dma_start3A_286 = arith.constant 0 : i32
          %dma_start3A_287 = arith.constant 0 : i32
          %dma_start3A_288 = tpu.memref_slice %run_scoped3A_26[%rem3A_283, %dma_start3A_286, %dma_start3A_287] : memref<2x128x128xf32, #tpu.memory_space<vmem>> -> memref<1x128x128xf32, #tpu.memory_space<vmem>>
          %dma_start3A_289 = tpu.memref_squeeze %dma_start3A_288 : memref<1x128x128xf32, #tpu.memory_space<vmem>> -> memref<128x128xf32, #tpu.memory_space<vmem>>
          %dma_start3A_290 = arith.constant 0 : i32
          %dma_start3A_291 = tpu.memref_slice %arg9[%mul3A_285, %dma_start3A_290] : memref<16384x128xf32, #tpu.memory_space<hbm>> -> memref<128x128xf32, #tpu.memory_space<hbm>>
          %dma_start3A_292 = tpu.memref_slice %run_scoped3A_27[%rem3A_283] : memref<2x!tpu.dma_semaphore, #tpu.memory_space<semaphore_mem>> -> memref<1x!tpu.dma_semaphore, #tpu.memory_space<semaphore_mem>>
          %dma_start3A_293 = tpu.memref_squeeze %dma_start3A_292 : memref<1x!tpu.dma_semaphore, #tpu.memory_space<semaphore_mem>> -> memref<!tpu.dma_semaphore, #tpu.memory_space<semaphore_mem>>
          %dma_start3A_294 = arith.constant 0 : i32
          %dma_start3A_295 = tpu.memref_slice %arg9[%mul3A_285, %dma_start3A_294] : memref<16384x128xf32, #tpu.memory_space<hbm>> -> memref<128x128xf32, #tpu.memory_space<hbm>>
          %dma_start3A_296 = arith.constant 0 : i32
          %dma_start3A_297 = arith.constant 0 : i32
          %dma_start3A_298 = tpu.memref_slice %run_scoped3A_26[%rem3A_283, %dma_start3A_296, %dma_start3A_297] : memref<2x128x128xf32, #tpu.memory_space<vmem>> -> memref<1x128x128xf32, #tpu.memory_space<vmem>>
          %dma_start3A_299 = tpu.memref_squeeze %dma_start3A_298 : memref<1x128x128xf32, #tpu.memory_space<vmem>> -> memref<128x128xf32, #tpu.memory_space<vmem>>
          tpu.enqueue_dma source(%dma_start3A_299 : memref<128x128xf32, #tpu.memory_space<vmem>>) target(%dma_start3A_295 : memref<128x128xf32, #tpu.memory_space<hbm>>) target_semaphore(%dma_start3A_293 : memref<!tpu.dma_semaphore, #tpu.memory_space<semaphore_mem>>)
          "tpu.trace_stop"() : () -> ()
        } else {
        }
        %and3A_235 = arith.constant true
        %and3A_236 = arith.andi %or3A_231, %and3A_235 : i1
        %add3A_237 = arith.constant 1 : i32
        %add3A_238 = arith.addi %scan3A_142, %add3A_237 : i32
        %select_n3A_239 = arith.select %and3A_236, %add3A_238, %scan3A_142 : i32
        %ne3A_240 = arith.cmpi ne, %add3A_149, %add3A_158 : i32
        %or3A_241 = arith.constant false
        %or3A_242 = arith.ori %or3A_241, %ne3A_240 : i1
        %not3A_243 = arith.constant true
        %not3A_244 = arith.xori %eq3A_146, %not3A_243 : i1
        %and3A_245 = arith.andi %or3A_242, %not3A_244 : i1
        %convert_element_type3A_246 = arith.extui %and3A_245 : i1 to i32
        %cond3A_247 = arith.constant 0 : i32
        %cond3A_248 = arith.cmpi ne, %convert_element_type3A_246, %cond3A_247 : i32
        scf.if %cond3A_248 {
        } else {
        }
        %and3A_249 = arith.constant false
        %and3A_250 = arith.andi %and3A_245, %and3A_249 : i1
        %ne3A_251 = arith.cmpi ne, %add3A_149, %add3A_158 : i32
        %or3A_252 = arith.constant false
        %or3A_253 = arith.ori %or3A_252, %ne3A_251 : i1
        %or3A_254 = arith.constant false
        %or3A_255 = arith.ori %or3A_253, %or3A_254 : i1
        %not3A_256 = arith.constant true
        %not3A_257 = arith.xori %eq3A_146, %not3A_256 : i1
        %and3A_258 = arith.andi %or3A_255, %not3A_257 : i1
        %convert_element_type3A_259 = arith.extui %and3A_258 : i1 to i32
        %cond3A_260 = arith.constant 0 : i32
        %cond3A_261 = arith.cmpi ne, %convert_element_type3A_259, %cond3A_260 : i32
        scf.if %cond3A_261 {
          "tpu.trace_start"() <{level = 10 : i32, message = "ep_wait_out"}> : () -> ()
          %rem3A_282 = arith.constant 2 : i32
          %rem3A_283 = arith.remui %scan3A_143, %rem3A_282 : i32
          %mul3A_284 = arith.constant 128 : i32
          %mul3A_285 = arith.muli %mul3A_284, %add3A_158 : i32
          %dma_wait3A_286 = arith.constant 0 : i32
          %dma_wait3A_287 = arith.constant 0 : i32
          %dma_wait3A_288 = tpu.memref_slice %run_scoped3A_26[%rem3A_283, %dma_wait3A_286, %dma_wait3A_287] : memref<2x128x128xf32, #tpu.memory_space<vmem>> -> memref<1x128x128xf32, #tpu.memory_space<vmem>>
          %dma_wait3A_289 = tpu.memref_squeeze %dma_wait3A_288 : memref<1x128x128xf32, #tpu.memory_space<vmem>> -> memref<128x128xf32, #tpu.memory_space<vmem>>
          %dma_wait3A_290 = arith.constant 0 : i32
          %dma_wait3A_291 = tpu.memref_slice %arg9[%mul3A_285, %dma_wait3A_290] : memref<16384x128xf32, #tpu.memory_space<hbm>> -> memref<128x128xf32, #tpu.memory_space<hbm>>
          %dma_wait3A_292 = tpu.memref_slice %run_scoped3A_27[%rem3A_283] : memref<2x!tpu.dma_semaphore, #tpu.memory_space<semaphore_mem>> -> memref<1x!tpu.dma_semaphore, #tpu.memory_space<semaphore_mem>>
          %dma_wait3A_293 = tpu.memref_squeeze %dma_wait3A_292 : memref<1x!tpu.dma_semaphore, #tpu.memory_space<semaphore_mem>> -> memref<!tpu.dma_semaphore, #tpu.memory_space<semaphore_mem>>
          %dma_wait3A_294 = arith.constant 0 : i32
          %dma_wait3A_295 = tpu.memref_slice %arg9[%mul3A_285, %dma_wait3A_294] : memref<16384x128xf32, #tpu.memory_space<hbm>> -> memref<128x128xf32, #tpu.memory_space<hbm>>
          %dma_wait3A_296 = arith.constant 0 : i32
          %dma_wait3A_297 = arith.constant 0 : i32
          %dma_wait3A_298 = tpu.memref_slice %run_scoped3A_26[%rem3A_283, %dma_wait3A_296, %dma_wait3A_297] : memref<2x128x128xf32, #tpu.memory_space<vmem>> -> memref<1x128x128xf32, #tpu.memory_space<vmem>>
          %dma_wait3A_299 = tpu.memref_squeeze %dma_wait3A_298 : memref<1x128x128xf32, #tpu.memory_space<vmem>> -> memref<128x128xf32, #tpu.memory_space<vmem>>
          tpu.wait_dma2 semaphore(%dma_wait3A_293 : memref<!tpu.dma_semaphore, #tpu.memory_space<semaphore_mem>>) src(%dma_wait3A_299 : memref<128x128xf32, #tpu.memory_space<vmem>>) dst(%dma_wait3A_295 : memref<128x128xf32, #tpu.memory_space<hbm>>)
          "tpu.trace_stop"() : () -> ()
        } else {
        }
        %and3A_262 = arith.constant true
        %and3A_263 = arith.andi %and3A_258, %and3A_262 : i1
        %add3A_264 = arith.constant 1 : i32
        %add3A_265 = arith.addi %scan3A_143, %add3A_264 : i32
        %select_n3A_266 = arith.select %and3A_263, %add3A_265, %scan3A_143 : i32
        %ne3A_267 = arith.cmpi ne, %add3A_149, %add3A_167 : i32
        %or3A_268 = arith.constant false
        %or3A_269 = arith.ori %or3A_268, %ne3A_267 : i1
        %or3A_270 = arith.ori %or3A_269, %eq3A_148 : i1
        %add3A_271 = arith.constant 1 : i32
        %add3A_272 = arith.addi %scan3A_141, %add3A_271 : i32
        %select_n3A_273 = arith.select %or3A_270, %add3A_272, %scan3A_141 : i32
        %add3A_274 = arith.constant 1 : i32
        %add3A_275 = arith.addi %scan3A_144, %add3A_274 : i32
        %select_n3A_276 = arith.constant true
        %select_n3A_277 = arith.select %select_n3A_276, %add3A_275, %scan3A_144 : i32
        %eq3A_278 = arith.constant 4 : i32
        %eq3A_279 = arith.cmpi eq, %select_n3A_277, %eq3A_278 : i32
        %select_n3A_280 = arith.constant 0 : i32
        %select_n3A_281 = arith.select %eq3A_279, %select_n3A_280, %select_n3A_277 : i32
        scf.yield %select_n3A_185, %select_n3A_273, %select_n3A_239, %select_n3A_266, %select_n3A_281 : i32, i32, i32, i32, i32
      }
      %scan3A_86 = arith.constant 4 : i32
      %sub3A = arith.constant 1 : i32
      %sub3A_87 = arith.subi %scan3A_85#4, %sub3A : i32
      %select_n3A_88 = arith.constant true
      %select_n3A_89 = arith.select %select_n3A_88, %sub3A_87, %scan3A_85#4 : i32
      %eq3A_90 = arith.constant -1 : i32
      %eq3A_91 = arith.cmpi eq, %select_n3A_89, %eq3A_90 : i32
      %select_n3A_92 = arith.constant 3 : i32
      %select_n3A_93 = arith.select %eq3A_91, %select_n3A_92, %select_n3A_89 : i32
      %add3A_94 = arith.addi %select_n3A_93, %mul3A_15 : i32
      %sub3A_95 = arith.constant 1 : i32
      %sub3A_96 = arith.subi %select_n3A_93, %sub3A_95 : i32
      %select_n3A_97 = arith.constant true
      %select_n3A_98 = arith.select %select_n3A_97, %sub3A_96, %select_n3A_93 : i32
      %eq3A_99 = arith.constant -1 : i32
      %eq3A_100 = arith.cmpi eq, %select_n3A_98, %eq3A_99 : i32
      %select_n3A_101 = arith.constant 3 : i32
      %select_n3A_102 = arith.select %eq3A_100, %select_n3A_101, %select_n3A_98 : i32
      %add3A_103 = arith.addi %select_n3A_102, %mul3A_15 : i32
      %add3A_104 = arith.constant 1 : i32
      %add3A_105 = arith.addi %select_n3A_93, %add3A_104 : i32
      %select_n3A_106 = arith.constant true
      %select_n3A_107 = arith.select %select_n3A_106, %add3A_105, %select_n3A_93 : i32
      %eq3A_108 = arith.constant 4 : i32
      %eq3A_109 = arith.cmpi eq, %select_n3A_107, %eq3A_108 : i32
      %select_n3A_110 = arith.constant 0 : i32
      %select_n3A_111 = arith.select %eq3A_109, %select_n3A_110, %select_n3A_107 : i32
      %add3A_112 = arith.addi %select_n3A_111, %mul3A_15 : i32
      %add3A_113 = arith.constant 1 : i32
      %add3A_114 = arith.addi %select_n3A_111, %add3A_113 : i32
      %select_n3A_115 = arith.constant true
      %select_n3A_116 = arith.select %select_n3A_115, %add3A_114, %select_n3A_111 : i32
      %eq3A_117 = arith.constant 4 : i32
      %eq3A_118 = arith.cmpi eq, %select_n3A_116, %eq3A_117 : i32
      %select_n3A_119 = arith.constant 0 : i32
      %select_n3A_120 = arith.select %eq3A_118, %select_n3A_119, %select_n3A_116 : i32
      %add3A_121 = arith.addi %select_n3A_120, %mul3A_15 : i32
      "tpu.trace_start"() <{level = 10 : i32, message = "ep_finalize"}> : () -> ()
      %rem3A_122 = arith.constant 2 : i32
      %rem3A_123 = arith.remui %scan3A_85#3, %rem3A_122 : i32
      %mul3A_124 = arith.constant 128 : i32
      %mul3A_125 = arith.muli %mul3A_124, %add3A_94 : i32
      %dma_wait3A = arith.constant 0 : i32
      %dma_wait3A_126 = arith.constant 0 : i32
      %dma_wait3A_127 = tpu.memref_slice %run_scoped3A_26[%rem3A_123, %dma_wait3A, %dma_wait3A_126] : memref<2x128x128xf32, #tpu.memory_space<vmem>> -> memref<1x128x128xf32, #tpu.memory_space<vmem>>
      %dma_wait3A_128 = tpu.memref_squeeze %dma_wait3A_127 : memref<1x128x128xf32, #tpu.memory_space<vmem>> -> memref<128x128xf32, #tpu.memory_space<vmem>>
      %dma_wait3A_129 = arith.constant 0 : i32
      %dma_wait3A_130 = tpu.memref_slice %arg9[%mul3A_125, %dma_wait3A_129] : memref<16384x128xf32, #tpu.memory_space<hbm>> -> memref<128x128xf32, #tpu.memory_space<hbm>>
      %dma_wait3A_131 = tpu.memref_slice %run_scoped3A_27[%rem3A_123] : memref<2x!tpu.dma_semaphore, #tpu.memory_space<semaphore_mem>> -> memref<1x!tpu.dma_semaphore, #tpu.memory_space<semaphore_mem>>
      %dma_wait3A_132 = tpu.memref_squeeze %dma_wait3A_131 : memref<1x!tpu.dma_semaphore, #tpu.memory_space<semaphore_mem>> -> memref<!tpu.dma_semaphore, #tpu.memory_space<semaphore_mem>>
      %dma_wait3A_133 = arith.constant 0 : i32
      %dma_wait3A_134 = tpu.memref_slice %arg9[%mul3A_125, %dma_wait3A_133] : memref<16384x128xf32, #tpu.memory_space<hbm>> -> memref<128x128xf32, #tpu.memory_space<hbm>>
      %dma_wait3A_135 = arith.constant 0 : i32
      %dma_wait3A_136 = arith.constant 0 : i32
      %dma_wait3A_137 = tpu.memref_slice %run_scoped3A_26[%rem3A_123, %dma_wait3A_135, %dma_wait3A_136] : memref<2x128x128xf32, #tpu.memory_space<vmem>> -> memref<1x128x128xf32, #tpu.memory_space<vmem>>
      %dma_wait3A_138 = tpu.memref_squeeze %dma_wait3A_137 : memref<1x128x128xf32, #tpu.memory_space<vmem>> -> memref<128x128xf32, #tpu.memory_space<vmem>>
      tpu.wait_dma2 semaphore(%dma_wait3A_132 : memref<!tpu.dma_semaphore, #tpu.memory_space<semaphore_mem>>) src(%dma_wait3A_138 : memref<128x128xf32, #tpu.memory_space<vmem>>) dst(%dma_wait3A_134 : memref<128x128xf32, #tpu.memory_space<hbm>>)
      "tpu.trace_stop"() : () -> ()
      tpu.yield
    }) : () -> ()
    %mul3A_16 = arith.constant 1 : i32
    %mul3A_17 = arith.muli %arg1, %mul3A_16 : i32
    %add3A_18 = arith.constant 0 : i32
    %add3A_19 = arith.addi %add3A_18, %mul3A_17 : i32
    %mul3A_20 = arith.constant 16 : i32
    %mul3A_21 = arith.muli %arg0, %mul3A_20 : i32
    %add3A_22 = arith.addi %add3A_19, %mul3A_21 : i32
    %mul3A_23 = arith.constant 4 : i32
    %mul3A_24 = arith.muli %add3A_22, %mul3A_23 : i32
    "tpu.region"() ({
      %run_scoped3A = memref.alloca() : memref<2x1x128xi32, #tpu.memory_space<vmem>>
      %run_scoped3A_25 = tpu.sem_alloc : memref<2x!tpu.dma_semaphore, #tpu.memory_space<semaphore_mem>>
      %run_scoped3A_26 = memref.alloca() : memref<2x128x128xf32, #tpu.memory_space<vmem>>
      %run_scoped3A_27 = tpu.sem_alloc : memref<2x!tpu.dma_semaphore, #tpu.memory_space<semaphore_mem>>
      %add3A_28 = arith.constant 0 : i32
      %add3A_29 = arith.addi %add3A_28, %mul3A_24 : i32
      %select_n3A = arith.constant true
      %select_n3A_30 = arith.constant 0 : i32
      %select_n3A_31 = arith.constant -1 : i32
      %select_n3A_32 = arith.select %select_n3A, %select_n3A_31, %select_n3A_30 : i32
      %eq3A = arith.constant -1 : i32
      %eq3A_33 = arith.cmpi eq, %select_n3A_32, %eq3A : i32
      %select_n3A_34 = arith.constant 3 : i32
      %select_n3A_35 = arith.select %eq3A_33, %select_n3A_34, %select_n3A_32 : i32
      %add3A_36 = arith.addi %select_n3A_35, %mul3A_24 : i32
      %select_n3A_37 = arith.constant true
      %select_n3A_38 = arith.constant 0 : i32
      %select_n3A_39 = arith.constant 1 : i32
      %select_n3A_40 = arith.select %select_n3A_37, %select_n3A_39, %select_n3A_38 : i32
      %eq3A_41 = arith.constant 4 : i32
      %eq3A_42 = arith.cmpi eq, %select_n3A_40, %eq3A_41 : i32
      %select_n3A_43 = arith.constant 0 : i32
      %select_n3A_44 = arith.select %eq3A_42, %select_n3A_43, %select_n3A_40 : i32
      %add3A_45 = arith.addi %select_n3A_44, %mul3A_24 : i32
      %add3A_46 = arith.constant 1 : i32
      %add3A_47 = arith.addi %select_n3A_44, %add3A_46 : i32
      %select_n3A_48 = arith.constant true
      %select_n3A_49 = arith.select %select_n3A_48, %add3A_47, %select_n3A_44 : i32
      %eq3A_50 = arith.constant 4 : i32
      %eq3A_51 = arith.cmpi eq, %select_n3A_49, %eq3A_50 : i32
      %select_n3A_52 = arith.constant 0 : i32
      %select_n3A_53 = arith.select %eq3A_51, %select_n3A_52, %select_n3A_49 : i32
      %add3A_54 = arith.addi %select_n3A_53, %mul3A_24 : i32
      "tpu.trace_start"() <{level = 10 : i32, message = "ep_initialize_0"}> : () -> ()
      %rem3A = arith.constant 0 : i32
      %rem3A_55 = arith.constant 2 : i32
      %rem3A_56 = arith.remui %rem3A, %rem3A_55 : i32
      %mul3A_57 = arith.constant 128 : i32
      %mul3A_58 = arith.muli %mul3A_57, %add3A_29 : i32
      %dma_start3A = arith.constant 0 : i32
      %dma_start3A_59 = arith.constant 0 : i32
      %dma_start3A_60 = tpu.memref_slice %run_scoped3A[%rem3A_56, %dma_start3A, %dma_start3A_59] : memref<2x1x128xi32, #tpu.memory_space<vmem>> -> memref<1x1x128xi32, #tpu.memory_space<vmem>>
      %dma_start3A_61 = tpu.memref_squeeze %dma_start3A_60 : memref<1x1x128xi32, #tpu.memory_space<vmem>> -> memref<1x128xi32, #tpu.memory_space<vmem>>
      %dma_start3A_62 = arith.constant 0 : i32
      %dma_start3A_63 = tpu.memref_slice %arg7[%dma_start3A_62, %mul3A_58] : memref<1x16384xi32, #tpu.memory_space<hbm>> -> memref<1x128xi32, #tpu.memory_space<hbm>>
      %dma_start3A_64 = tpu.memref_slice %run_scoped3A_25[%rem3A_56] : memref<2x!tpu.dma_semaphore, #tpu.memory_space<semaphore_mem>> -> memref<1x!tpu.dma_semaphore, #tpu.memory_space<semaphore_mem>>
      %dma_start3A_65 = tpu.memref_squeeze %dma_start3A_64 : memref<1x!tpu.dma_semaphore, #tpu.memory_space<semaphore_mem>> -> memref<!tpu.dma_semaphore, #tpu.memory_space<semaphore_mem>>
      %dma_start3A_66 = arith.constant 0 : i32
      %dma_start3A_67 = arith.constant 0 : i32
      %dma_start3A_68 = tpu.memref_slice %run_scoped3A[%rem3A_56, %dma_start3A_66, %dma_start3A_67] : memref<2x1x128xi32, #tpu.memory_space<vmem>> -> memref<1x1x128xi32, #tpu.memory_space<vmem>>
      %dma_start3A_69 = tpu.memref_squeeze %dma_start3A_68 : memref<1x1x128xi32, #tpu.memory_space<vmem>> -> memref<1x128xi32, #tpu.memory_space<vmem>>
      %dma_start3A_70 = arith.constant 0 : i32
      %dma_start3A_71 = tpu.memref_slice %arg7[%dma_start3A_70, %mul3A_58] : memref<1x16384xi32, #tpu.memory_space<hbm>> -> memref<1x128xi32, #tpu.memory_space<hbm>>
      tpu.enqueue_dma source(%dma_start3A_71 : memref<1x128xi32, #tpu.memory_space<hbm>>) target(%dma_start3A_69 : memref<1x128xi32, #tpu.memory_space<vmem>>) target_semaphore(%dma_start3A_65 : memref<!tpu.dma_semaphore, #tpu.memory_space<semaphore_mem>>)
      %add3A_72 = arith.constant 0 : i32
      %add3A_73 = arith.constant 1 : i32
      %add3A_74 = arith.addi %add3A_72, %add3A_73 : i32
      %select_n3A_75 = arith.constant true
      %select_n3A_76 = arith.constant 0 : i32
      %select_n3A_77 = arith.select %select_n3A_75, %add3A_74, %select_n3A_76 : i32
      "tpu.trace_stop"() : () -> ()
      %scan3A = arith.constant 0 : i32
      %scan3A_78 = arith.constant 0 : i32
      %scan3A_79 = arith.constant 0 : i32
      %scan3A_80 = arith.constant 0 : i32
      %scan3A_81 = arith.constant 0 : i32
      %scan3A_82 = arith.constant 4 : i32
      %scan3A_83 = arith.addi %scan3A_81, %scan3A_82 : i32
      %scan3A_84 = arith.constant 1 : i32
      %scan3A_85:5 = scf.for %scan3A_139 = %scan3A_81 to %scan3A_83 step %scan3A_84 iter_args(%scan3A_140 = %select_n3A_77, %scan3A_141 = %scan3A, %scan3A_142 = %scan3A_78, %scan3A_143 = %scan3A_79, %scan3A_144 = %scan3A_80) -> (i32, i32, i32, i32, i32)  : i32 {
        %eq3A_145 = arith.constant 0 : i32
        %eq3A_146 = arith.cmpi eq, %scan3A_139, %eq3A_145 : i32
        %eq3A_147 = arith.constant 3 : i32
        %eq3A_148 = arith.cmpi eq, %scan3A_139, %eq3A_147 : i32
        %add3A_149 = arith.addi %scan3A_144, %mul3A_24 : i32
        %sub3A_150 = arith.constant 1 : i32
        %sub3A_151 = arith.subi %scan3A_144, %sub3A_150 : i32
        %select_n3A_152 = arith.constant true
        %select_n3A_153 = arith.select %select_n3A_152, %sub3A_151, %scan3A_144 : i32
        %eq3A_154 = arith.constant -1 : i32
        %eq3A_155 = arith.cmpi eq, %select_n3A_153, %eq3A_154 : i32
        %select_n3A_156 = arith.constant 3 : i32
        %select_n3A_157 = arith.select %eq3A_155, %select_n3A_156, %select_n3A_153 : i32
        %add3A_158 = arith.addi %select_n3A_157, %mul3A_24 : i32
        %add3A_159 = arith.constant 1 : i32
        %add3A_160 = arith.addi %scan3A_144, %add3A_159 : i32
        %select_n3A_161 = arith.constant true
        %select_n3A_162 = arith.select %select_n3A_161, %add3A_160, %scan3A_144 : i32
        %eq3A_163 = arith.constant 4 : i32
        %eq3A_164 = arith.cmpi eq, %select_n3A_162, %eq3A_163 : i32
        %select_n3A_165 = arith.constant 0 : i32
        %select_n3A_166 = arith.select %eq3A_164, %select_n3A_165, %select_n3A_162 : i32
        %add3A_167 = arith.addi %select_n3A_166, %mul3A_24 : i32
        %add3A_168 = arith.constant 1 : i32
        %add3A_169 = arith.addi %select_n3A_166, %add3A_168 : i32
        %select_n3A_170 = arith.constant true
        %select_n3A_171 = arith.select %select_n3A_170, %add3A_169, %select_n3A_166 : i32
        %eq3A_172 = arith.constant 4 : i32
        %eq3A_173 = arith.cmpi eq, %select_n3A_171, %eq3A_172 : i32
        %select_n3A_174 = arith.constant 0 : i32
        %select_n3A_175 = arith.select %eq3A_173, %select_n3A_174, %select_n3A_171 : i32
        %add3A_176 = arith.addi %select_n3A_175, %mul3A_24 : i32
        %ne3A = arith.cmpi ne, %add3A_149, %add3A_167 : i32
        %or3A = arith.constant false
        %or3A_177 = arith.ori %or3A, %ne3A : i1
        %ge3A = arith.constant 3 : i32
        %ge3A_178 = arith.cmpi sge, %scan3A_139, %ge3A : i32
        %not3A = arith.constant true
        %not3A_179 = arith.xori %ge3A_178, %not3A : i1
        %and3A = arith.andi %or3A_177, %not3A_179 : i1
        %convert_element_type3A = arith.extui %and3A : i1 to i32
        %cond3A = arith.constant 0 : i32
        %cond3A_180 = arith.cmpi ne, %convert_element_type3A, %cond3A : i32
        scf.if %cond3A_180 {
          "tpu.trace_start"() <{level = 10 : i32, message = "ep_copy_in"}> : () -> ()
          %rem3A_282 = arith.constant 2 : i32
          %rem3A_283 = arith.remui %scan3A_140, %rem3A_282 : i32
          %mul3A_284 = arith.constant 128 : i32
          %mul3A_285 = arith.muli %mul3A_284, %add3A_167 : i32
          %dma_start3A_286 = arith.constant 0 : i32
          %dma_start3A_287 = arith.constant 0 : i32
          %dma_start3A_288 = tpu.memref_slice %run_scoped3A[%rem3A_283, %dma_start3A_286, %dma_start3A_287] : memref<2x1x128xi32, #tpu.memory_space<vmem>> -> memref<1x1x128xi32, #tpu.memory_space<vmem>>
          %dma_start3A_289 = tpu.memref_squeeze %dma_start3A_288 : memref<1x1x128xi32, #tpu.memory_space<vmem>> -> memref<1x128xi32, #tpu.memory_space<vmem>>
          %dma_start3A_290 = arith.constant 0 : i32
          %dma_start3A_291 = tpu.memref_slice %arg7[%dma_start3A_290, %mul3A_285] : memref<1x16384xi32, #tpu.memory_space<hbm>> -> memref<1x128xi32, #tpu.memory_space<hbm>>
          %dma_start3A_292 = tpu.memref_slice %run_scoped3A_25[%rem3A_283] : memref<2x!tpu.dma_semaphore, #tpu.memory_space<semaphore_mem>> -> memref<1x!tpu.dma_semaphore, #tpu.memory_space<semaphore_mem>>
          %dma_start3A_293 = tpu.memref_squeeze %dma_start3A_292 : memref<1x!tpu.dma_semaphore, #tpu.memory_space<semaphore_mem>> -> memref<!tpu.dma_semaphore, #tpu.memory_space<semaphore_mem>>
          %dma_start3A_294 = arith.constant 0 : i32
          %dma_start3A_295 = arith.constant 0 : i32
          %dma_start3A_296 = tpu.memref_slice %run_scoped3A[%rem3A_283, %dma_start3A_294, %dma_start3A_295] : memref<2x1x128xi32, #tpu.memory_space<vmem>> -> memref<1x1x128xi32, #tpu.memory_space<vmem>>
          %dma_start3A_297 = tpu.memref_squeeze %dma_start3A_296 : memref<1x1x128xi32, #tpu.memory_space<vmem>> -> memref<1x128xi32, #tpu.memory_space<vmem>>
          %dma_start3A_298 = arith.constant 0 : i32
          %dma_start3A_299 = tpu.memref_slice %arg7[%dma_start3A_298, %mul3A_285] : memref<1x16384xi32, #tpu.memory_space<hbm>> -> memref<1x128xi32, #tpu.memory_space<hbm>>
          tpu.enqueue_dma source(%dma_start3A_299 : memref<1x128xi32, #tpu.memory_space<hbm>>) target(%dma_start3A_297 : memref<1x128xi32, #tpu.memory_space<vmem>>) target_semaphore(%dma_start3A_293 : memref<!tpu.dma_semaphore, #tpu.memory_space<semaphore_mem>>)
          "tpu.trace_stop"() : () -> ()
        } else {
        }
        %and3A_181 = arith.constant true
        %and3A_182 = arith.andi %and3A, %and3A_181 : i1
        %add3A_183 = arith.constant 1 : i32
        %add3A_184 = arith.addi %scan3A_140, %add3A_183 : i32
        %select_n3A_185 = arith.select %and3A_182, %add3A_184, %scan3A_140 : i32
        %ne3A_186 = arith.cmpi ne, %add3A_149, %add3A_167 : i32
        %or3A_187 = arith.constant false
        %or3A_188 = arith.ori %or3A_187, %ne3A_186 : i1
        %or3A_189 = arith.constant false
        %or3A_190 = arith.ori %or3A_188, %or3A_189 : i1
        %ge3A_191 = arith.constant 3 : i32
        %ge3A_192 = arith.cmpi sge, %scan3A_139, %ge3A_191 : i32
        %not3A_193 = arith.constant true
        %not3A_194 = arith.xori %ge3A_192, %not3A_193 : i1
        %and3A_195 = arith.andi %or3A_190, %not3A_194 : i1
        %ne3A_196 = arith.cmpi ne, %add3A_149, %add3A_158 : i32
        %or3A_197 = arith.constant false
        %or3A_198 = arith.ori %or3A_197, %ne3A_196 : i1
        %or3A_199 = arith.ori %or3A_198, %eq3A_146 : i1
        %convert_element_type3A_200 = arith.extui %or3A_199 : i1 to i32
        %cond3A_201 = arith.constant 0 : i32
        %cond3A_202 = arith.cmpi ne, %convert_element_type3A_200, %cond3A_201 : i32
        scf.if %cond3A_202 {
          "tpu.trace_start"() <{level = 10 : i32, message = "ep_wait_in"}> : () -> ()
          %mul3A_282 = arith.constant 128 : i32
          %mul3A_283 = arith.muli %mul3A_282, %add3A_149 : i32
          %rem3A_284 = arith.constant 2 : i32
          %rem3A_285 = arith.remui %scan3A_141, %rem3A_284 : i32
          %dma_wait3A_286 = arith.constant 0 : i32
          %dma_wait3A_287 = arith.constant 0 : i32
          %dma_wait3A_288 = tpu.memref_slice %run_scoped3A[%rem3A_285, %dma_wait3A_286, %dma_wait3A_287] : memref<2x1x128xi32, #tpu.memory_space<vmem>> -> memref<1x1x128xi32, #tpu.memory_space<vmem>>
          %dma_wait3A_289 = tpu.memref_squeeze %dma_wait3A_288 : memref<1x1x128xi32, #tpu.memory_space<vmem>> -> memref<1x128xi32, #tpu.memory_space<vmem>>
          %dma_wait3A_290 = arith.constant 0 : i32
          %dma_wait3A_291 = tpu.memref_slice %arg7[%dma_wait3A_290, %mul3A_283] : memref<1x16384xi32, #tpu.memory_space<hbm>> -> memref<1x128xi32, #tpu.memory_space<hbm>>
          %dma_wait3A_292 = tpu.memref_slice %run_scoped3A_25[%rem3A_285] : memref<2x!tpu.dma_semaphore, #tpu.memory_space<semaphore_mem>> -> memref<1x!tpu.dma_semaphore, #tpu.memory_space<semaphore_mem>>
          %dma_wait3A_293 = tpu.memref_squeeze %dma_wait3A_292 : memref<1x!tpu.dma_semaphore, #tpu.memory_space<semaphore_mem>> -> memref<!tpu.dma_semaphore, #tpu.memory_space<semaphore_mem>>
          %dma_wait3A_294 = arith.constant 0 : i32
          %dma_wait3A_295 = arith.constant 0 : i32
          %dma_wait3A_296 = tpu.memref_slice %run_scoped3A[%rem3A_285, %dma_wait3A_294, %dma_wait3A_295] : memref<2x1x128xi32, #tpu.memory_space<vmem>> -> memref<1x1x128xi32, #tpu.memory_space<vmem>>
          %dma_wait3A_297 = tpu.memref_squeeze %dma_wait3A_296 : memref<1x1x128xi32, #tpu.memory_space<vmem>> -> memref<1x128xi32, #tpu.memory_space<vmem>>
          %dma_wait3A_298 = arith.constant 0 : i32
          %dma_wait3A_299 = tpu.memref_slice %arg7[%dma_wait3A_298, %mul3A_283] : memref<1x16384xi32, #tpu.memory_space<hbm>> -> memref<1x128xi32, #tpu.memory_space<hbm>>
          tpu.wait_dma2 semaphore(%dma_wait3A_293 : memref<!tpu.dma_semaphore, #tpu.memory_space<semaphore_mem>>) src(%dma_wait3A_299 : memref<1x128xi32, #tpu.memory_space<hbm>>) dst(%dma_wait3A_297 : memref<1x128xi32, #tpu.memory_space<vmem>>)
          "tpu.trace_stop"() : () -> ()
        } else {
        }
        %ne3A_203 = arith.cmpi ne, %add3A_149, %add3A_158 : i32
        %or3A_204 = arith.constant false
        %or3A_205 = arith.ori %or3A_204, %ne3A_203 : i1
        %or3A_206 = arith.constant false
        %or3A_207 = arith.ori %or3A_205, %or3A_206 : i1
        %or3A_208 = arith.ori %or3A_207, %eq3A_146 : i1
        %convert_element_type3A_209 = arith.extui %or3A_208 : i1 to i32
        %cond3A_210 = arith.constant 0 : i32
        %cond3A_211 = arith.cmpi ne, %convert_element_type3A_209, %cond3A_210 : i32
        scf.if %cond3A_211 {
        } else {
        }
        %rem3A_212 = arith.constant 2 : i32
        %rem3A_213 = arith.remui %scan3A_141, %rem3A_212 : i32
        %rem3A_214 = arith.constant 2 : i32
        %rem3A_215 = arith.remui %scan3A_142, %rem3A_214 : i32
        %run_scoped3A_216 = arith.constant 0 : i32
        "tpu.trace_start"() <{level = 10 : i32, message = "ep_run_kernel"}> : () -> ()
        "tpu.region"() ({
          %run_scoped3A_282 = tpu.sem_alloc : memref<!tpu.dma_semaphore, #tpu.memory_space<semaphore_mem>>
          %dma_start3A_283 = arith.constant 0 : i32
          %dma_start3A_284 = arith.constant 0 : i32
          %dma_start3A_285 = tpu.memref_slice %run_scoped3A_26[%rem3A_215, %dma_start3A_283, %dma_start3A_284] : memref<2x128x128xf32, #tpu.memory_space<vmem>> -> memref<1x128x128xf32, #tpu.memory_space<vmem>>
          %dma_start3A_286 = tpu.memref_squeeze %dma_start3A_285 : memref<1x128x128xf32, #tpu.memory_space<vmem>> -> memref<128x128xf32, #tpu.memory_space<vmem>>
          %dma_start3A_287 = arith.constant 0 : i32
          %dma_start3A_288 = arith.constant 0 : i32
          %dma_start3A_289 = tpu.memref_slice %run_scoped3A[%rem3A_213, %dma_start3A_287, %dma_start3A_288] : memref<2x1x128xi32, #tpu.memory_space<vmem>> -> memref<1x1x128xi32, #tpu.memory_space<vmem>>
          %dma_start3A_290 = tpu.memref_squeeze %dma_start3A_289 : memref<1x1x128xi32, #tpu.memory_space<vmem>> -> memref<1x128xi32, #tpu.memory_space<vmem>>
          %dma_start3A_291 = arith.constant 0 : i32
          %dma_start3A_292 = tpu.memref_slice %dma_start3A_290[%run_scoped3A_216, %dma_start3A_291] : memref<1x128xi32, #tpu.memory_space<vmem>> -> memref<1x128xi32, #tpu.memory_space<vmem>>
          %dma_start3A_293 = tpu.memref_squeeze %dma_start3A_292 : memref<1x128xi32, #tpu.memory_space<vmem>> -> memref<128xi32, #tpu.memory_space<vmem>>
          %dma_start3A_294 = arith.constant 0 : i32
          %dma_start3A_295 = arith.constant 0 : i32
          %dma_start3A_296 = tpu.memref_slice %arg6[%dma_start3A_294, %dma_start3A_295] : memref<12500x128xf32, #tpu.memory_space<hbm>> -> memref<12500x128xf32, #tpu.memory_space<hbm>>
          tpu.enqueue_indirect_dma source(%dma_start3A_296 : memref<12500x128xf32, #tpu.memory_space<hbm>>) target(%dma_start3A_286 : memref<128x128xf32, #tpu.memory_space<vmem>>) offsets(%dma_start3A_293 : memref<128xi32, #tpu.memory_space<vmem>>) semaphore(%run_scoped3A_282 : memref<!tpu.dma_semaphore, #tpu.memory_space<semaphore_mem>>)
          %dma_wait3A_297 = arith.constant 0 : i32
          %dma_wait3A_298 = arith.constant 0 : i32
          %dma_wait3A_299 = tpu.memref_slice %run_scoped3A_26[%rem3A_215, %dma_wait3A_297, %dma_wait3A_298] : memref<2x128x128xf32, #tpu.memory_space<vmem>> -> memref<1x128x128xf32, #tpu.memory_space<vmem>>
          %dma_wait3A_300 = tpu.memref_squeeze %dma_wait3A_299 : memref<1x128x128xf32, #tpu.memory_space<vmem>> -> memref<128x128xf32, #tpu.memory_space<vmem>>
          %dma_wait3A_301 = arith.constant 0 : i32
          %dma_wait3A_302 = arith.constant 0 : i32
          %dma_wait3A_303 = tpu.memref_slice %run_scoped3A[%rem3A_213, %dma_wait3A_301, %dma_wait3A_302] : memref<2x1x128xi32, #tpu.memory_space<vmem>> -> memref<1x1x128xi32, #tpu.memory_space<vmem>>
          %dma_wait3A_304 = tpu.memref_squeeze %dma_wait3A_303 : memref<1x1x128xi32, #tpu.memory_space<vmem>> -> memref<1x128xi32, #tpu.memory_space<vmem>>
          %dma_wait3A_305 = arith.constant 0 : i32
          %dma_wait3A_306 = tpu.memref_slice %dma_wait3A_304[%run_scoped3A_216, %dma_wait3A_305] : memref<1x128xi32, #tpu.memory_space<vmem>> -> memref<1x128xi32, #tpu.memory_space<vmem>>
          %dma_wait3A_307 = tpu.memref_squeeze %dma_wait3A_306 : memref<1x128xi32, #tpu.memory_space<vmem>> -> memref<128xi32, #tpu.memory_space<vmem>>
          %dma_wait3A_308 = arith.constant 0 : i32
          %dma_wait3A_309 = arith.constant 0 : i32
          %dma_wait3A_310 = tpu.memref_slice %arg6[%dma_wait3A_308, %dma_wait3A_309] : memref<12500x128xf32, #tpu.memory_space<hbm>> -> memref<12500x128xf32, #tpu.memory_space<hbm>>
          tpu.wait_indirect_dma semaphore(%run_scoped3A_282 : memref<!tpu.dma_semaphore, #tpu.memory_space<semaphore_mem>>) src(%dma_wait3A_310 : memref<12500x128xf32, #tpu.memory_space<hbm>>) dst(%dma_wait3A_300 : memref<128x128xf32, #tpu.memory_space<vmem>>)
          tpu.yield
        }) : () -> ()
        "tpu.trace_stop"() : () -> ()
        %ne3A_217 = arith.cmpi ne, %add3A_149, %add3A_167 : i32
        %or3A_218 = arith.constant false
        %or3A_219 = arith.ori %or3A_218, %ne3A_217 : i1
        %or3A_220 = arith.ori %or3A_219, %eq3A_148 : i1
        %convert_element_type3A_221 = arith.extui %or3A_220 : i1 to i32
        %cond3A_222 = arith.constant 0 : i32
        %cond3A_223 = arith.cmpi ne, %convert_element_type3A_221, %cond3A_222 : i32
        scf.if %cond3A_223 {
        } else {
        }
        %and3A_224 = arith.constant false
        %and3A_225 = arith.andi %or3A_220, %and3A_224 : i1
        %ne3A_226 = arith.cmpi ne, %add3A_149, %add3A_167 : i32
        %or3A_227 = arith.constant false
        %or3A_228 = arith.ori %or3A_227, %ne3A_226 : i1
        %or3A_229 = arith.constant false
        %or3A_230 = arith.ori %or3A_228, %or3A_229 : i1
        %or3A_231 = arith.ori %or3A_230, %eq3A_148 : i1
        %convert_element_type3A_232 = arith.extui %or3A_231 : i1 to i32
        %cond3A_233 = arith.constant 0 : i32
        %cond3A_234 = arith.cmpi ne, %convert_element_type3A_232, %cond3A_233 : i32
        scf.if %cond3A_234 {
          "tpu.trace_start"() <{level = 10 : i32, message = "ep_copy_out"}> : () -> ()
          %rem3A_282 = arith.constant 2 : i32
          %rem3A_283 = arith.remui %scan3A_142, %rem3A_282 : i32
          %mul3A_284 = arith.constant 128 : i32
          %mul3A_285 = arith.muli %mul3A_284, %add3A_149 : i32
          %dma_start3A_286 = arith.constant 0 : i32
          %dma_start3A_287 = arith.constant 0 : i32
          %dma_start3A_288 = tpu.memref_slice %run_scoped3A_26[%rem3A_283, %dma_start3A_286, %dma_start3A_287] : memref<2x128x128xf32, #tpu.memory_space<vmem>> -> memref<1x128x128xf32, #tpu.memory_space<vmem>>
          %dma_start3A_289 = tpu.memref_squeeze %dma_start3A_288 : memref<1x128x128xf32, #tpu.memory_space<vmem>> -> memref<128x128xf32, #tpu.memory_space<vmem>>
          %dma_start3A_290 = arith.constant 0 : i32
          %dma_start3A_291 = tpu.memref_slice %arg10[%mul3A_285, %dma_start3A_290] : memref<16384x128xf32, #tpu.memory_space<hbm>> -> memref<128x128xf32, #tpu.memory_space<hbm>>
          %dma_start3A_292 = tpu.memref_slice %run_scoped3A_27[%rem3A_283] : memref<2x!tpu.dma_semaphore, #tpu.memory_space<semaphore_mem>> -> memref<1x!tpu.dma_semaphore, #tpu.memory_space<semaphore_mem>>
          %dma_start3A_293 = tpu.memref_squeeze %dma_start3A_292 : memref<1x!tpu.dma_semaphore, #tpu.memory_space<semaphore_mem>> -> memref<!tpu.dma_semaphore, #tpu.memory_space<semaphore_mem>>
          %dma_start3A_294 = arith.constant 0 : i32
          %dma_start3A_295 = tpu.memref_slice %arg10[%mul3A_285, %dma_start3A_294] : memref<16384x128xf32, #tpu.memory_space<hbm>> -> memref<128x128xf32, #tpu.memory_space<hbm>>
          %dma_start3A_296 = arith.constant 0 : i32
          %dma_start3A_297 = arith.constant 0 : i32
          %dma_start3A_298 = tpu.memref_slice %run_scoped3A_26[%rem3A_283, %dma_start3A_296, %dma_start3A_297] : memref<2x128x128xf32, #tpu.memory_space<vmem>> -> memref<1x128x128xf32, #tpu.memory_space<vmem>>
          %dma_start3A_299 = tpu.memref_squeeze %dma_start3A_298 : memref<1x128x128xf32, #tpu.memory_space<vmem>> -> memref<128x128xf32, #tpu.memory_space<vmem>>
          tpu.enqueue_dma source(%dma_start3A_299 : memref<128x128xf32, #tpu.memory_space<vmem>>) target(%dma_start3A_295 : memref<128x128xf32, #tpu.memory_space<hbm>>) target_semaphore(%dma_start3A_293 : memref<!tpu.dma_semaphore, #tpu.memory_space<semaphore_mem>>)
          "tpu.trace_stop"() : () -> ()
        } else {
        }
        %and3A_235 = arith.constant true
        %and3A_236 = arith.andi %or3A_231, %and3A_235 : i1
        %add3A_237 = arith.constant 1 : i32
        %add3A_238 = arith.addi %scan3A_142, %add3A_237 : i32
        %select_n3A_239 = arith.select %and3A_236, %add3A_238, %scan3A_142 : i32
        %ne3A_240 = arith.cmpi ne, %add3A_149, %add3A_158 : i32
        %or3A_241 = arith.constant false
        %or3A_242 = arith.ori %or3A_241, %ne3A_240 : i1
        %not3A_243 = arith.constant true
        %not3A_244 = arith.xori %eq3A_146, %not3A_243 : i1
        %and3A_245 = arith.andi %or3A_242, %not3A_244 : i1
        %convert_element_type3A_246 = arith.extui %and3A_245 : i1 to i32
        %cond3A_247 = arith.constant 0 : i32
        %cond3A_248 = arith.cmpi ne, %convert_element_type3A_246, %cond3A_247 : i32
        scf.if %cond3A_248 {
        } else {
        }
        %and3A_249 = arith.constant false
        %and3A_250 = arith.andi %and3A_245, %and3A_249 : i1
        %ne3A_251 = arith.cmpi ne, %add3A_149, %add3A_158 : i32
        %or3A_252 = arith.constant false
        %or3A_253 = arith.ori %or3A_252, %ne3A_251 : i1
        %or3A_254 = arith.constant false
        %or3A_255 = arith.ori %or3A_253, %or3A_254 : i1
        %not3A_256 = arith.constant true
        %not3A_257 = arith.xori %eq3A_146, %not3A_256 : i1
        %and3A_258 = arith.andi %or3A_255, %not3A_257 : i1
        %convert_element_type3A_259 = arith.extui %and3A_258 : i1 to i32
        %cond3A_260 = arith.constant 0 : i32
        %cond3A_261 = arith.cmpi ne, %convert_element_type3A_259, %cond3A_260 : i32
        scf.if %cond3A_261 {
          "tpu.trace_start"() <{level = 10 : i32, message = "ep_wait_out"}> : () -> ()
          %rem3A_282 = arith.constant 2 : i32
          %rem3A_283 = arith.remui %scan3A_143, %rem3A_282 : i32
          %mul3A_284 = arith.constant 128 : i32
          %mul3A_285 = arith.muli %mul3A_284, %add3A_158 : i32
          %dma_wait3A_286 = arith.constant 0 : i32
          %dma_wait3A_287 = arith.constant 0 : i32
          %dma_wait3A_288 = tpu.memref_slice %run_scoped3A_26[%rem3A_283, %dma_wait3A_286, %dma_wait3A_287] : memref<2x128x128xf32, #tpu.memory_space<vmem>> -> memref<1x128x128xf32, #tpu.memory_space<vmem>>
          %dma_wait3A_289 = tpu.memref_squeeze %dma_wait3A_288 : memref<1x128x128xf32, #tpu.memory_space<vmem>> -> memref<128x128xf32, #tpu.memory_space<vmem>>
          %dma_wait3A_290 = arith.constant 0 : i32
          %dma_wait3A_291 = tpu.memref_slice %arg10[%mul3A_285, %dma_wait3A_290] : memref<16384x128xf32, #tpu.memory_space<hbm>> -> memref<128x128xf32, #tpu.memory_space<hbm>>
          %dma_wait3A_292 = tpu.memref_slice %run_scoped3A_27[%rem3A_283] : memref<2x!tpu.dma_semaphore, #tpu.memory_space<semaphore_mem>> -> memref<1x!tpu.dma_semaphore, #tpu.memory_space<semaphore_mem>>
          %dma_wait3A_293 = tpu.memref_squeeze %dma_wait3A_292 : memref<1x!tpu.dma_semaphore, #tpu.memory_space<semaphore_mem>> -> memref<!tpu.dma_semaphore, #tpu.memory_space<semaphore_mem>>
          %dma_wait3A_294 = arith.constant 0 : i32
          %dma_wait3A_295 = tpu.memref_slice %arg10[%mul3A_285, %dma_wait3A_294] : memref<16384x128xf32, #tpu.memory_space<hbm>> -> memref<128x128xf32, #tpu.memory_space<hbm>>
          %dma_wait3A_296 = arith.constant 0 : i32
          %dma_wait3A_297 = arith.constant 0 : i32
          %dma_wait3A_298 = tpu.memref_slice %run_scoped3A_26[%rem3A_283, %dma_wait3A_296, %dma_wait3A_297] : memref<2x128x128xf32, #tpu.memory_space<vmem>> -> memref<1x128x128xf32, #tpu.memory_space<vmem>>
          %dma_wait3A_299 = tpu.memref_squeeze %dma_wait3A_298 : memref<1x128x128xf32, #tpu.memory_space<vmem>> -> memref<128x128xf32, #tpu.memory_space<vmem>>
          tpu.wait_dma2 semaphore(%dma_wait3A_293 : memref<!tpu.dma_semaphore, #tpu.memory_space<semaphore_mem>>) src(%dma_wait3A_299 : memref<128x128xf32, #tpu.memory_space<vmem>>) dst(%dma_wait3A_295 : memref<128x128xf32, #tpu.memory_space<hbm>>)
          "tpu.trace_stop"() : () -> ()
        } else {
        }
        %and3A_262 = arith.constant true
        %and3A_263 = arith.andi %and3A_258, %and3A_262 : i1
        %add3A_264 = arith.constant 1 : i32
        %add3A_265 = arith.addi %scan3A_143, %add3A_264 : i32
        %select_n3A_266 = arith.select %and3A_263, %add3A_265, %scan3A_143 : i32
        %ne3A_267 = arith.cmpi ne, %add3A_149, %add3A_167 : i32
        %or3A_268 = arith.constant false
        %or3A_269 = arith.ori %or3A_268, %ne3A_267 : i1
        %or3A_270 = arith.ori %or3A_269, %eq3A_148 : i1
        %add3A_271 = arith.constant 1 : i32
        %add3A_272 = arith.addi %scan3A_141, %add3A_271 : i32
        %select_n3A_273 = arith.select %or3A_270, %add3A_272, %scan3A_141 : i32
        %add3A_274 = arith.constant 1 : i32
        %add3A_275 = arith.addi %scan3A_144, %add3A_274 : i32
        %select_n3A_276 = arith.constant true
        %select_n3A_277 = arith.select %select_n3A_276, %add3A_275, %scan3A_144 : i32
        %eq3A_278 = arith.constant 4 : i32
        %eq3A_279 = arith.cmpi eq, %select_n3A_277, %eq3A_278 : i32
        %select_n3A_280 = arith.constant 0 : i32
        %select_n3A_281 = arith.select %eq3A_279, %select_n3A_280, %select_n3A_277 : i32
        scf.yield %select_n3A_185, %select_n3A_273, %select_n3A_239, %select_n3A_266, %select_n3A_281 : i32, i32, i32, i32, i32
      }
      %scan3A_86 = arith.constant 4 : i32
      %sub3A = arith.constant 1 : i32
      %sub3A_87 = arith.subi %scan3A_85#4, %sub3A : i32
      %select_n3A_88 = arith.constant true
      %select_n3A_89 = arith.select %select_n3A_88, %sub3A_87, %scan3A_85#4 : i32
      %eq3A_90 = arith.constant -1 : i32
      %eq3A_91 = arith.cmpi eq, %select_n3A_89, %eq3A_90 : i32
      %select_n3A_92 = arith.constant 3 : i32
      %select_n3A_93 = arith.select %eq3A_91, %select_n3A_92, %select_n3A_89 : i32
      %add3A_94 = arith.addi %select_n3A_93, %mul3A_24 : i32
      %sub3A_95 = arith.constant 1 : i32
      %sub3A_96 = arith.subi %select_n3A_93, %sub3A_95 : i32
      %select_n3A_97 = arith.constant true
      %select_n3A_98 = arith.select %select_n3A_97, %sub3A_96, %select_n3A_93 : i32
      %eq3A_99 = arith.constant -1 : i32
      %eq3A_100 = arith.cmpi eq, %select_n3A_98, %eq3A_99 : i32
      %select_n3A_101 = arith.constant 3 : i32
      %select_n3A_102 = arith.select %eq3A_100, %select_n3A_101, %select_n3A_98 : i32
      %add3A_103 = arith.addi %select_n3A_102, %mul3A_24 : i32
      %add3A_104 = arith.constant 1 : i32
      %add3A_105 = arith.addi %select_n3A_93, %add3A_104 : i32
      %select_n3A_106 = arith.constant true
      %select_n3A_107 = arith.select %select_n3A_106, %add3A_105, %select_n3A_93 : i32
      %eq3A_108 = arith.constant 4 : i32
      %eq3A_109 = arith.cmpi eq, %select_n3A_107, %eq3A_108 : i32
      %select_n3A_110 = arith.constant 0 : i32
      %select_n3A_111 = arith.select %eq3A_109, %select_n3A_110, %select_n3A_107 : i32
      %add3A_112 = arith.addi %select_n3A_111, %mul3A_24 : i32
      %add3A_113 = arith.constant 1 : i32
      %add3A_114 = arith.addi %select_n3A_111, %add3A_113 : i32
      %select_n3A_115 = arith.constant true
      %select_n3A_116 = arith.select %select_n3A_115, %add3A_114, %select_n3A_111 : i32
      %eq3A_117 = arith.constant 4 : i32
      %eq3A_118 = arith.cmpi eq, %select_n3A_116, %eq3A_117 : i32
      %select_n3A_119 = arith.constant 0 : i32
      %select_n3A_120 = arith.select %eq3A_118, %select_n3A_119, %select_n3A_116 : i32
      %add3A_121 = arith.addi %select_n3A_120, %mul3A_24 : i32
      "tpu.trace_start"() <{level = 10 : i32, message = "ep_finalize"}> : () -> ()
      %rem3A_122 = arith.constant 2 : i32
      %rem3A_123 = arith.remui %scan3A_85#3, %rem3A_122 : i32
      %mul3A_124 = arith.constant 128 : i32
      %mul3A_125 = arith.muli %mul3A_124, %add3A_94 : i32
      %dma_wait3A = arith.constant 0 : i32
      %dma_wait3A_126 = arith.constant 0 : i32
      %dma_wait3A_127 = tpu.memref_slice %run_scoped3A_26[%rem3A_123, %dma_wait3A, %dma_wait3A_126] : memref<2x128x128xf32, #tpu.memory_space<vmem>> -> memref<1x128x128xf32, #tpu.memory_space<vmem>>
      %dma_wait3A_128 = tpu.memref_squeeze %dma_wait3A_127 : memref<1x128x128xf32, #tpu.memory_space<vmem>> -> memref<128x128xf32, #tpu.memory_space<vmem>>
      %dma_wait3A_129 = arith.constant 0 : i32
      %dma_wait3A_130 = tpu.memref_slice %arg10[%mul3A_125, %dma_wait3A_129] : memref<16384x128xf32, #tpu.memory_space<hbm>> -> memref<128x128xf32, #tpu.memory_space<hbm>>
      %dma_wait3A_131 = tpu.memref_slice %run_scoped3A_27[%rem3A_123] : memref<2x!tpu.dma_semaphore, #tpu.memory_space<semaphore_mem>> -> memref<1x!tpu.dma_semaphore, #tpu.memory_space<semaphore_mem>>
      %dma_wait3A_132 = tpu.memref_squeeze %dma_wait3A_131 : memref<1x!tpu.dma_semaphore, #tpu.memory_space<semaphore_mem>> -> memref<!tpu.dma_semaphore, #tpu.memory_space<semaphore_mem>>
      %dma_wait3A_133 = arith.constant 0 : i32
      %dma_wait3A_134 = tpu.memref_slice %arg10[%mul3A_125, %dma_wait3A_133] : memref<16384x128xf32, #tpu.memory_space<hbm>> -> memref<128x128xf32, #tpu.memory_space<hbm>>
      %dma_wait3A_135 = arith.constant 0 : i32
      %dma_wait3A_136 = arith.constant 0 : i32
      %dma_wait3A_137 = tpu.memref_slice %run_scoped3A_26[%rem3A_123, %dma_wait3A_135, %dma_wait3A_136] : memref<2x128x128xf32, #tpu.memory_space<vmem>> -> memref<1x128x128xf32, #tpu.memory_space<vmem>>
      %dma_wait3A_138 = tpu.memref_squeeze %dma_wait3A_137 : memref<1x128x128xf32, #tpu.memory_space<vmem>> -> memref<128x128xf32, #tpu.memory_space<vmem>>
      tpu.wait_dma2 semaphore(%dma_wait3A_132 : memref<!tpu.dma_semaphore, #tpu.memory_space<semaphore_mem>>) src(%dma_wait3A_138 : memref<128x128xf32, #tpu.memory_space<vmem>>) dst(%dma_wait3A_134 : memref<128x128xf32, #tpu.memory_space<hbm>>)
      "tpu.trace_stop"() : () -> ()
      tpu.yield
    }) : () -> ()
    return
  }
}

module attributes {stable_mosaic.version = 14 : i64} {
  func.func @_repack_body(%arg0: i32, %arg1: memref<16x16384xf32, #tpu.memory_space<vmem>>, %arg2: memref<2048x128xf32, #tpu.memory_space<vmem>>) attributes {dimension_semantics = [#tpu.dimension_semantics<arbitrary>], iteration_bounds = array<i64: 28>, scalar_prefetch = 0 : i64, scratch_operands = 0 : i64, tpu.core_type = #tpu.core_type<tc>, window_params = [{transform_indices = @transform_0, window_bounds = array<i64: 16, 16384>}, {transform_indices = @transform_1, window_bounds = array<i64: 2048, 128>}]} {
    %get3A = arith.constant 0 : index
    %get3A_0 = arith.constant 0 : index
    %get3A_1 = vector.load %arg1[%get3A, %get3A_0] : memref<16x16384xf32, #tpu.memory_space<vmem>>, vector<16x16384xf32>
    %transpose3A = tpu.transpose %get3A_1, [1, 0] : vector<16x16384xf32> -> vector<16384x16xf32>
    %reshape3A = vector.shape_cast %transpose3A : vector<16384x16xf32> to vector<2048x8x16xf32>
    %slice3A = vector.extract_strided_slice %reshape3A {offsets = [0, 0, 0], sizes = [2048, 1, 16], strides = [1, 1, 1]} : vector<2048x8x16xf32> to vector<2048x1x16xf32>
    %squeeze3A = vector.shape_cast %slice3A : vector<2048x1x16xf32> to vector<2048x16xf32>
    %slice3A_2 = vector.extract_strided_slice %reshape3A {offsets = [0, 1, 0], sizes = [2048, 1, 16], strides = [1, 1, 1]} : vector<2048x8x16xf32> to vector<2048x1x16xf32>
    %squeeze3A_3 = vector.shape_cast %slice3A_2 : vector<2048x1x16xf32> to vector<2048x16xf32>
    %slice3A_4 = vector.extract_strided_slice %reshape3A {offsets = [0, 2, 0], sizes = [2048, 1, 16], strides = [1, 1, 1]} : vector<2048x8x16xf32> to vector<2048x1x16xf32>
    %squeeze3A_5 = vector.shape_cast %slice3A_4 : vector<2048x1x16xf32> to vector<2048x16xf32>
    %slice3A_6 = vector.extract_strided_slice %reshape3A {offsets = [0, 3, 0], sizes = [2048, 1, 16], strides = [1, 1, 1]} : vector<2048x8x16xf32> to vector<2048x1x16xf32>
    %squeeze3A_7 = vector.shape_cast %slice3A_6 : vector<2048x1x16xf32> to vector<2048x16xf32>
    %slice3A_8 = vector.extract_strided_slice %reshape3A {offsets = [0, 4, 0], sizes = [2048, 1, 16], strides = [1, 1, 1]} : vector<2048x8x16xf32> to vector<2048x1x16xf32>
    %squeeze3A_9 = vector.shape_cast %slice3A_8 : vector<2048x1x16xf32> to vector<2048x16xf32>
    %slice3A_10 = vector.extract_strided_slice %reshape3A {offsets = [0, 5, 0], sizes = [2048, 1, 16], strides = [1, 1, 1]} : vector<2048x8x16xf32> to vector<2048x1x16xf32>
    %squeeze3A_11 = vector.shape_cast %slice3A_10 : vector<2048x1x16xf32> to vector<2048x16xf32>
    %slice3A_12 = vector.extract_strided_slice %reshape3A {offsets = [0, 6, 0], sizes = [2048, 1, 16], strides = [1, 1, 1]} : vector<2048x8x16xf32> to vector<2048x1x16xf32>
    %squeeze3A_13 = vector.shape_cast %slice3A_12 : vector<2048x1x16xf32> to vector<2048x16xf32>
    %slice3A_14 = vector.extract_strided_slice %reshape3A {offsets = [0, 7, 0], sizes = [2048, 1, 16], strides = [1, 1, 1]} : vector<2048x8x16xf32> to vector<2048x1x16xf32>
    %squeeze3A_15 = vector.shape_cast %slice3A_14 : vector<2048x1x16xf32> to vector<2048x16xf32>
    %concatenate3A = tpu.concatenate %squeeze3A, %squeeze3A_3, %squeeze3A_5, %squeeze3A_7, %squeeze3A_9, %squeeze3A_11, %squeeze3A_13, %squeeze3A_15 in 1 : vector<2048x16xf32>, vector<2048x16xf32>, vector<2048x16xf32>, vector<2048x16xf32>, vector<2048x16xf32>, vector<2048x16xf32>, vector<2048x16xf32>, vector<2048x16xf32> -> vector<2048x128xf32>
    %swap3A = arith.constant 0 : index
    %swap3A_16 = arith.constant 0 : index
    %swap3A_17 = vector.load %arg2[%swap3A, %swap3A_16] : memref<2048x128xf32, #tpu.memory_space<vmem>>, vector<2048x128xf32>
    tpu.vector_store %arg2[%swap3A, %swap3A_16], %concatenate3A {strides = array<i32>} : memref<2048x128xf32, #tpu.memory_space<vmem>>, vector<2048x128xf32>,
    return
  }
  func.func @transform_0(%arg0: i32) -> (i32, i32) {
    %add3A = arith.constant 34 : i32
    %add3A_0 = arith.addi %arg0, %add3A : i32
    %c0_i32 = arith.constant 0 : i32
    %c0_i32_1 = arith.constant 0 : i32
    return %c0_i32, %add3A_0 : i32, i32
  }
  func.func @transform_1(%arg0: i32) -> (i32, i32) {
    %c0_i32 = arith.constant 0 : i32
    %c0_i32_0 = arith.constant 0 : i32
    return %arg0, %c0_i32 : i32, i32
  }
}

module attributes {stable_mosaic.version = 14 : i64} {
  func.func @_tail_body(%arg0: i32, %arg1: memref<16x1024xf32, #tpu.memory_space<vmem>>, %arg2: memref<12500x128xf32, #tpu.memory_space<hbm>>, %arg3: memref<128x128xf32, #tpu.memory_space<vmem>>) attributes {dimension_semantics = [#tpu.dimension_semantics<arbitrary>], iteration_bounds = array<i64: 1>, scalar_prefetch = 0 : i64, scratch_operands = 0 : i64, tpu.core_type = #tpu.core_type<tc>, window_params = [{transform_indices = @transform_0, window_bounds = array<i64: 16, 1024>}, {}, {transform_indices = @transform_2, window_bounds = array<i64: 128, 128>}]} {
    %get3A = arith.constant 0 : index
    %get3A_0 = arith.constant 0 : index
    %get3A_1 = vector.load %arg1[%get3A, %get3A_0] : memref<16x1024xf32, #tpu.memory_space<vmem>>, vector<16x1024xf32>
    %transpose3A = tpu.transpose %get3A_1, [1, 0] : vector<16x1024xf32> -> vector<1024x16xf32>
    %reshape3A = vector.shape_cast %transpose3A : vector<1024x16xf32> to vector<128x8x16xf32>
    %slice3A = vector.extract_strided_slice %reshape3A {offsets = [0, 0, 0], sizes = [128, 1, 16], strides = [1, 1, 1]} : vector<128x8x16xf32> to vector<128x1x16xf32>
    %squeeze3A = vector.shape_cast %slice3A : vector<128x1x16xf32> to vector<128x16xf32>
    %slice3A_2 = vector.extract_strided_slice %reshape3A {offsets = [0, 1, 0], sizes = [128, 1, 16], strides = [1, 1, 1]} : vector<128x8x16xf32> to vector<128x1x16xf32>
    %squeeze3A_3 = vector.shape_cast %slice3A_2 : vector<128x1x16xf32> to vector<128x16xf32>
    %slice3A_4 = vector.extract_strided_slice %reshape3A {offsets = [0, 2, 0], sizes = [128, 1, 16], strides = [1, 1, 1]} : vector<128x8x16xf32> to vector<128x1x16xf32>
    %squeeze3A_5 = vector.shape_cast %slice3A_4 : vector<128x1x16xf32> to vector<128x16xf32>
    %slice3A_6 = vector.extract_strided_slice %reshape3A {offsets = [0, 3, 0], sizes = [128, 1, 16], strides = [1, 1, 1]} : vector<128x8x16xf32> to vector<128x1x16xf32>
    %squeeze3A_7 = vector.shape_cast %slice3A_6 : vector<128x1x16xf32> to vector<128x16xf32>
    %slice3A_8 = vector.extract_strided_slice %reshape3A {offsets = [0, 4, 0], sizes = [128, 1, 16], strides = [1, 1, 1]} : vector<128x8x16xf32> to vector<128x1x16xf32>
    %squeeze3A_9 = vector.shape_cast %slice3A_8 : vector<128x1x16xf32> to vector<128x16xf32>
    %slice3A_10 = vector.extract_strided_slice %reshape3A {offsets = [0, 5, 0], sizes = [128, 1, 16], strides = [1, 1, 1]} : vector<128x8x16xf32> to vector<128x1x16xf32>
    %squeeze3A_11 = vector.shape_cast %slice3A_10 : vector<128x1x16xf32> to vector<128x16xf32>
    %slice3A_12 = vector.extract_strided_slice %reshape3A {offsets = [0, 6, 0], sizes = [128, 1, 16], strides = [1, 1, 1]} : vector<128x8x16xf32> to vector<128x1x16xf32>
    %squeeze3A_13 = vector.shape_cast %slice3A_12 : vector<128x1x16xf32> to vector<128x16xf32>
    %slice3A_14 = vector.extract_strided_slice %reshape3A {offsets = [0, 7, 0], sizes = [128, 1, 16], strides = [1, 1, 1]} : vector<128x8x16xf32> to vector<128x1x16xf32>
    %squeeze3A_15 = vector.shape_cast %slice3A_14 : vector<128x1x16xf32> to vector<128x16xf32>
    %concatenate3A = tpu.concatenate %squeeze3A, %squeeze3A_3, %squeeze3A_5, %squeeze3A_7, %squeeze3A_9, %squeeze3A_11, %squeeze3A_13, %squeeze3A_15 in 1 : vector<128x16xf32>, vector<128x16xf32>, vector<128x16xf32>, vector<128x16xf32>, vector<128x16xf32>, vector<128x16xf32>, vector<128x16xf32>, vector<128x16xf32> -> vector<128x128xf32>
    %swap3A = arith.constant 0 : index
    %swap3A_16 = arith.constant 0 : index
    %swap3A_17 = vector.load %arg3[%swap3A, %swap3A_16] : memref<128x128xf32, #tpu.memory_space<vmem>>, vector<128x128xf32>
    tpu.vector_store %arg3[%swap3A, %swap3A_16], %concatenate3A {strides = array<i32>} : memref<128x128xf32, #tpu.memory_space<vmem>>, vector<128x128xf32>,
    return
  }
  func.func @transform_0(%arg0: i32) -> (i32, i32) {
    %c0_i32 = arith.constant 0 : i32
    %c97_i32 = arith.constant 97 : i32
    %c0_i32_0 = arith.constant 0 : i32
    return %c0_i32, %c97_i32 : i32, i32
  }
  func.func @transform_2(%arg0: i32) -> (i32, i32) {
    %c97_i32 = arith.constant 97 : i32
    %c0_i32 = arith.constant 0 : i32
    %c0_i32_0 = arith.constant 0 : i32
    return %c97_i32, %c0_i32 : i32, i32
  }
}

module attributes {stable_mosaic.version = 14 : i64} {
  func.func @_mlp_body(%arg0: i32, %arg1: memref<2048x128xf32, #tpu.memory_space<vmem>>, %arg2: memref<2048x128xf32, #tpu.memory_space<vmem>>, %arg3: memref<2048x128xf32, #tpu.memory_space<vmem>>, %arg4: memref<3x2048xbf16, #tpu.memory_space<vmem>>, %arg5: memref<2048x13xf32, #tpu.memory_space<vmem>>, %arg6: memref<2048x26xbf16, #tpu.memory_space<vmem>>, %arg7: memref<1x128xbf16, #tpu.memory_space<vmem>>, %arg8: memref<26x520xbf16, #tpu.memory_space<vmem>>, %arg9: memref<1x520xf32, #tpu.memory_space<vmem>>, %arg10: memref<520x256xbf16, #tpu.memory_space<vmem>>, %arg11: memref<128x256xbf16, #tpu.memory_space<vmem>>, %arg12: memref<128x256xbf16, #tpu.memory_space<vmem>>, %arg13: memref<13x256xbf16, #tpu.memory_space<vmem>>, %arg14: memref<1x256xf32, #tpu.memory_space<vmem>>, %arg15: memref<1x13xf32, #tpu.memory_space<vmem>>, %arg16: memref<1x13xf32, #tpu.memory_space<vmem>>, %arg17: memref<1x256xf32, #tpu.memory_space<vmem>>, %arg18: memref<1x256xf32, #tpu.memory_space<vmem>>, %arg19: memref<256x128xbf16, #tpu.memory_space<vmem>>, %arg20: memref<1x128xf32, #tpu.memory_space<vmem>>, %arg21: memref<1x128xf32, #tpu.memory_space<vmem>>, %arg22: memref<1x128xf32, #tpu.memory_space<vmem>>, %arg23: memref<128x1xbf16, #tpu.memory_space<vmem>>, %arg24: memref<1x1xf32, #tpu.memory_space<vmem>>, %arg25: memref<2048x1xf32, #tpu.memory_space<vmem>>) attributes {dimension_semantics = [#tpu.dimension_semantics<arbitrary>], iteration_bounds = array<i64: 8>, scalar_prefetch = 0 : i64, scratch_operands = 0 : i64, tpu.core_type = #tpu.core_type<tc>, window_params = [{transform_indices = @transform_0, window_bounds = array<i64: 2048, 128>}, {transform_indices = @transform_1, window_bounds = array<i64: 2048, 128>}, {transform_indices = @transform_2, window_bounds = array<i64: 2048, 128>}, {transform_indices = @transform_3, window_bounds = array<i64: 3, 2048>}, {transform_indices = @transform_4, window_bounds = array<i64: 2048, 13>}, {transform_indices = @transform_5, window_bounds = array<i64: 2048, 26>}, {pipeline_mode = #tpu.pipeline_mode<synchronous>, transform_indices = @transform_6, window_bounds = array<i64: 1, 128>}, {pipeline_mode = #tpu.pipeline_mode<synchronous>, transform_indices = @transform_7, window_bounds = array<i64: 26, 520>}, {pipeline_mode = #tpu.pipeline_mode<synchronous>, transform_indices = @transform_8, window_bounds = array<i64: 1, 520>}, {pipeline_mode = #tpu.pipeline_mode<synchronous>, transform_indices = @transform_9, window_bounds = array<i64: 520, 256>}, {pipeline_mode = #tpu.pipeline_mode<synchronous>, transform_indices = @transform_10, window_bounds = array<i64: 128, 256>}, {pipeline_mode = #tpu.pipeline_mode<synchronous>, transform_indices = @transform_11, window_bounds = array<i64: 128, 256>}, {pipeline_mode = #tpu.pipeline_mode<synchronous>, transform_indices = @transform_12, window_bounds = array<i64: 13, 256>}, {pipeline_mode = #tpu.pipeline_mode<synchronous>, transform_indices = @transform_13, window_bounds = array<i64: 1, 256>}, {pipeline_mode = #tpu.pipeline_mode<synchronous>, transform_indices = @transform_14, window_bounds = array<i64: 1, 13>}, {pipeline_mode = #tpu.pipeline_mode<synchronous>, transform_indices = @transform_15, window_bounds = array<i64: 1, 13>}, {pipeline_mode = #tpu.pipeline_mode<synchronous>, transform_indices = @transform_16, window_bounds = array<i64: 1, 256>}, {pipeline_mode = #tpu.pipeline_mode<synchronous>, transform_indices = @transform_17, window_bounds = array<i64: 1, 256>}, {pipeline_mode = #tpu.pipeline_mode<synchronous>, transform_indices = @transform_18, window_bounds = array<i64: 256, 128>}, {pipeline_mode = #tpu.pipeline_mode<synchronous>, transform_indices = @transform_19, window_bounds = array<i64: 1, 128>}, {pipeline_mode = #tpu.pipeline_mode<synchronous>, transform_indices = @transform_20, window_bounds = array<i64: 1, 128>}, {pipeline_mode = #tpu.pipeline_mode<synchronous>, transform_indices = @transform_21, window_bounds = array<i64: 1, 128>}, {pipeline_mode = #tpu.pipeline_mode<synchronous>, transform_indices = @transform_22, window_bounds = array<i64: 128, 1>}, {pipeline_mode = #tpu.pipeline_mode<synchronous>, transform_indices = @transform_23, window_bounds = array<i64: 1, 1>}, {transform_indices = @transform_24, window_bounds = array<i64: 2048, 1>}]} {
    %get3A = arith.constant 0 : index
    %get3A_0 = arith.constant 0 : index
    %get3A_1 = vector.load %arg4[%get3A, %get3A_0] : memref<3x2048xbf16, #tpu.memory_space<vmem>>, vector<3x2048xbf16>
    %transpose3A = tpu.transpose %get3A_1, [1, 0] : vector<3x2048xbf16> -> vector<2048x3xbf16>
    %slice3A = vector.extract_strided_slice %transpose3A {offsets = [0, 0], sizes = [2048, 1], strides = [1, 1]} : vector<2048x3xbf16> to vector<2048x1xbf16>
    %slice3A_2 = vector.extract_strided_slice %transpose3A {offsets = [0, 1], sizes = [2048, 1], strides = [1, 1]} : vector<2048x3xbf16> to vector<2048x1xbf16>
    %slice3A_3 = vector.extract_strided_slice %transpose3A {offsets = [0, 2], sizes = [2048, 1], strides = [1, 1]} : vector<2048x3xbf16> to vector<2048x1xbf16>
    %get3A_4 = arith.constant 0 : index
    %get3A_5 = arith.constant 0 : index
    %get3A_6 = vector.load %arg7[%get3A_4, %get3A_5] : memref<1x128xbf16, #tpu.memory_space<vmem>>, vector<1x128xbf16>
    %eq3A = vector.broadcast %slice3A : vector<2048x1xbf16> to vector<2048x128xbf16>
    %eq3A_7 = vector.broadcast %get3A_6 : vector<1x128xbf16> to vector<2048x128xbf16>
    %eq3A_8 = arith.cmpf oeq, %eq3A, %eq3A_7 : vector<2048x128xbf16>
    %convert_element_type3A = arith.extui %eq3A_8 : vector<2048x128xi1> to vector<2048x128xi32>
    %convert_element_type3A_9 = arith.sitofp %convert_element_type3A : vector<2048x128xi32> to vector<2048x128xf32>
    %convert_element_type3A_10 = arith.truncf %convert_element_type3A_9 : vector<2048x128xf32> to vector<2048x128xbf16>
    %get3A_11 = arith.constant 0 : index
    %get3A_12 = arith.constant 0 : index
    %get3A_13 = vector.load %arg7[%get3A_11, %get3A_12] : memref<1x128xbf16, #tpu.memory_space<vmem>>, vector<1x128xbf16>
    %eq3A_14 = vector.broadcast %slice3A_2 : vector<2048x1xbf16> to vector<2048x128xbf16>
    %eq3A_15 = vector.broadcast %get3A_13 : vector<1x128xbf16> to vector<2048x128xbf16>
    %eq3A_16 = arith.cmpf oeq, %eq3A_14, %eq3A_15 : vector<2048x128xbf16>
    %convert_element_type3A_17 = arith.extui %eq3A_16 : vector<2048x128xi1> to vector<2048x128xi32>
    %convert_element_type3A_18 = arith.sitofp %convert_element_type3A_17 : vector<2048x128xi32> to vector<2048x128xf32>
    %convert_element_type3A_19 = arith.truncf %convert_element_type3A_18 : vector<2048x128xf32> to vector<2048x128xbf16>
    %convert_element_type3A_20 = arith.extf %slice3A_3 : vector<2048x1xbf16> to vector<2048x1xf32>
    %get3A_21 = arith.constant 0 : index
    %get3A_22 = arith.constant 0 : index
    %get3A_23 = vector.load %arg1[%get3A_21, %get3A_22] : memref<2048x128xf32, #tpu.memory_space<vmem>>, vector<2048x128xf32>
    %mul3A = vector.broadcast %convert_element_type3A_20 : vector<2048x1xf32> to vector<2048x128xf32>
    %mul3A_24 = arith.mulf %get3A_23, %mul3A : vector<2048x128xf32>
    %get3A_25 = arith.constant 0 : index
    %get3A_26 = arith.constant 0 : index
    %get3A_27 = vector.load %arg2[%get3A_25, %get3A_26] : memref<2048x128xf32, #tpu.memory_space<vmem>>, vector<2048x128xf32>
    %sub3A = arith.constant 1.000000e+00 : f32
    %sub3A_28 = vector.broadcast %sub3A : f32 to vector<2048x1xf32>
    %sub3A_29 = arith.subf %sub3A_28, %convert_element_type3A_20 : vector<2048x1xf32>
    %mul3A_30 = vector.broadcast %sub3A_29 : vector<2048x1xf32> to vector<2048x128xf32>
    %mul3A_31 = arith.mulf %get3A_27, %mul3A_30 : vector<2048x128xf32>
    %add3A = arith.addf %mul3A_24, %mul3A_31 : vector<2048x128xf32>
    %convert_element_type3A_32 = arith.truncf %add3A : vector<2048x128xf32> to vector<2048x128xbf16>
    %mul3A_33 = arith.mulf %convert_element_type3A_32, %convert_element_type3A_10 : vector<2048x128xbf16>
    %get3A_34 = arith.constant 0 : index
    %get3A_35 = arith.constant 0 : index
    %get3A_36 = vector.load %arg3[%get3A_34, %get3A_35] : memref<2048x128xf32, #tpu.memory_space<vmem>>, vector<2048x128xf32>
    %convert_element_type3A_37 = arith.truncf %get3A_36 : vector<2048x128xf32> to vector<2048x128xbf16>
    %mul3A_38 = arith.mulf %convert_element_type3A_37, %convert_element_type3A_19 : vector<2048x128xbf16>
    %get3A_39 = arith.constant 0 : index
    %get3A_40 = arith.constant 0 : index
    %get3A_41 = vector.load %arg5[%get3A_39, %get3A_40] : memref<2048x13xf32, #tpu.memory_space<vmem>>, vector<2048x13xf32>
    %reduce_sum3A = arith.constant dense<0.000000e+00> : vector<2048xf32>
    %reduce_sum3A_42 = vector.multi_reduction <add>, %get3A_41, %reduce_sum3A [1] : vector<2048x13xf32> to vector<2048xf32>
    %broadcast_in_dim3A = vector.shape_cast %reduce_sum3A_42 : vector<2048xf32> to vector<2048x1xf32>
    %div3A = arith.constant 1.300000e+01 : f32
    %div3A_43 = vector.broadcast %div3A : f32 to vector<2048x1xf32>
    %div3A_44 = arith.divf %broadcast_in_dim3A, %div3A_43 : vector<2048x1xf32>
    %sub3A_45 = vector.broadcast %div3A_44 : vector<2048x1xf32> to vector<2048x13xf32>
    %sub3A_46 = arith.subf %get3A_41, %sub3A_45 : vector<2048x13xf32>
    %integer_pow3A = arith.mulf %sub3A_46, %sub3A_46 : vector<2048x13xf32>
    %reduce_sum3A_47 = arith.constant dense<0.000000e+00> : vector<2048xf32>
    %reduce_sum3A_48 = vector.multi_reduction <add>, %integer_pow3A, %reduce_sum3A_47 [1] : vector<2048x13xf32> to vector<2048xf32>
    %broadcast_in_dim3A_49 = vector.shape_cast %reduce_sum3A_48 : vector<2048xf32> to vector<2048x1xf32>
    %div3A_50 = arith.constant 1.300000e+01 : f32
    %div3A_51 = vector.broadcast %div3A_50 : f32 to vector<2048x1xf32>
    %div3A_52 = arith.divf %broadcast_in_dim3A_49, %div3A_51 : vector<2048x1xf32>
    %sub3A_53 = vector.broadcast %div3A_44 : vector<2048x1xf32> to vector<2048x13xf32>
    %sub3A_54 = arith.subf %get3A_41, %sub3A_53 : vector<2048x13xf32>
    %add3A_55 = arith.constant 9.99999974E-6 : f32
    %add3A_56 = vector.broadcast %add3A_55 : f32 to vector<2048x1xf32>
    %add3A_57 = arith.addf %div3A_52, %add3A_56 : vector<2048x1xf32>
    %rsqrt3A = math.rsqrt %add3A_57 : vector<2048x1xf32>
    %mul3A_58 = vector.broadcast %rsqrt3A : vector<2048x1xf32> to vector<2048x13xf32>
    %mul3A_59 = arith.mulf %sub3A_54, %mul3A_58 : vector<2048x13xf32>
    %get3A_60 = arith.constant 0 : index
    %get3A_61 = arith.constant 0 : index
    %get3A_62 = vector.load %arg15[%get3A_60, %get3A_61] : memref<1x13xf32, #tpu.memory_space<vmem>>, vector<1x13xf32>
    %mul3A_63 = vector.broadcast %get3A_62 : vector<1x13xf32> to vector<2048x13xf32>
    %mul3A_64 = arith.mulf %mul3A_59, %mul3A_63 : vector<2048x13xf32>
    %get3A_65 = arith.constant 0 : index
    %get3A_66 = arith.constant 0 : index
    %get3A_67 = vector.load %arg16[%get3A_65, %get3A_66] : memref<1x13xf32, #tpu.memory_space<vmem>>, vector<1x13xf32>
    %add3A_68 = vector.broadcast %get3A_67 : vector<1x13xf32> to vector<2048x13xf32>
    %add3A_69 = arith.addf %mul3A_64, %add3A_68 : vector<2048x13xf32>
    %get3A_70 = arith.constant 0 : index
    %get3A_71 = arith.constant 0 : index
    %get3A_72 = vector.load %arg6[%get3A_70, %get3A_71] : memref<2048x26xbf16, #tpu.memory_space<vmem>>, vector<2048x26xbf16>
    %get3A_73 = arith.constant 0 : index
    %get3A_74 = arith.constant 0 : index
    %get3A_75 = vector.load %arg8[%get3A_73, %get3A_74] : memref<26x520xbf16, #tpu.memory_space<vmem>>, vector<26x520xbf16>
    %dot_general3A = arith.constant dense<0.000000e+00> : vector<2048x520xf32>
    %dot_general3A_76 = tpu.matmul %get3A_72, %get3A_75, %dot_general3A {dimension_numbers = #tpu.dot_dimension_numbers<[1], [0], [0], [1], [0, 0, 1, 1], [], []>, transpose_lhs_hint = false} : vector<2048x26xbf16>, vector<26x520xbf16>, vector<2048x520xf32> -> vector<2048x520xf32>
    %get3A_77 = arith.constant 0 : index
    %get3A_78 = arith.constant 0 : index
    %get3A_79 = vector.load %arg9[%get3A_77, %get3A_78] : memref<1x520xf32, #tpu.memory_space<vmem>>, vector<1x520xf32>
    %eq3A_80 = vector.broadcast %get3A_79 : vector<1x520xf32> to vector<2048x520xf32>
    %eq3A_81 = arith.cmpf oeq, %dot_general3A_76, %eq3A_80 : vector<2048x520xf32>
    %convert_element_type3A_82 = arith.extui %eq3A_81 : vector<2048x520xi1> to vector<2048x520xi32>
    %convert_element_type3A_83 = arith.sitofp %convert_element_type3A_82 : vector<2048x520xi32> to vector<2048x520xf32>
    %convert_element_type3A_84 = arith.truncf %convert_element_type3A_83 : vector<2048x520xf32> to vector<2048x520xbf16>
    %get3A_85 = arith.constant 0 : index
    %get3A_86 = arith.constant 0 : index
    %get3A_87 = vector.load %arg10[%get3A_85, %get3A_86] : memref<520x256xbf16, #tpu.memory_space<vmem>>, vector<520x256xbf16>
    %dot_general3A_88 = arith.constant dense<0.000000e+00> : vector<2048x256xf32>
    %dot_general3A_89 = tpu.matmul %convert_element_type3A_84, %get3A_87, %dot_general3A_88 {dimension_numbers = #tpu.dot_dimension_numbers<[1], [0], [0], [1], [0, 0, 1, 1], [], []>, transpose_lhs_hint = false} : vector<2048x520xbf16>, vector<520x256xbf16>, vector<2048x256xf32> -> vector<2048x256xf32>
    %get3A_90 = arith.constant 0 : index
    %get3A_91 = arith.constant 0 : index
    %get3A_92 = vector.load %arg11[%get3A_90, %get3A_91] : memref<128x256xbf16, #tpu.memory_space<vmem>>, vector<128x256xbf16>
    %dot_general3A_93 = arith.constant dense<0.000000e+00> : vector<2048x256xf32>
    %dot_general3A_94 = tpu.matmul %mul3A_33, %get3A_92, %dot_general3A_93 {dimension_numbers = #tpu.dot_dimension_numbers<[1], [0], [0], [1], [0, 0, 1, 1], [], []>, transpose_lhs_hint = false} : vector<2048x128xbf16>, vector<128x256xbf16>, vector<2048x256xf32> -> vector<2048x256xf32>
    %add3A_95 = arith.addf %dot_general3A_89, %dot_general3A_94 : vector<2048x256xf32>
    %get3A_96 = arith.constant 0 : index
    %get3A_97 = arith.constant 0 : index
    %get3A_98 = vector.load %arg12[%get3A_96, %get3A_97] : memref<128x256xbf16, #tpu.memory_space<vmem>>, vector<128x256xbf16>
    %dot_general3A_99 = arith.constant dense<0.000000e+00> : vector<2048x256xf32>
    %dot_general3A_100 = tpu.matmul %mul3A_38, %get3A_98, %dot_general3A_99 {dimension_numbers = #tpu.dot_dimension_numbers<[1], [0], [0], [1], [0, 0, 1, 1], [], []>, transpose_lhs_hint = false} : vector<2048x128xbf16>, vector<128x256xbf16>, vector<2048x256xf32> -> vector<2048x256xf32>
    %add3A_101 = arith.addf %add3A_95, %dot_general3A_100 : vector<2048x256xf32>
    %convert_element_type3A_102 = arith.truncf %add3A_69 : vector<2048x13xf32> to vector<2048x13xbf16>
    %get3A_103 = arith.constant 0 : index
    %get3A_104 = arith.constant 0 : index
    %get3A_105 = vector.load %arg13[%get3A_103, %get3A_104] : memref<13x256xbf16, #tpu.memory_space<vmem>>, vector<13x256xbf16>
    %dot_general3A_106 = arith.constant dense<0.000000e+00> : vector<2048x256xf32>
    %dot_general3A_107 = tpu.matmul %convert_element_type3A_102, %get3A_105, %dot_general3A_106 {dimension_numbers = #tpu.dot_dimension_numbers<[1], [0], [0], [1], [0, 0, 1, 1], [], []>, transpose_lhs_hint = false} : vector<2048x13xbf16>, vector<13x256xbf16>, vector<2048x256xf32> -> vector<2048x256xf32>
    %add3A_108 = arith.addf %add3A_101, %dot_general3A_107 : vector<2048x256xf32>
    %get3A_109 = arith.constant 0 : index
    %get3A_110 = arith.constant 0 : index
    %get3A_111 = vector.load %arg14[%get3A_109, %get3A_110] : memref<1x256xf32, #tpu.memory_space<vmem>>, vector<1x256xf32>
    %add3A_112 = vector.broadcast %get3A_111 : vector<1x256xf32> to vector<2048x256xf32>
    %add3A_113 = arith.addf %add3A_108, %add3A_112 : vector<2048x256xf32>
    %reduce_sum3A_114 = arith.constant dense<0.000000e+00> : vector<2048xf32>
    %reduce_sum3A_115 = vector.multi_reduction <add>, %add3A_113, %reduce_sum3A_114 [1] : vector<2048x256xf32> to vector<2048xf32>
    %broadcast_in_dim3A_116 = vector.shape_cast %reduce_sum3A_115 : vector<2048xf32> to vector<2048x1xf32>
    %div3A_117 = arith.constant 2.560000e+02 : f32
    %div3A_118 = vector.broadcast %div3A_117 : f32 to vector<2048x1xf32>
    %div3A_119 = arith.divf %broadcast_in_dim3A_116, %div3A_118 : vector<2048x1xf32>
    %sub3A_120 = vector.broadcast %div3A_119 : vector<2048x1xf32> to vector<2048x256xf32>
    %sub3A_121 = arith.subf %add3A_113, %sub3A_120 : vector<2048x256xf32>
    %integer_pow3A_122 = arith.mulf %sub3A_121, %sub3A_121 : vector<2048x256xf32>
    %reduce_sum3A_123 = arith.constant dense<0.000000e+00> : vector<2048xf32>
    %reduce_sum3A_124 = vector.multi_reduction <add>, %integer_pow3A_122, %reduce_sum3A_123 [1] : vector<2048x256xf32> to vector<2048xf32>
    %broadcast_in_dim3A_125 = vector.shape_cast %reduce_sum3A_124 : vector<2048xf32> to vector<2048x1xf32>
    %div3A_126 = arith.constant 2.560000e+02 : f32
    %div3A_127 = vector.broadcast %div3A_126 : f32 to vector<2048x1xf32>
    %div3A_128 = arith.divf %broadcast_in_dim3A_125, %div3A_127 : vector<2048x1xf32>
    %sub3A_129 = vector.broadcast %div3A_119 : vector<2048x1xf32> to vector<2048x256xf32>
    %sub3A_130 = arith.subf %add3A_113, %sub3A_129 : vector<2048x256xf32>
    %add3A_131 = arith.constant 9.99999974E-6 : f32
    %add3A_132 = vector.broadcast %add3A_131 : f32 to vector<2048x1xf32>
    %add3A_133 = arith.addf %div3A_128, %add3A_132 : vector<2048x1xf32>
    %rsqrt3A_134 = math.rsqrt %add3A_133 : vector<2048x1xf32>
    %mul3A_135 = vector.broadcast %rsqrt3A_134 : vector<2048x1xf32> to vector<2048x256xf32>
    %mul3A_136 = arith.mulf %sub3A_130, %mul3A_135 : vector<2048x256xf32>
    %get3A_137 = arith.constant 0 : index
    %get3A_138 = arith.constant 0 : index
    %get3A_139 = vector.load %arg17[%get3A_137, %get3A_138] : memref<1x256xf32, #tpu.memory_space<vmem>>, vector<1x256xf32>
    %mul3A_140 = vector.broadcast %get3A_139 : vector<1x256xf32> to vector<2048x256xf32>
    %mul3A_141 = arith.mulf %mul3A_136, %mul3A_140 : vector<2048x256xf32>
    %get3A_142 = arith.constant 0 : index
    %get3A_143 = arith.constant 0 : index
    %get3A_144 = vector.load %arg18[%get3A_142, %get3A_143] : memref<1x256xf32, #tpu.memory_space<vmem>>, vector<1x256xf32>
    %add3A_145 = vector.broadcast %get3A_144 : vector<1x256xf32> to vector<2048x256xf32>
    %add3A_146 = arith.addf %mul3A_141, %add3A_145 : vector<2048x256xf32>
    %max3A = arith.constant 0.000000e+00 : f32
    %max3A_147 = vector.broadcast %max3A : f32 to vector<2048x256xf32>
    %max3A_148 = arith.maximumf %add3A_146, %max3A_147 : vector<2048x256xf32>
    %convert_element_type3A_149 = arith.truncf %max3A_148 : vector<2048x256xf32> to vector<2048x256xbf16>
    %get3A_150 = arith.constant 0 : index
    %get3A_151 = arith.constant 0 : index
    %get3A_152 = vector.load %arg19[%get3A_150, %get3A_151] : memref<256x128xbf16, #tpu.memory_space<vmem>>, vector<256x128xbf16>
    %dot_general3A_153 = arith.constant dense<0.000000e+00> : vector<2048x128xf32>
    %dot_general3A_154 = tpu.matmul %convert_element_type3A_149, %get3A_152, %dot_general3A_153 {dimension_numbers = #tpu.dot_dimension_numbers<[1], [0], [0], [1], [0, 0, 1, 1], [], []>, transpose_lhs_hint = false} : vector<2048x256xbf16>, vector<256x128xbf16>, vector<2048x128xf32> -> vector<2048x128xf32>
    %get3A_155 = arith.constant 0 : index
    %get3A_156 = arith.constant 0 : index
    %get3A_157 = vector.load %arg20[%get3A_155, %get3A_156] : memref<1x128xf32, #tpu.memory_space<vmem>>, vector<1x128xf32>
    %add3A_158 = vector.broadcast %get3A_157 : vector<1x128xf32> to vector<2048x128xf32>
    %add3A_159 = arith.addf %dot_general3A_154, %add3A_158 : vector<2048x128xf32>
    %reduce_sum3A_160 = arith.constant dense<0.000000e+00> : vector<2048xf32>
    %reduce_sum3A_161 = vector.multi_reduction <add>, %add3A_159, %reduce_sum3A_160 [1] : vector<2048x128xf32> to vector<2048xf32>
    %broadcast_in_dim3A_162 = vector.shape_cast %reduce_sum3A_161 : vector<2048xf32> to vector<2048x1xf32>
    %div3A_163 = arith.constant 1.280000e+02 : f32
    %div3A_164 = vector.broadcast %div3A_163 : f32 to vector<2048x1xf32>
    %div3A_165 = arith.divf %broadcast_in_dim3A_162, %div3A_164 : vector<2048x1xf32>
    %sub3A_166 = vector.broadcast %div3A_165 : vector<2048x1xf32> to vector<2048x128xf32>
    %sub3A_167 = arith.subf %add3A_159, %sub3A_166 : vector<2048x128xf32>
    %integer_pow3A_168 = arith.mulf %sub3A_167, %sub3A_167 : vector<2048x128xf32>
    %reduce_sum3A_169 = arith.constant dense<0.000000e+00> : vector<2048xf32>
    %reduce_sum3A_170 = vector.multi_reduction <add>, %integer_pow3A_168, %reduce_sum3A_169 [1] : vector<2048x128xf32> to vector<2048xf32>
    %broadcast_in_dim3A_171 = vector.shape_cast %reduce_sum3A_170 : vector<2048xf32> to vector<2048x1xf32>
    %div3A_172 = arith.constant 1.280000e+02 : f32
    %div3A_173 = vector.broadcast %div3A_172 : f32 to vector<2048x1xf32>
    %div3A_174 = arith.divf %broadcast_in_dim3A_171, %div3A_173 : vector<2048x1xf32>
    %sub3A_175 = vector.broadcast %div3A_165 : vector<2048x1xf32> to vector<2048x128xf32>
    %sub3A_176 = arith.subf %add3A_159, %sub3A_175 : vector<2048x128xf32>
    %add3A_177 = arith.constant 9.99999974E-6 : f32
    %add3A_178 = vector.broadcast %add3A_177 : f32 to vector<2048x1xf32>
    %add3A_179 = arith.addf %div3A_174, %add3A_178 : vector<2048x1xf32>
    %rsqrt3A_180 = math.rsqrt %add3A_179 : vector<2048x1xf32>
    %mul3A_181 = vector.broadcast %rsqrt3A_180 : vector<2048x1xf32> to vector<2048x128xf32>
    %mul3A_182 = arith.mulf %sub3A_176, %mul3A_181 : vector<2048x128xf32>
    %get3A_183 = arith.constant 0 : index
    %get3A_184 = arith.constant 0 : index
    %get3A_185 = vector.load %arg21[%get3A_183, %get3A_184] : memref<1x128xf32, #tpu.memory_space<vmem>>, vector<1x128xf32>
    %mul3A_186 = vector.broadcast %get3A_185 : vector<1x128xf32> to vector<2048x128xf32>
    %mul3A_187 = arith.mulf %mul3A_182, %mul3A_186 : vector<2048x128xf32>
    %get3A_188 = arith.constant 0 : index
    %get3A_189 = arith.constant 0 : index
    %get3A_190 = vector.load %arg22[%get3A_188, %get3A_189] : memref<1x128xf32, #tpu.memory_space<vmem>>, vector<1x128xf32>
    %add3A_191 = vector.broadcast %get3A_190 : vector<1x128xf32> to vector<2048x128xf32>
    %add3A_192 = arith.addf %mul3A_187, %add3A_191 : vector<2048x128xf32>
    %max3A_193 = arith.constant 0.000000e+00 : f32
    %max3A_194 = vector.broadcast %max3A_193 : f32 to vector<2048x128xf32>
    %max3A_195 = arith.maximumf %add3A_192, %max3A_194 : vector<2048x128xf32>
    %convert_element_type3A_196 = arith.truncf %max3A_195 : vector<2048x128xf32> to vector<2048x128xbf16>
    %get3A_197 = arith.constant 0 : index
    %get3A_198 = arith.constant 0 : index
    %get3A_199 = vector.load %arg23[%get3A_197, %get3A_198] : memref<128x1xbf16, #tpu.memory_space<vmem>>, vector<128x1xbf16>
    %dot_general3A_200 = arith.constant dense<0.000000e+00> : vector<2048x1xf32>
    %dot_general3A_201 = tpu.matmul %convert_element_type3A_196, %get3A_199, %dot_general3A_200 {dimension_numbers = #tpu.dot_dimension_numbers<[1], [0], [0], [1], [0, 0, 1, 1], [], []>, transpose_lhs_hint = false} : vector<2048x128xbf16>, vector<128x1xbf16>, vector<2048x1xf32> -> vector<2048x1xf32>
    %get3A_202 = arith.constant 0 : index
    %get3A_203 = arith.constant 0 : index
    %get3A_204 = vector.load %arg24[%get3A_202, %get3A_203] : memref<1x1xf32, #tpu.memory_space<vmem>>, vector<1x1xf32>
    %add3A_205 = vector.broadcast %get3A_204 : vector<1x1xf32> to vector<2048x1xf32>
    %add3A_206 = arith.addf %dot_general3A_201, %add3A_205 : vector<2048x1xf32>
    %logistic3A = arith.negf %add3A_206 : vector<2048x1xf32>
    %logistic3A_207 = math.exp %logistic3A : vector<2048x1xf32>
    %logistic3A_208 = arith.constant 1.000000e+00 : f32
    %logistic3A_209 = vector.broadcast %logistic3A_208 : f32 to vector<2048x1xf32>
    %logistic3A_210 = arith.addf %logistic3A_209, %logistic3A_207 : vector<2048x1xf32>
    %logistic3A_211 = arith.divf %logistic3A_209, %logistic3A_210 : vector<2048x1xf32>
    %swap3A = arith.constant 0 : index
    %swap3A_212 = arith.constant 0 : index
    %swap3A_213 = vector.load %arg25[%swap3A, %swap3A_212] : memref<2048x1xf32, #tpu.memory_space<vmem>>, vector<2048x1xf32>
    tpu.vector_store %arg25[%swap3A, %swap3A_212], %logistic3A_211 {strides = array<i32>} : memref<2048x1xf32, #tpu.memory_space<vmem>>, vector<2048x1xf32>,
    return
  }
  func.func @transform_0(%arg0: i32) -> (i32, i32) {
    %c0_i32 = arith.constant 0 : i32
    %c0_i32_0 = arith.constant 0 : i32
    return %arg0, %c0_i32 : i32, i32
  }
  func.func @transform_1(%arg0: i32) -> (i32, i32) {
    %c0_i32 = arith.constant 0 : i32
    %c0_i32_0 = arith.constant 0 : i32
    return %arg0, %c0_i32 : i32, i32
  }
  func.func @transform_2(%arg0: i32) -> (i32, i32) {
    %c0_i32 = arith.constant 0 : i32
    %c0_i32_0 = arith.constant 0 : i32
    return %arg0, %c0_i32 : i32, i32
  }
  func.func @transform_3(%arg0: i32) -> (i32, i32) {
    %c0_i32 = arith.constant 0 : i32
    %c0_i32_0 = arith.constant 0 : i32
    return %c0_i32, %arg0 : i32, i32
  }
  func.func @transform_4(%arg0: i32) -> (i32, i32) {
    %c0_i32 = arith.constant 0 : i32
    %c0_i32_0 = arith.constant 0 : i32
    return %arg0, %c0_i32 : i32, i32
  }
  func.func @transform_5(%arg0: i32) -> (i32, i32) {
    %c0_i32 = arith.constant 0 : i32
    %c0_i32_0 = arith.constant 0 : i32
    return %arg0, %c0_i32 : i32, i32
  }
  func.func @transform_6(%arg0: i32) -> (i32, i32) {
    %c0_i32 = arith.constant 0 : i32
    %c0_i32_0 = arith.constant 0 : i32
    %c0_i32_1 = arith.constant 0 : i32
    return %c0_i32, %c0_i32_0 : i32, i32
  }
  func.func @transform_7(%arg0: i32) -> (i32, i32) {
    %c0_i32 = arith.constant 0 : i32
    %c0_i32_0 = arith.constant 0 : i32
    %c0_i32_1 = arith.constant 0 : i32
    return %c0_i32, %c0_i32_0 : i32, i32
  }
  func.func @transform_8(%arg0: i32) -> (i32, i32) {
    %c0_i32 = arith.constant 0 : i32
    %c0_i32_0 = arith.constant 0 : i32
    %c0_i32_1 = arith.constant 0 : i32
    return %c0_i32, %c0_i32_0 : i32, i32
  }
  func.func @transform_9(%arg0: i32) -> (i32, i32) {
    %c0_i32 = arith.constant 0 : i32
    %c0_i32_0 = arith.constant 0 : i32
    %c0_i32_1 = arith.constant 0 : i32
    return %c0_i32, %c0_i32_0 : i32, i32
  }
  func.func @transform_10(%arg0: i32) -> (i32, i32) {
    %c0_i32 = arith.constant 0 : i32
    %c0_i32_0 = arith.constant 0 : i32
    %c0_i32_1 = arith.constant 0 : i32
    return %c0_i32, %c0_i32_0 : i32, i32
  }
  func.func @transform_11(%arg0: i32) -> (i32, i32) {
    %c0_i32 = arith.constant 0 : i32
    %c0_i32_0 = arith.constant 0 : i32
    %c0_i32_1 = arith.constant 0 : i32
    return %c0_i32, %c0_i32_0 : i32, i32
  }
  func.func @transform_12(%arg0: i32) -> (i32, i32) {
    %c0_i32 = arith.constant 0 : i32
    %c0_i32_0 = arith.constant 0 : i32
    %c0_i32_1 = arith.constant 0 : i32
    return %c0_i32, %c0_i32_0 : i32, i32
  }
  func.func @transform_13(%arg0: i32) -> (i32, i32) {
    %c0_i32 = arith.constant 0 : i32
    %c0_i32_0 = arith.constant 0 : i32
    %c0_i32_1 = arith.constant 0 : i32
    return %c0_i32, %c0_i32_0 : i32, i32
  }
  func.func @transform_14(%arg0: i32) -> (i32, i32) {
    %c0_i32 = arith.constant 0 : i32
    %c0_i32_0 = arith.constant 0 : i32
    %c0_i32_1 = arith.constant 0 : i32
    return %c0_i32, %c0_i32_0 : i32, i32
  }
  func.func @transform_15(%arg0: i32) -> (i32, i32) {
    %c0_i32 = arith.constant 0 : i32
    %c0_i32_0 = arith.constant 0 : i32
    %c0_i32_1 = arith.constant 0 : i32
    return %c0_i32, %c0_i32_0 : i32, i32
  }
  func.func @transform_16(%arg0: i32) -> (i32, i32) {
    %c0_i32 = arith.constant 0 : i32
    %c0_i32_0 = arith.constant 0 : i32
    %c0_i32_1 = arith.constant 0 : i32
    return %c0_i32, %c0_i32_0 : i32, i32
  }
  func.func @transform_17(%arg0: i32) -> (i32, i32) {
    %c0_i32 = arith.constant 0 : i32
    %c0_i32_0 = arith.constant 0 : i32
    %c0_i32_1 = arith.constant 0 : i32
    return %c0_i32, %c0_i32_0 : i32, i32
  }
  func.func @transform_18(%arg0: i32) -> (i32, i32) {
    %c0_i32 = arith.constant 0 : i32
    %c0_i32_0 = arith.constant 0 : i32
    %c0_i32_1 = arith.constant 0 : i32
    return %c0_i32, %c0_i32_0 : i32, i32
  }
  func.func @transform_19(%arg0: i32) -> (i32, i32) {
    %c0_i32 = arith.constant 0 : i32
    %c0_i32_0 = arith.constant 0 : i32
    %c0_i32_1 = arith.constant 0 : i32
    return %c0_i32, %c0_i32_0 : i32, i32
  }
  func.func @transform_20(%arg0: i32) -> (i32, i32) {
    %c0_i32 = arith.constant 0 : i32
    %c0_i32_0 = arith.constant 0 : i32
    %c0_i32_1 = arith.constant 0 : i32
    return %c0_i32, %c0_i32_0 : i32, i32
  }
  func.func @transform_21(%arg0: i32) -> (i32, i32) {
    %c0_i32 = arith.constant 0 : i32
    %c0_i32_0 = arith.constant 0 : i32
    %c0_i32_1 = arith.constant 0 : i32
    return %c0_i32, %c0_i32_0 : i32, i32
  }
  func.func @transform_22(%arg0: i32) -> (i32, i32) {
    %c0_i32 = arith.constant 0 : i32
    %c0_i32_0 = arith.constant 0 : i32
    %c0_i32_1 = arith.constant 0 : i32
    return %c0_i32, %c0_i32_0 : i32, i32
  }
  func.func @transform_23(%arg0: i32) -> (i32, i32) {
    %c0_i32 = arith.constant 0 : i32
    %c0_i32_0 = arith.constant 0 : i32
    %c0_i32_1 = arith.constant 0 : i32
    return %c0_i32, %c0_i32_0 : i32, i32
  }
  func.func @transform_24(%arg0: i32) -> (i32, i32) {
    %c0_i32 = arith.constant 0 : i32
    %c0_i32_0 = arith.constant 0 : i32
    return %arg0, %c0_i32 : i32, i32
  }
}

</mosaic_0001>

<sc_bundles>
// kernel: kernel.10.cloned.1.call-start
scs
__scs_entry_jumppad:
0x0: {  	(pc) =	sbr.rel $0x88, $3  }
0x1: {  	(tag) =	ssettag $0x0;
	lr =	simm.s32 $0x1  }
0x2: {  	[smem:$0x3F8E] =	sst lr;
	_ =	strace $0xD0000000  }
0x3: {  	_ = 	snop  }
0x4: {  	_ = 	snop  }
0x5: {  	_ = 	snop  }
0x6: {  	_ = 	snop  }
0x7: {  	_ = 	snop  }
__scs_overlays_trampoline_lowered:
0x8: {  	[smem:$0x3F9D] =	sst s0  }
0x9: {  	[smem:$0x3F9E] =	sst s1  }
0xa: {  	[smem:$0x3F9F] =	sst s2  }
0xb: {  	[smem:$0x3FA0] =	sst s3  }
0xc: {  	[smem:$0x3FA1] =	sst s4  }
0xd: {  	[smem:$0x3FA2] =	sst s5  }
0xe: {  	[smem:$0x3FA3] =	sst s6  }
0xf: {  	[smem:$0x3FA4] =	sst s7  }
0x10: {  	[smem:$0x3FA5] =	sst s8  }
0x11: {  	[smem:$0x3FA6] =	sst s9;
	s0 =	simm.s32 @!p0 $0x0  }
0x12: {  	s1 =	sld [smem:$0x3F8C];
	s0 =	simm.s32 @p0 $0x1  }
0x13: {  	[smem:$0x3FA7] =	sst s0;
	s0 =	simm.s32 @!p1 $0x0  }
0x14: {  	s2 =	sld [smem:$0x3F8B];
	s0 =	simm.s32 @p1 $0x1  }
0x15: {  	[smem:$0x3FA8] =	sst s0;
	s0 =	simm.s32 @!p2 $0x0  }
0x16: {  	s3 =	sld [smem:$0x3FDB];
	s0 =	simm.s32 @p2 $0x1  }
0x17: {  	s4 =	simm.s32 $0x1BF5;
	[smem:$0x3FAA] =	sst s0  }
0x18: {  	s0 =	sld [smem:$0x3F8D];
	_ =	swait.ge [sflag:s4], $0x0  }
0x19: {  	s7 =	sld [smem:$0x3F8E]  }
0x1a: {  	s8 =	sadd.s32 $0xFFFFE003, lr  }
0x1b: {  	s9 =	sadd.s32 $0xFFFFFEF7, lr;
	s5 =	simm.s32 $0xFFFFFFFF;
	p2 =	slt.u32 s8, $0xFFFFF086  }
0x1c: {  	p1 =	slt.u32 s9, $0xF7A;
	s5 =	simm.s32 @!p2 $0x0  }
0x1d: {  	s5 =	simm.s32 @p1 $0x1;
	p0 =	seq.s32 s7, s2  }
0x1e: {  	s7 =	smul.u32 @!p0 $0xF7A, s2;
	p2 =	seq.s32 @!p0 s5, $0x0  }
0x1f: {  	s9 =	smul.u32 $0xF7A, s1;
	s8 =	simm.s32 @!p0 $0x1BF5;
	p2 =	por !p2, p0  }
0x20: {  	[sflag:s8] =	ssyncset.s32 @!p0 $0xFFFFF086;
	s6 =	sadd.s32 @!p0 s3, s7;
	s7 =	simm.s32 @!p0 $0x108  }
0x21: {  	s3 =	sadd.s32 s3, s9;
	s6 =	sadd.s32 @!p0 $0x88, s6;
	s7 =	simm.s32 @p2 $0x1082  }
0x22: {  	[simem:s7], [sflag:s8] =	dma.local @!p0 [hbm:s6], $0xF7A  }
0x23: {  	s9 =	sor.u32 $0xD0000000, s2;
	s6 =	simm.s32 $0x108;
	_ =	swait.ge @!p0 [sflag:s8], $0x0  }
0x24: {  	s3 =	sadd.s32 $0x88, s3;
	s6 =	simm.s32 @!p1 $0x1082;
	[sflag:s4] =	ssyncset.s32 $0xFFFFF086  }
0x25: {  	[simem:s6], [sflag:s4] =	dma.local [hbm:s3], $0xF7A  }
0x26: {  	[smem:$0x3F8E] =	sst s1;
	(tag) =	ssettag s2;
	_ =	strace s9  }
0x27: {  	s1 =	sld [smem:$0x3F9E]  }
0x28: {  	s2 =	sld [smem:$0x3F9F]  }
0x29: {  	s4 =	sld [smem:$0x3FA1]  }
0x2a: {  	p0 =	seq.s32 s5, $0x0;
	s5 =	sld [smem:$0x3FA2]  }
0x2b: {  	s6 =	sld [smem:$0x3FA3]  }
0x2c: {  	s7 =	sld [smem:$0x3FA4]  }
0x2d: {  	s3 =	simm.s32 $0x108;
	s8 =	sld [smem:$0x3FA5]  }
0x2e: {  	s3 =	simm.s32 @!p0 $0x1082;
	s9 =	sld [smem:$0x3FA6]  }
0x2f: {  	lr =	sadd.s32 s0, s3;
	s0 =	sld [smem:$0x3F9D]  }
0x30: {  	s3 =	sld [smem:$0x3FA0]  }
0x31: {  	[smem:$0x3FA9] =	sst s10  }
0x32: {  	s10 =	sld [smem:$0x3FA7];
	_ =	sdelay $0x3  }
0x33: {  	p0 =	seq.s32 s10, $0x1;
	s10 =	sld [smem:$0x3FA9];
	_ =	sdelay $0x3  }
0x34: {  	[smem:$0x3FA9] =	sst s10  }
0x35: {  	s10 =	sld [smem:$0x3FA8];
	_ =	sdelay $0x3  }
0x36: {  	p1 =	seq.s32 s10, $0x1;
	s10 =	sld [smem:$0x3FA9];
	_ =	sdelay $0x3  }
0x37: {  	[smem:$0x3FA9] =	sst s10  }
0x38: {  	s10 =	sld [smem:$0x3FAA]  }
0x39: {  	_ = 	snop;
	(pc) =	sbr.ind lr, $3  }
0x3a: {  	_ = 	snop  }
0x3b: {  	_ = 	snop  }
0x3c: {  	p2 =	seq.s32 s10, $0x1;
	s10 =	sld [smem:$0x3FA9]  }
0x3d: {  	_ =	shalt  }
0x3e: {  	_ =	shalt  }
0x3f: {  	_ =	shalt  }
0x40: {  	_ =	shalt  }
0x41: {  	_ =	shalt  }
0x42: {  	_ =	shalt  }
0x43: {  	_ =	shalt  }
0x44: {  	_ =	shalt  }
0x45: {  	_ =	shalt  }
0x46: {  	_ =	shalt  }
0x47: {  	_ =	shalt  }
0x48: {  	_ =	shalt  }
0x49: {  	_ =	shalt  }
0x4a: {  	_ =	shalt  }
0x4b: {  	_ =	shalt  }
0x4c: {  	_ =	shalt  }
0x4d: {  	_ =	shalt  }
0x4e: {  	_ =	shalt  }
0x4f: {  	_ =	shalt  }
0x50: {  	_ =	shalt  }
0x51: {  	_ =	shalt  }
0x52: {  	_ =	shalt  }
0x53: {  	_ =	shalt  }
0x54: {  	_ =	shalt  }
0x55: {  	_ =	shalt  }
0x56: {  	_ =	shalt  }
0x57: {  	_ =	shalt  }
0x58: {  	_ =	shalt  }
0x59: {  	_ =	shalt  }
0x5a: {  	_ =	shalt  }
0x5b: {  	_ =	shalt  }
0x5c: {  	_ =	shalt  }
0x5d: {  	_ =	shalt  }
0x5e: {  	_ =	shalt  }
0x5f: {  	_ =	shalt  }
0x60: {  	_ =	shalt  }
0x61: {  	_ =	shalt  }
0x62: {  	_ =	shalt  }
0x63: {  	_ =	shalt  }
0x64: {  	_ =	shalt  }
0x65: {  	_ =	shalt  }
0x66: {  	_ =	shalt  }
0x67: {  	_ =	shalt  }
0x68: {  	_ =	shalt  }
0x69: {  	_ =	shalt  }
0x6a: {  	_ =	shalt  }
0x6b: {  	_ =	shalt  }
0x6c: {  	_ =	shalt  }
0x6d: {  	_ =	shalt  }
0x6e: {  	_ =	shalt  }
0x6f: {  	_ =	shalt  }
0x70: {  	_ =	shalt  }
0x71: {  	_ =	shalt  }
0x72: {  	_ =	shalt  }
0x73: {  	_ =	shalt  }
0x74: {  	_ =	shalt  }
0x75: {  	_ =	shalt  }
0x76: {  	_ =	shalt  }
0x77: {  	_ =	shalt  }
0x78: {  	_ =	shalt  }
0x79: {  	_ =	shalt  }
0x7a: {  	_ =	shalt  }
0x7b: {  	_ =	shalt  }
0x7c: {  	_ =	shalt  }
0x7d: {  	_ =	shalt  }
0x7e: {  	_ =	shalt  }
0x7f: {  	_ =	shalt  }
0x80: {  	_ =	shalt  }
0x81: {  	_ =	shalt  }
0x82: {  	_ =	shalt  }
0x83: {  	_ =	shalt  }
0x84: {  	_ =	shalt  }
0x85: {  	_ =	shalt  }
0x86: {  	_ =	shalt  }
0x87: {  	_ =	shalt  }
.Lfunc_end0:
.L_simem_size_0:
called_computation.1_lowered:
.L_overlay_start_0:
0x88: {  	s2 =	sld [smem:$0x3FD9]  }
0x89: {  	s3 =	sld [smem:$0x3FFE];
	_ =	sdelay $0x1  }
0x8a: {  	s1 =	srdreg.scid  }
0x8b: {  	s0 =	sand.u32 $0x1, s1  }
0x8c: {  	s17 =	sshll.u32 s0, $0xA;
	s2 =	sadd.s32 s3, s2  }
0x8d: {  	s2 =	sadd.s32 s2, s17  }
0x8e: {  	[smem:$0x3FB5] =	sst s2  }
0x8f: {  	_ = 	snop  }
0x90: {  	s2 =	sld [smem:$0x3FD0];
	(tm) =	ssettm $0x1  }
0x91: {  	s18 =	sld [smem:$0x3FFB];
	_ =	sdelay $0x3  }
0x92: {  	_ =	strace s18  }
0x93: {  	s3 =	sld [smem:$0x3FFC];
	_ =	sdelay $0x3  }
0x94: {  	_ =	strace s3  }
0x95: {  	s3 =	sld [smem:$0x3FFD];
	_ =	sdelay $0x3  }
0x96: {  	_ =	strace s3  }
0x97: {  	_ =	strace $0x8FFFFFFF  }
0x98: {  	s19 =	sld [smem:$0x3FDB];
	_ =	sdelay $0x1  }
0x99: {  	s4 =	simm.s32 $_scs_section_size  }
0x9a: {  	s5 =	simm.s32 $_size__tile_overlayer_lowered;
	s6 =	simm.s32 $_tile_overlayer_lowered  }
0x9b: {  	s22 =	simm.s32 $0x1BFF;
	s21 =	sshll.u32 s6, $0x1;
	s3 =	sadd.s32 s4, s19  }
0x9c: {  	s7 =	simm.s32 $0x0;
	s20 =	sshll.u32 s5, $0x1;
	s5 =	sadd.s32 s21, s3  }
0x9d: {  	[timem:s7], [sflag:s22] =	dma.local [hbm:s5], s20  }
0x9e: {  	_ =	swait.ge [sflag:s22], s20  }
0x9f: {  	s4 =	ssub.s32 $0x0, s20;
	[sflag:s22] =	ssyncset.done $0x0  }
0xa0: {  	[sflag:s22] =	ssyncadd.s32 s4;
	_ =	sdelay $0x1  }
0xa1: {  	s23 =	simm.s32 $0x1B8B  }
0xa2: {  	_ =	swait.ge [sflag:s23], $0x1  }
0xa3: {  	[sflag:s23] =	ssyncset.done $0x0  }
0xa4: {  	s25 =	simm.s32 $0x1B8E;
	s24 =	sld [smem:$0x3FFE];
	[sflag:s23] =	ssyncadd.s32 $0xFFFFFFFF  }
0xa5: {  	s26 =	simm.s32 $execute0_lowered;
	[smem:$0x3FD2] =	sst s25  }
0xa6: {  	s5 =	sshll.u32 s26, $0x1;
	_ =	strace $0x80000057;
	[dreg:$0x1] =	wrdreg $0xFFFFFFFF  }
0xa7: {  	s28 =	simm.s32 $_size_execute0_lowered;
	s3 =	sadd.s32 s3, s5;
	[dreg:$0x0] =	wrdreg $0x0  }
0xa8: {  	s5 =	sshll.u32 s28, $0x1;
	[dreg:$0x2] =	wrdreg s3  }
0xa9: {  	[dreg:$0x3] =	wrdreg s5  }
0xaa: {  	[dreg:$0x4] =	wrdreg $0xC0  }
0xab: {  	_ =	task [dreg:s7], $0x5FFFF  }
0xac: {  	[dreg:$0x1] =	wrdreg $0xFFFFFFFF  }
0xad: {  	[dreg:$0x0] =	wrdreg $0x60  }
0xae: {  	[dreg:$0x2] =	wrdreg s24  }
0xaf: {  	[dreg:$0x3] =	wrdreg s2  }
0xb0: {  	[dreg:$0x4] =	wrdreg $0x9  }
0xb1: {  	_ =	task.clear_ibuf [dreg:s7], $0x5FFFF;
	_ =	strace $0x90000057  }
0xb2: {  	s29 =	simm.s32 $0x9;
	_ =	strace $0x8000006E  }
0xb3: {  	_ =	swait.ge [sflag:s29], $0x1  }
0xb4: {  	[sflag:s29] =	ssyncadd.s32 $0xFFFFFFFF  }
0xb5: {  	_ =	strace $0x9000006E  }
0xb6: {  	_ =	sfence  }
0xb7: {  	s30 =	sld [smem:$0x0];
	_ =	sdelay $0x2  }
0xb8: {  	s31 =	sshll.u32 s1, $0xD;
	s1 =	sshrl.u32 s1, $0x2  }
0xb9: {  	s3 =	sand.u32 $0x4000, s31;
	s1 =	sadd.s32 s1, s30  }
0xba: {  	s0 =	sor.u32 s3, s0;
	s1 =	sshll.u32 s1, $0x11  }
0xbb: {  	s0 =	sor.u32 s1, s0  }
0xbc: {  	s0 =	sadd.s32 $0x8F2B, s0  }
0xbd: {  	[sflag:s0] =	ssyncadd.remote.s32 $0x1  }
0xbe: {  	_ =	sfence.sel $0xFFFF  }
0xbf: {  	[dreg:$0x0] =	wrdreg $0xFFFFFFFF;
	(pc) =	sbr.abs _section_cstart, $3  }
0xc0: {  	[dreg:$0x1] =	wrdreg $0xFFFFFFFF  }
0xc1: {  	_ =	task.clear_ibuf [dreg:s7], $0x2FFFF;
	_ =	strace $0x9FFFFFFF  }
0xc2: {  	(tm) =	ssettm $0x7FFFFFFF  }
0xc3: {  	_ =	shalt  }
tec
execute0_lowered:
.L_overlay_start_1:
0x0: {  	(tag) =	ssettag $0x1  }
0x1: {  	s0 =	srdreg.scid  }
0x2: {  	s24 =	rddreg [dreg:$0x0];
	s0 =	sand.u32 $0x1, s0  }
0x3: {  	s1 =	stileid.u32;
	[dreg:$0xa] =	wrdreg s0;
	s0 =	sshll.u32 s0, $0x4  }
0x4: {  	s20 =	rddreg [dreg:$0x1];
	s2 =	simm.s32 $0x0;
	s14 =	sor.u32 s1, s0  }
0x5: {  	[smem:$0x7FF] =	sst s2;
	s29 =	sadd.s32 $0x21CE00, s24;
	s3 =	sshll.u32 s14, $0x6  }
0x6: {  	s16 =	sadd.s32 $0x21DE00, s24;
	_ =	strace $0x80000058;
	s4 =	sadd.s32 s20, s3  }
0x7: {  	s23 =	sadd.s32 s3, s24;
	s3 =	sadd.s32 s29, s3;
	[dreg:$0x4] =	wrdreg s4  }
0x8: {  	s26 =	sshll.u32 s14, $0x2;
	s25 =	sadd.s32 $0x21D600, s23;
	[dreg:$0x5] =	wrdreg s3  }
0x9: {  	s15 =	sor.u32 $0x1, s26;
	s9 =	sadd.s32 $0x21D610, s23;
	[dreg:$0x3] =	wrdreg s25  }
0xa: {  	s11 =	sadd.s32 $0x21D620, s23;
	s28 =	sshll.u32 s15, $0xB;
	[dreg:$0x6] =	wrdreg s9  }
0xb: {  	s25 =	sshll.u32 s14, $0xD;
	[dreg:$0x8] =	wrdreg s11;
	s12 =	sadd.s32 s16, s28  }
0xc: {  	s10 =	sadd.s32 s16, s25;
	[dreg:$0x9] =	wrdreg s12  }
0xd: {  	[dreg:$0x7] =	wrdreg s10  }
0xe: {  	_ =	strace $0x80000059  }
0xf: {  	s13 =	rddreg [dreg:$0x3]  }
0x10: {  	[tilespmem:s2], [sflag:$0x1] =	stream.linear.gather [hbm4b:s13+s2], $0x80, $0x200038;
	[tilespmem:$0x8100] =	vst v63  }
0x11: {  	_ =	strace $0x90000059  }
0x12: {  	_ =	strace $0x8000005A  }
0x13: {  	s3 =	simm.s32 $0x80;
	s17 =	rddreg [dreg:$0x6]  }
0x14: {  	[tilespmem:s3], [sflag:$0x2] =	stream.linear.gather [hbm4b:s17+s2], $0x80, $0x200038;
	[tilespmem:$0x8100] =	vst v63  }
0x15: {  	_ =	strace $0x9000005A  }
0x16: {  	s4 =	simm.s32 $0x1;
	_ =	strace $0x8000005B  }
0x17: {  	_ =	swait.ge [sflag:s4], $0x80  }
0x18: {  	[sflag:s4] =	ssyncset.done $0x0  }
0x19: {  	[sflag:s4] =	ssyncadd.s32 $0xFFFFFF80  }
0x1a: {  	s6 =	simm.s32 $0x100;
	_ =	strace $0x9000005B  }
0x1b: {  	s7 =	simm.s32 $0x5;
	s5 =	sadd.s32 $0x34800, s24;
	_ =	strace $0x8000005C  }
0x1c: {  	[tilespmem:s6], [sflag:$0x5] =	stream.indirect.gather [hbm4b:s5+s3], $0x80, s2, s3, $0x2000b8;
	[tilespmem:$0x8100] =	vst v63  }
0x1d: {  	_ =	swait.ge [sflag:s7], $0x4000  }
0x1e: {  	[sflag:s7] =	ssyncset.done $0x0  }
0x1f: {  	[sflag:s7] =	ssyncadd.s32 $0xFFFFC000  }
0x20: {  	_ =	strace $0x9000005C  }
0x21: {  	_ =	strace $0x8000005D  }
0x22: {  	s8 =	rddreg [dreg:$0x7]  }
0x23: {  	[hbm4b:s8+s2] =	stream.linear.scatter [tilespmem:s6], [sflag:$0x3], $0x4000, $0x200038;
	[tilespmem:$0x8100] =	vst v63  }
0x24: {  	_ =	strace $0x9000005D  }
0x25: {  	_ =	strace $0x8000005A  }
0x26: {  	s18 =	rddreg [dreg:$0x8]  }
0x27: {  	[tilespmem:s2], [sflag:$0x1] =	stream.linear.gather [hbm4b:s18+s2], $0x80, $0x200038;
	[tilespmem:$0x8100] =	vst v63  }
0x28: {  	_ =	strace $0x9000005A  }
0x29: {  	s8 =	simm.s32 $0x2;
	_ =	strace $0x8000005B  }
0x2a: {  	_ =	swait.ge [sflag:s8], $0x80  }
0x2b: {  	[sflag:s8] =	ssyncset.done $0x0  }
0x2c: {  	[sflag:s8] =	ssyncadd.s32 $0xFFFFFF80  }
0x2d: {  	_ =	strace $0x9000005B  }
0x2e: {  	s9 =	simm.s32 $0x4100;
	_ =	strace $0x8000005C  }
0x2f: {  	[tilespmem:s9], [sflag:$0x5] =	stream.indirect.gather [hbm4b:s5+s3], $0x80, s3, s3, $0x2000b8;
	[tilespmem:$0x8100] =	vst v63  }
0x30: {  	_ =	swait.ge [sflag:s7], $0x4000  }
0x31: {  	[sflag:s7] =	ssyncset.done $0x0  }
0x32: {  	[sflag:s7] =	ssyncadd.s32 $0xFFFFC000  }
0x33: {  	_ =	strace $0x9000005C  }
0x34: {  	_ =	strace $0x8000005D  }
0x35: {  	s10 =	rddreg [dreg:$0x9]  }
0x36: {  	[hbm4b:s10+s2] =	stream.linear.scatter [tilespmem:s9], [sflag:$0x4], $0x4000, $0x200038;
	[tilespmem:$0x8100] =	vst v63  }
0x37: {  	_ =	strace $0x9000005D  }
0x38: {  	s10 =	simm.s32 $0x3;
	_ =	strace $0x8000005E  }
0x39: {  	_ =	swait.ge [sflag:s10], $0x4000  }
0x3a: {  	[sflag:s10] =	ssyncset.done $0x0  }
0x3b: {  	[sflag:s10] =	ssyncadd.s32 $0xFFFFC000  }
0x3c: {  	_ =	strace $0x9000005E  }
0x3d: {  	s11 =	sadd.s32 $0x21D630, s23;
	_ =	strace $0x8000005A  }
0x3e: {  	[tilespmem:s3], [sflag:$0x2] =	stream.linear.gather [hbm4b:s11+s2], $0x80, $0x200038;
	[tilespmem:$0x8100] =	vst v63  }
0x3f: {  	_ =	strace $0x9000005A  }
0x40: {  	_ =	strace $0x8000005B  }
0x41: {  	_ =	swait.ge [sflag:s4], $0x80  }
0x42: {  	[sflag:s4] =	ssyncset.done $0x0  }
0x43: {  	[sflag:s4] =	ssyncadd.s32 $0xFFFFFF80  }
0x44: {  	_ =	strace $0x9000005B  }
0x45: {  	_ =	strace $0x8000005C  }
0x46: {  	[tilespmem:s6], [sflag:$0x5] =	stream.indirect.gather [hbm4b:s5+s3], $0x80, s2, s3, $0x2000b8;
	[tilespmem:$0x8100] =	vst v63  }
0x47: {  	_ =	swait.ge [sflag:s7], $0x4000  }
0x48: {  	[sflag:s7] =	ssyncset.done $0x0  }
0x49: {  	s19 =	sor.u32 $0x2, s26;
	[sflag:s7] =	ssyncadd.s32 $0xFFFFC000  }
0x4a: {  	s30 =	sshll.u32 s19, $0xB;
	_ =	strace $0x9000005C  }
0x4b: {  	s12 =	sadd.s32 s16, s30;
	_ =	strace $0x8000005D  }
0x4c: {  	[hbm4b:s12+s2] =	stream.linear.scatter [tilespmem:s6], [sflag:$0x3], $0x4000, $0x200038;
	[tilespmem:$0x8100] =	vst v63  }
0x4d: {  	_ =	strace $0x9000005D  }
0x4e: {  	s13 =	simm.s32 $0x4;
	_ =	strace $0x8000005E  }
0x4f: {  	_ =	swait.ge [sflag:s13], $0x4000  }
0x50: {  	[sflag:s13] =	ssyncset.done $0x0  }
0x51: {  	[sflag:s13] =	ssyncadd.s32 $0xFFFFC000  }
0x52: {  	_ =	strace $0x9000005E  }
0x53: {  	_ =	strace $0x8000005B  }
0x54: {  	_ =	swait.ge [sflag:s8], $0x80  }
0x55: {  	[sflag:s8] =	ssyncset.done $0x0  }
0x56: {  	[sflag:s8] =	ssyncadd.s32 $0xFFFFFF80  }
0x57: {  	_ =	strace $0x9000005B  }
0x58: {  	_ =	strace $0x8000005C  }
0x59: {  	[tilespmem:s9], [sflag:$0x5] =	stream.indirect.gather [hbm4b:s5+s3], $0x80, s3, s3, $0x2000b8;
	[tilespmem:$0x8100] =	vst v63  }
0x5a: {  	_ =	swait.ge [sflag:s7], $0x4000  }
0x5b: {  	[sflag:s7] =	ssyncset.done $0x0  }
0x5c: {  	s21 =	sshllo.u32 s14, $0x2;
	[sflag:s7] =	ssyncadd.s32 $0xFFFFC000  }
0x5d: {  	s31 =	sshll.u32 s21, $0xB;
	_ =	strace $0x9000005C  }
0x5e: {  	s14 =	sadd.s32 s16, s31;
	_ =	strace $0x8000005D  }
0x5f: {  	[hbm4b:s14+s2] =	stream.linear.scatter [tilespmem:s9], [sflag:$0x4], $0x4000, $0x200038;
	[tilespmem:$0x8100] =	vst v63  }
0x60: {  	_ =	strace $0x9000005D  }
0x61: {  	_ =	strace $0x8000005E  }
0x62: {  	_ =	swait.ge [sflag:s10], $0x4000  }
0x63: {  	[sflag:s10] =	ssyncset.done $0x0  }
0x64: {  	[sflag:s10] =	ssyncadd.s32 $0xFFFFC000  }
0x65: {  	_ =	strace $0x9000005E  }
0x66: {  	_ =	strace $0x8000005F  }
0x67: {  	_ =	swait.ge [sflag:s13], $0x4000  }
0x68: {  	[sflag:s13] =	ssyncset.done $0x0  }
0x69: {  	[sflag:s13] =	ssyncadd.s32 $0xFFFFC000  }
0x6a: {  	_ =	strace $0x9000005F  }
0x6b: {  	_ =	strace $0x80000060  }
0x6c: {  	s26 =	rddreg [dreg:$0x4]  }
0x6d: {  	[tilespmem:s2], [sflag:$0x1] =	stream.linear.gather [hbm4b:s26+s2], $0x80, $0x200038;
	[tilespmem:$0x8100] =	vst v63  }
0x6e: {  	s23 =	sshll.u32 s15, $0x4;
	_ =	strace $0x90000060  }
0x6f: {  	s15 =	sadd.s32 s20, s23;
	_ =	strace $0x80000061  }
0x70: {  	[tilespmem:s3], [sflag:$0x2] =	stream.linear.gather [hbm4b:s15+s2], $0x80, $0x200038;
	[tilespmem:$0x8100] =	vst v63  }
0x71: {  	_ =	strace $0x90000061  }
0x72: {  	_ =	strace $0x80000062  }
0x73: {  	_ =	swait.ge [sflag:s4], $0x80  }
0x74: {  	[sflag:s4] =	ssyncset.done $0x0  }
0x75: {  	[sflag:s4] =	ssyncadd.s32 $0xFFFFFF80  }
0x76: {  	_ =	strace $0x90000062  }
0x77: {  	s16 =	sadd.s32 $0x144800, s24;
	_ =	strace $0x80000063  }
0x78: {  	[tilespmem:s6], [sflag:$0x5] =	stream.indirect.gather [hbm4b:s16+s3], $0x80, s2, s3, $0x2000b8;
	[tilespmem:$0x8100] =	vst v63  }
0x79: {  	_ =	swait.ge [sflag:s7], $0x4000  }
0x7a: {  	[sflag:s7] =	ssyncset.done $0x0  }
0x7b: {  	[sflag:s7] =	ssyncadd.s32 $0xFFFFC000  }
0x7c: {  	s22 =	sadd.s32 $0x25DE00, s24;
	_ =	strace $0x90000063  }
0x7d: {  	s17 =	sadd.s32 s22, s25;
	_ =	strace $0x80000064  }
0x7e: {  	[hbm4b:s17+s2] =	stream.linear.scatter [tilespmem:s6], [sflag:$0x3], $0x4000, $0x200038;
	[tilespmem:$0x8100] =	vst v63  }
0x7f: {  	s26 =	sshll.u32 s19, $0x4;
	_ =	strace $0x90000064  }
0x80: {  	s18 =	sadd.s32 s20, s26;
	_ =	strace $0x80000061  }
0x81: {  	[tilespmem:s2], [sflag:$0x1] =	stream.linear.gather [hbm4b:s18+s2], $0x80, $0x200038;
	[tilespmem:$0x8100] =	vst v63  }
0x82: {  	_ =	strace $0x90000061  }
0x83: {  	_ =	strace $0x80000062  }
0x84: {  	_ =	swait.ge [sflag:s8], $0x80  }
0x85: {  	[sflag:s8] =	ssyncset.done $0x0  }
0x86: {  	[sflag:s8] =	ssyncadd.s32 $0xFFFFFF80  }
0x87: {  	_ =	strace $0x90000062  }
0x88: {  	_ =	strace $0x80000063  }
0x89: {  	[tilespmem:s9], [sflag:$0x5] =	stream.indirect.gather [hbm4b:s16+s3], $0x80, s3, s3, $0x2000b8;
	[tilespmem:$0x8100] =	vst v63  }
0x8a: {  	_ =	swait.ge [sflag:s7], $0x4000  }
0x8b: {  	[sflag:s7] =	ssyncset.done $0x0  }
0x8c: {  	[sflag:s7] =	ssyncadd.s32 $0xFFFFC000  }
0x8d: {  	_ =	strace $0x90000063  }
0x8e: {  	s19 =	sadd.s32 s22, s28;
	_ =	strace $0x80000064  }
0x8f: {  	[hbm4b:s19+s2] =	stream.linear.scatter [tilespmem:s9], [sflag:$0x4], $0x4000, $0x200038;
	[tilespmem:$0x8100] =	vst v63  }
0x90: {  	_ =	strace $0x90000064  }
0x91: {  	_ =	strace $0x80000065  }
0x92: {  	_ =	swait.ge [sflag:s10], $0x4000  }
0x93: {  	[sflag:s10] =	ssyncset.done $0x0  }
0x94: {  	[sflag:s10] =	ssyncadd.s32 $0xFFFFC000  }
0x95: {  	s1 =	sshll.u32 s21, $0x4;
	_ =	strace $0x90000065  }
0x96: {  	s20 =	sadd.s32 s20, s1;
	_ =	strace $0x80000061  }
0x97: {  	[tilespmem:s3], [sflag:$0x2] =	stream.linear.gather [hbm4b:s20+s2], $0x80, $0x200038;
	[tilespmem:$0x8100] =	vst v63  }
0x98: {  	_ =	strace $0x90000061  }
0x99: {  	_ =	strace $0x80000062  }
0x9a: {  	_ =	swait.ge [sflag:s4], $0x80  }
0x9b: {  	[sflag:s4] =	ssyncset.done $0x0  }
0x9c: {  	[sflag:s4] =	ssyncadd.s32 $0xFFFFFF80  }
0x9d: {  	_ =	strace $0x90000062  }
0x9e: {  	_ =	strace $0x80000063  }
0x9f: {  	[tilespmem:s6], [sflag:$0x5] =	stream.indirect.gather [hbm4b:s16+s3], $0x80, s2, s3, $0x2000b8;
	[tilespmem:$0x8100] =	vst v63  }
0xa0: {  	_ =	swait.ge [sflag:s7], $0x4000  }
0xa1: {  	[sflag:s7] =	ssyncset.done $0x0  }
0xa2: {  	[sflag:s7] =	ssyncadd.s32 $0xFFFFC000  }
0xa3: {  	_ =	strace $0x90000063  }
0xa4: {  	s21 =	sadd.s32 s22, s30;
	_ =	strace $0x80000064  }
0xa5: {  	[hbm4b:s21+s2] =	stream.linear.scatter [tilespmem:s6], [sflag:$0x3], $0x4000, $0x200038;
	[tilespmem:$0x8100] =	vst v63  }
0xa6: {  	_ =	strace $0x90000064  }
0xa7: {  	_ =	strace $0x80000065  }
0xa8: {  	_ =	swait.ge [sflag:s13], $0x4000  }
0xa9: {  	[sflag:s13] =	ssyncset.done $0x0  }
0xaa: {  	[sflag:s13] =	ssyncadd.s32 $0xFFFFC000  }
0xab: {  	_ =	strace $0x90000065  }
0xac: {  	_ =	strace $0x80000062  }
0xad: {  	_ =	swait.ge [sflag:s8], $0x80  }
0xae: {  	[sflag:s8] =	ssyncset.done $0x0  }
0xaf: {  	[sflag:s8] =	ssyncadd.s32 $0xFFFFFF80  }
0xb0: {  	_ =	strace $0x90000062  }
0xb1: {  	_ =	strace $0x80000063  }
0xb2: {  	[tilespmem:s9], [sflag:$0x5] =	stream.indirect.gather [hbm4b:s16+s3], $0x80, s3, s3, $0x2000b8;
	[tilespmem:$0x8100] =	vst v63  }
0xb3: {  	_ =	swait.ge [sflag:s7], $0x4000  }
0xb4: {  	[sflag:s7] =	ssyncset.done $0x0  }
0xb5: {  	[sflag:s7] =	ssyncadd.s32 $0xFFFFC000  }
0xb6: {  	_ =	strace $0x90000063  }
0xb7: {  	s22 =	sadd.s32 s22, s31;
	_ =	strace $0x80000064  }
0xb8: {  	[hbm4b:s22+s2] =	stream.linear.scatter [tilespmem:s9], [sflag:$0x4], $0x4000, $0x200038;
	[tilespmem:$0x8100] =	vst v63  }
0xb9: {  	_ =	strace $0x90000064  }
0xba: {  	_ =	strace $0x80000065  }
0xbb: {  	_ =	swait.ge [sflag:s10], $0x4000  }
0xbc: {  	[sflag:s10] =	ssyncset.done $0x0  }
0xbd: {  	[sflag:s10] =	ssyncadd.s32 $0xFFFFC000  }
0xbe: {  	_ =	strace $0x90000065  }
0xbf: {  	_ =	strace $0x80000066  }
0xc0: {  	_ =	swait.ge [sflag:s13], $0x4000  }
0xc1: {  	[sflag:s13] =	ssyncset.done $0x0  }
0xc2: {  	[sflag:s13] =	ssyncadd.s32 $0xFFFFC000  }
0xc3: {  	_ =	strace $0x90000066  }
0xc4: {  	_ =	strace $0x80000067  }
0xc5: {  	s0 =	rddreg [dreg:$0x5]  }
0xc6: {  	[tilespmem:s2], [sflag:$0x1] =	stream.linear.gather [hbm4b:s0+s2], $0x80, $0x200038;
	[tilespmem:$0x8100] =	vst v63  }
0xc7: {  	_ =	strace $0x90000067  }
0xc8: {  	s23 =	sadd.s32 s29, s23;
	_ =	strace $0x80000068  }
0xc9: {  	[tilespmem:s3], [sflag:$0x2] =	stream.linear.gather [hbm4b:s23+s2], $0x80, $0x200038;
	[tilespmem:$0x8100] =	vst v63  }
0xca: {  	_ =	strace $0x90000068  }
0xcb: {  	_ =	strace $0x80000069  }
0xcc: {  	_ =	swait.ge [sflag:s4], $0x80  }
0xcd: {  	[sflag:s4] =	ssyncset.done $0x0  }
0xce: {  	[sflag:s4] =	ssyncadd.s32 $0xFFFFFF80  }
0xcf: {  	_ =	strace $0x90000069  }
0xd0: {  	s0 =	smov.u32 s24;
	s24 =	sadd.s32 $0x3A00, s24;
	_ =	strace $0x8000006A  }
0xd1: {  	[tilespmem:s6], [sflag:$0x5] =	stream.indirect.gather [hbm4b:s24+s3], $0x80, s2, s3, $0x2000b8;
	[tilespmem:$0x8100] =	vst v63  }
0xd2: {  	_ =	swait.ge [sflag:s7], $0x4000  }
0xd3: {  	[sflag:s7] =	ssyncset.done $0x0  }
0xd4: {  	[sflag:s7] =	ssyncadd.s32 $0xFFFFC000  }
0xd5: {  	s0 =	sadd.s32 $0x29DE00, s0;
	_ =	strace $0x9000006A  }
0xd6: {  	s25 =	sadd.s32 s0, s25;
	_ =	strace $0x8000006B  }
0xd7: {  	[hbm4b:s25+s2] =	stream.linear.scatter [tilespmem:s6], [sflag:$0x3], $0x4000, $0x200038;
	[tilespmem:$0x8100] =	vst v63  }
0xd8: {  	_ =	strace $0x9000006B  }
0xd9: {  	s26 =	sadd.s32 s29, s26;
	_ =	strace $0x80000068  }
0xda: {  	[tilespmem:s2], [sflag:$0x1] =	stream.linear.gather [hbm4b:s26+s2], $0x80, $0x200038;
	[tilespmem:$0x8100] =	vst v63  }
0xdb: {  	_ =	strace $0x90000068  }
0xdc: {  	_ =	strace $0x80000069  }
0xdd: {  	_ =	swait.ge [sflag:s8], $0x80  }
0xde: {  	[sflag:s8] =	ssyncset.done $0x0  }
0xdf: {  	[sflag:s8] =	ssyncadd.s32 $0xFFFFFF80  }
0xe0: {  	_ =	strace $0x90000069  }
0xe1: {  	_ =	strace $0x8000006A  }
0xe2: {  	[tilespmem:s9], [sflag:$0x5] =	stream.indirect.gather [hbm4b:s24+s3], $0x80, s3, s3, $0x2000b8;
	[tilespmem:$0x8100] =	vst v63  }
0xe3: {  	_ =	swait.ge [sflag:s7], $0x4000  }
0xe4: {  	[sflag:s7] =	ssyncset.done $0x0  }
0xe5: {  	[sflag:s7] =	ssyncadd.s32 $0xFFFFC000  }
0xe6: {  	_ =	strace $0x9000006A  }
0xe7: {  	s28 =	sadd.s32 s0, s28;
	_ =	strace $0x8000006B  }
0xe8: {  	[hbm4b:s28+s2] =	stream.linear.scatter [tilespmem:s9], [sflag:$0x4], $0x4000, $0x200038;
	[tilespmem:$0x8100] =	vst v63  }
0xe9: {  	_ =	strace $0x9000006B  }
0xea: {  	_ =	strace $0x8000006C  }
0xeb: {  	_ =	swait.ge [sflag:s10], $0x4000  }
0xec: {  	[sflag:s10] =	ssyncset.done $0x0  }
0xed: {  	[sflag:s10] =	ssyncadd.s32 $0xFFFFC000  }
0xee: {  	_ =	strace $0x9000006C  }
0xef: {  	s29 =	sadd.s32 s29, s1;
	_ =	strace $0x80000068  }
0xf0: {  	[tilespmem:s3], [sflag:$0x2] =	stream.linear.gather [hbm4b:s29+s2], $0x80, $0x200038;
	[tilespmem:$0x8100] =	vst v63  }
0xf1: {  	_ =	strace $0x90000068  }
0xf2: {  	_ =	strace $0x80000069  }
0xf3: {  	_ =	swait.ge [sflag:s4], $0x80  }
0xf4: {  	[sflag:s4] =	ssyncset.done $0x0  }
0xf5: {  	[sflag:s4] =	ssyncadd.s32 $0xFFFFFF80  }
0xf6: {  	_ =	strace $0x90000069  }
0xf7: {  	_ =	strace $0x8000006A  }
0xf8: {  	[tilespmem:s6], [sflag:$0x5] =	stream.indirect.gather [hbm4b:s24+s3], $0x80, s2, s3, $0x2000b8;
	[tilespmem:$0x8100] =	vst v63  }
0xf9: {  	_ =	swait.ge [sflag:s7], $0x4000  }
0xfa: {  	[sflag:s7] =	ssyncset.done $0x0  }
0xfb: {  	[sflag:s7] =	ssyncadd.s32 $0xFFFFC000  }
0xfc: {  	_ =	strace $0x9000006A  }
0xfd: {  	s30 =	sadd.s32 s0, s30;
	_ =	strace $0x8000006B  }
0xfe: {  	[hbm4b:s30+s2] =	stream.linear.scatter [tilespmem:s6], [sflag:$0x3], $0x4000, $0x200038;
	[tilespmem:$0x8100] =	vst v63  }
0xff: {  	_ =	strace $0x9000006B  }
0x100: {  	_ =	strace $0x8000006C  }
0x101: {  	_ =	swait.ge [sflag:s13], $0x4000  }
0x102: {  	[sflag:s13] =	ssyncset.done $0x0  }
0x103: {  	[sflag:s13] =	ssyncadd.s32 $0xFFFFC000  }
0x104: {  	_ =	strace $0x9000006C  }
0x105: {  	_ =	strace $0x80000069  }
0x106: {  	_ =	swait.ge [sflag:s8], $0x80  }
0x107: {  	[sflag:s8] =	ssyncset.done $0x0  }
0x108: {  	[sflag:s8] =	ssyncadd.s32 $0xFFFFFF80  }
0x109: {  	_ =	strace $0x90000069  }
0x10a: {  	_ =	strace $0x8000006A  }
0x10b: {  	[tilespmem:s9], [sflag:$0x5] =	stream.indirect.gather [hbm4b:s24+s3], $0x80, s3, s3, $0x2000b8;
	[tilespmem:$0x8100] =	vst v63  }
0x10c: {  	_ =	swait.ge [sflag:s7], $0x4000  }
0x10d: {  	[sflag:s7] =	ssyncset.done $0x0  }
0x10e: {  	[sflag:s7] =	ssyncadd.s32 $0xFFFFC000  }
0x10f: {  	_ =	strace $0x9000006A  }
0x110: {  	s31 =	sadd.s32 s0, s31;
	_ =	strace $0x8000006B  }
0x111: {  	[hbm4b:s31+s2] =	stream.linear.scatter [tilespmem:s9], [sflag:$0x4], $0x4000, $0x200038;
	[tilespmem:$0x8100] =	vst v63  }
0x112: {  	_ =	strace $0x9000006B  }
0x113: {  	_ =	strace $0x8000006C  }
0x114: {  	_ =	swait.ge [sflag:s10], $0x4000  }
0x115: {  	s1 =	rddreg [dreg:$0xa]  }
0x116: {  	s0 =	ssub.s32 $0x2, s1  }
0x117: {  	s1 =	sshrl.u32 s0, $0x1  }
0x118: {  	s0 =	ssub.s32 s0, s1  }
0x119: {  	[sflag:s10] =	ssyncset.done $0x0;
	s0 =	smax.u32 s0, $0x1  }
0x11a: {  	[sflag:s10] =	ssyncadd.s32 $0xFFFFC000;
	p0 =	sne.s32 s0, $0x1  }
.Ltmp0:
0x11b: {  	_ =	strace $0x9000006C;
	(pc) =	sbr.rel @!p0 .LBB2_2-.Ltmp0, $4  }
0x11c: {  	_ =	strace $0x8000006D  }
0x11d: {  	_ =	swait.ge [sflag:s13], $0x4000  }
0x11e: {  	[sflag:s13] =	ssyncset.done $0x0  }
0x11f: {  	s0 =	sadd.s32 $0xFFFFFFFF, s0;
	[sflag:s13] =	ssyncadd.s32 $0xFFFFC000  }
.LBB2_1:
0x120: {  	_ =	strace $0x9000006D  }
0x121: {  	_ =	strace $0x80000059  }
0x122: {  	s1 =	rddreg [dreg:$0x3]  }
0x123: {  	[tilespmem:s2], [sflag:$0x1] =	stream.linear.gather [hbm4b:s1+s2], $0x80, $0x200038;
	[tilespmem:$0x8100] =	vst v63  }
0x124: {  	_ =	strace $0x90000059  }
0x125: {  	_ =	strace $0x8000005A  }
0x126: {  	s1 =	rddreg [dreg:$0x6]  }
0x127: {  	[tilespmem:s3], [sflag:$0x2] =	stream.linear.gather [hbm4b:s1+s2], $0x80, $0x200038;
	[tilespmem:$0x8100] =	vst v63  }
0x128: {  	_ =	strace $0x9000005A  }
0x129: {  	_ =	strace $0x8000005B  }
0x12a: {  	_ =	swait.ge [sflag:s4], $0x80  }
0x12b: {  	[sflag:s4] =	ssyncset.done $0x0  }
0x12c: {  	[sflag:s4] =	ssyncadd.s32 $0xFFFFFF80  }
0x12d: {  	_ =	strace $0x9000005B  }
0x12e: {  	_ =	strace $0x8000005C  }
0x12f: {  	[tilespmem:s6], [sflag:$0x5] =	stream.indirect.gather [hbm4b:s5+s3], $0x80, s2, s3, $0x2000b8;
	[tilespmem:$0x8100] =	vst v63  }
0x130: {  	_ =	swait.ge [sflag:s7], $0x4000  }
0x131: {  	[sflag:s7] =	ssyncset.done $0x0  }
0x132: {  	[sflag:s7] =	ssyncadd.s32 $0xFFFFC000  }
0x133: {  	_ =	strace $0x9000005C  }
0x134: {  	_ =	strace $0x8000005D  }
0x135: {  	s1 =	rddreg [dreg:$0x7]  }
0x136: {  	[hbm4b:s1+s2] =	stream.linear.scatter [tilespmem:s6], [sflag:$0x3], $0x4000, $0x200038;
	[tilespmem:$0x8100] =	vst v63  }
0x137: {  	_ =	strace $0x9000005D  }
0x138: {  	_ =	strace $0x8000005A  }
0x139: {  	s1 =	rddreg [dreg:$0x8]  }
0x13a: {  	[tilespmem:s2], [sflag:$0x1] =	stream.linear.gather [hbm4b:s1+s2], $0x80, $0x200038;
	[tilespmem:$0x8100] =	vst v63  }
0x13b: {  	_ =	strace $0x9000005A  }
0x13c: {  	_ =	strace $0x8000005B  }
0x13d: {  	_ =	swait.ge [sflag:s8], $0x80  }
0x13e: {  	[sflag:s8] =	ssyncset.done $0x0  }
0x13f: {  	[sflag:s8] =	ssyncadd.s32 $0xFFFFFF80  }
0x140: {  	_ =	strace $0x9000005B  }
0x141: {  	_ =	strace $0x8000005C  }
0x142: {  	[tilespmem:s9], [sflag:$0x5] =	stream.indirect.gather [hbm4b:s5+s3], $0x80, s3, s3, $0x2000b8;
	[tilespmem:$0x8100] =	vst v63  }
0x143: {  	_ =	swait.ge [sflag:s7], $0x4000  }
0x144: {  	[sflag:s7] =	ssyncset.done $0x0  }
0x145: {  	[sflag:s7] =	ssyncadd.s32 $0xFFFFC000  }
0x146: {  	_ =	strace $0x9000005C  }
0x147: {  	_ =	strace $0x8000005D  }
0x148: {  	s1 =	rddreg [dreg:$0x9]  }
0x149: {  	[hbm4b:s1+s2] =	stream.linear.scatter [tilespmem:s9], [sflag:$0x4], $0x4000, $0x200038;
	[tilespmem:$0x8100] =	vst v63  }
0x14a: {  	_ =	strace $0x9000005D  }
0x14b: {  	_ =	strace $0x8000005E  }
0x14c: {  	_ =	swait.ge [sflag:s10], $0x4000  }
0x14d: {  	[sflag:s10] =	ssyncset.done $0x0  }
0x14e: {  	[sflag:s10] =	ssyncadd.s32 $0xFFFFC000  }
0x14f: {  	_ =	strace $0x9000005E  }
0x150: {  	_ =	strace $0x8000005A  }
0x151: {  	[tilespmem:s3], [sflag:$0x2] =	stream.linear.gather [hbm4b:s11+s2], $0x80, $0x200038;
	[tilespmem:$0x8100] =	vst v63  }
0x152: {  	_ =	strace $0x9000005A  }
0x153: {  	_ =	strace $0x8000005B  }
0x154: {  	_ =	swait.ge [sflag:s4], $0x80  }
0x155: {  	[sflag:s4] =	ssyncset.done $0x0  }
0x156: {  	[sflag:s4] =	ssyncadd.s32 $0xFFFFFF80  }
0x157: {  	_ =	strace $0x9000005B  }
0x158: {  	_ =	strace $0x8000005C  }
0x159: {  	[tilespmem:s6], [sflag:$0x5] =	stream.indirect.gather [hbm4b:s5+s3], $0x80, s2, s3, $0x2000b8;
	[tilespmem:$0x8100] =	vst v63  }
0x15a: {  	_ =	swait.ge [sflag:s7], $0x4000  }
0x15b: {  	[sflag:s7] =	ssyncset.done $0x0  }
0x15c: {  	[sflag:s7] =	ssyncadd.s32 $0xFFFFC000  }
0x15d: {  	_ =	strace $0x9000005C  }
0x15e: {  	_ =	strace $0x8000005D  }
0x15f: {  	[hbm4b:s12+s2] =	stream.linear.scatter [tilespmem:s6], [sflag:$0x3], $0x4000, $0x200038;
	[tilespmem:$0x8100] =	vst v63  }
0x160: {  	_ =	strace $0x9000005D  }
0x161: {  	_ =	strace $0x8000005E  }
0x162: {  	_ =	swait.ge [sflag:s13], $0x4000  }
0x163: {  	[sflag:s13] =	ssyncset.done $0x0  }
0x164: {  	[sflag:s13] =	ssyncadd.s32 $0xFFFFC000  }
0x165: {  	_ =	strace $0x9000005E  }
0x166: {  	_ =	strace $0x8000005B  }
0x167: {  	_ =	swait.ge [sflag:s8], $0x80  }
0x168: {  	[sflag:s8] =	ssyncset.done $0x0  }
0x169: {  	[sflag:s8] =	ssyncadd.s32 $0xFFFFFF80  }
0x16a: {  	_ =	strace $0x9000005B  }
0x16b: {  	_ =	strace $0x8000005C  }
0x16c: {  	[tilespmem:s9], [sflag:$0x5] =	stream.indirect.gather [hbm4b:s5+s3], $0x80, s3, s3, $0x2000b8;
	[tilespmem:$0x8100] =	vst v63  }
0x16d: {  	_ =	swait.ge [sflag:s7], $0x4000  }
0x16e: {  	[sflag:s7] =	ssyncset.done $0x0  }
0x16f: {  	[sflag:s7] =	ssyncadd.s32 $0xFFFFC000  }
0x170: {  	_ =	strace $0x9000005C  }
0x171: {  	_ =	strace $0x8000005D  }
0x172: {  	[hbm4b:s14+s2] =	stream.linear.scatter [tilespmem:s9], [sflag:$0x4], $0x4000, $0x200038;
	[tilespmem:$0x8100] =	vst v63  }
0x173: {  	_ =	strace $0x9000005D  }
0x174: {  	_ =	strace $0x8000005E  }
0x175: {  	_ =	swait.ge [sflag:s10], $0x4000  }
0x176: {  	[sflag:s10] =	ssyncset.done $0x0  }
0x177: {  	[sflag:s10] =	ssyncadd.s32 $0xFFFFC000  }
0x178: {  	_ =	strace $0x9000005E  }
0x179: {  	_ =	strace $0x8000005F  }
0x17a: {  	_ =	swait.ge [sflag:s13], $0x4000  }
0x17b: {  	[sflag:s13] =	ssyncset.done $0x0  }
0x17c: {  	[sflag:s13] =	ssyncadd.s32 $0xFFFFC000  }
0x17d: {  	_ =	strace $0x9000005F  }
0x17e: {  	_ =	strace $0x80000060  }
0x17f: {  	s1 =	rddreg [dreg:$0x4]  }
0x180: {  	[tilespmem:s2], [sflag:$0x1] =	stream.linear.gather [hbm4b:s1+s2], $0x80, $0x200038;
	[tilespmem:$0x8100] =	vst v63  }
0x181: {  	_ =	strace $0x90000060  }
0x182: {  	_ =	strace $0x80000061  }
0x183: {  	[tilespmem:s3], [sflag:$0x2] =	stream.linear.gather [hbm4b:s15+s2], $0x80, $0x200038;
	[tilespmem:$0x8100] =	vst v63  }
0x184: {  	_ =	strace $0x90000061  }
0x185: {  	_ =	strace $0x80000062  }
0x186: {  	_ =	swait.ge [sflag:s4], $0x80  }
0x187: {  	[sflag:s4] =	ssyncset.done $0x0  }
0x188: {  	[sflag:s4] =	ssyncadd.s32 $0xFFFFFF80  }
0x189: {  	_ =	strace $0x90000062  }
0x18a: {  	_ =	strace $0x80000063  }
0x18b: {  	[tilespmem:s6], [sflag:$0x5] =	stream.indirect.gather [hbm4b:s16+s3], $0x80, s2, s3, $0x2000b8;
	[tilespmem:$0x8100] =	vst v63  }
0x18c: {  	_ =	swait.ge [sflag:s7], $0x4000  }
0x18d: {  	[sflag:s7] =	ssyncset.done $0x0  }
0x18e: {  	[sflag:s7] =	ssyncadd.s32 $0xFFFFC000  }
0x18f: {  	_ =	strace $0x90000063  }
0x190: {  	_ =	strace $0x80000064  }
0x191: {  	[hbm4b:s17+s2] =	stream.linear.scatter [tilespmem:s6], [sflag:$0x3], $0x4000, $0x200038;
	[tilespmem:$0x8100] =	vst v63  }
0x192: {  	_ =	strace $0x90000064  }
0x193: {  	_ =	strace $0x80000061  }
0x194: {  	[tilespmem:s2], [sflag:$0x1] =	stream.linear.gather [hbm4b:s18+s2], $0x80, $0x200038;
	[tilespmem:$0x8100] =	vst v63  }
0x195: {  	_ =	strace $0x90000061  }
0x196: {  	_ =	strace $0x80000062  }
0x197: {  	_ =	swait.ge [sflag:s8], $0x80  }
0x198: {  	[sflag:s8] =	ssyncset.done $0x0  }
0x199: {  	[sflag:s8] =	ssyncadd.s32 $0xFFFFFF80  }
0x19a: {  	_ =	strace $0x90000062  }
0x19b: {  	_ =	strace $0x80000063  }
0x19c: {  	[tilespmem:s9], [sflag:$0x5] =	stream.indirect.gather [hbm4b:s16+s3], $0x80, s3, s3, $0x2000b8;
	[tilespmem:$0x8100] =	vst v63  }
0x19d: {  	_ =	swait.ge [sflag:s7], $0x4000  }
0x19e: {  	[sflag:s7] =	ssyncset.done $0x0  }
0x19f: {  	[sflag:s7] =	ssyncadd.s32 $0xFFFFC000  }
0x1a0: {  	_ =	strace $0x90000063  }
0x1a1: {  	_ =	strace $0x80000064  }
0x1a2: {  	[hbm4b:s19+s2] =	stream.linear.scatter [tilespmem:s9], [sflag:$0x4], $0x4000, $0x200038;
	[tilespmem:$0x8100] =	vst v63  }
0x1a3: {  	_ =	strace $0x90000064  }
0x1a4: {  	_ =	strace $0x80000065  }
0x1a5: {  	_ =	swait.ge [sflag:s10], $0x4000  }
0x1a6: {  	[sflag:s10] =	ssyncset.done $0x0  }
0x1a7: {  	[sflag:s10] =	ssyncadd.s32 $0xFFFFC000  }
0x1a8: {  	_ =	strace $0x90000065  }
0x1a9: {  	_ =	strace $0x80000061  }
0x1aa: {  	[tilespmem:s3], [sflag:$0x2] =	stream.linear.gather [hbm4b:s20+s2], $0x80, $0x200038;
	[tilespmem:$0x8100] =	vst v63  }
0x1ab: {  	_ =	strace $0x90000061  }
0x1ac: {  	_ =	strace $0x80000062  }
0x1ad: {  	_ =	swait.ge [sflag:s4], $0x80  }
0x1ae: {  	[sflag:s4] =	ssyncset.done $0x0  }
0x1af: {  	[sflag:s4] =	ssyncadd.s32 $0xFFFFFF80  }
0x1b0: {  	_ =	strace $0x90000062  }
0x1b1: {  	_ =	strace $0x80000063  }
0x1b2: {  	[tilespmem:s6], [sflag:$0x5] =	stream.indirect.gather [hbm4b:s16+s3], $0x80, s2, s3, $0x2000b8;
	[tilespmem:$0x8100] =	vst v63  }
0x1b3: {  	_ =	swait.ge [sflag:s7], $0x4000  }
0x1b4: {  	[sflag:s7] =	ssyncset.done $0x0  }
0x1b5: {  	[sflag:s7] =	ssyncadd.s32 $0xFFFFC000  }
0x1b6: {  	_ =	strace $0x90000063  }
0x1b7: {  	_ =	strace $0x80000064  }
0x1b8: {  	[hbm4b:s21+s2] =	stream.linear.scatter [tilespmem:s6], [sflag:$0x3], $0x4000, $0x200038;
	[tilespmem:$0x8100] =	vst v63  }
0x1b9: {  	_ =	strace $0x90000064  }
0x1ba: {  	_ =	strace $0x80000065  }
0x1bb: {  	_ =	swait.ge [sflag:s13], $0x4000  }
0x1bc: {  	[sflag:s13] =	ssyncset.done $0x0  }
0x1bd: {  	[sflag:s13] =	ssyncadd.s32 $0xFFFFC000  }
0x1be: {  	_ =	strace $0x90000065  }
0x1bf: {  	_ =	strace $0x80000062  }
0x1c0: {  	_ =	swait.ge [sflag:s8], $0x80  }
0x1c1: {  	[sflag:s8] =	ssyncset.done $0x0  }
0x1c2: {  	[sflag:s8] =	ssyncadd.s32 $0xFFFFFF80  }
0x1c3: {  	_ =	strace $0x90000062  }
0x1c4: {  	_ =	strace $0x80000063  }
0x1c5: {  	[tilespmem:s9], [sflag:$0x5] =	stream.indirect.gather [hbm4b:s16+s3], $0x80, s3, s3, $0x2000b8;
	[tilespmem:$0x8100] =	vst v63  }
0x1c6: {  	_ =	swait.ge [sflag:s7], $0x4000  }
0x1c7: {  	[sflag:s7] =	ssyncset.done $0x0  }
0x1c8: {  	[sflag:s7] =	ssyncadd.s32 $0xFFFFC000  }
0x1c9: {  	_ =	strace $0x90000063  }
0x1ca: {  	_ =	strace $0x80000064  }
0x1cb: {  	[hbm4b:s22+s2] =	stream.linear.scatter [tilespmem:s9], [sflag:$0x4], $0x4000, $0x200038;
	[tilespmem:$0x8100] =	vst v63  }
0x1cc: {  	_ =	strace $0x90000064  }
0x1cd: {  	_ =	strace $0x80000065  }
0x1ce: {  	_ =	swait.ge [sflag:s10], $0x4000  }
0x1cf: {  	[sflag:s10] =	ssyncset.done $0x0  }
0x1d0: {  	[sflag:s10] =	ssyncadd.s32 $0xFFFFC000  }
0x1d1: {  	_ =	strace $0x90000065  }
0x1d2: {  	_ =	strace $0x80000066  }
0x1d3: {  	_ =	swait.ge [sflag:s13], $0x4000  }
0x1d4: {  	[sflag:s13] =	ssyncset.done $0x0  }
0x1d5: {  	[sflag:s13] =	ssyncadd.s32 $0xFFFFC000  }
0x1d6: {  	_ =	strace $0x90000066  }
0x1d7: {  	_ =	strace $0x80000067  }
0x1d8: {  	s1 =	rddreg [dreg:$0x5]  }
0x1d9: {  	[tilespmem:s2], [sflag:$0x1] =	stream.linear.gather [hbm4b:s1+s2], $0x80, $0x200038;
	[tilespmem:$0x8100] =	vst v63  }
0x1da: {  	_ =	strace $0x90000067  }
0x1db: {  	_ =	strace $0x80000068  }
0x1dc: {  	[tilespmem:s3], [sflag:$0x2] =	stream.linear.gather [hbm4b:s23+s2], $0x80, $0x200038;
	[tilespmem:$0x8100] =	vst v63  }
0x1dd: {  	_ =	strace $0x90000068  }
0x1de: {  	_ =	strace $0x80000069  }
0x1df: {  	_ =	swait.ge [sflag:s4], $0x80  }
0x1e0: {  	[sflag:s4] =	ssyncset.done $0x0  }
0x1e1: {  	[sflag:s4] =	ssyncadd.s32 $0xFFFFFF80  }
0x1e2: {  	_ =	strace $0x90000069  }
0x1e3: {  	_ =	strace $0x8000006A  }
0x1e4: {  	[tilespmem:s6], [sflag:$0x5] =	stream.indirect.gather [hbm4b:s24+s3], $0x80, s2, s3, $0x2000b8;
	[tilespmem:$0x8100] =	vst v63  }
0x1e5: {  	_ =	swait.ge [sflag:s7], $0x4000  }
0x1e6: {  	[sflag:s7] =	ssyncset.done $0x0  }
0x1e7: {  	[sflag:s7] =	ssyncadd.s32 $0xFFFFC000  }
0x1e8: {  	_ =	strace $0x9000006A  }
0x1e9: {  	_ =	strace $0x8000006B  }
0x1ea: {  	[hbm4b:s25+s2] =	stream.linear.scatter [tilespmem:s6], [sflag:$0x3], $0x4000, $0x200038;
	[tilespmem:$0x8100] =	vst v63  }
0x1eb: {  	_ =	strace $0x9000006B  }
0x1ec: {  	_ =	strace $0x80000068  }
0x1ed: {  	[tilespmem:s2], [sflag:$0x1] =	stream.linear.gather [hbm4b:s26+s2], $0x80, $0x200038;
	[tilespmem:$0x8100] =	vst v63  }
0x1ee: {  	_ =	strace $0x90000068  }
0x1ef: {  	_ =	strace $0x80000069  }
0x1f0: {  	_ =	swait.ge [sflag:s8], $0x80  }
0x1f1: {  	[sflag:s8] =	ssyncset.done $0x0  }
0x1f2: {  	[sflag:s8] =	ssyncadd.s32 $0xFFFFFF80  }
0x1f3: {  	_ =	strace $0x90000069  }
0x1f4: {  	_ =	strace $0x8000006A  }
0x1f5: {  	[tilespmem:s9], [sflag:$0x5] =	stream.indirect.gather [hbm4b:s24+s3], $0x80, s3, s3, $0x2000b8;
	[tilespmem:$0x8100] =	vst v63  }
0x1f6: {  	_ =	swait.ge [sflag:s7], $0x4000  }
0x1f7: {  	[sflag:s7] =	ssyncset.done $0x0  }
0x1f8: {  	[sflag:s7] =	ssyncadd.s32 $0xFFFFC000  }
0x1f9: {  	_ =	strace $0x9000006A  }
0x1fa: {  	_ =	strace $0x8000006B  }
0x1fb: {  	[hbm4b:s28+s2] =	stream.linear.scatter [tilespmem:s9], [sflag:$0x4], $0x4000, $0x200038;
	[tilespmem:$0x8100] =	vst v63  }
0x1fc: {  	_ =	strace $0x9000006B  }
0x1fd: {  	_ =	strace $0x8000006C  }
0x1fe: {  	_ =	swait.ge [sflag:s10], $0x4000  }
0x1ff: {  	[sflag:s10] =	ssyncset.done $0x0  }
0x200: {  	[sflag:s10] =	ssyncadd.s32 $0xFFFFC000  }
0x201: {  	_ =	strace $0x9000006C  }
0x202: {  	_ =	strace $0x80000068  }
0x203: {  	[tilespmem:s3], [sflag:$0x2] =	stream.linear.gather [hbm4b:s29+s2], $0x80, $0x200038;
	[tilespmem:$0x8100] =	vst v63  }
0x204: {  	_ =	strace $0x90000068  }
0x205: {  	_ =	strace $0x80000069  }
0x206: {  	_ =	swait.ge [sflag:s4], $0x80  }
0x207: {  	[sflag:s4] =	ssyncset.done $0x0  }
0x208: {  	[sflag:s4] =	ssyncadd.s32 $0xFFFFFF80  }
0x209: {  	_ =	strace $0x90000069  }
0x20a: {  	_ =	strace $0x8000006A  }
0x20b: {  	[tilespmem:s6], [sflag:$0x5] =	stream.indirect.gather [hbm4b:s24+s3], $0x80, s2, s3, $0x2000b8;
	[tilespmem:$0x8100] =	vst v63  }
0x20c: {  	_ =	swait.ge [sflag:s7], $0x4000  }
0x20d: {  	[sflag:s7] =	ssyncset.done $0x0  }
0x20e: {  	[sflag:s7] =	ssyncadd.s32 $0xFFFFC000  }
0x20f: {  	_ =	strace $0x9000006A  }
0x210: {  	_ =	strace $0x8000006B  }
0x211: {  	[hbm4b:s30+s2] =	stream.linear.scatter [tilespmem:s6], [sflag:$0x3], $0x4000, $0x200038;
	[tilespmem:$0x8100] =	vst v63  }
0x212: {  	_ =	strace $0x9000006B  }
0x213: {  	_ =	strace $0x8000006C  }
0x214: {  	_ =	swait.ge [sflag:s13], $0x4000  }
0x215: {  	[sflag:s13] =	ssyncset.done $0x0  }
0x216: {  	[sflag:s13] =	ssyncadd.s32 $0xFFFFC000  }
0x217: {  	_ =	strace $0x9000006C  }
0x218: {  	_ =	strace $0x80000069  }
0x219: {  	_ =	swait.ge [sflag:s8], $0x80  }
0x21a: {  	[sflag:s8] =	ssyncset.done $0x0  }
0x21b: {  	[sflag:s8] =	ssyncadd.s32 $0xFFFFFF80  }
0x21c: {  	_ =	strace $0x90000069  }
0x21d: {  	_ =	strace $0x8000006A  }
0x21e: {  	[tilespmem:s9], [sflag:$0x5] =	stream.indirect.gather [hbm4b:s24+s3], $0x80, s3, s3, $0x2000b8;
	[tilespmem:$0x8100] =	vst v63  }
0x21f: {  	_ =	swait.ge [sflag:s7], $0x4000  }
0x220: {  	[sflag:s7] =	ssyncset.done $0x0  }
0x221: {  	[sflag:s7] =	ssyncadd.s32 $0xFFFFC000  }
0x222: {  	_ =	strace $0x9000006A  }
0x223: {  	_ =	strace $0x8000006B  }
0x224: {  	[hbm4b:s31+s2] =	stream.linear.scatter [tilespmem:s9], [sflag:$0x4], $0x4000, $0x200038;
	[tilespmem:$0x8100] =	vst v63  }
0x225: {  	_ =	strace $0x9000006B  }
0x226: {  	_ =	strace $0x8000006C  }
0x227: {  	_ =	swait.ge [sflag:s10], $0x4000  }
0x228: {  	[sflag:s10] =	ssyncset.done $0x0  }
0x229: {  	p0 =	sne.s32 s0, $0x1;
	[sflag:s10] =	ssyncadd.s32 $0xFFFFC000  }
.Ltmp1:
0x22a: {  	_ =	strace $0x9000006C;
	(pc) =	sbr.rel @p0 .LBB2_1-.Ltmp1, $4  }
0x22b: {  	_ =	strace $0x8000006D  }
0x22c: {  	_ =	swait.ge [sflag:s13], $0x4000  }
0x22d: {  	[sflag:s13] =	ssyncset.done $0x0  }
0x22e: {  	s0 =	sadd.s32 $0xFFFFFFFF, s0;
	[sflag:s13] =	ssyncadd.s32 $0xFFFFC000  }
.LBB2_2:
0x22f: {  	_ =	strace $0x9000006D  }
0x230: {  	_ =	sfence.sel $0x180000  }
0x231: {  	[bflag:$0x0] =	sbarrier.arrive $0xFFFF  }
0x232: {  	_ =	strace $0x90000058  }
0x233: {  	s0 =	stileid.u32;
	[bflag:$0x2] =	sbarrier.arrive $0xFFFF  }
0x234: {  	p0 =	sne.s32 s0, $0x0;
	s0 =	rddreg [dreg:$0x2]  }
0x235: {  	s0 =	sadd.s32 @!p0 $0x100000, s0  }
0x236: {  	[sflag:s0] =	ssyncadd.tile.s32 @!p0 $0x1;
	_ =	shalt  }
.Lfunc_end2:
_tile_overlayer_lowered:
.L_overlay_start_2:
0x237: {  	(tag) =	ssettag $0x2  }
0x238: {  	s0 =	rddreg [dreg:$0x0];
	s2 =	stileid.u32  }
0x239: {  	s1 =	rddreg [dreg:$0x1];
	p0 =	sne.s32 s2, $0x0  }
0x23a: {  	s3 =	rddreg [dreg:$0x2];
	[bflag:$0x3] =	sbarrier.arrive $0xFFFF;
	s2 =	simm.s32 @!p0 $0x1C01  }
0x23b: {  	[timem:s3], [sflag:s2] =	dma.local @!p0 [hbm:s0], s1  }
0x23c: {  	s0 =	simm.s32 @!p0 $0x1  }
0x23d: {  	_ =	swait.ge @!p0 [sflag:s0], s1  }
0x23e: {  	s1 =	ssub.s32 @!p0 $0x0, s1;
	[sflag:s0] =	ssyncset.done @!p0 $0x0  }
0x23f: {  	[sflag:s0] =	ssyncadd.s32 @!p0 s1  }
0x240: {  	[bflag:$0x3] =	sbarrier.arrive $0xFFFF  }
0x241: {  	_ =	shalt  }

// kernel: kernel.7.cloned.1.call-start
scs
__scs_entry_jumppad:
0x0: {  	(pc) =	sbr.rel $0x88, $3  }
0x1: {  	(tag) =	ssettag $0x0;
	lr =	simm.s32 $0x1  }
0x2: {  	[smem:$0x3F8E] =	sst lr;
	_ =	strace $0xD0000000  }
0x3: {  	_ = 	snop  }
0x4: {  	_ = 	snop  }
0x5: {  	_ = 	snop  }
0x6: {  	_ = 	snop  }
0x7: {  	_ = 	snop  }
__scs_overlays_trampoline_lowered:
0x8: {  	[smem:$0x3F9D] =	sst s0  }
0x9: {  	[smem:$0x3F9E] =	sst s1  }
0xa: {  	[smem:$0x3F9F] =	sst s2  }
0xb: {  	[smem:$0x3FA0] =	sst s3  }
0xc: {  	[smem:$0x3FA1] =	sst s4  }
0xd: {  	[smem:$0x3FA2] =	sst s5  }
0xe: {  	[smem:$0x3FA3] =	sst s6  }
0xf: {  	[smem:$0x3FA4] =	sst s7  }
0x10: {  	[smem:$0x3FA5] =	sst s8  }
0x11: {  	[smem:$0x3FA6] =	sst s9;
	s0 =	simm.s32 @!p0 $0x0  }
0x12: {  	s1 =	sld [smem:$0x3F8C];
	s0 =	simm.s32 @p0 $0x1  }
0x13: {  	[smem:$0x3FA7] =	sst s0;
	s0 =	simm.s32 @!p1 $0x0  }
0x14: {  	s2 =	sld [smem:$0x3F8B];
	s0 =	simm.s32 @p1 $0x1  }
0x15: {  	[smem:$0x3FA8] =	sst s0;
	s0 =	simm.s32 @!p2 $0x0  }
0x16: {  	s3 =	sld [smem:$0x3FDB];
	s0 =	simm.s32 @p2 $0x1  }
0x17: {  	s4 =	simm.s32 $0x1BF5;
	[smem:$0x3FAA] =	sst s0  }
0x18: {  	s0 =	sld [smem:$0x3F8D];
	_ =	swait.ge [sflag:s4], $0x0  }
0x19: {  	s7 =	sld [smem:$0x3F8E]  }
0x1a: {  	s8 =	sadd.s32 $0xFFFFE003, lr  }
0x1b: {  	s9 =	sadd.s32 $0xFFFFFEF7, lr;
	s5 =	simm.s32 $0xFFFFFFFF;
	p2 =	slt.u32 s8, $0xFFFFF086  }
0x1c: {  	p1 =	slt.u32 s9, $0xF7A;
	s5 =	simm.s32 @!p2 $0x0  }
0x1d: {  	s5 =	simm.s32 @p1 $0x1;
	p0 =	seq.s32 s7, s2  }
0x1e: {  	s7 =	smul.u32 @!p0 $0xF7A, s2;
	p2 =	seq.s32 @!p0 s5, $0x0  }
0x1f: {  	s9 =	smul.u32 $0xF7A, s1;
	s8 =	simm.s32 @!p0 $0x1BF5;
	p2 =	por !p2, p0  }
0x20: {  	[sflag:s8] =	ssyncset.s32 @!p0 $0xFFFFF086;
	s6 =	sadd.s32 @!p0 s3, s7;
	s7 =	simm.s32 @!p0 $0x108  }
0x21: {  	s3 =	sadd.s32 s3, s9;
	s6 =	sadd.s32 @!p0 $0x88, s6;
	s7 =	simm.s32 @p2 $0x1082  }
0x22: {  	[simem:s7], [sflag:s8] =	dma.local @!p0 [hbm:s6], $0xF7A  }
0x23: {  	s9 =	sor.u32 $0xD0000000, s2;
	s6 =	simm.s32 $0x108;
	_ =	swait.ge @!p0 [sflag:s8], $0x0  }
0x24: {  	s3 =	sadd.s32 $0x88, s3;
	s6 =	simm.s32 @!p1 $0x1082;
	[sflag:s4] =	ssyncset.s32 $0xFFFFF086  }
0x25: {  	[simem:s6], [sflag:s4] =	dma.local [hbm:s3], $0xF7A  }
0x26: {  	[smem:$0x3F8E] =	sst s1;
	(tag) =	ssettag s2;
	_ =	strace s9  }
0x27: {  	s1 =	sld [smem:$0x3F9E]  }
0x28: {  	s2 =	sld [smem:$0x3F9F]  }
0x29: {  	s4 =	sld [smem:$0x3FA1]  }
0x2a: {  	p0 =	seq.s32 s5, $0x0;
	s5 =	sld [smem:$0x3FA2]  }
0x2b: {  	s6 =	sld [smem:$0x3FA3]  }
0x2c: {  	s7 =	sld [smem:$0x3FA4]  }
0x2d: {  	s3 =	simm.s32 $0x108;
	s8 =	sld [smem:$0x3FA5]  }
0x2e: {  	s3 =	simm.s32 @!p0 $0x1082;
	s9 =	sld [smem:$0x3FA6]  }
0x2f: {  	lr =	sadd.s32 s0, s3;
	s0 =	sld [smem:$0x3F9D]  }
0x30: {  	s3 =	sld [smem:$0x3FA0]  }
0x31: {  	[smem:$0x3FA9] =	sst s10  }
0x32: {  	s10 =	sld [smem:$0x3FA7];
	_ =	sdelay $0x3  }
0x33: {  	p0 =	seq.s32 s10, $0x1;
	s10 =	sld [smem:$0x3FA9];
	_ =	sdelay $0x3  }
0x34: {  	[smem:$0x3FA9] =	sst s10  }
0x35: {  	s10 =	sld [smem:$0x3FA8];
	_ =	sdelay $0x3  }
0x36: {  	p1 =	seq.s32 s10, $0x1;
	s10 =	sld [smem:$0x3FA9];
	_ =	sdelay $0x3  }
0x37: {  	[smem:$0x3FA9] =	sst s10  }
0x38: {  	s10 =	sld [smem:$0x3FAA]  }
0x39: {  	_ = 	snop;
	(pc) =	sbr.ind lr, $3  }
0x3a: {  	_ = 	snop  }
0x3b: {  	_ = 	snop  }
0x3c: {  	p2 =	seq.s32 s10, $0x1;
	s10 =	sld [smem:$0x3FA9]  }
0x3d: {  	_ =	shalt  }
0x3e: {  	_ =	shalt  }
0x3f: {  	_ =	shalt  }
0x40: {  	_ =	shalt  }
0x41: {  	_ =	shalt  }
0x42: {  	_ =	shalt  }
0x43: {  	_ =	shalt  }
0x44: {  	_ =	shalt  }
0x45: {  	_ =	shalt  }
0x46: {  	_ =	shalt  }
0x47: {  	_ =	shalt  }
0x48: {  	_ =	shalt  }
0x49: {  	_ =	shalt  }
0x4a: {  	_ =	shalt  }
0x4b: {  	_ =	shalt  }
0x4c: {  	_ =	shalt  }
0x4d: {  	_ =	shalt  }
0x4e: {  	_ =	shalt  }
0x4f: {  	_ =	shalt  }
0x50: {  	_ =	shalt  }
0x51: {  	_ =	shalt  }
0x52: {  	_ =	shalt  }
0x53: {  	_ =	shalt  }
0x54: {  	_ =	shalt  }
0x55: {  	_ =	shalt  }
0x56: {  	_ =	shalt  }
0x57: {  	_ =	shalt  }
0x58: {  	_ =	shalt  }
0x59: {  	_ =	shalt  }
0x5a: {  	_ =	shalt  }
0x5b: {  	_ =	shalt  }
0x5c: {  	_ =	shalt  }
0x5d: {  	_ =	shalt  }
0x5e: {  	_ =	shalt  }
0x5f: {  	_ =	shalt  }
0x60: {  	_ =	shalt  }
0x61: {  	_ =	shalt  }
0x62: {  	_ =	shalt  }
0x63: {  	_ =	shalt  }
0x64: {  	_ =	shalt  }
0x65: {  	_ =	shalt  }
0x66: {  	_ =	shalt  }
0x67: {  	_ =	shalt  }
0x68: {  	_ =	shalt  }
0x69: {  	_ =	shalt  }
0x6a: {  	_ =	shalt  }
0x6b: {  	_ =	shalt  }
0x6c: {  	_ =	shalt  }
0x6d: {  	_ =	shalt  }
0x6e: {  	_ =	shalt  }
0x6f: {  	_ =	shalt  }
0x70: {  	_ =	shalt  }
0x71: {  	_ =	shalt  }
0x72: {  	_ =	shalt  }
0x73: {  	_ =	shalt  }
0x74: {  	_ =	shalt  }
0x75: {  	_ =	shalt  }
0x76: {  	_ =	shalt  }
0x77: {  	_ =	shalt  }
0x78: {  	_ =	shalt  }
0x79: {  	_ =	shalt  }
0x7a: {  	_ =	shalt  }
0x7b: {  	_ =	shalt  }
0x7c: {  	_ =	shalt  }
0x7d: {  	_ =	shalt  }
0x7e: {  	_ =	shalt  }
0x7f: {  	_ =	shalt  }
0x80: {  	_ =	shalt  }
0x81: {  	_ =	shalt  }
0x82: {  	_ =	shalt  }
0x83: {  	_ =	shalt  }
0x84: {  	_ =	shalt  }
0x85: {  	_ =	shalt  }
0x86: {  	_ =	shalt  }
0x87: {  	_ =	shalt  }
.Lfunc_end0:
.L_simem_size_0:
called_computation_lowered:
.L_overlay_start_0:
0x88: {  	s2 =	sld [smem:$0x3FD9]  }
0x89: {  	s3 =	sld [smem:$0x3FFE];
	_ =	sdelay $0x1  }
0x8a: {  	s1 =	srdreg.scid  }
0x8b: {  	s0 =	sand.u32 $0x1, s1  }
0x8c: {  	s17 =	sshll.u32 s0, $0xA;
	s2 =	sadd.s32 s3, s2  }
0x8d: {  	s2 =	sadd.s32 s2, s17  }
0x8e: {  	[smem:$0x3FB5] =	sst s2  }
0x8f: {  	_ = 	snop  }
0x90: {  	s2 =	sld [smem:$0x3FC5]  }
0x91: {  	s18 =	sld [smem:$0x3FC4];
	(tm) =	ssettm $0x1  }
0x92: {  	s4 =	sld [smem:$0x3FFB];
	_ =	sdelay $0x3  }
0x93: {  	_ =	strace s4  }
0x94: {  	s4 =	sld [smem:$0x3FFC];
	_ =	sdelay $0x3  }
0x95: {  	_ =	strace s4  }
0x96: {  	s4 =	sld [smem:$0x3FFD];
	_ =	sdelay $0x3  }
0x97: {  	_ =	strace s4  }
0x98: {  	_ =	strace $0x8FFFFFFF  }
0x99: {  	s19 =	sld [smem:$0x3FDB];
	_ =	sdelay $0x1  }
0x9a: {  	s5 =	simm.s32 $_scs_section_size  }
0x9b: {  	s6 =	simm.s32 $_size__tile_overlayer_lowered;
	s7 =	simm.s32 $_tile_overlayer_lowered  }
0x9c: {  	s22 =	simm.s32 $0x1BFF;
	s21 =	sshll.u32 s7, $0x1;
	s4 =	sadd.s32 s5, s19  }
0x9d: {  	s8 =	simm.s32 $0x0;
	s20 =	sshll.u32 s6, $0x1;
	s6 =	sadd.s32 s21, s4  }
0x9e: {  	[timem:s8], [sflag:s22] =	dma.local [hbm:s6], s20  }
0x9f: {  	_ =	swait.ge [sflag:s22], s20  }
0xa0: {  	s5 =	ssub.s32 $0x0, s20;
	[sflag:s22] =	ssyncset.done $0x0  }
0xa1: {  	[sflag:s22] =	ssyncadd.s32 s5;
	_ =	sdelay $0x1  }
0xa2: {  	s23 =	simm.s32 $0x1B8B  }
0xa3: {  	_ =	swait.ge [sflag:s23], $0x1  }
0xa4: {  	[sflag:s23] =	ssyncset.done $0x0  }
0xa5: {  	s25 =	simm.s32 $0x1B8E;
	s24 =	sld [smem:$0x3FFE];
	[sflag:s23] =	ssyncadd.s32 $0xFFFFFFFF  }
0xa6: {  	s26 =	simm.s32 $execute0_lowered;
	[smem:$0x3FD2] =	sst s25  }
0xa7: {  	s6 =	sshll.u32 s26, $0x1;
	_ =	strace $0x80000046;
	[dreg:$0x1] =	wrdreg $0xFFFFFFFF  }
0xa8: {  	s28 =	simm.s32 $_size_execute0_lowered;
	s4 =	sadd.s32 s4, s6;
	[dreg:$0x0] =	wrdreg $0x0  }
0xa9: {  	s6 =	sshll.u32 s28, $0x1;
	[dreg:$0x2] =	wrdreg s4  }
0xaa: {  	[dreg:$0x3] =	wrdreg s6  }
0xab: {  	[dreg:$0x4] =	wrdreg $0xC0  }
0xac: {  	_ =	task [dreg:s8], $0x5FFFF  }
0xad: {  	[dreg:$0x1] =	wrdreg $0xFFFFFFFF  }
0xae: {  	[dreg:$0x0] =	wrdreg $0x60  }
0xaf: {  	[dreg:$0x2] =	wrdreg s2  }
0xb0: {  	[dreg:$0x3] =	wrdreg s18  }
0xb1: {  	[dreg:$0x4] =	wrdreg s24  }
0xb2: {  	[dreg:$0x5] =	wrdreg $0x9  }
0xb3: {  	_ =	task.clear_ibuf [dreg:s8], $0x6FFFF;
	_ =	strace $0x90000046  }
0xb4: {  	s29 =	simm.s32 $0x9;
	_ =	strace $0x80000056  }
0xb5: {  	_ =	swait.ge [sflag:s29], $0x1  }
0xb6: {  	[sflag:s29] =	ssyncadd.s32 $0xFFFFFFFF  }
0xb7: {  	_ =	strace $0x90000056  }
0xb8: {  	_ =	sfence  }
0xb9: {  	s30 =	sld [smem:$0x0];
	_ =	sdelay $0x2  }
0xba: {  	s31 =	sshll.u32 s1, $0xD;
	s1 =	sshrl.u32 s1, $0x2  }
0xbb: {  	s3 =	sand.u32 $0x4000, s31;
	s1 =	sadd.s32 s1, s30  }
0xbc: {  	s0 =	sor.u32 s3, s0;
	s1 =	sshll.u32 s1, $0x11  }
0xbd: {  	s0 =	sor.u32 s1, s0  }
0xbe: {  	s0 =	sadd.s32 $0x8F2B, s0  }
0xbf: {  	[sflag:s0] =	ssyncadd.remote.s32 $0x1  }
0xc0: {  	_ =	sfence.sel $0xFFFF  }
0xc1: {  	[dreg:$0x0] =	wrdreg $0xFFFFFFFF;
	(pc) =	sbr.abs _section_cstart, $3  }
0xc2: {  	[dreg:$0x1] =	wrdreg $0xFFFFFFFF  }
0xc3: {  	_ =	task.clear_ibuf [dreg:s8], $0x2FFFF;
	_ =	strace $0x9FFFFFFF  }
0xc4: {  	(tm) =	ssettm $0x7FFFFFFF  }
0xc5: {  	_ =	shalt  }
tec
execute0_lowered:
.L_overlay_start_1:
0x0: {  	(tag) =	ssettag $0x1  }
0x1: {  	v0 =	vimm.s32 $0x2380  }
0x2: {  	vm14 =	vcmask $0x300;
	vm13 =	vcmask $0x704;
	v1 =	vimm.s32 $0x2381  }
0x3: {  	vm12 =	vcmask $0xB08;
	vm11 =	vcmask $0xF0C;
	vm10 =	vcmask $0x1310  }
0x4: {  	vm9 =	vcmask $0x1714;
	vm8 =	vcmask $0x1B18;
	vm7 =	vcmask $0x1F1C  }
0x5: {  	vm6 =	vcmask $0x2320;
	vm5 =	vcmask $0x2724;
	vm4 =	vcmask $0x2B28  }
0x6: {  	vm3 =	vcmask $0x2F2C;
	vm2 =	vcmask $0x3330;
	vm0 =	vcmask $0x3734  }
0x7: {  	vm1 =	vcmask $0x3B38;
	v4 =	vimm.s32 $0x2382;
	v5 =	vimm.s32 $0x2383  }
0x8: {  	v6 =	vimm.s32 $0x2384;
	v10 =	vimm.s32 $0x2385;
	v11 =	vimm.s32 $0x2386  }
0x9: {  	v12 =	vimm.s32 $0x2387;
	v0 =	vsel vm14, $0x0, v0;
	v1 =	vsel vm14, $0x1, v1  }
0xa: {  	v4 =	vsel vm14, $0x2, v4;
	v5 =	vsel vm14, $0x3, v5;
	v6 =	vsel vm14, $0x4, v6  }
0xb: {  	v10 =	vsel vm14, $0x5, v10;
	v11 =	vsel vm14, $0x6, v11;
	v12 =	vsel vm14, $0x7, v12  }
0xc: {  	v0 =	vsel vm13, $0x80, v0;
	v1 =	vsel vm13, $0x81, v1;
	v4 =	vsel vm13, $0x82, v4  }
0xd: {  	v5 =	vsel vm13, $0x83, v5;
	v6 =	vsel vm13, $0x84, v6;
	v10 =	vsel vm13, $0x85, v10  }
0xe: {  	v11 =	vsel vm13, $0x86, v11;
	v12 =	vsel vm13, $0x87, v12;
	v0 =	vsel vm12, $0x100, v0  }
0xf: {  	v1 =	vsel vm12, $0x101, v1;
	v4 =	vsel vm12, $0x102, v4;
	v5 =	vsel vm12, $0x103, v5  }
0x10: {  	v6 =	vsel vm12, $0x104, v6;
	v10 =	vsel vm12, $0x105, v10;
	v11 =	vsel vm12, $0x106, v11  }
0x11: {  	v12 =	vsel vm12, $0x107, v12;
	v0 =	vsel vm11, $0x180, v0;
	v1 =	vsel vm11, $0x181, v1  }
0x12: {  	v4 =	vsel vm11, $0x182, v4;
	v5 =	vsel vm11, $0x183, v5;
	v6 =	vsel vm11, $0x184, v6  }
0x13: {  	v10 =	vsel vm11, $0x185, v10;
	v11 =	vsel vm11, $0x186, v11;
	v12 =	vsel vm11, $0x187, v12  }
0x14: {  	v0 =	vsel vm10, $0x200, v0;
	v1 =	vsel vm10, $0x201, v1;
	v4 =	vsel vm10, $0x202, v4  }
0x15: {  	v5 =	vsel vm10, $0x203, v5;
	v6 =	vsel vm10, $0x204, v6;
	v10 =	vsel vm10, $0x205, v10  }
0x16: {  	v11 =	vsel vm10, $0x206, v11;
	v12 =	vsel vm10, $0x207, v12;
	v0 =	vsel vm9, $0x280, v0  }
0x17: {  	v1 =	vsel vm9, $0x281, v1;
	v4 =	vsel vm9, $0x282, v4;
	v5 =	vsel vm9, $0x283, v5  }
0x18: {  	v6 =	vsel vm9, $0x284, v6;
	v10 =	vsel vm9, $0x285, v10;
	v11 =	vsel vm9, $0x286, v11  }
0x19: {  	v12 =	vsel vm9, $0x287, v12;
	v0 =	vsel vm8, $0x300, v0;
	v1 =	vsel vm8, $0x301, v1  }
0x1a: {  	v4 =	vsel vm8, $0x302, v4;
	v5 =	vsel vm8, $0x303, v5;
	v6 =	vsel vm8, $0x304, v6  }
0x1b: {  	v10 =	vsel vm8, $0x305, v10;
	v11 =	vsel vm8, $0x306, v11;
	v12 =	vsel vm8, $0x307, v12  }
0x1c: {  	v0 =	vsel vm7, $0x380, v0;
	v1 =	vsel vm7, $0x381, v1;
	v4 =	vsel vm7, $0x382, v4  }
0x1d: {  	v5 =	vsel vm7, $0x383, v5;
	v6 =	vsel vm7, $0x384, v6;
	v10 =	vsel vm7, $0x385, v10  }
0x1e: {  	v11 =	vsel vm7, $0x386, v11;
	v12 =	vsel vm7, $0x387, v12;
	v0 =	vsel vm6, $0x2000, v0  }
0x1f: {  	v1 =	vsel vm6, $0x2001, v1;
	v4 =	vsel vm6, $0x2002, v4;
	v5 =	vsel vm6, $0x2003, v5  }
0x20: {  	v6 =	vsel vm6, $0x2004, v6;
	v10 =	vsel vm6, $0x2005, v10;
	v11 =	vsel vm6, $0x2006, v11  }
0x21: {  	v12 =	vsel vm6, $0x2007, v12;
	v0 =	vsel vm5, $0x2080, v0;
	v1 =	vsel vm5, $0x2081, v1  }
0x22: {  	v4 =	vsel vm5, $0x2082, v4;
	v5 =	vsel vm5, $0x2083, v5;
	v6 =	vsel vm5, $0x2084, v6  }
0x23: {  	v10 =	vsel vm5, $0x2085, v10;
	v11 =	vsel vm5, $0x2086, v11;
	v12 =	vsel vm5, $0x2087, v12  }
0x24: {  	v0 =	vsel vm4, $0x2100, v0;
	v1 =	vsel vm4, $0x2101, v1;
	v4 =	vsel vm4, $0x2102, v4  }
0x25: {  	v5 =	vsel vm4, $0x2103, v5;
	v6 =	vsel vm4, $0x2104, v6;
	v10 =	vsel vm4, $0x2105, v10  }
0x26: {  	s0 =	rddreg [dreg:$0x0];
	v11 =	vsel vm4, $0x2106, v11;
	v12 =	vsel vm4, $0x2107, v12;
	v0 =	vsel vm3, $0x2180, v0  }
0x27: {  	s2 =	srdreg.scid;
	s1 =	rddreg [dreg:$0x1];
	v1 =	vsel vm3, $0x2181, v1;
	v4 =	vsel vm3, $0x2182, v4;
	v5 =	vsel vm3, $0x2183, v5  }
0x28: {  	s3 =	rddreg [dreg:$0x2];
	s5 =	stileid.u32;
	s6 =	simm.s32 $0x0;
	v6 =	vsel vm3, $0x2184, v6;
	v10 =	vsel vm3, $0x2185, v10;
	v11 =	vsel vm3, $0x2186, v11  }
0x29: {  	s30 =	simm.s32 $0x2000;
	s2 =	sand.u32 $0x1, s2;
	[smem:$0x7FF] =	sst s6;
	v12 =	vsel vm3, $0x2187, v12;
	v0 =	vsel vm2, $0x2200, v0;
	v1 =	vsel vm2, $0x2201, v1  }
0x2a: {  	s7 =	sadd.s32 $0x3A00, s3;
	s4 =	sshll.u32 s2, $0x4;
	_ =	strace $0x80000047;
	v4 =	vsel vm2, $0x2202, v4;
	v5 =	vsel vm2, $0x2203, v5;
	v8 =	vsel vm2, $0x2204, v6  }
0x2b: {  	s2 =	ssub.s32 $0x2, s2;
	s4 =	sor.u32 s5, s4;
	s5 =	sadd.s32 $0x34800, s3;
	v10 =	vsel vm2, $0x2205, v10;
	v11 =	vsel vm2, $0x2206, v11;
	v14 =	vsel vm2, $0x2207, v12  }
0x2c: {  	s8 =	sshrl.u32 s2, $0x1;
	s25 =	smul.u32 $0x3, s4;
	p0 =	seq.s32 s4, $0x0;
	v0 =	vsel vm0, $0x2280, v0;
	v2 =	vsel vm0, $0x2281, v1;
	v1 =	vlaneseq.u32  }
0x2d: {  	s2 =	ssub.s32 s2, s8;
	s26 =	smul.u32 $0x4400, s4;
	s8 =	simm.s32 $0x4;
	v4 =	vsel vm0, $0x2282, v4;
	v7 =	vsel vm0, $0x2283, v5;
	v8 =	vsel vm0, $0x2284, v8  }
0x2e: {  	s9 =	smul.u32 $0x11, s4;
	s2 =	smax.u32 s2, $0x1;
	s6 =	sadd.s32 $0x1, s25;
	v10 =	vsel vm0, $0x2285, v10;
	v13 =	vsel vm0, $0x2286, v11;
	v14 =	vsel vm0, $0x2287, v14  }
0x2f: {  	s3 =	sadd.s32 s0, s26;
	[dreg:$0x7] =	wrdreg s2;
	s6 =	simm.s32 @p0 $0x0;
	v0 =	vsel vm1, $0x2300, v0;
	v2 =	vsel vm1, $0x2301, v2;
	v3 =	vor.u32 $0x10, v1  }
0x30: {  	[dreg:$0x4] =	wrdreg s3;
	s31 =	sadd.s32 $0xF4280, s3;
	s10 =	sshll.u32 s6, $0xA;
	v4 =	vsel vm1, $0x2302, v4;
	v5 =	vor.u32 $0x20, v1;
	v6 =	vsel vm1, $0x2303, v7  }
0x31: {  	s29 =	sadd.s32 $0xFFFFFFFF, s6;
	[dreg:$0x8] =	wrdreg s31;
	s28 =	sand.u32 $0x1FFFFC00, s10;
	v7 =	vor.u32 $0x30, v1;
	v8 =	vsel vm1, $0x2304, v8;
	v9 =	vor.u32 $0x40, v1  }
0x32: {  	s8 =	simm.s32 @!p0 $0x3;
	[dreg:$0x6] =	wrdreg s29;
	s4 =	sadd.s32 s1, s28;
	v10 =	vsel vm1, $0x2305, v10;
	v11 =	vor.u32 $0x50, v1;
	v12 =	vsel vm1, $0x2306, v13  }
0x33: {  	s18 =	simm.s32 $0x0;
	s12 =	sadd.s32 $0xFFFFFFFF, s8;
	[dreg:$0x5] =	wrdreg s4;
	v13 =	vor.u32 $0x60, v1;
	v14 =	vsel vm1, $0x2307, v14;
	v15 =	vor.u32 $0x70, v1  }
.LBB2_1:
0x34: {  	_ =	strace $0x80000048;
	s2 =	simm.s32 $0x0  }
0x35: {  	s19 =	simm.s32 $0x0;
	s20 =	simm.s32 $0x0;
	s3 =	rddreg [dreg:$0x4]  }
0x36: {  	[tilespmem:s2], [sflag:$0x1] =	stream.linear.gather [hbm4b:s3+s2], $0x2000, $0x200038;
	[tilespmem:$0x10000] =	vst v63  }
0x37: {  	s21 =	simm.s32 $0x0;
	s22 =	simm.s32 $0x0;
	s31 =	rddreg [dreg:$0x8]  }
0x38: {  	[tilespmem:s30], [sflag:$0x1] =	stream.linear.gather [hbm4b:s31+s2], $0x2000, $0x200038;
	[tilespmem:$0x10000] =	vst v63  }
0x39: {  	s23 =	simm.s32 $0x1;
	s24 =	simm.s32 $0x0;
	_ =	strace $0x90000048  }
.LBB2_2:
0x3a: {  	s2 =	smov.u32 s19;
	s19 =	sadd.s32 $0x1, s19  }
0x3b: {  	p0 =	seq.s32 s19, $0x11  }
0x3c: {  	s19 =	simm.s32 @p0 $0x0  }
0x3d: {  	p6 =	sne.s32 s24, $0x10;
	p1 =	sne.s32 s2, s19  }
0x3e: {  	p0 =	por !p6, !p1  }
0x3f: {  	p0 =	por !p0, !p0  }
0x40: {  	s14 =	simm.s32 $0x0;
	s31 =	sand.u32 $0x1, s22;
	s3 =	sadd.s32 @p0 s9, s19  }
0x41: {  	_ =	strace @p0 $0x80000049;
	s4 =	sand.u32 @p0 $0x1, s23;
	s11 =	simm.s32 @p0 $0x1400  }
0x42: {  	s13 =	simm.s32 @p0 $0x0;
	p2 =	seq.s32 @p0 s3, $0x3D0;
	s3 =	sshll.u32 @p0 s3, $0xA  }
0x43: {  	s10 =	sadd.s32 @p0 $0x1, s4;
	s3 =	sand.u32 @p0 $0x1FFFFC00, s3;
	p2 =	por !p2, !p0  }
0x44: {  	s4 =	sshll.u32 @p0 s4, $0xE;
	s3 =	sadd.s32 @p0 s0, s3;
	s11 =	simm.s32 @p2 $0x2000  }
0x45: {  	[tilespmem:s4], [sflag:s10] =	stream.linear.gather @p0 [hbm4b:s3+s13], s11, $0x200038;
	[tilespmem:$0x10000] =	vst v63  }
0x46: {  	v16 =	vmov s14;
	s25 =	sadd.s32 s9, s2;
	s3 =	sadd.s32 @p0 $0xF4280, s3;
	s4 =	sor.u32 @p0 $0x2000, s4  }
0x47: {  	v17 =	vshll.u32 v16, $0x3;
	[tilespmem:s4], [sflag:s10] =	stream.linear.gather @p0 [hbm4b:s3+s13], s11, $0x200038;
	[tilespmem:$0x10000] =	vst v63  }
0x48: {  	v16 =	vand.u32 $0x78, v16;
	v17 =	vand.u32 $0x1C00, v17;
	p2 =	seq.s32 s25, $0x3D0;
	s3 =	simm.s32 $0x2800;
	_ =	strace @p0 $0x90000049  }
0x49: {  	s2 =	sadd.s32 $0x1, s31;
	v22 =	vor.u32 v16, v17;
	s3 =	simm.s32 @!p2 $0x4000;
	_ =	strace $0x8000004A  }
0x4a: {  	v16 =	vor.u32 v0, v22;
	s4 =	simm.s32 $0xFFFFD800;
	_ =	swait.ge [sflag:s2], s3  }
0x4b: {  	s4 =	simm.s32 @!p2 $0xFFFFC000;
	[sflag:s2] =	ssyncset.done $0x0  }
0x4c: {  	[sflag:s2] =	ssyncadd.s32 s4;
	s4 =	simm.s32 $0x8  }
0x4d: {  	s10 =	sshll.u32 s22, $0xE;
	_ =	strace $0x9000004A;
	v17 =	vmov s4  }
0x4e: {  	s14 =	simm.s32 $0x0;
	s29 =	sand.u32 $0x4000, s10;
	_ =	strace $0x8000004B;
	v18 =	vshll.u32 v17, $0x3  }
0x4f: {  	v19 =	vor.u32 s14, v1;
	v17 =	vand.u32 $0x78, v17;
	v16 =	vld.idx.msk [tilespmem:v16+s29+$0x0], $0xffff;
	v18 =	vand.u32 $0x1C00, v18  }
0x50: {  	v18 =	vor.u32 v17, v18;
	v17 =	vor.u32 v2, v22  }
0x51: {  	s26 =	sand.u32 $0x1, s21;
	v20 =	vor.u32 v0, v18  }
0x52: {  	s11 =	sshll.u32 s26, $0xE  }
0x53: {  	s13 =	simm.s32 $0x10;
	s28 =	sor.u32 $0x8000, s11  }
0x54: {  	[tilespmem:v19+s28+$0x0] =	vst.idx.msk $0xffff, v16;
	v16 =	vmov s13  }
0x55: {  	v21 =	vor.u32 s14, v3;
	v24 =	vor.u32 v4, v22;
	s4 =	simm.s32 $0x80;
	v19 =	vld.idx.msk [tilespmem:v17+s29+$0x0], $0xffff;
	v17 =	vshll.u32 v16, $0x3  }
0x56: {  	v23 =	vor.u32 s4, v1;
	v16 =	vand.u32 $0x78, v16;
	v20 =	vld.idx.msk [tilespmem:v20+s29+$0x0], $0xffff;
	v17 =	vand.u32 $0x1C00, v17  }
0x57: {  	v17 =	vor.u32 v16, v17;
	v16 =	vor.u32 v2, v18  }
0x58: {  	v25 =	vor.u32 v0, v17;
	_ =	sdelay $0x1  }
0x59: {  	s15 =	simm.s32 $0x18;
	[tilespmem:v21+s28+$0x0] =	vst.idx.msk $0xffff, v19  }
0x5a: {  	v27 =	vor.u32 v6, v22;
	s3 =	simm.s32 $0x100;
	v21 =	vmov s15;
	[tilespmem:v23+s28+$0x0] =	vst.idx.msk $0xffff, v20;
	v19 =	vld.idx.msk [tilespmem:v24+s29+$0x0], $0xffff;
	v20 =	vor.u32 s14, v5  }
0x5b: {  	v26 =	vor.u32 s3, v1;
	v23 =	vor.u32 s4, v3;
	v24 =	vld.idx.msk [tilespmem:v16+s29+$0x0], $0xffff;
	v16 =	vshll.u32 v21, $0x3  }
0x5c: {  	v28 =	vor.u32 v4, v18;
	v21 =	vand.u32 $0x78, v21;
	v25 =	vld.idx.msk [tilespmem:v25+s29+$0x0], $0xffff;
	v16 =	vand.u32 $0x1C00, v16  }
0x5d: {  	v16 =	vor.u32 v21, v16;
	v21 =	vor.u32 v2, v17  }
0x5e: {  	v29 =	vor.u32 v0, v16  }
0x5f: {  	s2 =	simm.s32 $0x180;
	[tilespmem:v20+s28+$0x0] =	vst.idx.msk $0xffff, v19  }
0x60: {  	s16 =	simm.s32 $0x20;
	v30 =	vor.u32 s2, v1;
	[tilespmem:v23+s28+$0x0] =	vst.idx.msk $0xffff, v24;
	v20 =	vld.idx.msk [tilespmem:v27+s29+$0x0], $0xffff;
	v24 =	vor.u32 s14, v7  }
0x61: {  	v19 =	vmov s16;
	v23 =	vor.u32 s4, v5;
	v27 =	vor.u32 v8, v22;
	[tilespmem:v26+s28+$0x0] =	vst.idx.msk $0xffff, v25;
	v25 =	vld.idx.msk [tilespmem:v28+s29+$0x0], $0xffff  }
0x62: {  	v31 =	vor.u32 v6, v18;
	v26 =	vor.u32 s3, v3;
	v28 =	vshll.u32 v19, $0x3;
	v21 =	vld.idx.msk [tilespmem:v21+s29+$0x0], $0xffff  }
0x63: {  	v32 =	vor.u32 v4, v17;
	v19 =	vand.u32 $0x78, v19;
	v28 =	vand.u32 $0x1C00, v28;
	v29 =	vld.idx.msk [tilespmem:v29+s29+$0x0], $0xffff  }
0x64: {  	v19 =	vor.u32 v19, v28;
	v28 =	vor.u32 v2, v16  }
0x65: {  	v33 =	vor.u32 v0, v19;
	[tilespmem:v24+s28+$0x0] =	vst.idx.msk $0xffff, v20  }
0x66: {  	v35 =	vor.u32 v6, v17;
	v24 =	vor.u32 s14, v9;
	[tilespmem:v23+s28+$0x0] =	vst.idx.msk $0xffff, v25;
	v23 =	vld.idx.msk [tilespmem:v27+s29+$0x0], $0xffff  }
0x67: {  	s17 =	simm.s32 $0x28;
	v27 =	vor.u32 v10, v22;
	[tilespmem:v26+s28+$0x0] =	vst.idx.msk $0xffff, v21;
	v21 =	vld.idx.msk [tilespmem:v31+s29+$0x0], $0xffff;
	v26 =	vor.u32 s4, v7  }
0x68: {  	v20 =	vmov s17;
	v25 =	vor.u32 s3, v5;
	v31 =	vor.u32 v8, v18;
	[tilespmem:v30+s28+$0x0] =	vst.idx.msk $0xffff, v29;
	v29 =	vld.idx.msk [tilespmem:v32+s29+$0x0], $0xffff  }
0x69: {  	v36 =	vor.u32 v4, v16;
	s16 =	simm.s32 $0x200;
	v57 =	vshll.u32 v20, $0x3;
	v30 =	vor.u32 s2, v3;
	v28 =	vld.idx.msk [tilespmem:v28+s29+$0x0], $0xffff  }
0x6a: {  	v34 =	vor.u32 s16, v1;
	v20 =	vand.u32 $0x78, v20;
	v32 =	vand.u32 $0x1C00, v57;
	v33 =	vld.idx.msk [tilespmem:v33+s29+$0x0], $0xffff  }
0x6b: {  	v58 =	vor.u32 v2, v19;
	v20 =	vor.u32 v20, v32;
	[tilespmem:v24+s28+$0x0] =	vst.idx.msk $0xffff, v23  }
0x6c: {  	v23 =	vor.u32 v0, v20;
	v24 =	vor.u32 s14, v11;
	[tilespmem:v26+s28+$0x0] =	vst.idx.msk $0xffff, v21;
	v21 =	vld.idx.msk [tilespmem:v27+s29+$0x0], $0xffff  }
0x6d: {  	s31 =	simm.s32 $0x30;
	v26 =	vor.u32 s4, v9;
	v27 =	vor.u32 v12, v22;
	[tilespmem:v25+s28+$0x0] =	vst.idx.msk $0xffff, v29;
	v25 =	vld.idx.msk [tilespmem:v31+s29+$0x0], $0xffff  }
0x6e: {  	v60 =	vmov s31;
	v29 =	vor.u32 s3, v7;
	v31 =	vor.u32 v10, v18;
	[tilespmem:v30+s28+$0x0] =	vst.idx.msk $0xffff, v28;
	v28 =	vld.idx.msk [tilespmem:v35+s29+$0x0], $0xffff  }
0x6f: {  	v37 =	vshll.u32 v60, $0x3;
	v62 =	vor.u32 v8, v17;
	v30 =	vor.u32 s2, v5;
	[tilespmem:v34+s28+$0x0] =	vst.idx.msk $0xffff, v33;
	v59 =	vld.idx.msk [tilespmem:v36+s29+$0x0], $0xffff  }
0x70: {  	v63 =	vand.u32 $0x1C00, v37;
	s13 =	simm.s32 $0x280;
	v40 =	vor.u32 v6, v16;
	v61 =	vor.u32 s16, v3;
	v32 =	vld.idx.msk [tilespmem:v58+s29+$0x0], $0xffff  }
0x71: {  	v39 =	vor.u32 s13, v1;
	v42 =	vor.u32 v4, v19;
	v41 =	vld.idx.msk [tilespmem:v23+s29+$0x0], $0xffff;
	v23 =	vand.u32 $0x78, v60;
	[tilespmem:v24+s28+$0x0] =	vst.idx.msk $0xffff, v21  }
0x72: {  	v43 =	vor.u32 v2, v20;
	v21 =	vor.u32 v23, v63;
	[tilespmem:v26+s28+$0x0] =	vst.idx.msk $0xffff, v25;
	v34 =	vld.idx.msk [tilespmem:v27+s29+$0x0], $0xffff  }
0x73: {  	v37 =	vor.u32 s14, v13;
	v38 =	vor.u32 v0, v21;
	[tilespmem:v29+s28+$0x0] =	vst.idx.msk $0xffff, v28;
	v29 =	vld.idx.msk [tilespmem:v31+s29+$0x0], $0xffff  }
0x74: {  	v35 =	vor.u32 s4, v11;
	v33 =	vor.u32 s3, v9;
	[tilespmem:v30+s28+$0x0] =	vst.idx.msk $0xffff, v59;
	v23 =	vld.idx.msk [tilespmem:v62+s29+$0x0], $0xffff  }
0x75: {  	s10 =	simm.s32 $0x38;
	v36 =	vor.u32 s2, v7;
	v26 =	vor.u32 v14, v22;
	v27 =	vor.u32 s14, v15;
	[tilespmem:v61+s28+$0x0] =	vst.idx.msk $0xffff, v32;
	v24 =	vld.idx.msk [tilespmem:v40+s29+$0x0], $0xffff  }
0x76: {  	v25 =	vor.u32 v10, v17;
	v22 =	vmov s10;
	v28 =	vor.u32 v12, v18;
	[tilespmem:v39+s28+$0x0] =	vst.idx.msk $0xffff, v41;
	v30 =	vld.idx.msk [tilespmem:v42+s29+$0x0], $0xffff  }
0x77: {  	s15 =	simm.s32 $0x7;
	s17 =	simm.s32 $0x8;
	s14 =	simm.s32 $0x300;
	v31 =	vor.u32 v8, v16;
	v32 =	vor.u32 s16, v5;
	v40 =	vor.u32 s13, v3;
	v39 =	vld.idx.msk [tilespmem:v43+s29+$0x0], $0xffff  }
.LBB2_3:
0x78: {  	v41 =	vshll.u32 v22, $0x3;
	v42 =	vld.idx.msk [tilespmem:v38+s29+$0x0], $0xffff;
	v43 =	vor.u32 s14, v1;
	v44 =	vor.u32 v6, v19  }
0x79: {  	p2 =	sne.s32 s17, $0x7F;
	[tilespmem:v37+s28+$0x0] =	vst.idx.msk $0xffff, v34;
	v45 =	vmovc v16;
	v16 =	vmovc v19;
	v19 =	vmov v20;
	v20 =	vmov v21;
	v46 =	vmov v27  }
0x7a: {  	v21 =	vand.u32 $0x78, v22;
	v22 =	vand.u32 $0x1C00, v41;
	v41 =	vor.u32 v4, v19;
	[tilespmem:v35+s28+$0x0] =	vst.idx.msk $0xffff, v29;
	v47 =	vld.idx.msk [tilespmem:v26+s29+$0x0], $0xffff  }
0x7b: {  	v48 =	vor.u32 v2, v20;
	v21 =	vor.u32 v21, v22;
	[tilespmem:v33+s28+$0x0] =	vst.idx.msk $0xffff, v23;
	v34 =	vld.idx.msk [tilespmem:v28+s29+$0x0], $0xffff  }
.Ltmp0:
0x7c: {  	v37 =	vor.u32 s4, v13;
	v38 =	vor.u32 v0, v21;
	[tilespmem:v36+s28+$0x0] =	vst.idx.msk $0xffff, v24;
	v29 =	vld.idx.msk [tilespmem:v25+s29+$0x0], $0xffff;
	(pc) =	sbr.rel @p2 .LBB2_3-.Ltmp0, $4  }
0x7d: {  	v35 =	vor.u32 s3, v11;
	v26 =	vor.u32 v14, v18;
	v18 =	vmov v17;
	[tilespmem:v32+s28+$0x0] =	vst.idx.msk $0xffff, v30;
	v23 =	vld.idx.msk [tilespmem:v31+s29+$0x0], $0xffff  }
0x7e: {  	v27 =	vor.u32 s4, v15;
	s4 =	smov.u32 s3;
	s3 =	smov.u32 s2;
	v33 =	vor.u32 s2, v9;
	v28 =	vor.u32 v12, v18;
	s2 =	smov.u32 s16;
	[tilespmem:v40+s28+$0x0] =	vst.idx.msk $0xffff, v39;
	v24 =	vld.idx.msk [tilespmem:v44+s29+$0x0], $0xffff  }
0x7f: {  	s10 =	sadd.s32 $0x8, s10;
	s16 =	smov.u32 s13;
	v36 =	vor.u32 s2, v7;
	v25 =	vor.u32 v10, v45;
	v32 =	vor.u32 s13, v5;
	s13 =	smov.u32 s14;
	[tilespmem:v43+s28+$0x0] =	vst.idx.msk $0xffff, v42;
	v30 =	vld.idx.msk [tilespmem:v41+s29+$0x0], $0xffff  }
0x80: {  	v17 =	vmovc v45;
	v22 =	vmov s10;
	s14 =	sshll.u32 s15, $0x7;
	v31 =	vor.u32 v8, v16;
	s15 =	smov.u32 s17;
	s17 =	sadd.s32 $0x1, s17;
	v40 =	vor.u32 s13, v3;
	v39 =	vld.idx.msk [tilespmem:v48+s29+$0x0], $0xffff;
	[tilespmem:v46+s28+$0x0] =	vst.idx.msk $0xffff, v47  }
0x81: {  	v41 =	vshll.u32 v22, $0x3  }
0x82: {  	v61 =	vand.u32 $0x78, v22;
	v41 =	vand.u32 $0x1C00, v41  }
0x83: {  	v22 =	vor.u32 v61, v41  }
0x84: {  	v41 =	vor.u32 v0, v22;
	_ =	sdelay $0x3  }
0x85: {  	v38 =	vld.idx.msk [tilespmem:v38+s29+$0x0], $0xffff;
	v42 =	vor.u32 s14, v1;
	s15 =	sshll.u32 s15, $0x7  }
0x86: {  	v43 =	vor.u32 v2, v21;
	v44 =	vor.u32 s15, v1;
	v41 =	vld.idx.msk [tilespmem:v41+s29+$0x0], $0xffff  }
0x87: {  	v45 =	vor.u32 v2, v22;
	_ =	sdelay $0x1  }
0x88: {  	v62 =	vor.u32 v4, v20  }
0x89: {  	[tilespmem:v42+s28+$0x0] =	vst.idx.msk $0xffff, v38  }
0x8a: {  	v63 =	vor.u32 s14, v3;
	v42 =	vld.idx.msk [tilespmem:v43+s29+$0x0], $0xffff;
	[tilespmem:v44+s28+$0x0] =	vst.idx.msk $0xffff, v41  }
0x8b: {  	v48 =	vor.u32 v4, v21;
	v49 =	vor.u32 s15, v3;
	v44 =	vld.idx.msk [tilespmem:v45+s29+$0x0], $0xffff  }
0x8c: {  	v50 =	vor.u32 v4, v22;
	[tilespmem:v40+s28+$0x0] =	vst.idx.msk $0xffff, v39  }
0x8d: {  	[tilespmem:v37+s28+$0x0] =	vst.idx.msk $0xffff, v34;
	v51 =	vor.u32 v6, v19;
	v53 =	vor.u32 s13, v5;
	v52 =	vld.idx.msk [tilespmem:v62+s29+$0x0], $0xffff  }
0x8e: {  	[tilespmem:v35+s28+$0x0] =	vst.idx.msk $0xffff, v29;
	v54 =	vor.u32 v6, v20  }
0x8f: {  	[tilespmem:v63+s28+$0x0] =	vst.idx.msk $0xffff, v42  }
0x90: {  	v56 =	vor.u32 s14, v5;
	v55 =	vld.idx.msk [tilespmem:v48+s29+$0x0], $0xffff;
	[tilespmem:v49+s28+$0x0] =	vst.idx.msk $0xffff, v44  }
0x91: {  	v57 =	vor.u32 v6, v21;
	v59 =	vor.u32 s15, v5;
	[tilespmem:v32+s28+$0x0] =	vst.idx.msk $0xffff, v30;
	v58 =	vld.idx.msk [tilespmem:v50+s29+$0x0], $0xffff  }
0x92: {  	v60 =	vor.u32 v6, v22;
	v29 =	vld.idx.msk [tilespmem:v51+s29+$0x0], $0xffff;
	v62 =	vor.u32 s16, v7;
	[tilespmem:v53+s28+$0x0] =	vst.idx.msk $0xffff, v52  }
0x93: {  	[tilespmem:v33+s28+$0x0] =	vst.idx.msk $0xffff, v23;
	v63 =	vor.u32 v8, v19;
	v35 =	vld.idx.msk [tilespmem:v54+s29+$0x0], $0xffff;
	v42 =	vor.u32 s13, v7  }
0x94: {  	v26 =	vld.idx.msk [tilespmem:v26+s29+$0x0], $0xffff;
	[tilespmem:v36+s28+$0x0] =	vst.idx.msk $0xffff, v24;
	v43 =	vor.u32 v8, v20  }
0x95: {  	v28 =	vld.idx.msk [tilespmem:v28+s29+$0x0], $0xffff;
	v61 =	vor.u32 s4, v13;
	[tilespmem:v56+s28+$0x0] =	vst.idx.msk $0xffff, v55  }
0x96: {  	v23 =	vld.idx.msk [tilespmem:v57+s29+$0x0], $0xffff;
	v44 =	vor.u32 s14, v7;
	[tilespmem:v59+s28+$0x0] =	vst.idx.msk $0xffff, v58  }
0x97: {  	v46 =	vor.u32 s15, v7;
	[tilespmem:v62+s28+$0x0] =	vst.idx.msk $0xffff, v29;
	v45 =	vor.u32 v8, v21;
	v24 =	vld.idx.msk [tilespmem:v60+s29+$0x0], $0xffff  }
0x98: {  	v51 =	vor.u32 s16, v9;
	v48 =	vor.u32 v8, v22;
	v30 =	vld.idx.msk [tilespmem:v63+s29+$0x0], $0xffff;
	[tilespmem:v42+s28+$0x0] =	vst.idx.msk $0xffff, v35  }
0x99: {  	[tilespmem:v27+s28+$0x0] =	vst.idx.msk $0xffff, v26;
	v52 =	vor.u32 v10, v19;
	v54 =	vor.u32 s13, v9;
	v53 =	vld.idx.msk [tilespmem:v43+s29+$0x0], $0xffff  }
0x9a: {  	v31 =	vld.idx.msk [tilespmem:v31+s29+$0x0], $0xffff;
	[tilespmem:v61+s28+$0x0] =	vst.idx.msk $0xffff, v28;
	v55 =	vor.u32 v10, v20;
	v49 =	vor.u32 s2, v9  }
0x9b: {  	v47 =	vor.u32 s3, v11;
	v25 =	vld.idx.msk [tilespmem:v25+s29+$0x0], $0xffff;
	v50 =	vor.u32 v10, v16;
	[tilespmem:v44+s28+$0x0] =	vst.idx.msk $0xffff, v23  }
0x9c: {  	v18 =	vor.u32 v14, v18;
	v56 =	vor.u32 s14, v9;
	v26 =	vld.idx.msk [tilespmem:v45+s29+$0x0], $0xffff;
	[tilespmem:v46+s28+$0x0] =	vst.idx.msk $0xffff, v24  }
0x9d: {  	v57 =	vor.u32 v10, v21;
	[tilespmem:v51+s28+$0x0] =	vst.idx.msk $0xffff, v30;
	v59 =	vor.u32 s15, v9;
	v58 =	vld.idx.msk [tilespmem:v48+s29+$0x0], $0xffff  }
0x9e: {  	v61 =	vor.u32 v10, v22;
	v41 =	vor.u32 s16, v11;
	v32 =	vld.idx.msk [tilespmem:v52+s29+$0x0], $0xffff;
	[tilespmem:v54+s28+$0x0] =	vst.idx.msk $0xffff, v53  }
0x9f: {  	v62 =	vor.u32 v12, v17;
	v43 =	vor.u32 s13, v11;
	[tilespmem:v49+s28+$0x0] =	vst.idx.msk $0xffff, v31;
	v23 =	vld.idx.msk [tilespmem:v55+s29+$0x0], $0xffff  }
0xa0: {  	[tilespmem:v47+s28+$0x0] =	vst.idx.msk $0xffff, v25;
	v63 =	vor.u32 s2, v11;
	v44 =	vor.u32 v12, v20;
	v29 =	vld.idx.msk [tilespmem:v50+s29+$0x0], $0xffff  }
0xa1: {  	v40 =	vor.u32 v12, v16;
	v18 =	vld.idx.msk [tilespmem:v18+s29+$0x0], $0xffff;
	v60 =	vor.u32 s4, v15;
	[tilespmem:v56+s28+$0x0] =	vst.idx.msk $0xffff, v26  }
0xa2: {  	v42 =	vor.u32 v12, v19;
	v45 =	vor.u32 s14, v11;
	v24 =	vld.idx.msk [tilespmem:v57+s29+$0x0], $0xffff;
	[tilespmem:v59+s28+$0x0] =	vst.idx.msk $0xffff, v58  }
0xa3: {  	v47 =	vor.u32 s15, v11;
	[tilespmem:v41+s28+$0x0] =	vst.idx.msk $0xffff, v32;
	v46 =	vor.u32 v12, v21;
	v25 =	vld.idx.msk [tilespmem:v61+s29+$0x0], $0xffff  }
0xa4: {  	v49 =	vor.u32 s3, v13;
	v50 =	vor.u32 v12, v22;
	[tilespmem:v43+s28+$0x0] =	vst.idx.msk $0xffff, v23;
	v48 =	vld.idx.msk [tilespmem:v62+s29+$0x0], $0xffff  }
0xa5: {  	v17 =	vor.u32 v14, v17;
	v54 =	vor.u32 s13, v13;
	[tilespmem:v63+s28+$0x0] =	vst.idx.msk $0xffff, v29;
	v23 =	vld.idx.msk [tilespmem:v44+s29+$0x0], $0xffff  }
0xa6: {  	v51 =	vor.u32 s2, v13;
	v55 =	vor.u32 v14, v20;
	[tilespmem:v60+s28+$0x0] =	vst.idx.msk $0xffff, v18;
	v30 =	vld.idx.msk [tilespmem:v40+s29+$0x0], $0xffff  }
0xa7: {  	v16 =	vor.u32 v14, v16;
	v52 =	vor.u32 s16, v13;
	v32 =	vld.idx.msk [tilespmem:v42+s29+$0x0], $0xffff;
	[tilespmem:v45+s28+$0x0] =	vst.idx.msk $0xffff, v24  }
0xa8: {  	v53 =	vor.u32 v14, v19;
	v56 =	vor.u32 s14, v13;
	v18 =	vld.idx.msk [tilespmem:v46+s29+$0x0], $0xffff;
	[tilespmem:v47+s28+$0x0] =	vst.idx.msk $0xffff, v25  }
0xa9: {  	v57 =	vor.u32 v14, v21;
	[tilespmem:v49+s28+$0x0] =	vst.idx.msk $0xffff, v48;
	v58 =	vor.u32 s15, v13;
	v25 =	vld.idx.msk [tilespmem:v50+s29+$0x0], $0xffff  }
0xaa: {  	v22 =	vor.u32 v14, v22;
	[tilespmem:v54+s28+$0x0] =	vst.idx.msk $0xffff, v23;
	v59 =	vor.u32 s3, v15;
	v17 =	vld.idx.msk [tilespmem:v17+s29+$0x0], $0xffff  }
0xab: {  	v62 =	vor.u32 s13, v15;
	[tilespmem:v51+s28+$0x0] =	vst.idx.msk $0xffff, v30;
	v20 =	vld.idx.msk [tilespmem:v55+s29+$0x0], $0xffff  }
0xac: {  	v60 =	vor.u32 s2, v15;
	[tilespmem:v52+s28+$0x0] =	vst.idx.msk $0xffff, v32;
	v16 =	vld.idx.msk [tilespmem:v16+s29+$0x0], $0xffff  }
0xad: {  	v19 =	vld.idx.msk [tilespmem:v53+s29+$0x0], $0xffff;
	v61 =	vor.u32 s16, v15;
	[tilespmem:v56+s28+$0x0] =	vst.idx.msk $0xffff, v18  }
0xae: {  	v63 =	vor.u32 s14, v15;
	v21 =	vld.idx.msk [tilespmem:v57+s29+$0x0], $0xffff;
	[tilespmem:v58+s28+$0x0] =	vst.idx.msk $0xffff, v25  }
0xaf: {  	[tilespmem:v59+s28+$0x0] =	vst.idx.msk $0xffff, v17;
	v17 =	vor.u32 s15, v15;
	v22 =	vld.idx.msk [tilespmem:v22+s29+$0x0], $0xffff  }
0xb0: {  	[tilespmem:v62+s28+$0x0] =	vst.idx.msk $0xffff, v20  }
0xb1: {  	p2 =	seq.s32 s24, $0x10;
	[tilespmem:v60+s28+$0x0] =	vst.idx.msk $0xffff, v16  }
0xb2: {  	p1 =	por p2, p1;
	[tilespmem:v61+s28+$0x0] =	vst.idx.msk $0xffff, v19  }
0xb3: {  	s10 =	simm.s32 @p1 $0x0;
	s2 =	simm.s32 $0x1;
	[tilespmem:v63+s28+$0x0] =	vst.idx.msk $0xffff, v21  }
0xb4: {  	s4 =	sadd.s32 @p1 $0x3, s26;
	s2 =	simm.s32 @!p0 $0x0;
	s3 =	sshll.u32 @p1 s25, $0xB;
	[tilespmem:v17+s28+$0x0] =	vst.idx.msk $0xffff, v22  }
0xb5: {  	s23 =	sadd.s32 s2, s23;
	s3 =	sand.u32 @p1 $0x1FFFF800, s3;
	_ =	strace $0x9000004B  }
0xb6: {  	s2 =	simm.s32 $0x1;
	s3 =	sadd.s32 @p1 s5, s3;
	_ =	strace @p1 $0x8000004C  }
0xb7: {  	[hbm4b:s3+s10] =	stream.linear.scatter @p1 [tilespmem:s28], [sflag:s4], $0x4000, $0x200038;
	[tilespmem:$0x10000] =	vst v63  }
0xb8: {  	p0 =	seq.s32 s24, $0x0;
	s2 =	simm.s32 @!p1 $0x0;
	s4 =	simm.s32 $0x1  }
0xb9: {  	_ =	strace @p1 $0x9000004C;
	p1 =	sne.s32 s24, $0x0;
	s24 =	sadd.s32 $0x1, s24  }
0xba: {  	s3 =	sand.u32 @!p0 $0x1, s20;
	s4 =	simm.s32 @!p1 $0x0;
	p1 =	sne.s32 s24, $0x11  }
.Ltmp1:
0xbb: {  	s3 =	sadd.s32 @!p0 $0x3, s3;
	_ =	strace @!p0 $0x8000004D;
	(pc) =	sbr.rel @p1 .LBB2_2-.Ltmp1, $4  }
0xbc: {  	_ =	swait.ge @!p0 [sflag:s3], $0x4000  }
0xbd: {  	[sflag:s3] =	ssyncset.done @!p0 $0x0  }
0xbe: {  	s21 =	sadd.s32 s2, s21;
	[sflag:s3] =	ssyncadd.s32 @!p0 $0xFFFFC000  }
0xbf: {  	s22 =	sadd.s32 s2, s22;
	s20 =	sadd.s32 s4, s20;
	_ =	strace @!p0 $0x9000004D  }
0xc0: {  	_ =	strace $0x8000004E;
	s2 =	simm.s32 $0x3  }
0xc1: {  	_ =	swait.ge [sflag:s2], $0x4000  }
0xc2: {  	[sflag:s2] =	ssyncset.done $0x0  }
0xc3: {  	[sflag:s2] =	ssyncadd.s32 $0xFFFFC000  }
0xc4: {  	_ =	strace $0x9000004E  }
0xc5: {  	_ =	strace $0x8000004F  }
0xc6: {  	s25 =	simm.s32 $0x0;
	s20 =	simm.s32 $0x1;
	s31 =	rddreg [dreg:$0x5]  }
0xc7: {  	[tilespmem:s25], [sflag:$0x1] =	stream.linear.gather [hbm4b:s31+s25], $0x2000, $0x200038;
	[tilespmem:$0x10000] =	vst v63  }
0xc8: {  	s19 =	simm.s32 $0x0;
	s21 =	simm.s32 $0x0;
	s2 =	sadd.s32 $0x18700, s31  }
0xc9: {  	[tilespmem:s30], [sflag:$0x1] =	stream.linear.gather [hbm4b:s2+s25], $0x2000, $0x200038;
	[tilespmem:$0x10000] =	vst v63  }
0xca: {  	s23 =	simm.s32 $0x0;
	s24 =	simm.s32 $0x0;
	_ =	strace $0x9000004F  }
.LBB2_6:
0xcb: {  	s22 =	sadd.s32 $0x1, s25  }
0xcc: {  	p0 =	seq.s32 s22, s8  }
0xcd: {  	s22 =	simm.s32 @p0 $0x0  }
0xce: {  	p1 =	slt.s32 s24, s12;
	p0 =	sne.s32 s25, s22  }
0xcf: {  	p1 =	por !p1, !p0  }
0xd0: {  	p1 =	por !p1, !p1  }
0xd1: {  	s2 =	sadd.s32 @p1 s6, s22  }
0xd2: {  	p2 =	seq.s32 @p1 s2, $0x61  }
0xd3: {  	s26 =	sadd.s32 $0xFFFFFFFF, s25;
	s10 =	simm.s32 @p1 $0x1800;
	p2 =	por !p2, !p1  }
0xd4: {  	_ =	strace @p1 $0x80000050;
	s10 =	simm.s32 @p2 $0x2000;
	p2 =	seq.s32 s25, $0x0  }
0xd5: {  	s3 =	sand.u32 @p1 $0x1, s20;
	s26 =	smov.u32 @p2 s12;
	p2 =	seq.s32 s24, $0x0  }
0xd6: {  	s11 =	simm.s32 @p1 $0x0;
	s2 =	sshll.u32 @p1 s2, $0xA;
	p3 =	seq.s32 @!p2 s25, s26  }
0xd7: {  	s4 =	sadd.s32 @p1 $0x1, s3;
	s2 =	sand.u32 @p1 $0x1FFFFC00, s2;
	p2 =	por p2, !p3  }
.Ltmp2:
0xd8: {  	s3 =	sshll.u32 @p1 s3, $0xE;
	s2 =	sadd.s32 @p1 s1, s2;
	(pc) =	sbr.rel @!p2 .LBB2_8-.Ltmp2, $4  }
0xd9: {  	[tilespmem:s3], [sflag:s4] =	stream.linear.gather @p1 [hbm4b:s2+s11], s10, $0x200038;
	[tilespmem:$0x10000] =	vst v63  }
0xda: {  	s2 =	sadd.s32 @p1 $0x18700, s2;
	s3 =	sor.u32 @p1 $0x2000, s3  }
0xdb: {  	[tilespmem:s3], [sflag:s4] =	stream.linear.gather @p1 [hbm4b:s2+s11], s10, $0x200038;
	[tilespmem:$0x10000] =	vst v63  }
0xdc: {  	s28 =	sadd.s32 s6, s25;
	_ =	strace @p1 $0x90000050  }
0xdd: {  	s2 =	sand.u32 $0x1, s23;
	p2 =	seq.s32 s28, $0x61;
	s3 =	simm.s32 $0x3000  }
0xde: {  	_ =	strace $0x80000051;
	s2 =	sadd.s32 $0x1, s2;
	s3 =	simm.s32 @!p2 $0x4000  }
0xdf: {  	s4 =	simm.s32 $0xFFFFD000;
	_ =	swait.ge [sflag:s2], s3  }
0xe0: {  	s4 =	simm.s32 @!p2 $0xFFFFC000;
	[sflag:s2] =	ssyncset.done $0x0  }
0xe1: {  	[sflag:s2] =	ssyncadd.s32 s4  }
0xe2: {  	_ =	strace $0x90000051  }
.LBB2_8:
0xe3: {  	s2 =	simm.s32 $0x0  }
0xe4: {  	v16 =	vmov s2  }
0xe5: {  	v17 =	vshll.u32 v16, $0x3  }
0xe6: {  	v16 =	vand.u32 $0x78, v16;
	v17 =	vand.u32 $0x1C00, v17  }
0xe7: {  	v22 =	vor.u32 v16, v17  }
0xe8: {  	v16 =	vor.u32 v0, v22;
	_ =	sdelay $0x1  }
0xe9: {  	s10 =	simm.s32 $0x8  }
0xea: {  	s3 =	sshll.u32 s23, $0xE;
	v17 =	vmov s10  }
0xeb: {  	_ =	strace $0x80000052;
	s13 =	simm.s32 $0x0;
	s31 =	sand.u32 $0x4000, s3;
	v18 =	vshll.u32 v17, $0x3  }
0xec: {  	v19 =	vor.u32 s13, v1;
	v17 =	vand.u32 $0x78, v17;
	v18 =	vand.u32 $0x1C00, v18;
	v16 =	vld.idx.msk [tilespmem:v16+s31+$0x0], $0xffff  }
0xed: {  	v18 =	vor.u32 v17, v18;
	v17 =	vor.u32 v2, v22  }
0xee: {  	s29 =	sand.u32 $0x1, s21;
	v20 =	vor.u32 v0, v18  }
0xef: {  	s11 =	sshll.u32 s29, $0xE  }
0xf0: {  	s14 =	simm.s32 $0x10;
	s30 =	sor.u32 $0x8000, s11  }
0xf1: {  	s4 =	simm.s32 $0x80;
	[tilespmem:v19+s30+$0x0] =	vst.idx.msk $0xffff, v16;
	v16 =	vmov s14  }
0xf2: {  	v21 =	vor.u32 s13, v3;
	v23 =	vor.u32 s4, v1;
	v19 =	vld.idx.msk [tilespmem:v17+s31+$0x0], $0xffff;
	v17 =	vshll.u32 v16, $0x3  }
0xf3: {  	v24 =	vor.u32 v4, v22;
	v20 =	vld.idx.msk [tilespmem:v20+s31+$0x0], $0xffff;
	v16 =	vand.u32 $0x78, v16;
	v17 =	vand.u32 $0x1C00, v17  }
0xf4: {  	v17 =	vor.u32 v16, v17;
	v16 =	vor.u32 v2, v18  }
0xf5: {  	v25 =	vor.u32 v0, v17  }
0xf6: {  	s3 =	simm.s32 $0x100  }
0xf7: {  	s15 =	simm.s32 $0x18;
	v26 =	vor.u32 s3, v1;
	[tilespmem:v21+s30+$0x0] =	vst.idx.msk $0xffff, v19  }
0xf8: {  	[tilespmem:v23+s30+$0x0] =	vst.idx.msk $0xffff, v20;
	v20 =	vor.u32 s13, v5;
	v21 =	vmov s15;
	v19 =	vld.idx.msk [tilespmem:v24+s31+$0x0], $0xffff  }
0xf9: {  	v27 =	vor.u32 v6, v22;
	v23 =	vor.u32 s4, v3;
	v24 =	vld.idx.msk [tilespmem:v16+s31+$0x0], $0xffff;
	v16 =	vshll.u32 v21, $0x3  }
0xfa: {  	v28 =	vor.u32 v4, v18;
	v21 =	vand.u32 $0x78, v21;
	v25 =	vld.idx.msk [tilespmem:v25+s31+$0x0], $0xffff;
	v16 =	vand.u32 $0x1C00, v16  }
0xfb: {  	v16 =	vor.u32 v21, v16;
	v21 =	vor.u32 v2, v17  }
0xfc: {  	v29 =	vor.u32 v0, v16  }
0xfd: {  	s2 =	simm.s32 $0x180;
	[tilespmem:v20+s30+$0x0] =	vst.idx.msk $0xffff, v19  }
0xfe: {  	s16 =	simm.s32 $0x20;
	v30 =	vor.u32 s2, v1;
	[tilespmem:v23+s30+$0x0] =	vst.idx.msk $0xffff, v24;
	v20 =	vld.idx.msk [tilespmem:v27+s31+$0x0], $0xffff;
	v24 =	vor.u32 s13, v7  }
0xff: {  	v19 =	vmov s16;
	v23 =	vor.u32 s4, v5;
	v27 =	vor.u32 v8, v22;
	[tilespmem:v26+s30+$0x0] =	vst.idx.msk $0xffff, v25;
	v25 =	vld.idx.msk [tilespmem:v28+s31+$0x0], $0xffff  }
0x100: {  	v31 =	vor.u32 v6, v18;
	v26 =	vor.u32 s3, v3;
	v28 =	vshll.u32 v19, $0x3;
	v21 =	vld.idx.msk [tilespmem:v21+s31+$0x0], $0xffff  }
0x101: {  	v32 =	vor.u32 v4, v17;
	v19 =	vand.u32 $0x78, v19;
	v28 =	vand.u32 $0x1C00, v28;
	v29 =	vld.idx.msk [tilespmem:v29+s31+$0x0], $0xffff  }
0x102: {  	v19 =	vor.u32 v19, v28;
	v28 =	vor.u32 v2, v16  }
0x103: {  	v33 =	vor.u32 v0, v19;
	[tilespmem:v24+s30+$0x0] =	vst.idx.msk $0xffff, v20  }
0x104: {  	v35 =	vor.u32 v6, v17;
	v24 =	vor.u32 s13, v9;
	[tilespmem:v23+s30+$0x0] =	vst.idx.msk $0xffff, v25;
	v23 =	vld.idx.msk [tilespmem:v27+s31+$0x0], $0xffff  }
0x105: {  	s10 =	simm.s32 $0x28;
	v27 =	vor.u32 v10, v22;
	[tilespmem:v26+s30+$0x0] =	vst.idx.msk $0xffff, v21;
	v21 =	vld.idx.msk [tilespmem:v31+s31+$0x0], $0xffff;
	v26 =	vor.u32 s4, v7  }
0x106: {  	v20 =	vmov s10;
	v25 =	vor.u32 s3, v5;
	v31 =	vor.u32 v8, v18;
	[tilespmem:v30+s30+$0x0] =	vst.idx.msk $0xffff, v29;
	v29 =	vld.idx.msk [tilespmem:v32+s31+$0x0], $0xffff  }
0x107: {  	v36 =	vor.u32 v4, v16;
	s16 =	simm.s32 $0x200;
	v58 =	vshll.u32 v20, $0x3;
	v30 =	vor.u32 s2, v3;
	v28 =	vld.idx.msk [tilespmem:v28+s31+$0x0], $0xffff  }
0x108: {  	v34 =	vor.u32 s16, v1;
	v20 =	vand.u32 $0x78, v20;
	v32 =	vand.u32 $0x1C00, v58;
	v33 =	vld.idx.msk [tilespmem:v33+s31+$0x0], $0xffff  }
0x109: {  	v59 =	vor.u32 v2, v19;
	v20 =	vor.u32 v20, v32;
	[tilespmem:v24+s30+$0x0] =	vst.idx.msk $0xffff, v23  }
0x10a: {  	v23 =	vor.u32 v0, v20;
	v24 =	vor.u32 s13, v11;
	[tilespmem:v26+s30+$0x0] =	vst.idx.msk $0xffff, v21;
	v21 =	vld.idx.msk [tilespmem:v27+s31+$0x0], $0xffff  }
0x10b: {  	s14 =	simm.s32 $0x280;
	v26 =	vor.u32 s4, v9;
	v27 =	vor.u32 v12, v22;
	[tilespmem:v25+s30+$0x0] =	vst.idx.msk $0xffff, v29;
	v25 =	vld.idx.msk [tilespmem:v31+s31+$0x0], $0xffff  }
0x10c: {  	s17 =	simm.s32 $0x30;
	v60 =	vor.u32 v10, v18;
	v39 =	vor.u32 s14, v1;
	v31 =	vor.u32 s3, v7;
	[tilespmem:v30+s30+$0x0] =	vst.idx.msk $0xffff, v28;
	v28 =	vld.idx.msk [tilespmem:v35+s31+$0x0], $0xffff  }
0x10d: {  	v37 =	vor.u32 v8, v17;
	v29 =	vor.u32 s2, v5;
	[tilespmem:v34+s30+$0x0] =	vst.idx.msk $0xffff, v33;
	v30 =	vmov s17;
	v61 =	vld.idx.msk [tilespmem:v36+s31+$0x0], $0xffff  }
0x10e: {  	v40 =	vor.u32 v6, v16;
	v62 =	vor.u32 s16, v3;
	v32 =	vld.idx.msk [tilespmem:v59+s31+$0x0], $0xffff;
	v63 =	vshll.u32 v30, $0x3  }
0x10f: {  	v42 =	vor.u32 v4, v19;
	v41 =	vld.idx.msk [tilespmem:v23+s31+$0x0], $0xffff;
	v23 =	vand.u32 $0x78, v30;
	v30 =	vand.u32 $0x1C00, v63;
	[tilespmem:v24+s30+$0x0] =	vst.idx.msk $0xffff, v21  }
0x110: {  	v43 =	vor.u32 v2, v20;
	v21 =	vor.u32 v23, v30;
	[tilespmem:v26+s30+$0x0] =	vst.idx.msk $0xffff, v25;
	v30 =	vld.idx.msk [tilespmem:v27+s31+$0x0], $0xffff  }
0x111: {  	s10 =	simm.s32 $0x1;
	v35 =	vor.u32 s4, v11;
	v38 =	vor.u32 v0, v21;
	[tilespmem:v31+s30+$0x0] =	vst.idx.msk $0xffff, v28;
	v28 =	vld.idx.msk [tilespmem:v60+s31+$0x0], $0xffff  }
0x112: {  	s10 =	simm.s32 @!p1 $0x0;
	v33 =	vor.u32 s3, v9;
	v36 =	vor.u32 s13, v13;
	[tilespmem:v29+s30+$0x0] =	vst.idx.msk $0xffff, v61;
	v23 =	vld.idx.msk [tilespmem:v37+s31+$0x0], $0xffff  }
0x113: {  	s20 =	sadd.s32 s10, s20;
	s10 =	simm.s32 $0x38;
	v34 =	vor.u32 s16, v5;
	v25 =	vor.u32 v14, v22;
	v27 =	vor.u32 s13, v15;
	[tilespmem:v62+s30+$0x0] =	vst.idx.msk $0xffff, v32;
	v24 =	vld.idx.msk [tilespmem:v40+s31+$0x0], $0xffff  }
0x114: {  	s11 =	simm.s32 $0x8;
	v26 =	vor.u32 v10, v17;
	v22 =	vmov s10;
	v29 =	vor.u32 v12, v18;
	[tilespmem:v39+s30+$0x0] =	vst.idx.msk $0xffff, v41;
	v31 =	vld.idx.msk [tilespmem:v42+s31+$0x0], $0xffff  }
0x115: {  	s15 =	simm.s32 $0x300;
	s17 =	simm.s32 $0x7;
	s13 =	sadd.s32 s6, s26;
	v37 =	vor.u32 s2, v7;
	v32 =	vor.u32 v8, v16;
	v40 =	vor.u32 s14, v3;
	v39 =	vld.idx.msk [tilespmem:v43+s31+$0x0], $0xffff  }
.LBB2_9:
0x116: {  	v41 =	vshll.u32 v22, $0x3;
	v42 =	vld.idx.msk [tilespmem:v38+s31+$0x0], $0xffff;
	v43 =	vor.u32 s15, v1;
	v44 =	vor.u32 v6, v19  }
0x117: {  	p1 =	sne.s32 s11, $0x7F;
	[tilespmem:v36+s30+$0x0] =	vst.idx.msk $0xffff, v30;
	v45 =	vmovc v16;
	v16 =	vmovc v19;
	v19 =	vmov v20;
	v20 =	vmov v21;
	v46 =	vmov v27  }
0x118: {  	v21 =	vand.u32 $0x78, v22;
	v22 =	vand.u32 $0x1C00, v41;
	v41 =	vor.u32 v4, v19;
	[tilespmem:v35+s30+$0x0] =	vst.idx.msk $0xffff, v28;
	v47 =	vld.idx.msk [tilespmem:v25+s31+$0x0], $0xffff  }
0x119: {  	v48 =	vor.u32 v2, v20;
	v21 =	vor.u32 v21, v22;
	[tilespmem:v33+s30+$0x0] =	vst.idx.msk $0xffff, v23;
	v30 =	vld.idx.msk [tilespmem:v29+s31+$0x0], $0xffff  }
.Ltmp3:
0x11a: {  	v36 =	vor.u32 s4, v13;
	v38 =	vor.u32 v0, v21;
	[tilespmem:v37+s30+$0x0] =	vst.idx.msk $0xffff, v24;
	v28 =	vld.idx.msk [tilespmem:v26+s31+$0x0], $0xffff;
	(pc) =	sbr.rel @p1 .LBB2_9-.Ltmp3, $4  }
0x11b: {  	v35 =	vor.u32 s3, v11;
	v25 =	vor.u32 v14, v18;
	v18 =	vmov v17;
	[tilespmem:v34+s30+$0x0] =	vst.idx.msk $0xffff, v31;
	v23 =	vld.idx.msk [tilespmem:v32+s31+$0x0], $0xffff  }
0x11c: {  	v27 =	vor.u32 s4, v15;
	s4 =	smov.u32 s3;
	s3 =	smov.u32 s2;
	v33 =	vor.u32 s2, v9;
	v29 =	vor.u32 v12, v18;
	s2 =	smov.u32 s16;
	[tilespmem:v40+s30+$0x0] =	vst.idx.msk $0xffff, v39;
	v24 =	vld.idx.msk [tilespmem:v44+s31+$0x0], $0xffff  }
0x11d: {  	s10 =	sadd.s32 $0x8, s10;
	s16 =	smov.u32 s14;
	v37 =	vor.u32 s2, v7;
	v26 =	vor.u32 v10, v45;
	v34 =	vor.u32 s14, v5;
	s14 =	smov.u32 s15;
	[tilespmem:v43+s30+$0x0] =	vst.idx.msk $0xffff, v42;
	v31 =	vld.idx.msk [tilespmem:v41+s31+$0x0], $0xffff  }
0x11e: {  	v17 =	vmovc v45;
	v22 =	vmov s10;
	s15 =	sshll.u32 s17, $0x7;
	v32 =	vor.u32 v8, v16;
	s17 =	smov.u32 s11;
	s11 =	sadd.s32 $0x1, s11;
	v40 =	vor.u32 s14, v3;
	v39 =	vld.idx.msk [tilespmem:v48+s31+$0x0], $0xffff;
	[tilespmem:v46+s30+$0x0] =	vst.idx.msk $0xffff, v47  }
0x11f: {  	v41 =	vshll.u32 v22, $0x3  }
0x120: {  	v62 =	vand.u32 $0x78, v22;
	v41 =	vand.u32 $0x1C00, v41  }
0x121: {  	v22 =	vor.u32 v62, v41  }
0x122: {  	v41 =	vor.u32 v0, v22;
	_ =	sdelay $0x3  }
0x123: {  	v38 =	vld.idx.msk [tilespmem:v38+s31+$0x0], $0xffff;
	v42 =	vor.u32 s15, v1;
	s10 =	sshll.u32 s17, $0x7  }
0x124: {  	v43 =	vor.u32 v2, v21;
	v44 =	vor.u32 s10, v1;
	v41 =	vld.idx.msk [tilespmem:v41+s31+$0x0], $0xffff  }
0x125: {  	v45 =	vor.u32 v2, v22;
	_ =	sdelay $0x1  }
0x126: {  	v63 =	vor.u32 v4, v20  }
0x127: {  	[tilespmem:v42+s30+$0x0] =	vst.idx.msk $0xffff, v38  }
0x128: {  	v48 =	vor.u32 s15, v3;
	v42 =	vld.idx.msk [tilespmem:v43+s31+$0x0], $0xffff;
	[tilespmem:v44+s30+$0x0] =	vst.idx.msk $0xffff, v41  }
0x129: {  	v49 =	vor.u32 v4, v21;
	v50 =	vor.u32 s10, v3;
	v44 =	vld.idx.msk [tilespmem:v45+s31+$0x0], $0xffff  }
0x12a: {  	v51 =	vor.u32 v4, v22;
	[tilespmem:v40+s30+$0x0] =	vst.idx.msk $0xffff, v39  }
0x12b: {  	[tilespmem:v36+s30+$0x0] =	vst.idx.msk $0xffff, v30;
	v54 =	vor.u32 s14, v5;
	v53 =	vld.idx.msk [tilespmem:v63+s31+$0x0], $0xffff  }
0x12c: {  	[tilespmem:v35+s30+$0x0] =	vst.idx.msk $0xffff, v28;
	v55 =	vor.u32 v6, v20  }
0x12d: {  	[tilespmem:v48+s30+$0x0] =	vst.idx.msk $0xffff, v42  }
0x12e: {  	v52 =	vor.u32 v6, v19;
	v57 =	vor.u32 s15, v5;
	v56 =	vld.idx.msk [tilespmem:v49+s31+$0x0], $0xffff;
	[tilespmem:v50+s30+$0x0] =	vst.idx.msk $0xffff, v44  }
0x12f: {  	v58 =	vor.u32 v6, v21;
	[tilespmem:v33+s30+$0x0] =	vst.idx.msk $0xffff, v23;
	v59 =	vor.u32 s10, v5;
	v30 =	vld.idx.msk [tilespmem:v51+s31+$0x0], $0xffff  }
0x130: {  	v25 =	vld.idx.msk [tilespmem:v25+s31+$0x0], $0xffff;
	v60 =	vor.u32 v6, v22;
	[tilespmem:v54+s30+$0x0] =	vst.idx.msk $0xffff, v53  }
0x131: {  	[tilespmem:v37+s30+$0x0] =	vst.idx.msk $0xffff, v24;
	v35 =	vld.idx.msk [tilespmem:v55+s31+$0x0], $0xffff;
	v42 =	vor.u32 s14, v7  }
0x132: {  	v61 =	vor.u32 s4, v13;
	v29 =	vld.idx.msk [tilespmem:v29+s31+$0x0], $0xffff;
	[tilespmem:v34+s30+$0x0] =	vst.idx.msk $0xffff, v31;
	v43 =	vor.u32 v8, v20  }
0x133: {  	v62 =	vor.u32 s16, v7;
	v28 =	vld.idx.msk [tilespmem:v52+s31+$0x0], $0xffff;
	[tilespmem:v57+s30+$0x0] =	vst.idx.msk $0xffff, v56  }
0x134: {  	v63 =	vor.u32 v8, v19;
	v23 =	vld.idx.msk [tilespmem:v58+s31+$0x0], $0xffff;
	v44 =	vor.u32 s15, v7;
	[tilespmem:v59+s30+$0x0] =	vst.idx.msk $0xffff, v30  }
0x135: {  	v46 =	vor.u32 s10, v7;
	[tilespmem:v27+s30+$0x0] =	vst.idx.msk $0xffff, v25;
	v45 =	vor.u32 v8, v21;
	v24 =	vld.idx.msk [tilespmem:v60+s31+$0x0], $0xffff  }
0x136: {  	v32 =	vld.idx.msk [tilespmem:v32+s31+$0x0], $0xffff;
	v48 =	vor.u32 v8, v22;
	v49 =	vor.u32 s2, v9;
	[tilespmem:v42+s30+$0x0] =	vst.idx.msk $0xffff, v35  }
0x137: {  	[tilespmem:v61+s30+$0x0] =	vst.idx.msk $0xffff, v29;
	v53 =	vor.u32 s14, v9;
	v36 =	vld.idx.msk [tilespmem:v43+s31+$0x0], $0xffff;
	v50 =	vor.u32 v10, v16  }
0x138: {  	v47 =	vor.u32 s3, v11;
	v26 =	vld.idx.msk [tilespmem:v26+s31+$0x0], $0xffff;
	[tilespmem:v62+s30+$0x0] =	vst.idx.msk $0xffff, v28;
	v54 =	vor.u32 v10, v20  }
0x139: {  	v18 =	vor.u32 v14, v18;
	v31 =	vld.idx.msk [tilespmem:v63+s31+$0x0], $0xffff;
	v51 =	vor.u32 s16, v9;
	[tilespmem:v44+s30+$0x0] =	vst.idx.msk $0xffff, v23  }
0x13a: {  	v52 =	vor.u32 v10, v19;
	v55 =	vor.u32 s15, v9;
	v25 =	vld.idx.msk [tilespmem:v45+s31+$0x0], $0xffff;
	[tilespmem:v46+s30+$0x0] =	vst.idx.msk $0xffff, v24  }
0x13b: {  	v56 =	vor.u32 v10, v21;
	[tilespmem:v49+s30+$0x0] =	vst.idx.msk $0xffff, v32;
	v58 =	vor.u32 s10, v9;
	v57 =	vld.idx.msk [tilespmem:v48+s31+$0x0], $0xffff  }
0x13c: {  	v62 =	vor.u32 s2, v11;
	[tilespmem:v53+s30+$0x0] =	vst.idx.msk $0xffff, v36;
	v28 =	vld.idx.msk [tilespmem:v50+s31+$0x0], $0xffff;
	v60 =	vor.u32 v10, v22  }
0x13d: {  	v61 =	vor.u32 v12, v17;
	[tilespmem:v47+s30+$0x0] =	vst.idx.msk $0xffff, v26;
	v42 =	vor.u32 s14, v11;
	v23 =	vld.idx.msk [tilespmem:v54+s31+$0x0], $0xffff  }
0x13e: {  	v18 =	vld.idx.msk [tilespmem:v18+s31+$0x0], $0xffff;
	v43 =	vor.u32 v12, v20;
	v59 =	vor.u32 s4, v15;
	[tilespmem:v51+s30+$0x0] =	vst.idx.msk $0xffff, v31  }
0x13f: {  	v40 =	vor.u32 s16, v11;
	v63 =	vor.u32 v12, v16;
	v34 =	vld.idx.msk [tilespmem:v52+s31+$0x0], $0xffff;
	[tilespmem:v55+s30+$0x0] =	vst.idx.msk $0xffff, v25  }
0x140: {  	v41 =	vor.u32 v12, v19;
	v44 =	vor.u32 s15, v11;
	v24 =	vld.idx.msk [tilespmem:v56+s31+$0x0], $0xffff;
	[tilespmem:v58+s30+$0x0] =	vst.idx.msk $0xffff, v57  }
0x141: {  	v45 =	vor.u32 v12, v21;
	[tilespmem:v62+s30+$0x0] =	vst.idx.msk $0xffff, v28;
	v46 =	vor.u32 s10, v11;
	v26 =	vld.idx.msk [tilespmem:v60+s31+$0x0], $0xffff  }
0x142: {  	v47 =	vld.idx.msk [tilespmem:v61+s31+$0x0], $0xffff;
	v49 =	vor.u32 v12, v22;
	[tilespmem:v42+s30+$0x0] =	vst.idx.msk $0xffff, v23;
	v48 =	vor.u32 s3, v13  }
0x143: {  	v17 =	vor.u32 v14, v17;
	v54 =	vor.u32 s14, v13;
	[tilespmem:v59+s30+$0x0] =	vst.idx.msk $0xffff, v18;
	v23 =	vld.idx.msk [tilespmem:v43+s31+$0x0], $0xffff  }
0x144: {  	v50 =	vor.u32 s2, v13;
	v31 =	vld.idx.msk [tilespmem:v63+s31+$0x0], $0xffff;
	v55 =	vor.u32 v14, v20;
	[tilespmem:v40+s30+$0x0] =	vst.idx.msk $0xffff, v34  }
0x145: {  	v16 =	vor.u32 v14, v16;
	v52 =	vor.u32 s16, v13;
	v51 =	vld.idx.msk [tilespmem:v41+s31+$0x0], $0xffff;
	[tilespmem:v44+s30+$0x0] =	vst.idx.msk $0xffff, v24  }
0x146: {  	v53 =	vor.u32 v14, v19;
	v56 =	vor.u32 s15, v13;
	v18 =	vld.idx.msk [tilespmem:v45+s31+$0x0], $0xffff;
	[tilespmem:v46+s30+$0x0] =	vst.idx.msk $0xffff, v26  }
0x147: {  	[tilespmem:v48+s30+$0x0] =	vst.idx.msk $0xffff, v47;
	v57 =	vor.u32 v14, v21;
	v58 =	vor.u32 s10, v13;
	v26 =	vld.idx.msk [tilespmem:v49+s31+$0x0], $0xffff  }
0x148: {  	v22 =	vor.u32 v14, v22;
	v59 =	vor.u32 s3, v15;
	[tilespmem:v54+s30+$0x0] =	vst.idx.msk $0xffff, v23;
	v17 =	vld.idx.msk [tilespmem:v17+s31+$0x0], $0xffff  }
0x149: {  	v62 =	vor.u32 s14, v15;
	[tilespmem:v50+s30+$0x0] =	vst.idx.msk $0xffff, v31;
	v20 =	vld.idx.msk [tilespmem:v55+s31+$0x0], $0xffff  }
0x14a: {  	v16 =	vld.idx.msk [tilespmem:v16+s31+$0x0], $0xffff;
	[tilespmem:v52+s30+$0x0] =	vst.idx.msk $0xffff, v51;
	v60 =	vor.u32 s2, v15  }
0x14b: {  	v61 =	vor.u32 s16, v15;
	v19 =	vld.idx.msk [tilespmem:v53+s31+$0x0], $0xffff;
	[tilespmem:v56+s30+$0x0] =	vst.idx.msk $0xffff, v18  }
0x14c: {  	v63 =	vor.u32 s15, v15;
	v21 =	vld.idx.msk [tilespmem:v57+s31+$0x0], $0xffff;
	[tilespmem:v58+s30+$0x0] =	vst.idx.msk $0xffff, v26  }
0x14d: {  	[tilespmem:v59+s30+$0x0] =	vst.idx.msk $0xffff, v17;
	v17 =	vor.u32 s10, v15;
	v22 =	vld.idx.msk [tilespmem:v22+s31+$0x0], $0xffff  }
0x14e: {  	p1 =	seq.s32 s24, s12;
	[tilespmem:v62+s30+$0x0] =	vst.idx.msk $0xffff, v20  }
0x14f: {  	p0 =	por p1, p0;
	[tilespmem:v60+s30+$0x0] =	vst.idx.msk $0xffff, v16  }
0x150: {  	p6 =	sne.s32 s25, s26;
	p2 =	sne.s32 s24, $0x0;
	p1 =	seq.s32 @p0 s28, $0x61;
	[tilespmem:v61+s30+$0x0] =	vst.idx.msk $0xffff, v19  }
0x151: {  	p1 =	por !p1, !p0;
	s4 =	sadd.s32 @p0 $0x3, s29;
	s3 =	simm.s32 @p0 $0x2C00;
	[tilespmem:v63+s30+$0x0] =	vst.idx.msk $0xffff, v21  }
0x152: {  	s3 =	simm.s32 @p1 $0x4000;
	p1 =	por !p2, !p6;
	s2 =	sshll.u32 @p0 s28, $0xB;
	[tilespmem:v17+s30+$0x0] =	vst.idx.msk $0xffff, v22  }
0x153: {  	p1 =	por !p1, !p1;
	s2 =	sand.u32 @p0 $0x1FFFF800, s2;
	_ =	strace $0x90000052  }
0x154: {  	s2 =	sadd.s32 @p0 s7, s2;
	s10 =	simm.s32 @p0 $0x0;
	_ =	strace @p0 $0x80000053  }
0x155: {  	[hbm4b:s2+s10] =	stream.linear.scatter @p0 [tilespmem:s30], [sflag:s4], s3, $0x200038;
	[tilespmem:$0x10000] =	vst v63  }
0x156: {  	s24 =	sadd.s32 $0x1, s24;
	s2 =	simm.s32 $0x1;
	s3 =	sand.u32 @p1 $0x1, s19  }
0x157: {  	_ =	strace @p0 $0x90000053;
	s2 =	simm.s32 @!p0 $0x0;
	p0 =	seq.s32 @p1 s13, $0x61  }
0x158: {  	s4 =	simm.s32 @p1 $0x2C00;
	s10 =	simm.s32 @p1 $0xFFFFD400;
	p0 =	por !p0, !p1  }
0x159: {  	s4 =	simm.s32 @p0 $0x4000;
	s10 =	simm.s32 @p0 $0xFFFFC000;
	p0 =	sne.s32 s24, s8  }
.Ltmp4:
0x15a: {  	s3 =	sadd.s32 @p1 $0x3, s3;
	_ =	strace @p1 $0x80000054;
	(pc) =	sbr.rel @p0 .LBB2_6-.Ltmp4, $4  }
0x15b: {  	_ =	swait.ge @p1 [sflag:s3], s4  }
0x15c: {  	s25 =	smov.u32 s22;
	s4 =	simm.s32 $0x1;
	[sflag:s3] =	ssyncset.done @p1 $0x0  }
0x15d: {  	s21 =	sadd.s32 s2, s21;
	s4 =	simm.s32 @!p1 $0x0;
	[sflag:s3] =	ssyncadd.s32 @p1 s10  }
0x15e: {  	s23 =	sadd.s32 s2, s23;
	s19 =	sadd.s32 s4, s19;
	_ =	strace @p1 $0x90000054  }
0x15f: {  	p0 =	seq.s32 s22, $0x0  }
0x160: {  	s2 =	rddreg [dreg:$0x6];
	s22 =	smov.u32 @p0 s8  }
0x161: {  	s2 =	sadd.s32 s22, s2  }
0x162: {  	s3 =	sand.u32 $0x1, s19;
	p0 =	seq.s32 s2, $0x61;
	s2 =	simm.s32 $0x2C00  }
0x163: {  	_ =	strace $0x80000055;
	s3 =	sadd.s32 $0x3, s3;
	s2 =	simm.s32 @!p0 $0x4000  }
0x164: {  	_ =	swait.ge [sflag:s3], s2  }
0x165: {  	s4 =	simm.s32 $0xFFFFD400;
	s18 =	sadd.s32 $0x1, s18;
	s2 =	rddreg [dreg:$0x7]  }
0x166: {  	s4 =	simm.s32 @!p0 $0xFFFFC000;
	p0 =	sne.s32 s18, s2  }
.Ltmp5:
0x167: {  	_ = 	snop;
	(pc) =	sbr.rel @p0 .LBB2_1-.Ltmp5, $4  }
0x168: {  	_ = 	snop  }
0x169: {  	[sflag:s3] =	ssyncset.done $0x0  }
0x16a: {  	[sflag:s3] =	ssyncadd.s32 s4  }
0x16b: {  	s30 =	simm.s32 $0x2000;
	_ =	strace $0x90000055  }
0x16c: {  	_ =	sfence.sel $0x180000  }
0x16d: {  	[bflag:$0x0] =	sbarrier.arrive $0xFFFF  }
0x16e: {  	_ =	strace $0x90000047  }
0x16f: {  	s0 =	stileid.u32;
	[bflag:$0x2] =	sbarrier.arrive $0xFFFF  }
0x170: {  	p0 =	sne.s32 s0, $0x0;
	s0 =	rddreg [dreg:$0x3]  }
0x171: {  	s0 =	sadd.s32 @!p0 $0x100000, s0  }
0x172: {  	[sflag:s0] =	ssyncadd.tile.s32 @!p0 $0x1;
	_ =	shalt  }
.Lfunc_end2:
_tile_overlayer_lowered:
.L_overlay_start_2:
0x173: {  	(tag) =	ssettag $0x2  }
0x174: {  	s0 =	rddreg [dreg:$0x0];
	s2 =	stileid.u32  }
0x175: {  	s1 =	rddreg [dreg:$0x1];
	p0 =	sne.s32 s2, $0x0  }
0x176: {  	s3 =	rddreg [dreg:$0x2];
	[bflag:$0x3] =	sbarrier.arrive $0xFFFF;
	s2 =	simm.s32 @!p0 $0x1C01  }
0x177: {  	[timem:s3], [sflag:s2] =	dma.local @!p0 [hbm:s0], s1  }
0x178: {  	s0 =	simm.s32 @!p0 $0x1  }
0x179: {  	_ =	swait.ge @!p0 [sflag:s0], s1  }
0x17a: {  	s1 =	ssub.s32 @!p0 $0x0, s1;
	[sflag:s0] =	ssyncset.done @!p0 $0x0  }
0x17b: {  	[sflag:s0] =	ssyncadd.s32 @!p0 s1  }
0x17c: {  	[bflag:$0x3] =	sbarrier.arrive $0xFFFF  }
0x17d: {  	_ =	shalt  }

</sc_bundles>
